<compile_context>
chip_gen: v7x
topology: tpu7x:2x2x1
jax: 0.10.2.dev20260603
libtpu: 0.0.44.dev20260713+nightly
codegen_flags: <defaults>
</compile_context>

<pallas_src>
import functools

import numpy as np
import jax
import jax.numpy as jnp
from jax import lax
from jax.experimental import pallas as pl
from jax.experimental.pallas import tpu as pltpu
from jax.experimental.pallas import tpu_sc as plsc

B = 2
S = 2048
HID = 1024
H = 16
DH = 64
NH = 2
NB = 64
CHUNK = 64
BH = B * H
N2 = NH * S
NCH = N2 // CHUNK
CW = 128
OW = 128

np.random.seed(0)
_rot_np = np.random.normal(size=(DH, NH, NB // 2)).astype(np.float32)
_RCAT = np.concatenate([_rot_np, -_rot_np], axis=2).transpose(1, 0, 2).copy()


_SB = 512


def _proj_body(h_ref, wqk_ref, wv_ref, qk_ref, v_ref):
    x = h_ref[0]
    qkb = jnp.dot(x, wqk_ref[...], preferred_element_type=jnp.float32)
    vb = jnp.dot(x, wv_ref[...], preferred_element_type=jnp.float32)
    for h in range(H):
        qk_ref[0, h] = qkb[:, h * DH:(h + 1) * DH]
        v_ref[0, h] = vb[:, h * DH:(h + 1) * DH]


def _proj(hidden, Wqk, Wv, interpret=False):
    return pl.pallas_call(
        _proj_body,
        grid=(B, S // _SB),
        in_specs=[
            pl.BlockSpec((1, _SB, HID), lambda b, s: (b, s, 0)),
            pl.BlockSpec((HID, H * DH), lambda b, s: (0, 0)),
            pl.BlockSpec((HID, H * DH), lambda b, s: (0, 0)),
        ],
        out_specs=[
            pl.BlockSpec((1, H, _SB, DH), lambda b, s: (b, 0, s, 0)),
            pl.BlockSpec((1, H, _SB, DH), lambda b, s: (b, 0, s, 0)),
        ],
        out_shape=[
            jax.ShapeDtypeStruct((B, H, S, DH), jnp.float32),
            jax.ShapeDtypeStruct((B, H, S, DH), jnp.float32),
        ],
        interpret=interpret,
    )(hidden, Wqk, Wv)


def _hash_body(qk_ref, v_ref, r_ref, pos_ref, comb_ref, trow_ref):
    x = qk_ref[0, 0]
    v = v_ref[0, 0]
    bh = pl.program_id(0)

    comb_ref[0] = jnp.concatenate([x, v], axis=1)

    NBF = NH * NB
    RB = 128
    li64 = lax.broadcasted_iota(jnp.int32, (S, NB), 1)
    Lm = (lax.broadcasted_iota(jnp.int32, (RB, RB), 0)
          > lax.broadcasted_iota(jnp.int32, (RB, RB), 1)).astype(jnp.float32)
    Um = (lax.broadcasted_iota(jnp.int32, (NBF, NBF), 0)
          < lax.broadcasted_iota(jnp.int32, (NBF, NBF), 1)).astype(jnp.float32)

    rcat2 = jnp.concatenate([r_ref[0], r_ref[1]], axis=1)
    rot2 = jnp.dot(x, rcat2, preferred_element_type=jnp.float32)
    idxs = []
    for r in range(NH):
        rh = rot2[:, r * NB:(r + 1) * NB]
        idxs.append(jnp.argmax(rh, axis=1)[:, None].astype(jnp.int32)
                    + r * NB)
    idx_full = jnp.concatenate(idxs, axis=0)
    oh = (lax.broadcasted_iota(jnp.int32, (N2, NBF), 1)
          == idx_full).astype(jnp.float32)

    hist = jnp.zeros((1, NBF), jnp.float32)
    ranks = []
    for i in range(N2 // RB):
        xb = oh[i * RB:(i + 1) * RB]
        w = jnp.dot(Lm, xb, preferred_element_type=jnp.float32) + hist
        ranks.append(jnp.sum(w * xb, axis=1, keepdims=True))
        hist = hist + jnp.sum(xb, axis=0, keepdims=True)
    rank = jnp.concatenate(ranks, axis=0)
    start = jnp.dot(hist, Um, preferred_element_type=jnp.float32,
                    precision=lax.Precision.HIGHEST)
    posf = jnp.sum(start * oh, axis=1, keepdims=True) + rank
    pos_ref[0] = (posf + (bh * N2).astype(jnp.float32)).astype(jnp.int32)

    pos_all = posf.astype(jnp.int32)
    hi = lax.shift_right_logical(pos_all, 6)
    lo = jnp.bitwise_and(pos_all, 63)
    li_n = lax.broadcasted_iota(jnp.int32, (N2, NCH), 1)
    oh_hi = (li_n == hi).astype(jnp.float32)
    lo_match = li_n == lo
    tvec_i = jnp.concatenate(
        [lax.broadcasted_iota(jnp.int32, (S, 1), 0)] * NH, axis=0)
    za = jnp.where(lo_match, lax.shift_right_logical(tvec_i, 6),
                   0).astype(jnp.float32)
    zb = jnp.where(lo_match, jnp.bitwise_and(tvec_i, 63),
                   0).astype(jnp.float32)
    dn = (((0,), (0,)), ((), ()))
    ta = lax.dot_general(oh_hi, za, dn, preferred_element_type=jnp.float32)
    tb = lax.dot_general(oh_hi, zb, dn, preferred_element_type=jnp.float32)
    trow_ref[0] = ta * jnp.float32(64.0) + tb


def _hash_pos(qk4, v4, interpret=False):
    nbh = qk4.shape[0] * H
    return pl.pallas_call(
        _hash_body,
        grid=(nbh,),
        in_specs=[
            pl.BlockSpec((1, 1, S, DH), lambda i: (i // H, i % H, 0, 0)),
            pl.BlockSpec((1, 1, S, DH), lambda i: (i // H, i % H, 0, 0)),
            pl.BlockSpec((NH, DH, NB), lambda i: (0, 0, 0)),
        ],
        out_specs=[
            pl.BlockSpec((1, N2, 1), lambda i: (i, 0, 0)),
            pl.BlockSpec((1, S, CW), lambda i: (i, 0, 0)),
            pl.BlockSpec((1, NCH, NCH), lambda i: (i, 0, 0)),
        ],
        out_shape=[
            jax.ShapeDtypeStruct((nbh, N2, 1), jnp.int32),
            jax.ShapeDtypeStruct((nbh, S, CW), jnp.float32),
            jax.ShapeDtypeStruct((nbh, NCH, NCH), jnp.float32),
        ],
        interpret=interpret,
    )(qk4, v4, jnp.asarray(_RCAT))


_GC = 8
_GR = _GC * CHUNK
_KR = _GR + CHUNK


def _attn_body(cm_ref, tr_ref, sf_ref, ef_ref, out_ref):
    trow = tr_ref[0]
    ta = jnp.dot(sf_ref[...], jnp.floor(trow * jnp.float32(1.0 / 64.0)),
                 preferred_element_type=jnp.float32)
    tb = jnp.dot(sf_ref[...], trow - jnp.floor(
        trow * jnp.float32(1.0 / 64.0)) * jnp.float32(64.0),
        preferred_element_type=jnp.float32)
    tfull = ta * jnp.float32(64.0) + tb
    tickfull = jnp.sum(tfull * ef_ref[...], axis=1, keepdims=True)

    rl = lax.shift_right_logical(
        lax.broadcasted_iota(jnp.int32, (_GR, _KR), 0), 6)
    lc = lax.shift_right_logical(
        lax.broadcasted_iota(jnp.int32, (_GR, _KR), 1), 6)
    band = jnp.logical_or(lc == rl, lc == rl + 1)

    kall = cm_ref[0][:, :DH]
    var = jnp.mean(kall * kall, axis=1, keepdims=True)
    kn_all = kall * lax.rsqrt(var + 1e-6) * jnp.float32(0.125)

    for g in range(N2 // _GR):
        rows = cm_ref[0, g * _GR:(g + 1) * _GR, :]
        ps = (g * _GR - CHUNK) % N2
        prev = cm_ref[0, ps:ps + CHUNK, :]
        kn = jnp.concatenate([kn_all[ps:ps + CHUNK, :],
                              kn_all[g * _GR:(g + 1) * _GR, :]], axis=0)
        vals = jnp.concatenate([prev[:, DH:], rows[:, DH:]], axis=0)
        q = rows[:, :DH]
        dots = lax.dot_general(q, kn, (((1,), (1,)), ((), ())),
                               preferred_element_type=jnp.float32)
        tq = tickfull[g * _GR:(g + 1) * _GR, :]
        pc = (g * _GC - 1) % NCH
        tk = jnp.concatenate(
            [trow[pc:pc + 1, :]]
            + [trow[g * _GC + c:g * _GC + c + 1, :] for c in range(_GC)],
            axis=1)
        dots = jnp.where(jnp.logical_and(band, tq >= tk), dots,
                         jnp.float32(-1e9))
        dots = jnp.where(jnp.logical_and(band, tq == tk),
                         jnp.float32(-1e5), dots)
        mx = jnp.max(dots, axis=1, keepdims=True)
        e = jnp.exp(dots - mx)
        se = jnp.sum(e, axis=1, keepdims=True)
        o = lax.dot_general(e, vals, (((1,), (0,)), ((), ())),
                            preferred_element_type=jnp.float32) / se
        lg = mx + jnp.log(se)
        out_ref[0, g * _GR:(g + 1) * _GR, :] = jnp.concatenate(
            [o, jnp.broadcast_to(lg, (_GR, OW - DH))], axis=1)


_ROWIDX = np.arange(N2)
_SFULL = (_ROWIDX[:, None] // CHUNK == np.arange(NCH)[None, :]).astype(np.float32)
_EFULL = (_ROWIDX[:, None] % CHUNK == np.arange(NCH)[None, :]).astype(np.float32)


def _attend(comb_s, trow, interpret=False):
    nbh = comb_s.shape[0] // N2
    cm = comb_s.reshape(nbh, N2, CW)
    return pl.pallas_call(
        _attn_body,
        grid=(nbh,),
        in_specs=[
            pl.BlockSpec((1, N2, CW), lambda i: (i, 0, 0)),
            pl.BlockSpec((1, NCH, NCH), lambda i: (i, 0, 0)),
            pl.BlockSpec((N2, NCH), lambda i: (0, 0)),
            pl.BlockSpec((N2, NCH), lambda i: (0, 0)),
        ],
        out_specs=pl.BlockSpec((1, N2, OW), lambda i: (i, 0, 0)),
        out_shape=jax.ShapeDtypeStruct((nbh, N2, OW), jnp.float32),
        interpret=interpret,
    )(cm, trow, jnp.asarray(_SFULL), jnp.asarray(_EFULL))


def _comb_body(g0_ref, g1_ref, out_ref):
    for h in range(H):
        o0 = g0_ref[0, h, 0, 0, :, :DH]
        l0 = g0_ref[0, h, 0, 0, :, DH:DH + 1]
        o1 = g1_ref[0, h, 0, 0, :, :DH]
        l1 = g1_ref[0, h, 0, 0, :, DH:DH + 1]
        m = jnp.maximum(l0, l1)
        e0 = jnp.exp(l0 - m)
        e1 = jnp.exp(l1 - m)
        out_ref[0, :, h * DH:(h + 1) * DH] = (o0 * e0 + o1 * e1) / (e0 + e1)


def _combine(g, interpret=False):
    TB = 256
    nb = g.shape[0] // (H * N2)
    g6 = g.reshape(nb, H, NH, S // TB, TB, OW)
    return pl.pallas_call(
        _comb_body,
        grid=(nb, S // TB),
        in_specs=[
            pl.BlockSpec((1, H, 1, 1, TB, OW), lambda b, sb: (b, 0, 0, sb, 0, 0)),
            pl.BlockSpec((1, H, 1, 1, TB, OW), lambda b, sb: (b, 0, 1, sb, 0, 0)),
        ],
        out_specs=pl.BlockSpec((1, TB, H * DH), lambda b, sb: (b, sb, 0)),
        out_shape=jax.ShapeDtypeStruct((nb, S, H * DH), jnp.float32),
        interpret=interpret,
    )(g6, g6)


_NW = 32
_RPC = 128
_DEPTH = 4


def _sc_scatter(comb_flat, pos_r2):
    nbh = comb_flat.shape[0] // S
    mesh = plsc.VectorSubcoreMesh(core_axis_name="c", subcore_axis_name="s")

    @functools.partial(
        pl.kernel,
        out_type=jax.ShapeDtypeStruct((nbh * N2, CW), jnp.float32),
        mesh=mesh,
        scratch_types=[
            pltpu.VMEM((nbh, _RPC), jnp.int32),
            pltpu.VMEM((_DEPTH, _RPC, CW), jnp.float32),
            [pltpu.SemaphoreType.DMA] * _DEPTH,
            [pltpu.SemaphoreType.DMA] * _DEPTH,
        ],
    )
    def run(comb_hbm, pos_hbm, out_hbm, idx_v, bufs, lsems, ssems):
        wid = lax.axis_index("s") * 2 + lax.axis_index("c")
        q0 = wid * nbh
        pltpu.sync_copy(pos_hbm.at[pl.ds(q0, nbh)], idx_v)

        def src_off(q):
            bh = q // 32
            c = lax.rem(q, 16)
            return bh * S + c * _RPC

        def step(i, carry):
            base = _DEPTH * i
            lds = []
            for k in range(_DEPTH):
                ld = pltpu.make_async_copy(
                    comb_hbm.at[pl.ds(src_off(q0 + base + k), _RPC)],
                    bufs.at[k], lsems[k])
                ld.start()
                lds.append(ld)
            sts = []
            for k in range(_DEPTH):
                lds[k].wait()
                st = pltpu.make_async_copy(
                    bufs.at[k], out_hbm.at[idx_v.at[base + k]], ssems[k])
                st.start()
                sts.append(st)
            for k in range(_DEPTH):
                sts[k].wait()
            return carry

        lax.fori_loop(0, nbh // _DEPTH, step, 0)

    return run(comb_flat, pos_r2)


def _sc_gather(outl_flat, pos_r2):
    nbh = outl_flat.shape[0] // N2
    mesh = plsc.VectorSubcoreMesh(core_axis_name="c", subcore_axis_name="s")

    @functools.partial(
        pl.kernel,
        out_type=jax.ShapeDtypeStruct((nbh * N2, OW), jnp.float32),
        mesh=mesh,
        scratch_types=[
            pltpu.VMEM((nbh, _RPC), jnp.int32),
            pltpu.VMEM((_DEPTH, _RPC, OW), jnp.float32),
            [pltpu.SemaphoreType.DMA] * _DEPTH,
            [pltpu.SemaphoreType.DMA] * _DEPTH,
        ],
    )
    def run(outl_hbm, pos_hbm, g_hbm, idx_v, bufs, lsems, ssems):
        wid = lax.axis_index("s") * 2 + lax.axis_index("c")
        q0 = wid * nbh
        pltpu.sync_copy(pos_hbm.at[pl.ds(q0, nbh)], idx_v)

        def step(i, carry):
            base = _DEPTH * i
            lds = []
            for k in range(_DEPTH):
                ld = pltpu.make_async_copy(
                    outl_hbm.at[idx_v.at[base + k]], bufs.at[k], lsems[k])
                ld.start()
                lds.append(ld)
            sts = []
            for k in range(_DEPTH):
                lds[k].wait()
                st = pltpu.make_async_copy(
                    bufs.at[k],
                    g_hbm.at[pl.ds((q0 + base + k) * _RPC, _RPC)], ssems[k])
                st.start()
                sts.append(st)
            for k in range(_DEPTH):
                sts[k].wait()
            return carry

        lax.fori_loop(0, nbh // _DEPTH, step, 0)

    return run(outl_flat, pos_r2)


def kernel(hidden_states, Wqk, Wv):
    qk4, v4 = _proj(hidden_states, Wqk, Wv)
    outs = []
    for b in range(B):
        pos, comb, trow = _hash_pos(qk4[b:b + 1], v4[b:b + 1])
        nbh = H
        comb_flat = comb.reshape(nbh * S, CW)
        pos_r2 = pos.reshape(nbh * N2 // _RPC, _RPC)
        comb_s = _sc_scatter(comb_flat, pos_r2)
        outl = _attend(comb_s, trow)
        g = _sc_gather(outl.reshape(nbh * N2, OW), pos_r2)
        outs.append(_combine(g))
    return jnp.concatenate(outs, axis=0)

# --- scband reference (transcript-rebuilt; emitter-appended) ---
"""Pipeline reference for scband-lshself-attention-23081154249296 (READ-ONLY COPY).

The authoritative reference and input builder live on the scoring server;
editing this copy changes nothing except your own understanding.
"""

import jax, jax.numpy as jnp
import numpy as np

B = 2
S = 2048
HID = 1024
H = 16
DH = 64
NUM_HASHES = 2
NUM_BUCKETS = 64
CHUNK = 64
N_BEFORE = 1
N_AFTER = 0
IS_DECODER = True
HASH_SEED = 0


def setup_inputs(seed: int = 0):
    key = jax.random.key(seed)
    k1, k2, k3 = jax.random.split(key, 3)
    hidden_states = jax.random.normal(k1, (B, S, HID), dtype=jnp.float32)
    Wqk = jax.random.normal(k2, (HID, H * DH), dtype=jnp.float32) * 0.02
    Wv = jax.random.normal(k3, (HID, H * DH), dtype=jnp.float32) * 0.02
    return {"hidden_states": hidden_states, "Wqk": Wqk, "Wv": Wv}


def _look_adjacent(v, nb, na):
    if nb == 0 and na == 0:
        return v
    slices = []
    for i in range(-nb, na + 1):
        if i == 0:
            slices.append(v)
        else:
            slices.append(jnp.concatenate([v[:, :, i:], v[:, :, :i]], axis=2))
    return jnp.concatenate(slices, axis=3)


def _hash_vectors(vectors):
    # rotations are generated with a fixed numpy seed, as in the torch module
    rotations_shape = (DH, NUM_HASHES, NUM_BUCKETS // 2)
    np.random.seed(HASH_SEED)
    random_rotations = jnp.asarray(np.random.normal(size=rotations_shape), dtype=jnp.float32)
    rotated = jnp.einsum('bmtd,dhr->bmhtr', vectors, random_rotations)
    rotated = jnp.concatenate([rotated, -rotated], axis=-1)
    buckets = jnp.argmax(rotated, axis=-1)  # [B, H, num_hashes, S]
    if NUM_HASHES > 1:
        offsets = (jnp.arange(NUM_HASHES) * NUM_BUCKETS).reshape(1, 1, -1, 1)
        buckets = buckets + offsets
    buckets = buckets.reshape(vectors.shape[0], H, -1)  # [B, H, num_hashes*S]
    return buckets


def _forward(hidden_states, Wqk, Wv):
    bsz = hidden_states.shape[0]
    qk = hidden_states @ Wqk
    v = hidden_states @ Wv
    qk = qk.reshape(bsz, S, H, DH).transpose(0, 2, 1, 3)  # [B, H, S, d]
    v = v.reshape(bsz, S, H, DH).transpose(0, 2, 1, 3)

    buckets = _hash_vectors(qk)
    ticker = jnp.broadcast_to(jnp.arange(NUM_HASHES * S), (bsz, H, NUM_HASHES * S))
    buckets_and_t = S * buckets + (ticker % S)
    sorted_ticker = jnp.argsort(buckets_and_t, axis=-1)
    undo_ticker = jnp.argsort(sorted_ticker, axis=-1)
    sorted_ticker = sorted_ticker % S

    def gather_by_expansion(vec):
        rep = jnp.tile(vec, (1, 1, NUM_HASHES, 1))
        return jnp.take_along_axis(rep, sorted_ticker[..., None], axis=2)

    qk_s = gather_by_expansion(qk)
    v_s = gather_by_expansion(v)

    n_chunks = (NUM_HASHES * S) // CHUNK
    qk_c = qk_s.reshape(bsz, H, n_chunks, CHUNK, DH)
    v_c = v_s.reshape(bsz, H, n_chunks, CHUNK, DH)
    tick_c = sorted_ticker.reshape(bsz, H, n_chunks, CHUNK)

    # _len_and_dim_norm applied to keys (shared QK weights)
    variance = jnp.mean(qk_c ** 2, axis=-1, keepdims=True)
    k_c = qk_c * jax.lax.rsqrt(variance + 1e-6)
    k_c = k_c / jnp.sqrt(jnp.asarray(DH, dtype=jnp.float32))

    # _attend
    k_adj = _look_adjacent(k_c, N_BEFORE, N_AFTER)
    v_adj = _look_adjacent(v_c, N_BEFORE, N_AFTER)
    dots = jnp.einsum('bhcqd,bhckd->bhcqk', qk_c, k_adj)

    q_idx = tick_c
    kv_idx = _look_adjacent(tick_c, N_BEFORE, N_AFTER)
    if IS_DECODER:
        causal = q_idx[..., :, None] >= kv_idx[..., None, :]
        dots = jnp.where(causal, dots, jnp.float32(-1e9))
    self_mask = q_idx[..., :, None] != kv_idx[..., None, :]
    dots = jnp.where(self_mask, dots, jnp.float32(-1e5))

    logits = jax.scipy.special.logsumexp(dots, axis=-1, keepdims=True)
    probs = jnp.exp(dots - logits)
    out = jnp.einsum('bhcqk,bhckd->bhcqd', probs, v_adj)

    # merge chunks, undo the hash-based sort
    out = out.reshape(bsz, H, -1, DH)
    logits = logits.reshape(bsz, H, -1)
    out = jnp.take_along_axis(out, undo_ticker[..., None], axis=2)
    logits = jnp.take_along_axis(logits, undo_ticker, axis=2)

    if NUM_HASHES > 1:
        out = out.reshape(bsz, H, NUM_HASHES, S, DH)
        logits = logits.reshape(bsz, H, NUM_HASHES, S)[..., None]
        probs_v = jnp.exp(logits - jax.scipy.special.logsumexp(logits, axis=2, keepdims=True))
        out = jnp.sum(out * probs_v, axis=2)

    out = out.transpose(0, 2, 1, 3).reshape(bsz, S, H * DH)
    return out


def reference(hidden_states, Wqk, Wv):
    return _forward(hidden_states, Wqk, Wv)

if __name__ == "__main__":
    import jax
    _d = setup_inputs()
    print(jax.jit(kernel)(*tuple(_d.values())))

</pallas_src>

<mosaic_0001>
#map = affine_map<(d0, d1) -> (0, 0)>
module attributes {stable_mosaic.version = 14 : i64} {
  func.func @run(%arg0: i32, %arg1: i32, %arg2: memref<65536x128xf32, #tpu.memory_space<hbm>>, %arg3: memref<512x128xi32, #tpu.memory_space<hbm>>, %arg4: memref<65536x128xf32, #tpu.memory_space<hbm>>, %arg5: memref<16x128xi32, #tpu.memory_space<vmem>>, %arg6: memref<4x128x128xf32, #tpu.memory_space<vmem>>, %arg7: memref<!tpu.dma_semaphore, #tpu.memory_space<semaphore_mem>>, %arg8: memref<!tpu.dma_semaphore, #tpu.memory_space<semaphore_mem>>, %arg9: memref<!tpu.dma_semaphore, #tpu.memory_space<semaphore_mem>>, %arg10: memref<!tpu.dma_semaphore, #tpu.memory_space<semaphore_mem>>, %arg11: memref<!tpu.dma_semaphore, #tpu.memory_space<semaphore_mem>>, %arg12: memref<!tpu.dma_semaphore, #tpu.memory_space<semaphore_mem>>, %arg13: memref<!tpu.dma_semaphore, #tpu.memory_space<semaphore_mem>>, %arg14: memref<!tpu.dma_semaphore, #tpu.memory_space<semaphore_mem>>) attributes {dimension_semantics = [#tpu.dimension_semantics<core_parallel>, #tpu.dimension_semantics<subcore_parallel>], iteration_bounds = array<i64: 2, 16>, scalar_prefetch = 0 : i64, scratch_operands = 10 : i64, tpu.core_type = #tpu.core_type<sc_vector_subcore>, window_params = [{transform_indices = #map}, {transform_indices = #map}, {transform_indices = #map}]} {
    %mul3A = arith.constant 2 : i32
    %mul3A_0 = arith.muli %arg1, %mul3A : i32
    %add3A = arith.addi %mul3A_0, %arg0 : i32
    %mul3A_1 = arith.constant 16 : i32
    %mul3A_2 = arith.muli %add3A, %mul3A_1 : i32
    "tpu.region"() ({
      %run_scoped3A = tpu.sem_alloc : memref<!tpu.dma_semaphore, #tpu.memory_space<semaphore_mem>>
      %dma_start3A = arith.constant 0 : i32
      %dma_start3A_8 = tpu.memref_slice %arg3[%mul3A_2, %dma_start3A] : memref<512x128xi32, #tpu.memory_space<hbm>> -> memref<16x128xi32, #tpu.memory_space<hbm>>
      %dma_start3A_9 = arith.constant 0 : i32
      %dma_start3A_10 = tpu.memref_slice %arg3[%mul3A_2, %dma_start3A_9] : memref<512x128xi32, #tpu.memory_space<hbm>> -> memref<16x128xi32, #tpu.memory_space<hbm>>
      tpu.enqueue_dma source(%dma_start3A_10 : memref<16x128xi32, #tpu.memory_space<hbm>>) target(%arg5 : memref<16x128xi32, #tpu.memory_space<vmem>>) target_semaphore(%run_scoped3A : memref<!tpu.dma_semaphore, #tpu.memory_space<semaphore_mem>>)
      %dma_wait3A = arith.constant 0 : i32
      %dma_wait3A_11 = tpu.memref_slice %arg3[%mul3A_2, %dma_wait3A] : memref<512x128xi32, #tpu.memory_space<hbm>> -> memref<16x128xi32, #tpu.memory_space<hbm>>
      %dma_wait3A_12 = arith.constant 0 : i32
      %dma_wait3A_13 = tpu.memref_slice %arg3[%mul3A_2, %dma_wait3A_12] : memref<512x128xi32, #tpu.memory_space<hbm>> -> memref<16x128xi32, #tpu.memory_space<hbm>>
      tpu.wait_dma2 semaphore(%run_scoped3A : memref<!tpu.dma_semaphore, #tpu.memory_space<semaphore_mem>>) src(%dma_wait3A_13 : memref<16x128xi32, #tpu.memory_space<hbm>>) dst(%arg5 : memref<16x128xi32, #tpu.memory_space<vmem>>)
      tpu.yield
    }) : () -> ()
    %scan3A = arith.constant 0 : i32
    %scan3A_3 = arith.constant 0 : i32
    %scan3A_4 = arith.constant 4 : i32
    %scan3A_5 = arith.addi %scan3A_3, %scan3A_4 : i32
    %scan3A_6 = arith.constant 1 : i32
    scf.for %scan3A_8 = %scan3A_3 to %scan3A_5 step %scan3A_6  : i32 {
      %mul3A_9 = arith.constant 4 : i32
      %mul3A_10 = arith.muli %mul3A_9, %scan3A_8 : i32
      %add3A_11 = arith.constant 0 : i32
      %add3A_12 = arith.addi %mul3A_10, %add3A_11 : i32
      %dma_start3A = arith.constant 0 : i32
      %dma_start3A_13 = arith.constant 0 : i32
      %dma_start3A_14 = arith.constant 0 : i32
      %dma_start3A_15 = tpu.memref_slice %arg6[%dma_start3A, %dma_start3A_13, %dma_start3A_14] : memref<4x128x128xf32, #tpu.memory_space<vmem>> -> memref<1x128x128xf32, #tpu.memory_space<vmem>>
      %dma_start3A_16 = tpu.memref_squeeze %dma_start3A_15 : memref<1x128x128xf32, #tpu.memory_space<vmem>> -> memref<128x128xf32, #tpu.memory_space<vmem>>
      %dma_start3A_17 = arith.constant 0 : i32
      %dma_start3A_18 = tpu.memref_slice %arg5[%add3A_12, %dma_start3A_17] : memref<16x128xi32, #tpu.memory_space<vmem>> -> memref<1x128xi32, #tpu.memory_space<vmem>>
      %dma_start3A_19 = tpu.memref_squeeze %dma_start3A_18 : memref<1x128xi32, #tpu.memory_space<vmem>> -> memref<128xi32, #tpu.memory_space<vmem>>
      %dma_start3A_20 = arith.constant 0 : i32
      %dma_start3A_21 = arith.constant 0 : i32
      %dma_start3A_22 = tpu.memref_slice %arg2[%dma_start3A_20, %dma_start3A_21] : memref<65536x128xf32, #tpu.memory_space<hbm>> -> memref<65536x128xf32, #tpu.memory_space<hbm>>
      tpu.enqueue_indirect_dma source(%dma_start3A_22 : memref<65536x128xf32, #tpu.memory_space<hbm>>) target(%dma_start3A_16 : memref<128x128xf32, #tpu.memory_space<vmem>>) offsets(%dma_start3A_19 : memref<128xi32, #tpu.memory_space<vmem>>) semaphore(%arg7 : memref<!tpu.dma_semaphore, #tpu.memory_space<semaphore_mem>>)
      %add3A_23 = arith.constant 1 : i32
      %add3A_24 = arith.addi %mul3A_10, %add3A_23 : i32
      %dma_start3A_25 = arith.constant 1 : i32
      %dma_start3A_26 = arith.constant 0 : i32
      %dma_start3A_27 = arith.constant 0 : i32
      %dma_start3A_28 = tpu.memref_slice %arg6[%dma_start3A_25, %dma_start3A_26, %dma_start3A_27] : memref<4x128x128xf32, #tpu.memory_space<vmem>> -> memref<1x128x128xf32, #tpu.memory_space<vmem>>
      %dma_start3A_29 = tpu.memref_squeeze %dma_start3A_28 : memref<1x128x128xf32, #tpu.memory_space<vmem>> -> memref<128x128xf32, #tpu.memory_space<vmem>>
      %dma_start3A_30 = arith.constant 0 : i32
      %dma_start3A_31 = tpu.memref_slice %arg5[%add3A_24, %dma_start3A_30] : memref<16x128xi32, #tpu.memory_space<vmem>> -> memref<1x128xi32, #tpu.memory_space<vmem>>
      %dma_start3A_32 = tpu.memref_squeeze %dma_start3A_31 : memref<1x128xi32, #tpu.memory_space<vmem>> -> memref<128xi32, #tpu.memory_space<vmem>>
      %dma_start3A_33 = arith.constant 0 : i32
      %dma_start3A_34 = arith.constant 0 : i32
      %dma_start3A_35 = tpu.memref_slice %arg2[%dma_start3A_33, %dma_start3A_34] : memref<65536x128xf32, #tpu.memory_space<hbm>> -> memref<65536x128xf32, #tpu.memory_space<hbm>>
      tpu.enqueue_indirect_dma source(%dma_start3A_35 : memref<65536x128xf32, #tpu.memory_space<hbm>>) target(%dma_start3A_29 : memref<128x128xf32, #tpu.memory_space<vmem>>) offsets(%dma_start3A_32 : memref<128xi32, #tpu.memory_space<vmem>>) semaphore(%arg8 : memref<!tpu.dma_semaphore, #tpu.memory_space<semaphore_mem>>)
      %add3A_36 = arith.constant 2 : i32
      %add3A_37 = arith.addi %mul3A_10, %add3A_36 : i32
      %dma_start3A_38 = arith.constant 2 : i32
      %dma_start3A_39 = arith.constant 0 : i32
      %dma_start3A_40 = arith.constant 0 : i32
      %dma_start3A_41 = tpu.memref_slice %arg6[%dma_start3A_38, %dma_start3A_39, %dma_start3A_40] : memref<4x128x128xf32, #tpu.memory_space<vmem>> -> memref<1x128x128xf32, #tpu.memory_space<vmem>>
      %dma_start3A_42 = tpu.memref_squeeze %dma_start3A_41 : memref<1x128x128xf32, #tpu.memory_space<vmem>> -> memref<128x128xf32, #tpu.memory_space<vmem>>
      %dma_start3A_43 = arith.constant 0 : i32
      %dma_start3A_44 = tpu.memref_slice %arg5[%add3A_37, %dma_start3A_43] : memref<16x128xi32, #tpu.memory_space<vmem>> -> memref<1x128xi32, #tpu.memory_space<vmem>>
      %dma_start3A_45 = tpu.memref_squeeze %dma_start3A_44 : memref<1x128xi32, #tpu.memory_space<vmem>> -> memref<128xi32, #tpu.memory_space<vmem>>
      %dma_start3A_46 = arith.constant 0 : i32
      %dma_start3A_47 = arith.constant 0 : i32
      %dma_start3A_48 = tpu.memref_slice %arg2[%dma_start3A_46, %dma_start3A_47] : memref<65536x128xf32, #tpu.memory_space<hbm>> -> memref<65536x128xf32, #tpu.memory_space<hbm>>
      tpu.enqueue_indirect_dma source(%dma_start3A_48 : memref<65536x128xf32, #tpu.memory_space<hbm>>) target(%dma_start3A_42 : memref<128x128xf32, #tpu.memory_space<vmem>>) offsets(%dma_start3A_45 : memref<128xi32, #tpu.memory_space<vmem>>) semaphore(%arg9 : memref<!tpu.dma_semaphore, #tpu.memory_space<semaphore_mem>>)
      %add3A_49 = arith.constant 3 : i32
      %add3A_50 = arith.addi %mul3A_10, %add3A_49 : i32
      %dma_start3A_51 = arith.constant 3 : i32
      %dma_start3A_52 = arith.constant 0 : i32
      %dma_start3A_53 = arith.constant 0 : i32
      %dma_start3A_54 = tpu.memref_slice %arg6[%dma_start3A_51, %dma_start3A_52, %dma_start3A_53] : memref<4x128x128xf32, #tpu.memory_space<vmem>> -> memref<1x128x128xf32, #tpu.memory_space<vmem>>
      %dma_start3A_55 = tpu.memref_squeeze %dma_start3A_54 : memref<1x128x128xf32, #tpu.memory_space<vmem>> -> memref<128x128xf32, #tpu.memory_space<vmem>>
      %dma_start3A_56 = arith.constant 0 : i32
      %dma_start3A_57 = tpu.memref_slice %arg5[%add3A_50, %dma_start3A_56] : memref<16x128xi32, #tpu.memory_space<vmem>> -> memref<1x128xi32, #tpu.memory_space<vmem>>
      %dma_start3A_58 = tpu.memref_squeeze %dma_start3A_57 : memref<1x128xi32, #tpu.memory_space<vmem>> -> memref<128xi32, #tpu.memory_space<vmem>>
      %dma_start3A_59 = arith.constant 0 : i32
      %dma_start3A_60 = arith.constant 0 : i32
      %dma_start3A_61 = tpu.memref_slice %arg2[%dma_start3A_59, %dma_start3A_60] : memref<65536x128xf32, #tpu.memory_space<hbm>> -> memref<65536x128xf32, #tpu.memory_space<hbm>>
      tpu.enqueue_indirect_dma source(%dma_start3A_61 : memref<65536x128xf32, #tpu.memory_space<hbm>>) target(%dma_start3A_55 : memref<128x128xf32, #tpu.memory_space<vmem>>) offsets(%dma_start3A_58 : memref<128xi32, #tpu.memory_space<vmem>>) semaphore(%arg10 : memref<!tpu.dma_semaphore, #tpu.memory_space<semaphore_mem>>)
      %dma_wait3A = arith.constant 0 : i32
      %dma_wait3A_62 = arith.constant 0 : i32
      %dma_wait3A_63 = arith.constant 0 : i32
      %dma_wait3A_64 = tpu.memref_slice %arg6[%dma_wait3A, %dma_wait3A_62, %dma_wait3A_63] : memref<4x128x128xf32, #tpu.memory_space<vmem>> -> memref<1x128x128xf32, #tpu.memory_space<vmem>>
      %dma_wait3A_65 = tpu.memref_squeeze %dma_wait3A_64 : memref<1x128x128xf32, #tpu.memory_space<vmem>> -> memref<128x128xf32, #tpu.memory_space<vmem>>
      %dma_wait3A_66 = arith.constant 0 : i32
      %dma_wait3A_67 = tpu.memref_slice %arg5[%add3A_12, %dma_wait3A_66] : memref<16x128xi32, #tpu.memory_space<vmem>> -> memref<1x128xi32, #tpu.memory_space<vmem>>
      %dma_wait3A_68 = tpu.memref_squeeze %dma_wait3A_67 : memref<1x128xi32, #tpu.memory_space<vmem>> -> memref<128xi32, #tpu.memory_space<vmem>>
      %dma_wait3A_69 = arith.constant 0 : i32
      %dma_wait3A_70 = arith.constant 0 : i32
      %dma_wait3A_71 = tpu.memref_slice %arg2[%dma_wait3A_69, %dma_wait3A_70] : memref<65536x128xf32, #tpu.memory_space<hbm>> -> memref<65536x128xf32, #tpu.memory_space<hbm>>
      tpu.wait_indirect_dma semaphore(%arg7 : memref<!tpu.dma_semaphore, #tpu.memory_space<semaphore_mem>>) src(%dma_wait3A_71 : memref<65536x128xf32, #tpu.memory_space<hbm>>) dst(%dma_wait3A_65 : memref<128x128xf32, #tpu.memory_space<vmem>>)
      %add3A_72 = arith.addi %mul3A_2, %mul3A_10 : i32
      %add3A_73 = arith.constant 0 : i32
      %add3A_74 = arith.addi %add3A_72, %add3A_73 : i32
      %mul3A_75 = arith.constant 128 : i32
      %mul3A_76 = arith.muli %add3A_74, %mul3A_75 : i32
      %dma_start3A_77 = arith.constant 0 : i32
      %dma_start3A_78 = arith.constant 0 : i32
      %dma_start3A_79 = arith.constant 0 : i32
      %dma_start3A_80 = tpu.memref_slice %arg6[%dma_start3A_77, %dma_start3A_78, %dma_start3A_79] : memref<4x128x128xf32, #tpu.memory_space<vmem>> -> memref<1x128x128xf32, #tpu.memory_space<vmem>>
      %dma_start3A_81 = tpu.memref_squeeze %dma_start3A_80 : memref<1x128x128xf32, #tpu.memory_space<vmem>> -> memref<128x128xf32, #tpu.memory_space<vmem>>
      %dma_start3A_82 = arith.constant 0 : i32
      %dma_start3A_83 = tpu.memref_slice %arg4[%mul3A_76, %dma_start3A_82] : memref<65536x128xf32, #tpu.memory_space<hbm>> -> memref<128x128xf32, #tpu.memory_space<hbm>>
      %dma_start3A_84 = arith.constant 0 : i32
      %dma_start3A_85 = tpu.memref_slice %arg4[%mul3A_76, %dma_start3A_84] : memref<65536x128xf32, #tpu.memory_space<hbm>> -> memref<128x128xf32, #tpu.memory_space<hbm>>
      %dma_start3A_86 = arith.constant 0 : i32
      %dma_start3A_87 = arith.constant 0 : i32
      %dma_start3A_88 = tpu.memref_slice %arg6[%dma_start3A_77, %dma_start3A_86, %dma_start3A_87] : memref<4x128x128xf32, #tpu.memory_space<vmem>> -> memref<1x128x128xf32, #tpu.memory_space<vmem>>
      %dma_start3A_89 = tpu.memref_squeeze %dma_start3A_88 : memref<1x128x128xf32, #tpu.memory_space<vmem>> -> memref<128x128xf32, #tpu.memory_space<vmem>>
      tpu.enqueue_dma source(%dma_start3A_89 : memref<128x128xf32, #tpu.memory_space<vmem>>) target(%dma_start3A_85 : memref<128x128xf32, #tpu.memory_space<hbm>>) target_semaphore(%arg11 : memref<!tpu.dma_semaphore, #tpu.memory_space<semaphore_mem>>)
      %dma_wait3A_90 = arith.constant 1 : i32
      %dma_wait3A_91 = arith.constant 0 : i32
      %dma_wait3A_92 = arith.constant 0 : i32
      %dma_wait3A_93 = tpu.memref_slice %arg6[%dma_wait3A_90, %dma_wait3A_91, %dma_wait3A_92] : memref<4x128x128xf32, #tpu.memory_space<vmem>> -> memref<1x128x128xf32, #tpu.memory_space<vmem>>
      %dma_wait3A_94 = tpu.memref_squeeze %dma_wait3A_93 : memref<1x128x128xf32, #tpu.memory_space<vmem>> -> memref<128x128xf32, #tpu.memory_space<vmem>>
      %dma_wait3A_95 = arith.constant 0 : i32
      %dma_wait3A_96 = tpu.memref_slice %arg5[%add3A_24, %dma_wait3A_95] : memref<16x128xi32, #tpu.memory_space<vmem>> -> memref<1x128xi32, #tpu.memory_space<vmem>>
      %dma_wait3A_97 = tpu.memref_squeeze %dma_wait3A_96 : memref<1x128xi32, #tpu.memory_space<vmem>> -> memref<128xi32, #tpu.memory_space<vmem>>
      %dma_wait3A_98 = arith.constant 0 : i32
      %dma_wait3A_99 = arith.constant 0 : i32
      %dma_wait3A_100 = tpu.memref_slice %arg2[%dma_wait3A_98, %dma_wait3A_99] : memref<65536x128xf32, #tpu.memory_space<hbm>> -> memref<65536x128xf32, #tpu.memory_space<hbm>>
      tpu.wait_indirect_dma semaphore(%arg8 : memref<!tpu.dma_semaphore, #tpu.memory_space<semaphore_mem>>) src(%dma_wait3A_100 : memref<65536x128xf32, #tpu.memory_space<hbm>>) dst(%dma_wait3A_94 : memref<128x128xf32, #tpu.memory_space<vmem>>)
      %add3A_101 = arith.addi %mul3A_2, %mul3A_10 : i32
      %add3A_102 = arith.constant 1 : i32
      %add3A_103 = arith.addi %add3A_101, %add3A_102 : i32
      %mul3A_104 = arith.constant 128 : i32
      %mul3A_105 = arith.muli %add3A_103, %mul3A_104 : i32
      %dma_start3A_106 = arith.constant 1 : i32
      %dma_start3A_107 = arith.constant 0 : i32
      %dma_start3A_108 = arith.constant 0 : i32
      %dma_start3A_109 = tpu.memref_slice %arg6[%dma_start3A_106, %dma_start3A_107, %dma_start3A_108] : memref<4x128x128xf32, #tpu.memory_space<vmem>> -> memref<1x128x128xf32, #tpu.memory_space<vmem>>
      %dma_start3A_110 = tpu.memref_squeeze %dma_start3A_109 : memref<1x128x128xf32, #tpu.memory_space<vmem>> -> memref<128x128xf32, #tpu.memory_space<vmem>>
      %dma_start3A_111 = arith.constant 0 : i32
      %dma_start3A_112 = tpu.memref_slice %arg4[%mul3A_105, %dma_start3A_111] : memref<65536x128xf32, #tpu.memory_space<hbm>> -> memref<128x128xf32, #tpu.memory_space<hbm>>
      %dma_start3A_113 = arith.constant 0 : i32
      %dma_start3A_114 = tpu.memref_slice %arg4[%mul3A_105, %dma_start3A_113] : memref<65536x128xf32, #tpu.memory_space<hbm>> -> memref<128x128xf32, #tpu.memory_space<hbm>>
      %dma_start3A_115 = arith.constant 0 : i32
      %dma_start3A_116 = arith.constant 0 : i32
      %dma_start3A_117 = tpu.memref_slice %arg6[%dma_start3A_106, %dma_start3A_115, %dma_start3A_116] : memref<4x128x128xf32, #tpu.memory_space<vmem>> -> memref<1x128x128xf32, #tpu.memory_space<vmem>>
      %dma_start3A_118 = tpu.memref_squeeze %dma_start3A_117 : memref<1x128x128xf32, #tpu.memory_space<vmem>> -> memref<128x128xf32, #tpu.memory_space<vmem>>
      tpu.enqueue_dma source(%dma_start3A_118 : memref<128x128xf32, #tpu.memory_space<vmem>>) target(%dma_start3A_114 : memref<128x128xf32, #tpu.memory_space<hbm>>) target_semaphore(%arg12 : memref<!tpu.dma_semaphore, #tpu.memory_space<semaphore_mem>>)
      %dma_wait3A_119 = arith.constant 2 : i32
      %dma_wait3A_120 = arith.constant 0 : i32
      %dma_wait3A_121 = arith.constant 0 : i32
      %dma_wait3A_122 = tpu.memref_slice %arg6[%dma_wait3A_119, %dma_wait3A_120, %dma_wait3A_121] : memref<4x128x128xf32, #tpu.memory_space<vmem>> -> memref<1x128x128xf32, #tpu.memory_space<vmem>>
      %dma_wait3A_123 = tpu.memref_squeeze %dma_wait3A_122 : memref<1x128x128xf32, #tpu.memory_space<vmem>> -> memref<128x128xf32, #tpu.memory_space<vmem>>
      %dma_wait3A_124 = arith.constant 0 : i32
      %dma_wait3A_125 = tpu.memref_slice %arg5[%add3A_37, %dma_wait3A_124] : memref<16x128xi32, #tpu.memory_space<vmem>> -> memref<1x128xi32, #tpu.memory_space<vmem>>
      %dma_wait3A_126 = tpu.memref_squeeze %dma_wait3A_125 : memref<1x128xi32, #tpu.memory_space<vmem>> -> memref<128xi32, #tpu.memory_space<vmem>>
      %dma_wait3A_127 = arith.constant 0 : i32
      %dma_wait3A_128 = arith.constant 0 : i32
      %dma_wait3A_129 = tpu.memref_slice %arg2[%dma_wait3A_127, %dma_wait3A_128] : memref<65536x128xf32, #tpu.memory_space<hbm>> -> memref<65536x128xf32, #tpu.memory_space<hbm>>
      tpu.wait_indirect_dma semaphore(%arg9 : memref<!tpu.dma_semaphore, #tpu.memory_space<semaphore_mem>>) src(%dma_wait3A_129 : memref<65536x128xf32, #tpu.memory_space<hbm>>) dst(%dma_wait3A_123 : memref<128x128xf32, #tpu.memory_space<vmem>>)
      %add3A_130 = arith.addi %mul3A_2, %mul3A_10 : i32
      %add3A_131 = arith.constant 2 : i32
      %add3A_132 = arith.addi %add3A_130, %add3A_131 : i32
      %mul3A_133 = arith.constant 128 : i32
      %mul3A_134 = arith.muli %add3A_132, %mul3A_133 : i32
      %dma_start3A_135 = arith.constant 2 : i32
      %dma_start3A_136 = arith.constant 0 : i32
      %dma_start3A_137 = arith.constant 0 : i32
      %dma_start3A_138 = tpu.memref_slice %arg6[%dma_start3A_135, %dma_start3A_136, %dma_start3A_137] : memref<4x128x128xf32, #tpu.memory_space<vmem>> -> memref<1x128x128xf32, #tpu.memory_space<vmem>>
      %dma_start3A_139 = tpu.memref_squeeze %dma_start3A_138 : memref<1x128x128xf32, #tpu.memory_space<vmem>> -> memref<128x128xf32, #tpu.memory_space<vmem>>
      %dma_start3A_140 = arith.constant 0 : i32
      %dma_start3A_141 = tpu.memref_slice %arg4[%mul3A_134, %dma_start3A_140] : memref<65536x128xf32, #tpu.memory_space<hbm>> -> memref<128x128xf32, #tpu.memory_space<hbm>>
      %dma_start3A_142 = arith.constant 0 : i32
      %dma_start3A_143 = tpu.memref_slice %arg4[%mul3A_134, %dma_start3A_142] : memref<65536x128xf32, #tpu.memory_space<hbm>> -> memref<128x128xf32, #tpu.memory_space<hbm>>
      %dma_start3A_144 = arith.constant 0 : i32
      %dma_start3A_145 = arith.constant 0 : i32
      %dma_start3A_146 = tpu.memref_slice %arg6[%dma_start3A_135, %dma_start3A_144, %dma_start3A_145] : memref<4x128x128xf32, #tpu.memory_space<vmem>> -> memref<1x128x128xf32, #tpu.memory_space<vmem>>
      %dma_start3A_147 = tpu.memref_squeeze %dma_start3A_146 : memref<1x128x128xf32, #tpu.memory_space<vmem>> -> memref<128x128xf32, #tpu.memory_space<vmem>>
      tpu.enqueue_dma source(%dma_start3A_147 : memref<128x128xf32, #tpu.memory_space<vmem>>) target(%dma_start3A_143 : memref<128x128xf32, #tpu.memory_space<hbm>>) target_semaphore(%arg13 : memref<!tpu.dma_semaphore, #tpu.memory_space<semaphore_mem>>)
      %dma_wait3A_148 = arith.constant 3 : i32
      %dma_wait3A_149 = arith.constant 0 : i32
      %dma_wait3A_150 = arith.constant 0 : i32
      %dma_wait3A_151 = tpu.memref_slice %arg6[%dma_wait3A_148, %dma_wait3A_149, %dma_wait3A_150] : memref<4x128x128xf32, #tpu.memory_space<vmem>> -> memref<1x128x128xf32, #tpu.memory_space<vmem>>
      %dma_wait3A_152 = tpu.memref_squeeze %dma_wait3A_151 : memref<1x128x128xf32, #tpu.memory_space<vmem>> -> memref<128x128xf32, #tpu.memory_space<vmem>>
      %dma_wait3A_153 = arith.constant 0 : i32
      %dma_wait3A_154 = tpu.memref_slice %arg5[%add3A_50, %dma_wait3A_153] : memref<16x128xi32, #tpu.memory_space<vmem>> -> memref<1x128xi32, #tpu.memory_space<vmem>>
      %dma_wait3A_155 = tpu.memref_squeeze %dma_wait3A_154 : memref<1x128xi32, #tpu.memory_space<vmem>> -> memref<128xi32, #tpu.memory_space<vmem>>
      %dma_wait3A_156 = arith.constant 0 : i32
      %dma_wait3A_157 = arith.constant 0 : i32
      %dma_wait3A_158 = tpu.memref_slice %arg2[%dma_wait3A_156, %dma_wait3A_157] : memref<65536x128xf32, #tpu.memory_space<hbm>> -> memref<65536x128xf32, #tpu.memory_space<hbm>>
      tpu.wait_indirect_dma semaphore(%arg10 : memref<!tpu.dma_semaphore, #tpu.memory_space<semaphore_mem>>) src(%dma_wait3A_158 : memref<65536x128xf32, #tpu.memory_space<hbm>>) dst(%dma_wait3A_152 : memref<128x128xf32, #tpu.memory_space<vmem>>)
      %add3A_159 = arith.addi %mul3A_2, %mul3A_10 : i32
      %add3A_160 = arith.constant 3 : i32
      %add3A_161 = arith.addi %add3A_159, %add3A_160 : i32
      %mul3A_162 = arith.constant 128 : i32
      %mul3A_163 = arith.muli %add3A_161, %mul3A_162 : i32
      %dma_start3A_164 = arith.constant 3 : i32
      %dma_start3A_165 = arith.constant 0 : i32
      %dma_start3A_166 = arith.constant 0 : i32
      %dma_start3A_167 = tpu.memref_slice %arg6[%dma_start3A_164, %dma_start3A_165, %dma_start3A_166] : memref<4x128x128xf32, #tpu.memory_space<vmem>> -> memref<1x128x128xf32, #tpu.memory_space<vmem>>
      %dma_start3A_168 = tpu.memref_squeeze %dma_start3A_167 : memref<1x128x128xf32, #tpu.memory_space<vmem>> -> memref<128x128xf32, #tpu.memory_space<vmem>>
      %dma_start3A_169 = arith.constant 0 : i32
      %dma_start3A_170 = tpu.memref_slice %arg4[%mul3A_163, %dma_start3A_169] : memref<65536x128xf32, #tpu.memory_space<hbm>> -> memref<128x128xf32, #tpu.memory_space<hbm>>
      %dma_start3A_171 = arith.constant 0 : i32
      %dma_start3A_172 = tpu.memref_slice %arg4[%mul3A_163, %dma_start3A_171] : memref<65536x128xf32, #tpu.memory_space<hbm>> -> memref<128x128xf32, #tpu.memory_space<hbm>>
      %dma_start3A_173 = arith.constant 0 : i32
      %dma_start3A_174 = arith.constant 0 : i32
      %dma_start3A_175 = tpu.memref_slice %arg6[%dma_start3A_164, %dma_start3A_173, %dma_start3A_174] : memref<4x128x128xf32, #tpu.memory_space<vmem>> -> memref<1x128x128xf32, #tpu.memory_space<vmem>>
      %dma_start3A_176 = tpu.memref_squeeze %dma_start3A_175 : memref<1x128x128xf32, #tpu.memory_space<vmem>> -> memref<128x128xf32, #tpu.memory_space<vmem>>
      tpu.enqueue_dma source(%dma_start3A_176 : memref<128x128xf32, #tpu.memory_space<vmem>>) target(%dma_start3A_172 : memref<128x128xf32, #tpu.memory_space<hbm>>) target_semaphore(%arg14 : memref<!tpu.dma_semaphore, #tpu.memory_space<semaphore_mem>>)
      %dma_wait3A_177 = arith.constant 0 : i32
      %dma_wait3A_178 = arith.constant 0 : i32
      %dma_wait3A_179 = arith.constant 0 : i32
      %dma_wait3A_180 = tpu.memref_slice %arg6[%dma_wait3A_177, %dma_wait3A_178, %dma_wait3A_179] : memref<4x128x128xf32, #tpu.memory_space<vmem>> -> memref<1x128x128xf32, #tpu.memory_space<vmem>>
      %dma_wait3A_181 = tpu.memref_squeeze %dma_wait3A_180 : memref<1x128x128xf32, #tpu.memory_space<vmem>> -> memref<128x128xf32, #tpu.memory_space<vmem>>
      %dma_wait3A_182 = arith.constant 0 : i32
      %dma_wait3A_183 = tpu.memref_slice %arg4[%mul3A_76, %dma_wait3A_182] : memref<65536x128xf32, #tpu.memory_space<hbm>> -> memref<128x128xf32, #tpu.memory_space<hbm>>
      %dma_wait3A_184 = arith.constant 0 : i32
      %dma_wait3A_185 = tpu.memref_slice %arg4[%mul3A_76, %dma_wait3A_184] : memref<65536x128xf32, #tpu.memory_space<hbm>> -> memref<128x128xf32, #tpu.memory_space<hbm>>
      %dma_wait3A_186 = arith.constant 0 : i32
      %dma_wait3A_187 = arith.constant 0 : i32
      %dma_wait3A_188 = tpu.memref_slice %arg6[%dma_wait3A_177, %dma_wait3A_186, %dma_wait3A_187] : memref<4x128x128xf32, #tpu.memory_space<vmem>> -> memref<1x128x128xf32, #tpu.memory_space<vmem>>
      %dma_wait3A_189 = tpu.memref_squeeze %dma_wait3A_188 : memref<1x128x128xf32, #tpu.memory_space<vmem>> -> memref<128x128xf32, #tpu.memory_space<vmem>>
      tpu.wait_dma2 semaphore(%arg11 : memref<!tpu.dma_semaphore, #tpu.memory_space<semaphore_mem>>) src(%dma_wait3A_189 : memref<128x128xf32, #tpu.memory_space<vmem>>) dst(%dma_wait3A_185 : memref<128x128xf32, #tpu.memory_space<hbm>>)
      %dma_wait3A_190 = arith.constant 1 : i32
      %dma_wait3A_191 = arith.constant 0 : i32
      %dma_wait3A_192 = arith.constant 0 : i32
      %dma_wait3A_193 = tpu.memref_slice %arg6[%dma_wait3A_190, %dma_wait3A_191, %dma_wait3A_192] : memref<4x128x128xf32, #tpu.memory_space<vmem>> -> memref<1x128x128xf32, #tpu.memory_space<vmem>>
      %dma_wait3A_194 = tpu.memref_squeeze %dma_wait3A_193 : memref<1x128x128xf32, #tpu.memory_space<vmem>> -> memref<128x128xf32, #tpu.memory_space<vmem>>
      %dma_wait3A_195 = arith.constant 0 : i32
      %dma_wait3A_196 = tpu.memref_slice %arg4[%mul3A_105, %dma_wait3A_195] : memref<65536x128xf32, #tpu.memory_space<hbm>> -> memref<128x128xf32, #tpu.memory_space<hbm>>
      %dma_wait3A_197 = arith.constant 0 : i32
      %dma_wait3A_198 = tpu.memref_slice %arg4[%mul3A_105, %dma_wait3A_197] : memref<65536x128xf32, #tpu.memory_space<hbm>> -> memref<128x128xf32, #tpu.memory_space<hbm>>
      %dma_wait3A_199 = arith.constant 0 : i32
      %dma_wait3A_200 = arith.constant 0 : i32
      %dma_wait3A_201 = tpu.memref_slice %arg6[%dma_wait3A_190, %dma_wait3A_199, %dma_wait3A_200] : memref<4x128x128xf32, #tpu.memory_space<vmem>> -> memref<1x128x128xf32, #tpu.memory_space<vmem>>
      %dma_wait3A_202 = tpu.memref_squeeze %dma_wait3A_201 : memref<1x128x128xf32, #tpu.memory_space<vmem>> -> memref<128x128xf32, #tpu.memory_space<vmem>>
      tpu.wait_dma2 semaphore(%arg12 : memref<!tpu.dma_semaphore, #tpu.memory_space<semaphore_mem>>) src(%dma_wait3A_202 : memref<128x128xf32, #tpu.memory_space<vmem>>) dst(%dma_wait3A_198 : memref<128x128xf32, #tpu.memory_space<hbm>>)
      %dma_wait3A_203 = arith.constant 2 : i32
      %dma_wait3A_204 = arith.constant 0 : i32
      %dma_wait3A_205 = arith.constant 0 : i32
      %dma_wait3A_206 = tpu.memref_slice %arg6[%dma_wait3A_203, %dma_wait3A_204, %dma_wait3A_205] : memref<4x128x128xf32, #tpu.memory_space<vmem>> -> memref<1x128x128xf32, #tpu.memory_space<vmem>>
      %dma_wait3A_207 = tpu.memref_squeeze %dma_wait3A_206 : memref<1x128x128xf32, #tpu.memory_space<vmem>> -> memref<128x128xf32, #tpu.memory_space<vmem>>
      %dma_wait3A_208 = arith.constant 0 : i32
      %dma_wait3A_209 = tpu.memref_slice %arg4[%mul3A_134, %dma_wait3A_208] : memref<65536x128xf32, #tpu.memory_space<hbm>> -> memref<128x128xf32, #tpu.memory_space<hbm>>
      %dma_wait3A_210 = arith.constant 0 : i32
      %dma_wait3A_211 = tpu.memref_slice %arg4[%mul3A_134, %dma_wait3A_210] : memref<65536x128xf32, #tpu.memory_space<hbm>> -> memref<128x128xf32, #tpu.memory_space<hbm>>
      %dma_wait3A_212 = arith.constant 0 : i32
      %dma_wait3A_213 = arith.constant 0 : i32
      %dma_wait3A_214 = tpu.memref_slice %arg6[%dma_wait3A_203, %dma_wait3A_212, %dma_wait3A_213] : memref<4x128x128xf32, #tpu.memory_space<vmem>> -> memref<1x128x128xf32, #tpu.memory_space<vmem>>
      %dma_wait3A_215 = tpu.memref_squeeze %dma_wait3A_214 : memref<1x128x128xf32, #tpu.memory_space<vmem>> -> memref<128x128xf32, #tpu.memory_space<vmem>>
      tpu.wait_dma2 semaphore(%arg13 : memref<!tpu.dma_semaphore, #tpu.memory_space<semaphore_mem>>) src(%dma_wait3A_215 : memref<128x128xf32, #tpu.memory_space<vmem>>) dst(%dma_wait3A_211 : memref<128x128xf32, #tpu.memory_space<hbm>>)
      %dma_wait3A_216 = arith.constant 3 : i32
      %dma_wait3A_217 = arith.constant 0 : i32
      %dma_wait3A_218 = arith.constant 0 : i32
      %dma_wait3A_219 = tpu.memref_slice %arg6[%dma_wait3A_216, %dma_wait3A_217, %dma_wait3A_218] : memref<4x128x128xf32, #tpu.memory_space<vmem>> -> memref<1x128x128xf32, #tpu.memory_space<vmem>>
      %dma_wait3A_220 = tpu.memref_squeeze %dma_wait3A_219 : memref<1x128x128xf32, #tpu.memory_space<vmem>> -> memref<128x128xf32, #tpu.memory_space<vmem>>
      %dma_wait3A_221 = arith.constant 0 : i32
      %dma_wait3A_222 = tpu.memref_slice %arg4[%mul3A_163, %dma_wait3A_221] : memref<65536x128xf32, #tpu.memory_space<hbm>> -> memref<128x128xf32, #tpu.memory_space<hbm>>
      %dma_wait3A_223 = arith.constant 0 : i32
      %dma_wait3A_224 = tpu.memref_slice %arg4[%mul3A_163, %dma_wait3A_223] : memref<65536x128xf32, #tpu.memory_space<hbm>> -> memref<128x128xf32, #tpu.memory_space<hbm>>
      %dma_wait3A_225 = arith.constant 0 : i32
      %dma_wait3A_226 = arith.constant 0 : i32
      %dma_wait3A_227 = tpu.memref_slice %arg6[%dma_wait3A_216, %dma_wait3A_225, %dma_wait3A_226] : memref<4x128x128xf32, #tpu.memory_space<vmem>> -> memref<1x128x128xf32, #tpu.memory_space<vmem>>
      %dma_wait3A_228 = tpu.memref_squeeze %dma_wait3A_227 : memref<1x128x128xf32, #tpu.memory_space<vmem>> -> memref<128x128xf32, #tpu.memory_space<vmem>>
      tpu.wait_dma2 semaphore(%arg14 : memref<!tpu.dma_semaphore, #tpu.memory_space<semaphore_mem>>) src(%dma_wait3A_228 : memref<128x128xf32, #tpu.memory_space<vmem>>) dst(%dma_wait3A_224 : memref<128x128xf32, #tpu.memory_space<hbm>>)
    }
    %scan3A_7 = arith.constant 4 : i32
    return
  }
}

#map = affine_map<(d0, d1) -> (0, 0)>
module attributes {stable_mosaic.version = 14 : i64} {
  func.func @run(%arg0: i32, %arg1: i32, %arg2: memref<32768x128xf32, #tpu.memory_space<hbm>>, %arg3: memref<512x128xi32, #tpu.memory_space<hbm>>, %arg4: memref<65536x128xf32, #tpu.memory_space<hbm>>, %arg5: memref<16x128xi32, #tpu.memory_space<vmem>>, %arg6: memref<4x128x128xf32, #tpu.memory_space<vmem>>, %arg7: memref<!tpu.dma_semaphore, #tpu.memory_space<semaphore_mem>>, %arg8: memref<!tpu.dma_semaphore, #tpu.memory_space<semaphore_mem>>, %arg9: memref<!tpu.dma_semaphore, #tpu.memory_space<semaphore_mem>>, %arg10: memref<!tpu.dma_semaphore, #tpu.memory_space<semaphore_mem>>, %arg11: memref<!tpu.dma_semaphore, #tpu.memory_space<semaphore_mem>>, %arg12: memref<!tpu.dma_semaphore, #tpu.memory_space<semaphore_mem>>, %arg13: memref<!tpu.dma_semaphore, #tpu.memory_space<semaphore_mem>>, %arg14: memref<!tpu.dma_semaphore, #tpu.memory_space<semaphore_mem>>) attributes {dimension_semantics = [#tpu.dimension_semantics<core_parallel>, #tpu.dimension_semantics<subcore_parallel>], iteration_bounds = array<i64: 2, 16>, scalar_prefetch = 0 : i64, scratch_operands = 10 : i64, tpu.core_type = #tpu.core_type<sc_vector_subcore>, window_params = [{transform_indices = #map}, {transform_indices = #map}, {transform_indices = #map}]} {
    %mul3A = arith.constant 2 : i32
    %mul3A_0 = arith.muli %arg1, %mul3A : i32
    %add3A = arith.addi %mul3A_0, %arg0 : i32
    %mul3A_1 = arith.constant 16 : i32
    %mul3A_2 = arith.muli %add3A, %mul3A_1 : i32
    "tpu.region"() ({
      %run_scoped3A = tpu.sem_alloc : memref<!tpu.dma_semaphore, #tpu.memory_space<semaphore_mem>>
      %dma_start3A = arith.constant 0 : i32
      %dma_start3A_8 = tpu.memref_slice %arg3[%mul3A_2, %dma_start3A] : memref<512x128xi32, #tpu.memory_space<hbm>> -> memref<16x128xi32, #tpu.memory_space<hbm>>
      %dma_start3A_9 = arith.constant 0 : i32
      %dma_start3A_10 = tpu.memref_slice %arg3[%mul3A_2, %dma_start3A_9] : memref<512x128xi32, #tpu.memory_space<hbm>> -> memref<16x128xi32, #tpu.memory_space<hbm>>
      tpu.enqueue_dma source(%dma_start3A_10 : memref<16x128xi32, #tpu.memory_space<hbm>>) target(%arg5 : memref<16x128xi32, #tpu.memory_space<vmem>>) target_semaphore(%run_scoped3A : memref<!tpu.dma_semaphore, #tpu.memory_space<semaphore_mem>>)
      %dma_wait3A = arith.constant 0 : i32
      %dma_wait3A_11 = tpu.memref_slice %arg3[%mul3A_2, %dma_wait3A] : memref<512x128xi32, #tpu.memory_space<hbm>> -> memref<16x128xi32, #tpu.memory_space<hbm>>
      %dma_wait3A_12 = arith.constant 0 : i32
      %dma_wait3A_13 = tpu.memref_slice %arg3[%mul3A_2, %dma_wait3A_12] : memref<512x128xi32, #tpu.memory_space<hbm>> -> memref<16x128xi32, #tpu.memory_space<hbm>>
      tpu.wait_dma2 semaphore(%run_scoped3A : memref<!tpu.dma_semaphore, #tpu.memory_space<semaphore_mem>>) src(%dma_wait3A_13 : memref<16x128xi32, #tpu.memory_space<hbm>>) dst(%arg5 : memref<16x128xi32, #tpu.memory_space<vmem>>)
      tpu.yield
    }) : () -> ()
    %scan3A = arith.constant 0 : i32
    %scan3A_3 = arith.constant 0 : i32
    %scan3A_4 = arith.constant 4 : i32
    %scan3A_5 = arith.addi %scan3A_3, %scan3A_4 : i32
    %scan3A_6 = arith.constant 1 : i32
    scf.for %scan3A_8 = %scan3A_3 to %scan3A_5 step %scan3A_6  : i32 {
      %mul3A_9 = arith.constant 4 : i32
      %mul3A_10 = arith.muli %mul3A_9, %scan3A_8 : i32
      %add3A_11 = arith.addi %mul3A_2, %mul3A_10 : i32
      %add3A_12 = arith.constant 0 : i32
      %add3A_13 = arith.addi %add3A_11, %add3A_12 : i32
      %jit3A = arith.constant 32 : i32
      %div3A = arith.divsi %add3A_13, %jit3A : i32
      %sign3A = arith.constant 0 : i32
      %sign3A_14 = arith.cmpi sgt, %add3A_13, %sign3A : i32
      %sign3A_15 = arith.extui %sign3A_14 : i1 to i32
      %sign3A_16 = arith.constant 0 : i32
      %sign3A_17 = arith.cmpi slt, %add3A_13, %sign3A_16 : i32
      %sign3A_18 = arith.extui %sign3A_17 : i1 to i32
      %sign3A_19 = arith.subi %sign3A_15, %sign3A_18 : i32
      %sign3A_20 = arith.constant 0 : i32
      %sign3A_21 = arith.cmpi sgt, %jit3A, %sign3A_20 : i32
      %sign3A_22 = arith.extui %sign3A_21 : i1 to i32
      %sign3A_23 = arith.constant 0 : i32
      %sign3A_24 = arith.cmpi slt, %jit3A, %sign3A_23 : i32
      %sign3A_25 = arith.extui %sign3A_24 : i1 to i32
      %sign3A_26 = arith.subi %sign3A_22, %sign3A_25 : i32
      %ne3A = arith.cmpi ne, %sign3A_19, %sign3A_26 : i32
      %rem3A = arith.remsi %add3A_13, %jit3A : i32
      %ne3A_27 = arith.constant 0 : i32
      %ne3A_28 = arith.cmpi ne, %rem3A, %ne3A_27 : i32
      %and3A = arith.andi %ne3A, %ne3A_28 : i1
      %sub3A = arith.constant 1 : i32
      %sub3A_29 = arith.subi %div3A, %sub3A : i32
      %select_n3A = arith.select %and3A, %sub3A_29, %div3A : i32
      %rem3A_30 = arith.constant 16 : i32
      %rem3A_31 = arith.remsi %add3A_13, %rem3A_30 : i32
      %mul3A_32 = arith.constant 2048 : i32
      %mul3A_33 = arith.muli %select_n3A, %mul3A_32 : i32
      %mul3A_34 = arith.constant 128 : i32
      %mul3A_35 = arith.muli %rem3A_31, %mul3A_34 : i32
      %add3A_36 = arith.addi %mul3A_33, %mul3A_35 : i32
      %dma_start3A = arith.constant 0 : i32
      %dma_start3A_37 = arith.constant 0 : i32
      %dma_start3A_38 = arith.constant 0 : i32
      %dma_start3A_39 = tpu.memref_slice %arg6[%dma_start3A, %dma_start3A_37, %dma_start3A_38] : memref<4x128x128xf32, #tpu.memory_space<vmem>> -> memref<1x128x128xf32, #tpu.memory_space<vmem>>
      %dma_start3A_40 = tpu.memref_squeeze %dma_start3A_39 : memref<1x128x128xf32, #tpu.memory_space<vmem>> -> memref<128x128xf32, #tpu.memory_space<vmem>>
      %dma_start3A_41 = arith.constant 0 : i32
      %dma_start3A_42 = tpu.memref_slice %arg2[%add3A_36, %dma_start3A_41] : memref<32768x128xf32, #tpu.memory_space<hbm>> -> memref<128x128xf32, #tpu.memory_space<hbm>>
      %dma_start3A_43 = arith.constant 0 : i32
      %dma_start3A_44 = arith.constant 0 : i32
      %dma_start3A_45 = tpu.memref_slice %arg6[%dma_start3A, %dma_start3A_43, %dma_start3A_44] : memref<4x128x128xf32, #tpu.memory_space<vmem>> -> memref<1x128x128xf32, #tpu.memory_space<vmem>>
      %dma_start3A_46 = tpu.memref_squeeze %dma_start3A_45 : memref<1x128x128xf32, #tpu.memory_space<vmem>> -> memref<128x128xf32, #tpu.memory_space<vmem>>
      %dma_start3A_47 = arith.constant 0 : i32
      %dma_start3A_48 = tpu.memref_slice %arg2[%add3A_36, %dma_start3A_47] : memref<32768x128xf32, #tpu.memory_space<hbm>> -> memref<128x128xf32, #tpu.memory_space<hbm>>
      tpu.enqueue_dma source(%dma_start3A_48 : memref<128x128xf32, #tpu.memory_space<hbm>>) target(%dma_start3A_46 : memref<128x128xf32, #tpu.memory_space<vmem>>) target_semaphore(%arg7 : memref<!tpu.dma_semaphore, #tpu.memory_space<semaphore_mem>>)
      %add3A_49 = arith.addi %mul3A_2, %mul3A_10 : i32
      %add3A_50 = arith.constant 1 : i32
      %add3A_51 = arith.addi %add3A_49, %add3A_50 : i32
      %jit3A_52 = arith.constant 32 : i32
      %div3A_53 = arith.divsi %add3A_51, %jit3A_52 : i32
      %sign3A_54 = arith.constant 0 : i32
      %sign3A_55 = arith.cmpi sgt, %add3A_51, %sign3A_54 : i32
      %sign3A_56 = arith.extui %sign3A_55 : i1 to i32
      %sign3A_57 = arith.constant 0 : i32
      %sign3A_58 = arith.cmpi slt, %add3A_51, %sign3A_57 : i32
      %sign3A_59 = arith.extui %sign3A_58 : i1 to i32
      %sign3A_60 = arith.subi %sign3A_56, %sign3A_59 : i32
      %sign3A_61 = arith.constant 0 : i32
      %sign3A_62 = arith.cmpi sgt, %jit3A_52, %sign3A_61 : i32
      %sign3A_63 = arith.extui %sign3A_62 : i1 to i32
      %sign3A_64 = arith.constant 0 : i32
      %sign3A_65 = arith.cmpi slt, %jit3A_52, %sign3A_64 : i32
      %sign3A_66 = arith.extui %sign3A_65 : i1 to i32
      %sign3A_67 = arith.subi %sign3A_63, %sign3A_66 : i32
      %ne3A_68 = arith.cmpi ne, %sign3A_60, %sign3A_67 : i32
      %rem3A_69 = arith.remsi %add3A_51, %jit3A_52 : i32
      %ne3A_70 = arith.constant 0 : i32
      %ne3A_71 = arith.cmpi ne, %rem3A_69, %ne3A_70 : i32
      %and3A_72 = arith.andi %ne3A_68, %ne3A_71 : i1
      %sub3A_73 = arith.constant 1 : i32
      %sub3A_74 = arith.subi %div3A_53, %sub3A_73 : i32
      %select_n3A_75 = arith.select %and3A_72, %sub3A_74, %div3A_53 : i32
      %rem3A_76 = arith.constant 16 : i32
      %rem3A_77 = arith.remsi %add3A_51, %rem3A_76 : i32
      %mul3A_78 = arith.constant 2048 : i32
      %mul3A_79 = arith.muli %select_n3A_75, %mul3A_78 : i32
      %mul3A_80 = arith.constant 128 : i32
      %mul3A_81 = arith.muli %rem3A_77, %mul3A_80 : i32
      %add3A_82 = arith.addi %mul3A_79, %mul3A_81 : i32
      %dma_start3A_83 = arith.constant 1 : i32
      %dma_start3A_84 = arith.constant 0 : i32
      %dma_start3A_85 = arith.constant 0 : i32
      %dma_start3A_86 = tpu.memref_slice %arg6[%dma_start3A_83, %dma_start3A_84, %dma_start3A_85] : memref<4x128x128xf32, #tpu.memory_space<vmem>> -> memref<1x128x128xf32, #tpu.memory_space<vmem>>
      %dma_start3A_87 = tpu.memref_squeeze %dma_start3A_86 : memref<1x128x128xf32, #tpu.memory_space<vmem>> -> memref<128x128xf32, #tpu.memory_space<vmem>>
      %dma_start3A_88 = arith.constant 0 : i32
      %dma_start3A_89 = tpu.memref_slice %arg2[%add3A_82, %dma_start3A_88] : memref<32768x128xf32, #tpu.memory_space<hbm>> -> memref<128x128xf32, #tpu.memory_space<hbm>>
      %dma_start3A_90 = arith.constant 0 : i32
      %dma_start3A_91 = arith.constant 0 : i32
      %dma_start3A_92 = tpu.memref_slice %arg6[%dma_start3A_83, %dma_start3A_90, %dma_start3A_91] : memref<4x128x128xf32, #tpu.memory_space<vmem>> -> memref<1x128x128xf32, #tpu.memory_space<vmem>>
      %dma_start3A_93 = tpu.memref_squeeze %dma_start3A_92 : memref<1x128x128xf32, #tpu.memory_space<vmem>> -> memref<128x128xf32, #tpu.memory_space<vmem>>
      %dma_start3A_94 = arith.constant 0 : i32
      %dma_start3A_95 = tpu.memref_slice %arg2[%add3A_82, %dma_start3A_94] : memref<32768x128xf32, #tpu.memory_space<hbm>> -> memref<128x128xf32, #tpu.memory_space<hbm>>
      tpu.enqueue_dma source(%dma_start3A_95 : memref<128x128xf32, #tpu.memory_space<hbm>>) target(%dma_start3A_93 : memref<128x128xf32, #tpu.memory_space<vmem>>) target_semaphore(%arg8 : memref<!tpu.dma_semaphore, #tpu.memory_space<semaphore_mem>>)
      %add3A_96 = arith.addi %mul3A_2, %mul3A_10 : i32
      %add3A_97 = arith.constant 2 : i32
      %add3A_98 = arith.addi %add3A_96, %add3A_97 : i32
      %jit3A_99 = arith.constant 32 : i32
      %div3A_100 = arith.divsi %add3A_98, %jit3A_99 : i32
      %sign3A_101 = arith.constant 0 : i32
      %sign3A_102 = arith.cmpi sgt, %add3A_98, %sign3A_101 : i32
      %sign3A_103 = arith.extui %sign3A_102 : i1 to i32
      %sign3A_104 = arith.constant 0 : i32
      %sign3A_105 = arith.cmpi slt, %add3A_98, %sign3A_104 : i32
      %sign3A_106 = arith.extui %sign3A_105 : i1 to i32
      %sign3A_107 = arith.subi %sign3A_103, %sign3A_106 : i32
      %sign3A_108 = arith.constant 0 : i32
      %sign3A_109 = arith.cmpi sgt, %jit3A_99, %sign3A_108 : i32
      %sign3A_110 = arith.extui %sign3A_109 : i1 to i32
      %sign3A_111 = arith.constant 0 : i32
      %sign3A_112 = arith.cmpi slt, %jit3A_99, %sign3A_111 : i32
      %sign3A_113 = arith.extui %sign3A_112 : i1 to i32
      %sign3A_114 = arith.subi %sign3A_110, %sign3A_113 : i32
      %ne3A_115 = arith.cmpi ne, %sign3A_107, %sign3A_114 : i32
      %rem3A_116 = arith.remsi %add3A_98, %jit3A_99 : i32
      %ne3A_117 = arith.constant 0 : i32
      %ne3A_118 = arith.cmpi ne, %rem3A_116, %ne3A_117 : i32
      %and3A_119 = arith.andi %ne3A_115, %ne3A_118 : i1
      %sub3A_120 = arith.constant 1 : i32
      %sub3A_121 = arith.subi %div3A_100, %sub3A_120 : i32
      %select_n3A_122 = arith.select %and3A_119, %sub3A_121, %div3A_100 : i32
      %rem3A_123 = arith.constant 16 : i32
      %rem3A_124 = arith.remsi %add3A_98, %rem3A_123 : i32
      %mul3A_125 = arith.constant 2048 : i32
      %mul3A_126 = arith.muli %select_n3A_122, %mul3A_125 : i32
      %mul3A_127 = arith.constant 128 : i32
      %mul3A_128 = arith.muli %rem3A_124, %mul3A_127 : i32
      %add3A_129 = arith.addi %mul3A_126, %mul3A_128 : i32
      %dma_start3A_130 = arith.constant 2 : i32
      %dma_start3A_131 = arith.constant 0 : i32
      %dma_start3A_132 = arith.constant 0 : i32
      %dma_start3A_133 = tpu.memref_slice %arg6[%dma_start3A_130, %dma_start3A_131, %dma_start3A_132] : memref<4x128x128xf32, #tpu.memory_space<vmem>> -> memref<1x128x128xf32, #tpu.memory_space<vmem>>
      %dma_start3A_134 = tpu.memref_squeeze %dma_start3A_133 : memref<1x128x128xf32, #tpu.memory_space<vmem>> -> memref<128x128xf32, #tpu.memory_space<vmem>>
      %dma_start3A_135 = arith.constant 0 : i32
      %dma_start3A_136 = tpu.memref_slice %arg2[%add3A_129, %dma_start3A_135] : memref<32768x128xf32, #tpu.memory_space<hbm>> -> memref<128x128xf32, #tpu.memory_space<hbm>>
      %dma_start3A_137 = arith.constant 0 : i32
      %dma_start3A_138 = arith.constant 0 : i32
      %dma_start3A_139 = tpu.memref_slice %arg6[%dma_start3A_130, %dma_start3A_137, %dma_start3A_138] : memref<4x128x128xf32, #tpu.memory_space<vmem>> -> memref<1x128x128xf32, #tpu.memory_space<vmem>>
      %dma_start3A_140 = tpu.memref_squeeze %dma_start3A_139 : memref<1x128x128xf32, #tpu.memory_space<vmem>> -> memref<128x128xf32, #tpu.memory_space<vmem>>
      %dma_start3A_141 = arith.constant 0 : i32
      %dma_start3A_142 = tpu.memref_slice %arg2[%add3A_129, %dma_start3A_141] : memref<32768x128xf32, #tpu.memory_space<hbm>> -> memref<128x128xf32, #tpu.memory_space<hbm>>
      tpu.enqueue_dma source(%dma_start3A_142 : memref<128x128xf32, #tpu.memory_space<hbm>>) target(%dma_start3A_140 : memref<128x128xf32, #tpu.memory_space<vmem>>) target_semaphore(%arg9 : memref<!tpu.dma_semaphore, #tpu.memory_space<semaphore_mem>>)
      %add3A_143 = arith.addi %mul3A_2, %mul3A_10 : i32
      %add3A_144 = arith.constant 3 : i32
      %add3A_145 = arith.addi %add3A_143, %add3A_144 : i32
      %jit3A_146 = arith.constant 32 : i32
      %div3A_147 = arith.divsi %add3A_145, %jit3A_146 : i32
      %sign3A_148 = arith.constant 0 : i32
      %sign3A_149 = arith.cmpi sgt, %add3A_145, %sign3A_148 : i32
      %sign3A_150 = arith.extui %sign3A_149 : i1 to i32
      %sign3A_151 = arith.constant 0 : i32
      %sign3A_152 = arith.cmpi slt, %add3A_145, %sign3A_151 : i32
      %sign3A_153 = arith.extui %sign3A_152 : i1 to i32
      %sign3A_154 = arith.subi %sign3A_150, %sign3A_153 : i32
      %sign3A_155 = arith.constant 0 : i32
      %sign3A_156 = arith.cmpi sgt, %jit3A_146, %sign3A_155 : i32
      %sign3A_157 = arith.extui %sign3A_156 : i1 to i32
      %sign3A_158 = arith.constant 0 : i32
      %sign3A_159 = arith.cmpi slt, %jit3A_146, %sign3A_158 : i32
      %sign3A_160 = arith.extui %sign3A_159 : i1 to i32
      %sign3A_161 = arith.subi %sign3A_157, %sign3A_160 : i32
      %ne3A_162 = arith.cmpi ne, %sign3A_154, %sign3A_161 : i32
      %rem3A_163 = arith.remsi %add3A_145, %jit3A_146 : i32
      %ne3A_164 = arith.constant 0 : i32
      %ne3A_165 = arith.cmpi ne, %rem3A_163, %ne3A_164 : i32
      %and3A_166 = arith.andi %ne3A_162, %ne3A_165 : i1
      %sub3A_167 = arith.constant 1 : i32
      %sub3A_168 = arith.subi %div3A_147, %sub3A_167 : i32
      %select_n3A_169 = arith.select %and3A_166, %sub3A_168, %div3A_147 : i32
      %rem3A_170 = arith.constant 16 : i32
      %rem3A_171 = arith.remsi %add3A_145, %rem3A_170 : i32
      %mul3A_172 = arith.constant 2048 : i32
      %mul3A_173 = arith.muli %select_n3A_169, %mul3A_172 : i32
      %mul3A_174 = arith.constant 128 : i32
      %mul3A_175 = arith.muli %rem3A_171, %mul3A_174 : i32
      %add3A_176 = arith.addi %mul3A_173, %mul3A_175 : i32
      %dma_start3A_177 = arith.constant 3 : i32
      %dma_start3A_178 = arith.constant 0 : i32
      %dma_start3A_179 = arith.constant 0 : i32
      %dma_start3A_180 = tpu.memref_slice %arg6[%dma_start3A_177, %dma_start3A_178, %dma_start3A_179] : memref<4x128x128xf32, #tpu.memory_space<vmem>> -> memref<1x128x128xf32, #tpu.memory_space<vmem>>
      %dma_start3A_181 = tpu.memref_squeeze %dma_start3A_180 : memref<1x128x128xf32, #tpu.memory_space<vmem>> -> memref<128x128xf32, #tpu.memory_space<vmem>>
      %dma_start3A_182 = arith.constant 0 : i32
      %dma_start3A_183 = tpu.memref_slice %arg2[%add3A_176, %dma_start3A_182] : memref<32768x128xf32, #tpu.memory_space<hbm>> -> memref<128x128xf32, #tpu.memory_space<hbm>>
      %dma_start3A_184 = arith.constant 0 : i32
      %dma_start3A_185 = arith.constant 0 : i32
      %dma_start3A_186 = tpu.memref_slice %arg6[%dma_start3A_177, %dma_start3A_184, %dma_start3A_185] : memref<4x128x128xf32, #tpu.memory_space<vmem>> -> memref<1x128x128xf32, #tpu.memory_space<vmem>>
      %dma_start3A_187 = tpu.memref_squeeze %dma_start3A_186 : memref<1x128x128xf32, #tpu.memory_space<vmem>> -> memref<128x128xf32, #tpu.memory_space<vmem>>
      %dma_start3A_188 = arith.constant 0 : i32
      %dma_start3A_189 = tpu.memref_slice %arg2[%add3A_176, %dma_start3A_188] : memref<32768x128xf32, #tpu.memory_space<hbm>> -> memref<128x128xf32, #tpu.memory_space<hbm>>
      tpu.enqueue_dma source(%dma_start3A_189 : memref<128x128xf32, #tpu.memory_space<hbm>>) target(%dma_start3A_187 : memref<128x128xf32, #tpu.memory_space<vmem>>) target_semaphore(%arg10 : memref<!tpu.dma_semaphore, #tpu.memory_space<semaphore_mem>>)
      %dma_wait3A = arith.constant 0 : i32
      %dma_wait3A_190 = arith.constant 0 : i32
      %dma_wait3A_191 = arith.constant 0 : i32
      %dma_wait3A_192 = tpu.memref_slice %arg6[%dma_wait3A, %dma_wait3A_190, %dma_wait3A_191] : memref<4x128x128xf32, #tpu.memory_space<vmem>> -> memref<1x128x128xf32, #tpu.memory_space<vmem>>
      %dma_wait3A_193 = tpu.memref_squeeze %dma_wait3A_192 : memref<1x128x128xf32, #tpu.memory_space<vmem>> -> memref<128x128xf32, #tpu.memory_space<vmem>>
      %dma_wait3A_194 = arith.constant 0 : i32
      %dma_wait3A_195 = tpu.memref_slice %arg2[%add3A_36, %dma_wait3A_194] : memref<32768x128xf32, #tpu.memory_space<hbm>> -> memref<128x128xf32, #tpu.memory_space<hbm>>
      %dma_wait3A_196 = arith.constant 0 : i32
      %dma_wait3A_197 = arith.constant 0 : i32
      %dma_wait3A_198 = tpu.memref_slice %arg6[%dma_wait3A, %dma_wait3A_196, %dma_wait3A_197] : memref<4x128x128xf32, #tpu.memory_space<vmem>> -> memref<1x128x128xf32, #tpu.memory_space<vmem>>
      %dma_wait3A_199 = tpu.memref_squeeze %dma_wait3A_198 : memref<1x128x128xf32, #tpu.memory_space<vmem>> -> memref<128x128xf32, #tpu.memory_space<vmem>>
      %dma_wait3A_200 = arith.constant 0 : i32
      %dma_wait3A_201 = tpu.memref_slice %arg2[%add3A_36, %dma_wait3A_200] : memref<32768x128xf32, #tpu.memory_space<hbm>> -> memref<128x128xf32, #tpu.memory_space<hbm>>
      tpu.wait_dma2 semaphore(%arg7 : memref<!tpu.dma_semaphore, #tpu.memory_space<semaphore_mem>>) src(%dma_wait3A_201 : memref<128x128xf32, #tpu.memory_space<hbm>>) dst(%dma_wait3A_199 : memref<128x128xf32, #tpu.memory_space<vmem>>)
      %add3A_202 = arith.constant 0 : i32
      %add3A_203 = arith.addi %mul3A_10, %add3A_202 : i32
      %dma_start3A_204 = arith.constant 0 : i32
      %dma_start3A_205 = arith.constant 0 : i32
      %dma_start3A_206 = arith.constant 0 : i32
      %dma_start3A_207 = tpu.memref_slice %arg6[%dma_start3A_204, %dma_start3A_205, %dma_start3A_206] : memref<4x128x128xf32, #tpu.memory_space<vmem>> -> memref<1x128x128xf32, #tpu.memory_space<vmem>>
      %dma_start3A_208 = tpu.memref_squeeze %dma_start3A_207 : memref<1x128x128xf32, #tpu.memory_space<vmem>> -> memref<128x128xf32, #tpu.memory_space<vmem>>
      %dma_start3A_209 = arith.constant 0 : i32
      %dma_start3A_210 = tpu.memref_slice %arg5[%add3A_203, %dma_start3A_209] : memref<16x128xi32, #tpu.memory_space<vmem>> -> memref<1x128xi32, #tpu.memory_space<vmem>>
      %dma_start3A_211 = tpu.memref_squeeze %dma_start3A_210 : memref<1x128xi32, #tpu.memory_space<vmem>> -> memref<128xi32, #tpu.memory_space<vmem>>
      %dma_start3A_212 = arith.constant 0 : i32
      %dma_start3A_213 = arith.constant 0 : i32
      %dma_start3A_214 = tpu.memref_slice %arg4[%dma_start3A_212, %dma_start3A_213] : memref<65536x128xf32, #tpu.memory_space<hbm>> -> memref<65536x128xf32, #tpu.memory_space<hbm>>
      tpu.enqueue_indirect_dma source(%dma_start3A_208 : memref<128x128xf32, #tpu.memory_space<vmem>>) target(%dma_start3A_214 : memref<65536x128xf32, #tpu.memory_space<hbm>>) offsets(%dma_start3A_211 : memref<128xi32, #tpu.memory_space<vmem>>) semaphore(%arg11 : memref<!tpu.dma_semaphore, #tpu.memory_space<semaphore_mem>>)
      %dma_wait3A_215 = arith.constant 1 : i32
      %dma_wait3A_216 = arith.constant 0 : i32
      %dma_wait3A_217 = arith.constant 0 : i32
      %dma_wait3A_218 = tpu.memref_slice %arg6[%dma_wait3A_215, %dma_wait3A_216, %dma_wait3A_217] : memref<4x128x128xf32, #tpu.memory_space<vmem>> -> memref<1x128x128xf32, #tpu.memory_space<vmem>>
      %dma_wait3A_219 = tpu.memref_squeeze %dma_wait3A_218 : memref<1x128x128xf32, #tpu.memory_space<vmem>> -> memref<128x128xf32, #tpu.memory_space<vmem>>
      %dma_wait3A_220 = arith.constant 0 : i32
      %dma_wait3A_221 = tpu.memref_slice %arg2[%add3A_82, %dma_wait3A_220] : memref<32768x128xf32, #tpu.memory_space<hbm>> -> memref<128x128xf32, #tpu.memory_space<hbm>>
      %dma_wait3A_222 = arith.constant 0 : i32
      %dma_wait3A_223 = arith.constant 0 : i32
      %dma_wait3A_224 = tpu.memref_slice %arg6[%dma_wait3A_215, %dma_wait3A_222, %dma_wait3A_223] : memref<4x128x128xf32, #tpu.memory_space<vmem>> -> memref<1x128x128xf32, #tpu.memory_space<vmem>>
      %dma_wait3A_225 = tpu.memref_squeeze %dma_wait3A_224 : memref<1x128x128xf32, #tpu.memory_space<vmem>> -> memref<128x128xf32, #tpu.memory_space<vmem>>
      %dma_wait3A_226 = arith.constant 0 : i32
      %dma_wait3A_227 = tpu.memref_slice %arg2[%add3A_82, %dma_wait3A_226] : memref<32768x128xf32, #tpu.memory_space<hbm>> -> memref<128x128xf32, #tpu.memory_space<hbm>>
      tpu.wait_dma2 semaphore(%arg8 : memref<!tpu.dma_semaphore, #tpu.memory_space<semaphore_mem>>) src(%dma_wait3A_227 : memref<128x128xf32, #tpu.memory_space<hbm>>) dst(%dma_wait3A_225 : memref<128x128xf32, #tpu.memory_space<vmem>>)
      %add3A_228 = arith.constant 1 : i32
      %add3A_229 = arith.addi %mul3A_10, %add3A_228 : i32
      %dma_start3A_230 = arith.constant 1 : i32
      %dma_start3A_231 = arith.constant 0 : i32
      %dma_start3A_232 = arith.constant 0 : i32
      %dma_start3A_233 = tpu.memref_slice %arg6[%dma_start3A_230, %dma_start3A_231, %dma_start3A_232] : memref<4x128x128xf32, #tpu.memory_space<vmem>> -> memref<1x128x128xf32, #tpu.memory_space<vmem>>
      %dma_start3A_234 = tpu.memref_squeeze %dma_start3A_233 : memref<1x128x128xf32, #tpu.memory_space<vmem>> -> memref<128x128xf32, #tpu.memory_space<vmem>>
      %dma_start3A_235 = arith.constant 0 : i32
      %dma_start3A_236 = tpu.memref_slice %arg5[%add3A_229, %dma_start3A_235] : memref<16x128xi32, #tpu.memory_space<vmem>> -> memref<1x128xi32, #tpu.memory_space<vmem>>
      %dma_start3A_237 = tpu.memref_squeeze %dma_start3A_236 : memref<1x128xi32, #tpu.memory_space<vmem>> -> memref<128xi32, #tpu.memory_space<vmem>>
      %dma_start3A_238 = arith.constant 0 : i32
      %dma_start3A_239 = arith.constant 0 : i32
      %dma_start3A_240 = tpu.memref_slice %arg4[%dma_start3A_238, %dma_start3A_239] : memref<65536x128xf32, #tpu.memory_space<hbm>> -> memref<65536x128xf32, #tpu.memory_space<hbm>>
      tpu.enqueue_indirect_dma source(%dma_start3A_234 : memref<128x128xf32, #tpu.memory_space<vmem>>) target(%dma_start3A_240 : memref<65536x128xf32, #tpu.memory_space<hbm>>) offsets(%dma_start3A_237 : memref<128xi32, #tpu.memory_space<vmem>>) semaphore(%arg12 : memref<!tpu.dma_semaphore, #tpu.memory_space<semaphore_mem>>)
      %dma_wait3A_241 = arith.constant 2 : i32
      %dma_wait3A_242 = arith.constant 0 : i32
      %dma_wait3A_243 = arith.constant 0 : i32
      %dma_wait3A_244 = tpu.memref_slice %arg6[%dma_wait3A_241, %dma_wait3A_242, %dma_wait3A_243] : memref<4x128x128xf32, #tpu.memory_space<vmem>> -> memref<1x128x128xf32, #tpu.memory_space<vmem>>
      %dma_wait3A_245 = tpu.memref_squeeze %dma_wait3A_244 : memref<1x128x128xf32, #tpu.memory_space<vmem>> -> memref<128x128xf32, #tpu.memory_space<vmem>>
      %dma_wait3A_246 = arith.constant 0 : i32
      %dma_wait3A_247 = tpu.memref_slice %arg2[%add3A_129, %dma_wait3A_246] : memref<32768x128xf32, #tpu.memory_space<hbm>> -> memref<128x128xf32, #tpu.memory_space<hbm>>
      %dma_wait3A_248 = arith.constant 0 : i32
      %dma_wait3A_249 = arith.constant 0 : i32
      %dma_wait3A_250 = tpu.memref_slice %arg6[%dma_wait3A_241, %dma_wait3A_248, %dma_wait3A_249] : memref<4x128x128xf32, #tpu.memory_space<vmem>> -> memref<1x128x128xf32, #tpu.memory_space<vmem>>
      %dma_wait3A_251 = tpu.memref_squeeze %dma_wait3A_250 : memref<1x128x128xf32, #tpu.memory_space<vmem>> -> memref<128x128xf32, #tpu.memory_space<vmem>>
      %dma_wait3A_252 = arith.constant 0 : i32
      %dma_wait3A_253 = tpu.memref_slice %arg2[%add3A_129, %dma_wait3A_252] : memref<32768x128xf32, #tpu.memory_space<hbm>> -> memref<128x128xf32, #tpu.memory_space<hbm>>
      tpu.wait_dma2 semaphore(%arg9 : memref<!tpu.dma_semaphore, #tpu.memory_space<semaphore_mem>>) src(%dma_wait3A_253 : memref<128x128xf32, #tpu.memory_space<hbm>>) dst(%dma_wait3A_251 : memref<128x128xf32, #tpu.memory_space<vmem>>)
      %add3A_254 = arith.constant 2 : i32
      %add3A_255 = arith.addi %mul3A_10, %add3A_254 : i32
      %dma_start3A_256 = arith.constant 2 : i32
      %dma_start3A_257 = arith.constant 0 : i32
      %dma_start3A_258 = arith.constant 0 : i32
      %dma_start3A_259 = tpu.memref_slice %arg6[%dma_start3A_256, %dma_start3A_257, %dma_start3A_258] : memref<4x128x128xf32, #tpu.memory_space<vmem>> -> memref<1x128x128xf32, #tpu.memory_space<vmem>>
      %dma_start3A_260 = tpu.memref_squeeze %dma_start3A_259 : memref<1x128x128xf32, #tpu.memory_space<vmem>> -> memref<128x128xf32, #tpu.memory_space<vmem>>
      %dma_start3A_261 = arith.constant 0 : i32
      %dma_start3A_262 = tpu.memref_slice %arg5[%add3A_255, %dma_start3A_261] : memref<16x128xi32, #tpu.memory_space<vmem>> -> memref<1x128xi32, #tpu.memory_space<vmem>>
      %dma_start3A_263 = tpu.memref_squeeze %dma_start3A_262 : memref<1x128xi32, #tpu.memory_space<vmem>> -> memref<128xi32, #tpu.memory_space<vmem>>
      %dma_start3A_264 = arith.constant 0 : i32
      %dma_start3A_265 = arith.constant 0 : i32
      %dma_start3A_266 = tpu.memref_slice %arg4[%dma_start3A_264, %dma_start3A_265] : memref<65536x128xf32, #tpu.memory_space<hbm>> -> memref<65536x128xf32, #tpu.memory_space<hbm>>
      tpu.enqueue_indirect_dma source(%dma_start3A_260 : memref<128x128xf32, #tpu.memory_space<vmem>>) target(%dma_start3A_266 : memref<65536x128xf32, #tpu.memory_space<hbm>>) offsets(%dma_start3A_263 : memref<128xi32, #tpu.memory_space<vmem>>) semaphore(%arg13 : memref<!tpu.dma_semaphore, #tpu.memory_space<semaphore_mem>>)
      %dma_wait3A_267 = arith.constant 3 : i32
      %dma_wait3A_268 = arith.constant 0 : i32
      %dma_wait3A_269 = arith.constant 0 : i32
      %dma_wait3A_270 = tpu.memref_slice %arg6[%dma_wait3A_267, %dma_wait3A_268, %dma_wait3A_269] : memref<4x128x128xf32, #tpu.memory_space<vmem>> -> memref<1x128x128xf32, #tpu.memory_space<vmem>>
      %dma_wait3A_271 = tpu.memref_squeeze %dma_wait3A_270 : memref<1x128x128xf32, #tpu.memory_space<vmem>> -> memref<128x128xf32, #tpu.memory_space<vmem>>
      %dma_wait3A_272 = arith.constant 0 : i32
      %dma_wait3A_273 = tpu.memref_slice %arg2[%add3A_176, %dma_wait3A_272] : memref<32768x128xf32, #tpu.memory_space<hbm>> -> memref<128x128xf32, #tpu.memory_space<hbm>>
      %dma_wait3A_274 = arith.constant 0 : i32
      %dma_wait3A_275 = arith.constant 0 : i32
      %dma_wait3A_276 = tpu.memref_slice %arg6[%dma_wait3A_267, %dma_wait3A_274, %dma_wait3A_275] : memref<4x128x128xf32, #tpu.memory_space<vmem>> -> memref<1x128x128xf32, #tpu.memory_space<vmem>>
      %dma_wait3A_277 = tpu.memref_squeeze %dma_wait3A_276 : memref<1x128x128xf32, #tpu.memory_space<vmem>> -> memref<128x128xf32, #tpu.memory_space<vmem>>
      %dma_wait3A_278 = arith.constant 0 : i32
      %dma_wait3A_279 = tpu.memref_slice %arg2[%add3A_176, %dma_wait3A_278] : memref<32768x128xf32, #tpu.memory_space<hbm>> -> memref<128x128xf32, #tpu.memory_space<hbm>>
      tpu.wait_dma2 semaphore(%arg10 : memref<!tpu.dma_semaphore, #tpu.memory_space<semaphore_mem>>) src(%dma_wait3A_279 : memref<128x128xf32, #tpu.memory_space<hbm>>) dst(%dma_wait3A_277 : memref<128x128xf32, #tpu.memory_space<vmem>>)
      %add3A_280 = arith.constant 3 : i32
      %add3A_281 = arith.addi %mul3A_10, %add3A_280 : i32
      %dma_start3A_282 = arith.constant 3 : i32
      %dma_start3A_283 = arith.constant 0 : i32
      %dma_start3A_284 = arith.constant 0 : i32
      %dma_start3A_285 = tpu.memref_slice %arg6[%dma_start3A_282, %dma_start3A_283, %dma_start3A_284] : memref<4x128x128xf32, #tpu.memory_space<vmem>> -> memref<1x128x128xf32, #tpu.memory_space<vmem>>
      %dma_start3A_286 = tpu.memref_squeeze %dma_start3A_285 : memref<1x128x128xf32, #tpu.memory_space<vmem>> -> memref<128x128xf32, #tpu.memory_space<vmem>>
      %dma_start3A_287 = arith.constant 0 : i32
      %dma_start3A_288 = tpu.memref_slice %arg5[%add3A_281, %dma_start3A_287] : memref<16x128xi32, #tpu.memory_space<vmem>> -> memref<1x128xi32, #tpu.memory_space<vmem>>
      %dma_start3A_289 = tpu.memref_squeeze %dma_start3A_288 : memref<1x128xi32, #tpu.memory_space<vmem>> -> memref<128xi32, #tpu.memory_space<vmem>>
      %dma_start3A_290 = arith.constant 0 : i32
      %dma_start3A_291 = arith.constant 0 : i32
      %dma_start3A_292 = tpu.memref_slice %arg4[%dma_start3A_290, %dma_start3A_291] : memref<65536x128xf32, #tpu.memory_space<hbm>> -> memref<65536x128xf32, #tpu.memory_space<hbm>>
      tpu.enqueue_indirect_dma source(%dma_start3A_286 : memref<128x128xf32, #tpu.memory_space<vmem>>) target(%dma_start3A_292 : memref<65536x128xf32, #tpu.memory_space<hbm>>) offsets(%dma_start3A_289 : memref<128xi32, #tpu.memory_space<vmem>>) semaphore(%arg14 : memref<!tpu.dma_semaphore, #tpu.memory_space<semaphore_mem>>)
      %dma_wait3A_293 = arith.constant 0 : i32
      %dma_wait3A_294 = arith.constant 0 : i32
      %dma_wait3A_295 = arith.constant 0 : i32
      %dma_wait3A_296 = tpu.memref_slice %arg6[%dma_wait3A_293, %dma_wait3A_294, %dma_wait3A_295] : memref<4x128x128xf32, #tpu.memory_space<vmem>> -> memref<1x128x128xf32, #tpu.memory_space<vmem>>
      %dma_wait3A_297 = tpu.memref_squeeze %dma_wait3A_296 : memref<1x128x128xf32, #tpu.memory_space<vmem>> -> memref<128x128xf32, #tpu.memory_space<vmem>>
      %dma_wait3A_298 = arith.constant 0 : i32
      %dma_wait3A_299 = tpu.memref_slice %arg5[%add3A_203, %dma_wait3A_298] : memref<16x128xi32, #tpu.memory_space<vmem>> -> memref<1x128xi32, #tpu.memory_space<vmem>>
      %dma_wait3A_300 = tpu.memref_squeeze %dma_wait3A_299 : memref<1x128xi32, #tpu.memory_space<vmem>> -> memref<128xi32, #tpu.memory_space<vmem>>
      %dma_wait3A_301 = arith.constant 0 : i32
      %dma_wait3A_302 = arith.constant 0 : i32
      %dma_wait3A_303 = tpu.memref_slice %arg4[%dma_wait3A_301, %dma_wait3A_302] : memref<65536x128xf32, #tpu.memory_space<hbm>> -> memref<65536x128xf32, #tpu.memory_space<hbm>>
      tpu.wait_indirect_dma semaphore(%arg11 : memref<!tpu.dma_semaphore, #tpu.memory_space<semaphore_mem>>) src(%dma_wait3A_297 : memref<128x128xf32, #tpu.memory_space<vmem>>) dst(%dma_wait3A_303 : memref<65536x128xf32, #tpu.memory_space<hbm>>)
      %dma_wait3A_304 = arith.constant 1 : i32
      %dma_wait3A_305 = arith.constant 0 : i32
      %dma_wait3A_306 = arith.constant 0 : i32
      %dma_wait3A_307 = tpu.memref_slice %arg6[%dma_wait3A_304, %dma_wait3A_305, %dma_wait3A_306] : memref<4x128x128xf32, #tpu.memory_space<vmem>> -> memref<1x128x128xf32, #tpu.memory_space<vmem>>
      %dma_wait3A_308 = tpu.memref_squeeze %dma_wait3A_307 : memref<1x128x128xf32, #tpu.memory_space<vmem>> -> memref<128x128xf32, #tpu.memory_space<vmem>>
      %dma_wait3A_309 = arith.constant 0 : i32
      %dma_wait3A_310 = tpu.memref_slice %arg5[%add3A_229, %dma_wait3A_309] : memref<16x128xi32, #tpu.memory_space<vmem>> -> memref<1x128xi32, #tpu.memory_space<vmem>>
      %dma_wait3A_311 = tpu.memref_squeeze %dma_wait3A_310 : memref<1x128xi32, #tpu.memory_space<vmem>> -> memref<128xi32, #tpu.memory_space<vmem>>
      %dma_wait3A_312 = arith.constant 0 : i32
      %dma_wait3A_313 = arith.constant 0 : i32
      %dma_wait3A_314 = tpu.memref_slice %arg4[%dma_wait3A_312, %dma_wait3A_313] : memref<65536x128xf32, #tpu.memory_space<hbm>> -> memref<65536x128xf32, #tpu.memory_space<hbm>>
      tpu.wait_indirect_dma semaphore(%arg12 : memref<!tpu.dma_semaphore, #tpu.memory_space<semaphore_mem>>) src(%dma_wait3A_308 : memref<128x128xf32, #tpu.memory_space<vmem>>) dst(%dma_wait3A_314 : memref<65536x128xf32, #tpu.memory_space<hbm>>)
      %dma_wait3A_315 = arith.constant 2 : i32
      %dma_wait3A_316 = arith.constant 0 : i32
      %dma_wait3A_317 = arith.constant 0 : i32
      %dma_wait3A_318 = tpu.memref_slice %arg6[%dma_wait3A_315, %dma_wait3A_316, %dma_wait3A_317] : memref<4x128x128xf32, #tpu.memory_space<vmem>> -> memref<1x128x128xf32, #tpu.memory_space<vmem>>
      %dma_wait3A_319 = tpu.memref_squeeze %dma_wait3A_318 : memref<1x128x128xf32, #tpu.memory_space<vmem>> -> memref<128x128xf32, #tpu.memory_space<vmem>>
      %dma_wait3A_320 = arith.constant 0 : i32
      %dma_wait3A_321 = tpu.memref_slice %arg5[%add3A_255, %dma_wait3A_320] : memref<16x128xi32, #tpu.memory_space<vmem>> -> memref<1x128xi32, #tpu.memory_space<vmem>>
      %dma_wait3A_322 = tpu.memref_squeeze %dma_wait3A_321 : memref<1x128xi32, #tpu.memory_space<vmem>> -> memref<128xi32, #tpu.memory_space<vmem>>
      %dma_wait3A_323 = arith.constant 0 : i32
      %dma_wait3A_324 = arith.constant 0 : i32
      %dma_wait3A_325 = tpu.memref_slice %arg4[%dma_wait3A_323, %dma_wait3A_324] : memref<65536x128xf32, #tpu.memory_space<hbm>> -> memref<65536x128xf32, #tpu.memory_space<hbm>>
      tpu.wait_indirect_dma semaphore(%arg13 : memref<!tpu.dma_semaphore, #tpu.memory_space<semaphore_mem>>) src(%dma_wait3A_319 : memref<128x128xf32, #tpu.memory_space<vmem>>) dst(%dma_wait3A_325 : memref<65536x128xf32, #tpu.memory_space<hbm>>)
      %dma_wait3A_326 = arith.constant 3 : i32
      %dma_wait3A_327 = arith.constant 0 : i32
      %dma_wait3A_328 = arith.constant 0 : i32
      %dma_wait3A_329 = tpu.memref_slice %arg6[%dma_wait3A_326, %dma_wait3A_327, %dma_wait3A_328] : memref<4x128x128xf32, #tpu.memory_space<vmem>> -> memref<1x128x128xf32, #tpu.memory_space<vmem>>
      %dma_wait3A_330 = tpu.memref_squeeze %dma_wait3A_329 : memref<1x128x128xf32, #tpu.memory_space<vmem>> -> memref<128x128xf32, #tpu.memory_space<vmem>>
      %dma_wait3A_331 = arith.constant 0 : i32
      %dma_wait3A_332 = tpu.memref_slice %arg5[%add3A_281, %dma_wait3A_331] : memref<16x128xi32, #tpu.memory_space<vmem>> -> memref<1x128xi32, #tpu.memory_space<vmem>>
      %dma_wait3A_333 = tpu.memref_squeeze %dma_wait3A_332 : memref<1x128xi32, #tpu.memory_space<vmem>> -> memref<128xi32, #tpu.memory_space<vmem>>
      %dma_wait3A_334 = arith.constant 0 : i32
      %dma_wait3A_335 = arith.constant 0 : i32
      %dma_wait3A_336 = tpu.memref_slice %arg4[%dma_wait3A_334, %dma_wait3A_335] : memref<65536x128xf32, #tpu.memory_space<hbm>> -> memref<65536x128xf32, #tpu.memory_space<hbm>>
      tpu.wait_indirect_dma semaphore(%arg14 : memref<!tpu.dma_semaphore, #tpu.memory_space<semaphore_mem>>) src(%dma_wait3A_330 : memref<128x128xf32, #tpu.memory_space<vmem>>) dst(%dma_wait3A_336 : memref<65536x128xf32, #tpu.memory_space<hbm>>)
    }
    %scan3A_7 = arith.constant 4 : i32
    return
  }
}

#map = affine_map<(d0, d1) -> (0, 0)>
module attributes {stable_mosaic.version = 14 : i64} {
  func.func @run(%arg0: i32, %arg1: i32, %arg2: memref<32768x128xf32, #tpu.memory_space<hbm>>, %arg3: memref<512x128xi32, #tpu.memory_space<hbm>>, %arg4: memref<65536x128xf32, #tpu.memory_space<hbm>>, %arg5: memref<16x128xi32, #tpu.memory_space<vmem>>, %arg6: memref<4x128x128xf32, #tpu.memory_space<vmem>>, %arg7: memref<!tpu.dma_semaphore, #tpu.memory_space<semaphore_mem>>, %arg8: memref<!tpu.dma_semaphore, #tpu.memory_space<semaphore_mem>>, %arg9: memref<!tpu.dma_semaphore, #tpu.memory_space<semaphore_mem>>, %arg10: memref<!tpu.dma_semaphore, #tpu.memory_space<semaphore_mem>>, %arg11: memref<!tpu.dma_semaphore, #tpu.memory_space<semaphore_mem>>, %arg12: memref<!tpu.dma_semaphore, #tpu.memory_space<semaphore_mem>>, %arg13: memref<!tpu.dma_semaphore, #tpu.memory_space<semaphore_mem>>, %arg14: memref<!tpu.dma_semaphore, #tpu.memory_space<semaphore_mem>>) attributes {dimension_semantics = [#tpu.dimension_semantics<core_parallel>, #tpu.dimension_semantics<subcore_parallel>], iteration_bounds = array<i64: 2, 16>, scalar_prefetch = 0 : i64, scratch_operands = 10 : i64, tpu.core_type = #tpu.core_type<sc_vector_subcore>, window_params = [{transform_indices = #map}, {transform_indices = #map}, {transform_indices = #map}]} {
    %mul3A = arith.constant 2 : i32
    %mul3A_0 = arith.muli %arg1, %mul3A : i32
    %add3A = arith.addi %mul3A_0, %arg0 : i32
    %mul3A_1 = arith.constant 16 : i32
    %mul3A_2 = arith.muli %add3A, %mul3A_1 : i32
    "tpu.region"() ({
      %run_scoped3A = tpu.sem_alloc : memref<!tpu.dma_semaphore, #tpu.memory_space<semaphore_mem>>
      %dma_start3A = arith.constant 0 : i32
      %dma_start3A_8 = tpu.memref_slice %arg3[%mul3A_2, %dma_start3A] : memref<512x128xi32, #tpu.memory_space<hbm>> -> memref<16x128xi32, #tpu.memory_space<hbm>>
      %dma_start3A_9 = arith.constant 0 : i32
      %dma_start3A_10 = tpu.memref_slice %arg3[%mul3A_2, %dma_start3A_9] : memref<512x128xi32, #tpu.memory_space<hbm>> -> memref<16x128xi32, #tpu.memory_space<hbm>>
      tpu.enqueue_dma source(%dma_start3A_10 : memref<16x128xi32, #tpu.memory_space<hbm>>) target(%arg5 : memref<16x128xi32, #tpu.memory_space<vmem>>) target_semaphore(%run_scoped3A : memref<!tpu.dma_semaphore, #tpu.memory_space<semaphore_mem>>)
      %dma_wait3A = arith.constant 0 : i32
      %dma_wait3A_11 = tpu.memref_slice %arg3[%mul3A_2, %dma_wait3A] : memref<512x128xi32, #tpu.memory_space<hbm>> -> memref<16x128xi32, #tpu.memory_space<hbm>>
      %dma_wait3A_12 = arith.constant 0 : i32
      %dma_wait3A_13 = tpu.memref_slice %arg3[%mul3A_2, %dma_wait3A_12] : memref<512x128xi32, #tpu.memory_space<hbm>> -> memref<16x128xi32, #tpu.memory_space<hbm>>
      tpu.wait_dma2 semaphore(%run_scoped3A : memref<!tpu.dma_semaphore, #tpu.memory_space<semaphore_mem>>) src(%dma_wait3A_13 : memref<16x128xi32, #tpu.memory_space<hbm>>) dst(%arg5 : memref<16x128xi32, #tpu.memory_space<vmem>>)
      tpu.yield
    }) : () -> ()
    %scan3A = arith.constant 0 : i32
    %scan3A_3 = arith.constant 0 : i32
    %scan3A_4 = arith.constant 4 : i32
    %scan3A_5 = arith.addi %scan3A_3, %scan3A_4 : i32
    %scan3A_6 = arith.constant 1 : i32
    scf.for %scan3A_8 = %scan3A_3 to %scan3A_5 step %scan3A_6  : i32 {
      %mul3A_9 = arith.constant 4 : i32
      %mul3A_10 = arith.muli %mul3A_9, %scan3A_8 : i32
      %add3A_11 = arith.addi %mul3A_2, %mul3A_10 : i32
      %add3A_12 = arith.constant 0 : i32
      %add3A_13 = arith.addi %add3A_11, %add3A_12 : i32
      %jit3A = arith.constant 32 : i32
      %div3A = arith.divsi %add3A_13, %jit3A : i32
      %sign3A = arith.constant 0 : i32
      %sign3A_14 = arith.cmpi sgt, %add3A_13, %sign3A : i32
      %sign3A_15 = arith.extui %sign3A_14 : i1 to i32
      %sign3A_16 = arith.constant 0 : i32
      %sign3A_17 = arith.cmpi slt, %add3A_13, %sign3A_16 : i32
      %sign3A_18 = arith.extui %sign3A_17 : i1 to i32
      %sign3A_19 = arith.subi %sign3A_15, %sign3A_18 : i32
      %sign3A_20 = arith.constant 0 : i32
      %sign3A_21 = arith.cmpi sgt, %jit3A, %sign3A_20 : i32
      %sign3A_22 = arith.extui %sign3A_21 : i1 to i32
      %sign3A_23 = arith.constant 0 : i32
      %sign3A_24 = arith.cmpi slt, %jit3A, %sign3A_23 : i32
      %sign3A_25 = arith.extui %sign3A_24 : i1 to i32
      %sign3A_26 = arith.subi %sign3A_22, %sign3A_25 : i32
      %ne3A = arith.cmpi ne, %sign3A_19, %sign3A_26 : i32
      %rem3A = arith.remsi %add3A_13, %jit3A : i32
      %ne3A_27 = arith.constant 0 : i32
      %ne3A_28 = arith.cmpi ne, %rem3A, %ne3A_27 : i32
      %and3A = arith.andi %ne3A, %ne3A_28 : i1
      %sub3A = arith.constant 1 : i32
      %sub3A_29 = arith.subi %div3A, %sub3A : i32
      %select_n3A = arith.select %and3A, %sub3A_29, %div3A : i32
      %rem3A_30 = arith.constant 16 : i32
      %rem3A_31 = arith.remsi %add3A_13, %rem3A_30 : i32
      %mul3A_32 = arith.constant 2048 : i32
      %mul3A_33 = arith.muli %select_n3A, %mul3A_32 : i32
      %mul3A_34 = arith.constant 128 : i32
      %mul3A_35 = arith.muli %rem3A_31, %mul3A_34 : i32
      %add3A_36 = arith.addi %mul3A_33, %mul3A_35 : i32
      %dma_start3A = arith.constant 0 : i32
      %dma_start3A_37 = arith.constant 0 : i32
      %dma_start3A_38 = arith.constant 0 : i32
      %dma_start3A_39 = tpu.memref_slice %arg6[%dma_start3A, %dma_start3A_37, %dma_start3A_38] : memref<4x128x128xf32, #tpu.memory_space<vmem>> -> memref<1x128x128xf32, #tpu.memory_space<vmem>>
      %dma_start3A_40 = tpu.memref_squeeze %dma_start3A_39 : memref<1x128x128xf32, #tpu.memory_space<vmem>> -> memref<128x128xf32, #tpu.memory_space<vmem>>
      %dma_start3A_41 = arith.constant 0 : i32
      %dma_start3A_42 = tpu.memref_slice %arg2[%add3A_36, %dma_start3A_41] : memref<32768x128xf32, #tpu.memory_space<hbm>> -> memref<128x128xf32, #tpu.memory_space<hbm>>
      %dma_start3A_43 = arith.constant 0 : i32
      %dma_start3A_44 = arith.constant 0 : i32
      %dma_start3A_45 = tpu.memref_slice %arg6[%dma_start3A, %dma_start3A_43, %dma_start3A_44] : memref<4x128x128xf32, #tpu.memory_space<vmem>> -> memref<1x128x128xf32, #tpu.memory_space<vmem>>
      %dma_start3A_46 = tpu.memref_squeeze %dma_start3A_45 : memref<1x128x128xf32, #tpu.memory_space<vmem>> -> memref<128x128xf32, #tpu.memory_space<vmem>>
      %dma_start3A_47 = arith.constant 0 : i32
      %dma_start3A_48 = tpu.memref_slice %arg2[%add3A_36, %dma_start3A_47] : memref<32768x128xf32, #tpu.memory_space<hbm>> -> memref<128x128xf32, #tpu.memory_space<hbm>>
      tpu.enqueue_dma source(%dma_start3A_48 : memref<128x128xf32, #tpu.memory_space<hbm>>) target(%dma_start3A_46 : memref<128x128xf32, #tpu.memory_space<vmem>>) target_semaphore(%arg7 : memref<!tpu.dma_semaphore, #tpu.memory_space<semaphore_mem>>)
      %add3A_49 = arith.addi %mul3A_2, %mul3A_10 : i32
      %add3A_50 = arith.constant 1 : i32
      %add3A_51 = arith.addi %add3A_49, %add3A_50 : i32
      %jit3A_52 = arith.constant 32 : i32
      %div3A_53 = arith.divsi %add3A_51, %jit3A_52 : i32
      %sign3A_54 = arith.constant 0 : i32
      %sign3A_55 = arith.cmpi sgt, %add3A_51, %sign3A_54 : i32
      %sign3A_56 = arith.extui %sign3A_55 : i1 to i32
      %sign3A_57 = arith.constant 0 : i32
      %sign3A_58 = arith.cmpi slt, %add3A_51, %sign3A_57 : i32
      %sign3A_59 = arith.extui %sign3A_58 : i1 to i32
      %sign3A_60 = arith.subi %sign3A_56, %sign3A_59 : i32
      %sign3A_61 = arith.constant 0 : i32
      %sign3A_62 = arith.cmpi sgt, %jit3A_52, %sign3A_61 : i32
      %sign3A_63 = arith.extui %sign3A_62 : i1 to i32
      %sign3A_64 = arith.constant 0 : i32
      %sign3A_65 = arith.cmpi slt, %jit3A_52, %sign3A_64 : i32
      %sign3A_66 = arith.extui %sign3A_65 : i1 to i32
      %sign3A_67 = arith.subi %sign3A_63, %sign3A_66 : i32
      %ne3A_68 = arith.cmpi ne, %sign3A_60, %sign3A_67 : i32
      %rem3A_69 = arith.remsi %add3A_51, %jit3A_52 : i32
      %ne3A_70 = arith.constant 0 : i32
      %ne3A_71 = arith.cmpi ne, %rem3A_69, %ne3A_70 : i32
      %and3A_72 = arith.andi %ne3A_68, %ne3A_71 : i1
      %sub3A_73 = arith.constant 1 : i32
      %sub3A_74 = arith.subi %div3A_53, %sub3A_73 : i32
      %select_n3A_75 = arith.select %and3A_72, %sub3A_74, %div3A_53 : i32
      %rem3A_76 = arith.constant 16 : i32
      %rem3A_77 = arith.remsi %add3A_51, %rem3A_76 : i32
      %mul3A_78 = arith.constant 2048 : i32
      %mul3A_79 = arith.muli %select_n3A_75, %mul3A_78 : i32
      %mul3A_80 = arith.constant 128 : i32
      %mul3A_81 = arith.muli %rem3A_77, %mul3A_80 : i32
      %add3A_82 = arith.addi %mul3A_79, %mul3A_81 : i32
      %dma_start3A_83 = arith.constant 1 : i32
      %dma_start3A_84 = arith.constant 0 : i32
      %dma_start3A_85 = arith.constant 0 : i32
      %dma_start3A_86 = tpu.memref_slice %arg6[%dma_start3A_83, %dma_start3A_84, %dma_start3A_85] : memref<4x128x128xf32, #tpu.memory_space<vmem>> -> memref<1x128x128xf32, #tpu.memory_space<vmem>>
      %dma_start3A_87 = tpu.memref_squeeze %dma_start3A_86 : memref<1x128x128xf32, #tpu.memory_space<vmem>> -> memref<128x128xf32, #tpu.memory_space<vmem>>
      %dma_start3A_88 = arith.constant 0 : i32
      %dma_start3A_89 = tpu.memref_slice %arg2[%add3A_82, %dma_start3A_88] : memref<32768x128xf32, #tpu.memory_space<hbm>> -> memref<128x128xf32, #tpu.memory_space<hbm>>
      %dma_start3A_90 = arith.constant 0 : i32
      %dma_start3A_91 = arith.constant 0 : i32
      %dma_start3A_92 = tpu.memref_slice %arg6[%dma_start3A_83, %dma_start3A_90, %dma_start3A_91] : memref<4x128x128xf32, #tpu.memory_space<vmem>> -> memref<1x128x128xf32, #tpu.memory_space<vmem>>
      %dma_start3A_93 = tpu.memref_squeeze %dma_start3A_92 : memref<1x128x128xf32, #tpu.memory_space<vmem>> -> memref<128x128xf32, #tpu.memory_space<vmem>>
      %dma_start3A_94 = arith.constant 0 : i32
      %dma_start3A_95 = tpu.memref_slice %arg2[%add3A_82, %dma_start3A_94] : memref<32768x128xf32, #tpu.memory_space<hbm>> -> memref<128x128xf32, #tpu.memory_space<hbm>>
      tpu.enqueue_dma source(%dma_start3A_95 : memref<128x128xf32, #tpu.memory_space<hbm>>) target(%dma_start3A_93 : memref<128x128xf32, #tpu.memory_space<vmem>>) target_semaphore(%arg8 : memref<!tpu.dma_semaphore, #tpu.memory_space<semaphore_mem>>)
      %add3A_96 = arith.addi %mul3A_2, %mul3A_10 : i32
      %add3A_97 = arith.constant 2 : i32
      %add3A_98 = arith.addi %add3A_96, %add3A_97 : i32
      %jit3A_99 = arith.constant 32 : i32
      %div3A_100 = arith.divsi %add3A_98, %jit3A_99 : i32
      %sign3A_101 = arith.constant 0 : i32
      %sign3A_102 = arith.cmpi sgt, %add3A_98, %sign3A_101 : i32
      %sign3A_103 = arith.extui %sign3A_102 : i1 to i32
      %sign3A_104 = arith.constant 0 : i32
      %sign3A_105 = arith.cmpi slt, %add3A_98, %sign3A_104 : i32
      %sign3A_106 = arith.extui %sign3A_105 : i1 to i32
      %sign3A_107 = arith.subi %sign3A_103, %sign3A_106 : i32
      %sign3A_108 = arith.constant 0 : i32
      %sign3A_109 = arith.cmpi sgt, %jit3A_99, %sign3A_108 : i32
      %sign3A_110 = arith.extui %sign3A_109 : i1 to i32
      %sign3A_111 = arith.constant 0 : i32
      %sign3A_112 = arith.cmpi slt, %jit3A_99, %sign3A_111 : i32
      %sign3A_113 = arith.extui %sign3A_112 : i1 to i32
      %sign3A_114 = arith.subi %sign3A_110, %sign3A_113 : i32
      %ne3A_115 = arith.cmpi ne, %sign3A_107, %sign3A_114 : i32
      %rem3A_116 = arith.remsi %add3A_98, %jit3A_99 : i32
      %ne3A_117 = arith.constant 0 : i32
      %ne3A_118 = arith.cmpi ne, %rem3A_116, %ne3A_117 : i32
      %and3A_119 = arith.andi %ne3A_115, %ne3A_118 : i1
      %sub3A_120 = arith.constant 1 : i32
      %sub3A_121 = arith.subi %div3A_100, %sub3A_120 : i32
      %select_n3A_122 = arith.select %and3A_119, %sub3A_121, %div3A_100 : i32
      %rem3A_123 = arith.constant 16 : i32
      %rem3A_124 = arith.remsi %add3A_98, %rem3A_123 : i32
      %mul3A_125 = arith.constant 2048 : i32
      %mul3A_126 = arith.muli %select_n3A_122, %mul3A_125 : i32
      %mul3A_127 = arith.constant 128 : i32
      %mul3A_128 = arith.muli %rem3A_124, %mul3A_127 : i32
      %add3A_129 = arith.addi %mul3A_126, %mul3A_128 : i32
      %dma_start3A_130 = arith.constant 2 : i32
      %dma_start3A_131 = arith.constant 0 : i32
      %dma_start3A_132 = arith.constant 0 : i32
      %dma_start3A_133 = tpu.memref_slice %arg6[%dma_start3A_130, %dma_start3A_131, %dma_start3A_132] : memref<4x128x128xf32, #tpu.memory_space<vmem>> -> memref<1x128x128xf32, #tpu.memory_space<vmem>>
      %dma_start3A_134 = tpu.memref_squeeze %dma_start3A_133 : memref<1x128x128xf32, #tpu.memory_space<vmem>> -> memref<128x128xf32, #tpu.memory_space<vmem>>
      %dma_start3A_135 = arith.constant 0 : i32
      %dma_start3A_136 = tpu.memref_slice %arg2[%add3A_129, %dma_start3A_135] : memref<32768x128xf32, #tpu.memory_space<hbm>> -> memref<128x128xf32, #tpu.memory_space<hbm>>
      %dma_start3A_137 = arith.constant 0 : i32
      %dma_start3A_138 = arith.constant 0 : i32
      %dma_start3A_139 = tpu.memref_slice %arg6[%dma_start3A_130, %dma_start3A_137, %dma_start3A_138] : memref<4x128x128xf32, #tpu.memory_space<vmem>> -> memref<1x128x128xf32, #tpu.memory_space<vmem>>
      %dma_start3A_140 = tpu.memref_squeeze %dma_start3A_139 : memref<1x128x128xf32, #tpu.memory_space<vmem>> -> memref<128x128xf32, #tpu.memory_space<vmem>>
      %dma_start3A_141 = arith.constant 0 : i32
      %dma_start3A_142 = tpu.memref_slice %arg2[%add3A_129, %dma_start3A_141] : memref<32768x128xf32, #tpu.memory_space<hbm>> -> memref<128x128xf32, #tpu.memory_space<hbm>>
      tpu.enqueue_dma source(%dma_start3A_142 : memref<128x128xf32, #tpu.memory_space<hbm>>) target(%dma_start3A_140 : memref<128x128xf32, #tpu.memory_space<vmem>>) target_semaphore(%arg9 : memref<!tpu.dma_semaphore, #tpu.memory_space<semaphore_mem>>)
      %add3A_143 = arith.addi %mul3A_2, %mul3A_10 : i32
      %add3A_144 = arith.constant 3 : i32
      %add3A_145 = arith.addi %add3A_143, %add3A_144 : i32
      %jit3A_146 = arith.constant 32 : i32
      %div3A_147 = arith.divsi %add3A_145, %jit3A_146 : i32
      %sign3A_148 = arith.constant 0 : i32
      %sign3A_149 = arith.cmpi sgt, %add3A_145, %sign3A_148 : i32
      %sign3A_150 = arith.extui %sign3A_149 : i1 to i32
      %sign3A_151 = arith.constant 0 : i32
      %sign3A_152 = arith.cmpi slt, %add3A_145, %sign3A_151 : i32
      %sign3A_153 = arith.extui %sign3A_152 : i1 to i32
      %sign3A_154 = arith.subi %sign3A_150, %sign3A_153 : i32
      %sign3A_155 = arith.constant 0 : i32
      %sign3A_156 = arith.cmpi sgt, %jit3A_146, %sign3A_155 : i32
      %sign3A_157 = arith.extui %sign3A_156 : i1 to i32
      %sign3A_158 = arith.constant 0 : i32
      %sign3A_159 = arith.cmpi slt, %jit3A_146, %sign3A_158 : i32
      %sign3A_160 = arith.extui %sign3A_159 : i1 to i32
      %sign3A_161 = arith.subi %sign3A_157, %sign3A_160 : i32
      %ne3A_162 = arith.cmpi ne, %sign3A_154, %sign3A_161 : i32
      %rem3A_163 = arith.remsi %add3A_145, %jit3A_146 : i32
      %ne3A_164 = arith.constant 0 : i32
      %ne3A_165 = arith.cmpi ne, %rem3A_163, %ne3A_164 : i32
      %and3A_166 = arith.andi %ne3A_162, %ne3A_165 : i1
      %sub3A_167 = arith.constant 1 : i32
      %sub3A_168 = arith.subi %div3A_147, %sub3A_167 : i32
      %select_n3A_169 = arith.select %and3A_166, %sub3A_168, %div3A_147 : i32
      %rem3A_170 = arith.constant 16 : i32
      %rem3A_171 = arith.remsi %add3A_145, %rem3A_170 : i32
      %mul3A_172 = arith.constant 2048 : i32
      %mul3A_173 = arith.muli %select_n3A_169, %mul3A_172 : i32
      %mul3A_174 = arith.constant 128 : i32
      %mul3A_175 = arith.muli %rem3A_171, %mul3A_174 : i32
      %add3A_176 = arith.addi %mul3A_173, %mul3A_175 : i32
      %dma_start3A_177 = arith.constant 3 : i32
      %dma_start3A_178 = arith.constant 0 : i32
      %dma_start3A_179 = arith.constant 0 : i32
      %dma_start3A_180 = tpu.memref_slice %arg6[%dma_start3A_177, %dma_start3A_178, %dma_start3A_179] : memref<4x128x128xf32, #tpu.memory_space<vmem>> -> memref<1x128x128xf32, #tpu.memory_space<vmem>>
      %dma_start3A_181 = tpu.memref_squeeze %dma_start3A_180 : memref<1x128x128xf32, #tpu.memory_space<vmem>> -> memref<128x128xf32, #tpu.memory_space<vmem>>
      %dma_start3A_182 = arith.constant 0 : i32
      %dma_start3A_183 = tpu.memref_slice %arg2[%add3A_176, %dma_start3A_182] : memref<32768x128xf32, #tpu.memory_space<hbm>> -> memref<128x128xf32, #tpu.memory_space<hbm>>
      %dma_start3A_184 = arith.constant 0 : i32
      %dma_start3A_185 = arith.constant 0 : i32
      %dma_start3A_186 = tpu.memref_slice %arg6[%dma_start3A_177, %dma_start3A_184, %dma_start3A_185] : memref<4x128x128xf32, #tpu.memory_space<vmem>> -> memref<1x128x128xf32, #tpu.memory_space<vmem>>
      %dma_start3A_187 = tpu.memref_squeeze %dma_start3A_186 : memref<1x128x128xf32, #tpu.memory_space<vmem>> -> memref<128x128xf32, #tpu.memory_space<vmem>>
      %dma_start3A_188 = arith.constant 0 : i32
      %dma_start3A_189 = tpu.memref_slice %arg2[%add3A_176, %dma_start3A_188] : memref<32768x128xf32, #tpu.memory_space<hbm>> -> memref<128x128xf32, #tpu.memory_space<hbm>>
      tpu.enqueue_dma source(%dma_start3A_189 : memref<128x128xf32, #tpu.memory_space<hbm>>) target(%dma_start3A_187 : memref<128x128xf32, #tpu.memory_space<vmem>>) target_semaphore(%arg10 : memref<!tpu.dma_semaphore, #tpu.memory_space<semaphore_mem>>)
      %dma_wait3A = arith.constant 0 : i32
      %dma_wait3A_190 = arith.constant 0 : i32
      %dma_wait3A_191 = arith.constant 0 : i32
      %dma_wait3A_192 = tpu.memref_slice %arg6[%dma_wait3A, %dma_wait3A_190, %dma_wait3A_191] : memref<4x128x128xf32, #tpu.memory_space<vmem>> -> memref<1x128x128xf32, #tpu.memory_space<vmem>>
      %dma_wait3A_193 = tpu.memref_squeeze %dma_wait3A_192 : memref<1x128x128xf32, #tpu.memory_space<vmem>> -> memref<128x128xf32, #tpu.memory_space<vmem>>
      %dma_wait3A_194 = arith.constant 0 : i32
      %dma_wait3A_195 = tpu.memref_slice %arg2[%add3A_36, %dma_wait3A_194] : memref<32768x128xf32, #tpu.memory_space<hbm>> -> memref<128x128xf32, #tpu.memory_space<hbm>>
      %dma_wait3A_196 = arith.constant 0 : i32
      %dma_wait3A_197 = arith.constant 0 : i32
      %dma_wait3A_198 = tpu.memref_slice %arg6[%dma_wait3A, %dma_wait3A_196, %dma_wait3A_197] : memref<4x128x128xf32, #tpu.memory_space<vmem>> -> memref<1x128x128xf32, #tpu.memory_space<vmem>>
      %dma_wait3A_199 = tpu.memref_squeeze %dma_wait3A_198 : memref<1x128x128xf32, #tpu.memory_space<vmem>> -> memref<128x128xf32, #tpu.memory_space<vmem>>
      %dma_wait3A_200 = arith.constant 0 : i32
      %dma_wait3A_201 = tpu.memref_slice %arg2[%add3A_36, %dma_wait3A_200] : memref<32768x128xf32, #tpu.memory_space<hbm>> -> memref<128x128xf32, #tpu.memory_space<hbm>>
      tpu.wait_dma2 semaphore(%arg7 : memref<!tpu.dma_semaphore, #tpu.memory_space<semaphore_mem>>) src(%dma_wait3A_201 : memref<128x128xf32, #tpu.memory_space<hbm>>) dst(%dma_wait3A_199 : memref<128x128xf32, #tpu.memory_space<vmem>>)
      %add3A_202 = arith.constant 0 : i32
      %add3A_203 = arith.addi %mul3A_10, %add3A_202 : i32
      %dma_start3A_204 = arith.constant 0 : i32
      %dma_start3A_205 = arith.constant 0 : i32
      %dma_start3A_206 = arith.constant 0 : i32
      %dma_start3A_207 = tpu.memref_slice %arg6[%dma_start3A_204, %dma_start3A_205, %dma_start3A_206] : memref<4x128x128xf32, #tpu.memory_space<vmem>> -> memref<1x128x128xf32, #tpu.memory_space<vmem>>
      %dma_start3A_208 = tpu.memref_squeeze %dma_start3A_207 : memref<1x128x128xf32, #tpu.memory_space<vmem>> -> memref<128x128xf32, #tpu.memory_space<vmem>>
      %dma_start3A_209 = arith.constant 0 : i32
      %dma_start3A_210 = tpu.memref_slice %arg5[%add3A_203, %dma_start3A_209] : memref<16x128xi32, #tpu.memory_space<vmem>> -> memref<1x128xi32, #tpu.memory_space<vmem>>
      %dma_start3A_211 = tpu.memref_squeeze %dma_start3A_210 : memref<1x128xi32, #tpu.memory_space<vmem>> -> memref<128xi32, #tpu.memory_space<vmem>>
      %dma_start3A_212 = arith.constant 0 : i32
      %dma_start3A_213 = arith.constant 0 : i32
      %dma_start3A_214 = tpu.memref_slice %arg4[%dma_start3A_212, %dma_start3A_213] : memref<65536x128xf32, #tpu.memory_space<hbm>> -> memref<65536x128xf32, #tpu.memory_space<hbm>>
      tpu.enqueue_indirect_dma source(%dma_start3A_208 : memref<128x128xf32, #tpu.memory_space<vmem>>) target(%dma_start3A_214 : memref<65536x128xf32, #tpu.memory_space<hbm>>) offsets(%dma_start3A_211 : memref<128xi32, #tpu.memory_space<vmem>>) semaphore(%arg11 : memref<!tpu.dma_semaphore, #tpu.memory_space<semaphore_mem>>)
      %dma_wait3A_215 = arith.constant 1 : i32
      %dma_wait3A_216 = arith.constant 0 : i32
      %dma_wait3A_217 = arith.constant 0 : i32
      %dma_wait3A_218 = tpu.memref_slice %arg6[%dma_wait3A_215, %dma_wait3A_216, %dma_wait3A_217] : memref<4x128x128xf32, #tpu.memory_space<vmem>> -> memref<1x128x128xf32, #tpu.memory_space<vmem>>
      %dma_wait3A_219 = tpu.memref_squeeze %dma_wait3A_218 : memref<1x128x128xf32, #tpu.memory_space<vmem>> -> memref<128x128xf32, #tpu.memory_space<vmem>>
      %dma_wait3A_220 = arith.constant 0 : i32
      %dma_wait3A_221 = tpu.memref_slice %arg2[%add3A_82, %dma_wait3A_220] : memref<32768x128xf32, #tpu.memory_space<hbm>> -> memref<128x128xf32, #tpu.memory_space<hbm>>
      %dma_wait3A_222 = arith.constant 0 : i32
      %dma_wait3A_223 = arith.constant 0 : i32
      %dma_wait3A_224 = tpu.memref_slice %arg6[%dma_wait3A_215, %dma_wait3A_222, %dma_wait3A_223] : memref<4x128x128xf32, #tpu.memory_space<vmem>> -> memref<1x128x128xf32, #tpu.memory_space<vmem>>
      %dma_wait3A_225 = tpu.memref_squeeze %dma_wait3A_224 : memref<1x128x128xf32, #tpu.memory_space<vmem>> -> memref<128x128xf32, #tpu.memory_space<vmem>>
      %dma_wait3A_226 = arith.constant 0 : i32
      %dma_wait3A_227 = tpu.memref_slice %arg2[%add3A_82, %dma_wait3A_226] : memref<32768x128xf32, #tpu.memory_space<hbm>> -> memref<128x128xf32, #tpu.memory_space<hbm>>
      tpu.wait_dma2 semaphore(%arg8 : memref<!tpu.dma_semaphore, #tpu.memory_space<semaphore_mem>>) src(%dma_wait3A_227 : memref<128x128xf32, #tpu.memory_space<hbm>>) dst(%dma_wait3A_225 : memref<128x128xf32, #tpu.memory_space<vmem>>)
      %add3A_228 = arith.constant 1 : i32
      %add3A_229 = arith.addi %mul3A_10, %add3A_228 : i32
      %dma_start3A_230 = arith.constant 1 : i32
      %dma_start3A_231 = arith.constant 0 : i32
      %dma_start3A_232 = arith.constant 0 : i32
      %dma_start3A_233 = tpu.memref_slice %arg6[%dma_start3A_230, %dma_start3A_231, %dma_start3A_232] : memref<4x128x128xf32, #tpu.memory_space<vmem>> -> memref<1x128x128xf32, #tpu.memory_space<vmem>>
      %dma_start3A_234 = tpu.memref_squeeze %dma_start3A_233 : memref<1x128x128xf32, #tpu.memory_space<vmem>> -> memref<128x128xf32, #tpu.memory_space<vmem>>
      %dma_start3A_235 = arith.constant 0 : i32
      %dma_start3A_236 = tpu.memref_slice %arg5[%add3A_229, %dma_start3A_235] : memref<16x128xi32, #tpu.memory_space<vmem>> -> memref<1x128xi32, #tpu.memory_space<vmem>>
      %dma_start3A_237 = tpu.memref_squeeze %dma_start3A_236 : memref<1x128xi32, #tpu.memory_space<vmem>> -> memref<128xi32, #tpu.memory_space<vmem>>
      %dma_start3A_238 = arith.constant 0 : i32
      %dma_start3A_239 = arith.constant 0 : i32
      %dma_start3A_240 = tpu.memref_slice %arg4[%dma_start3A_238, %dma_start3A_239] : memref<65536x128xf32, #tpu.memory_space<hbm>> -> memref<65536x128xf32, #tpu.memory_space<hbm>>
      tpu.enqueue_indirect_dma source(%dma_start3A_234 : memref<128x128xf32, #tpu.memory_space<vmem>>) target(%dma_start3A_240 : memref<65536x128xf32, #tpu.memory_space<hbm>>) offsets(%dma_start3A_237 : memref<128xi32, #tpu.memory_space<vmem>>) semaphore(%arg12 : memref<!tpu.dma_semaphore, #tpu.memory_space<semaphore_mem>>)
      %dma_wait3A_241 = arith.constant 2 : i32
      %dma_wait3A_242 = arith.constant 0 : i32
      %dma_wait3A_243 = arith.constant 0 : i32
      %dma_wait3A_244 = tpu.memref_slice %arg6[%dma_wait3A_241, %dma_wait3A_242, %dma_wait3A_243] : memref<4x128x128xf32, #tpu.memory_space<vmem>> -> memref<1x128x128xf32, #tpu.memory_space<vmem>>
      %dma_wait3A_245 = tpu.memref_squeeze %dma_wait3A_244 : memref<1x128x128xf32, #tpu.memory_space<vmem>> -> memref<128x128xf32, #tpu.memory_space<vmem>>
      %dma_wait3A_246 = arith.constant 0 : i32
      %dma_wait3A_247 = tpu.memref_slice %arg2[%add3A_129, %dma_wait3A_246] : memref<32768x128xf32, #tpu.memory_space<hbm>> -> memref<128x128xf32, #tpu.memory_space<hbm>>
      %dma_wait3A_248 = arith.constant 0 : i32
      %dma_wait3A_249 = arith.constant 0 : i32
      %dma_wait3A_250 = tpu.memref_slice %arg6[%dma_wait3A_241, %dma_wait3A_248, %dma_wait3A_249] : memref<4x128x128xf32, #tpu.memory_space<vmem>> -> memref<1x128x128xf32, #tpu.memory_space<vmem>>
      %dma_wait3A_251 = tpu.memref_squeeze %dma_wait3A_250 : memref<1x128x128xf32, #tpu.memory_space<vmem>> -> memref<128x128xf32, #tpu.memory_space<vmem>>
      %dma_wait3A_252 = arith.constant 0 : i32
      %dma_wait3A_253 = tpu.memref_slice %arg2[%add3A_129, %dma_wait3A_252] : memref<32768x128xf32, #tpu.memory_space<hbm>> -> memref<128x128xf32, #tpu.memory_space<hbm>>
      tpu.wait_dma2 semaphore(%arg9 : memref<!tpu.dma_semaphore, #tpu.memory_space<semaphore_mem>>) src(%dma_wait3A_253 : memref<128x128xf32, #tpu.memory_space<hbm>>) dst(%dma_wait3A_251 : memref<128x128xf32, #tpu.memory_space<vmem>>)
      %add3A_254 = arith.constant 2 : i32
      %add3A_255 = arith.addi %mul3A_10, %add3A_254 : i32
      %dma_start3A_256 = arith.constant 2 : i32
      %dma_start3A_257 = arith.constant 0 : i32
      %dma_start3A_258 = arith.constant 0 : i32
      %dma_start3A_259 = tpu.memref_slice %arg6[%dma_start3A_256, %dma_start3A_257, %dma_start3A_258] : memref<4x128x128xf32, #tpu.memory_space<vmem>> -> memref<1x128x128xf32, #tpu.memory_space<vmem>>
      %dma_start3A_260 = tpu.memref_squeeze %dma_start3A_259 : memref<1x128x128xf32, #tpu.memory_space<vmem>> -> memref<128x128xf32, #tpu.memory_space<vmem>>
      %dma_start3A_261 = arith.constant 0 : i32
      %dma_start3A_262 = tpu.memref_slice %arg5[%add3A_255, %dma_start3A_261] : memref<16x128xi32, #tpu.memory_space<vmem>> -> memref<1x128xi32, #tpu.memory_space<vmem>>
      %dma_start3A_263 = tpu.memref_squeeze %dma_start3A_262 : memref<1x128xi32, #tpu.memory_space<vmem>> -> memref<128xi32, #tpu.memory_space<vmem>>
      %dma_start3A_264 = arith.constant 0 : i32
      %dma_start3A_265 = arith.constant 0 : i32
      %dma_start3A_266 = tpu.memref_slice %arg4[%dma_start3A_264, %dma_start3A_265] : memref<65536x128xf32, #tpu.memory_space<hbm>> -> memref<65536x128xf32, #tpu.memory_space<hbm>>
      tpu.enqueue_indirect_dma source(%dma_start3A_260 : memref<128x128xf32, #tpu.memory_space<vmem>>) target(%dma_start3A_266 : memref<65536x128xf32, #tpu.memory_space<hbm>>) offsets(%dma_start3A_263 : memref<128xi32, #tpu.memory_space<vmem>>) semaphore(%arg13 : memref<!tpu.dma_semaphore, #tpu.memory_space<semaphore_mem>>)
      %dma_wait3A_267 = arith.constant 3 : i32
      %dma_wait3A_268 = arith.constant 0 : i32
      %dma_wait3A_269 = arith.constant 0 : i32
      %dma_wait3A_270 = tpu.memref_slice %arg6[%dma_wait3A_267, %dma_wait3A_268, %dma_wait3A_269] : memref<4x128x128xf32, #tpu.memory_space<vmem>> -> memref<1x128x128xf32, #tpu.memory_space<vmem>>
      %dma_wait3A_271 = tpu.memref_squeeze %dma_wait3A_270 : memref<1x128x128xf32, #tpu.memory_space<vmem>> -> memref<128x128xf32, #tpu.memory_space<vmem>>
      %dma_wait3A_272 = arith.constant 0 : i32
      %dma_wait3A_273 = tpu.memref_slice %arg2[%add3A_176, %dma_wait3A_272] : memref<32768x128xf32, #tpu.memory_space<hbm>> -> memref<128x128xf32, #tpu.memory_space<hbm>>
      %dma_wait3A_274 = arith.constant 0 : i32
      %dma_wait3A_275 = arith.constant 0 : i32
      %dma_wait3A_276 = tpu.memref_slice %arg6[%dma_wait3A_267, %dma_wait3A_274, %dma_wait3A_275] : memref<4x128x128xf32, #tpu.memory_space<vmem>> -> memref<1x128x128xf32, #tpu.memory_space<vmem>>
      %dma_wait3A_277 = tpu.memref_squeeze %dma_wait3A_276 : memref<1x128x128xf32, #tpu.memory_space<vmem>> -> memref<128x128xf32, #tpu.memory_space<vmem>>
      %dma_wait3A_278 = arith.constant 0 : i32
      %dma_wait3A_279 = tpu.memref_slice %arg2[%add3A_176, %dma_wait3A_278] : memref<32768x128xf32, #tpu.memory_space<hbm>> -> memref<128x128xf32, #tpu.memory_space<hbm>>
      tpu.wait_dma2 semaphore(%arg10 : memref<!tpu.dma_semaphore, #tpu.memory_space<semaphore_mem>>) src(%dma_wait3A_279 : memref<128x128xf32, #tpu.memory_space<hbm>>) dst(%dma_wait3A_277 : memref<128x128xf32, #tpu.memory_space<vmem>>)
      %add3A_280 = arith.constant 3 : i32
      %add3A_281 = arith.addi %mul3A_10, %add3A_280 : i32
      %dma_start3A_282 = arith.constant 3 : i32
      %dma_start3A_283 = arith.constant 0 : i32
      %dma_start3A_284 = arith.constant 0 : i32
      %dma_start3A_285 = tpu.memref_slice %arg6[%dma_start3A_282, %dma_start3A_283, %dma_start3A_284] : memref<4x128x128xf32, #tpu.memory_space<vmem>> -> memref<1x128x128xf32, #tpu.memory_space<vmem>>
      %dma_start3A_286 = tpu.memref_squeeze %dma_start3A_285 : memref<1x128x128xf32, #tpu.memory_space<vmem>> -> memref<128x128xf32, #tpu.memory_space<vmem>>
      %dma_start3A_287 = arith.constant 0 : i32
      %dma_start3A_288 = tpu.memref_slice %arg5[%add3A_281, %dma_start3A_287] : memref<16x128xi32, #tpu.memory_space<vmem>> -> memref<1x128xi32, #tpu.memory_space<vmem>>
      %dma_start3A_289 = tpu.memref_squeeze %dma_start3A_288 : memref<1x128xi32, #tpu.memory_space<vmem>> -> memref<128xi32, #tpu.memory_space<vmem>>
      %dma_start3A_290 = arith.constant 0 : i32
      %dma_start3A_291 = arith.constant 0 : i32
      %dma_start3A_292 = tpu.memref_slice %arg4[%dma_start3A_290, %dma_start3A_291] : memref<65536x128xf32, #tpu.memory_space<hbm>> -> memref<65536x128xf32, #tpu.memory_space<hbm>>
      tpu.enqueue_indirect_dma source(%dma_start3A_286 : memref<128x128xf32, #tpu.memory_space<vmem>>) target(%dma_start3A_292 : memref<65536x128xf32, #tpu.memory_space<hbm>>) offsets(%dma_start3A_289 : memref<128xi32, #tpu.memory_space<vmem>>) semaphore(%arg14 : memref<!tpu.dma_semaphore, #tpu.memory_space<semaphore_mem>>)
      %dma_wait3A_293 = arith.constant 0 : i32
      %dma_wait3A_294 = arith.constant 0 : i32
      %dma_wait3A_295 = arith.constant 0 : i32
      %dma_wait3A_296 = tpu.memref_slice %arg6[%dma_wait3A_293, %dma_wait3A_294, %dma_wait3A_295] : memref<4x128x128xf32, #tpu.memory_space<vmem>> -> memref<1x128x128xf32, #tpu.memory_space<vmem>>
      %dma_wait3A_297 = tpu.memref_squeeze %dma_wait3A_296 : memref<1x128x128xf32, #tpu.memory_space<vmem>> -> memref<128x128xf32, #tpu.memory_space<vmem>>
      %dma_wait3A_298 = arith.constant 0 : i32
      %dma_wait3A_299 = tpu.memref_slice %arg5[%add3A_203, %dma_wait3A_298] : memref<16x128xi32, #tpu.memory_space<vmem>> -> memref<1x128xi32, #tpu.memory_space<vmem>>
      %dma_wait3A_300 = tpu.memref_squeeze %dma_wait3A_299 : memref<1x128xi32, #tpu.memory_space<vmem>> -> memref<128xi32, #tpu.memory_space<vmem>>
      %dma_wait3A_301 = arith.constant 0 : i32
      %dma_wait3A_302 = arith.constant 0 : i32
      %dma_wait3A_303 = tpu.memref_slice %arg4[%dma_wait3A_301, %dma_wait3A_302] : memref<65536x128xf32, #tpu.memory_space<hbm>> -> memref<65536x128xf32, #tpu.memory_space<hbm>>
      tpu.wait_indirect_dma semaphore(%arg11 : memref<!tpu.dma_semaphore, #tpu.memory_space<semaphore_mem>>) src(%dma_wait3A_297 : memref<128x128xf32, #tpu.memory_space<vmem>>) dst(%dma_wait3A_303 : memref<65536x128xf32, #tpu.memory_space<hbm>>)
      %dma_wait3A_304 = arith.constant 1 : i32
      %dma_wait3A_305 = arith.constant 0 : i32
      %dma_wait3A_306 = arith.constant 0 : i32
      %dma_wait3A_307 = tpu.memref_slice %arg6[%dma_wait3A_304, %dma_wait3A_305, %dma_wait3A_306] : memref<4x128x128xf32, #tpu.memory_space<vmem>> -> memref<1x128x128xf32, #tpu.memory_space<vmem>>
      %dma_wait3A_308 = tpu.memref_squeeze %dma_wait3A_307 : memref<1x128x128xf32, #tpu.memory_space<vmem>> -> memref<128x128xf32, #tpu.memory_space<vmem>>
      %dma_wait3A_309 = arith.constant 0 : i32
      %dma_wait3A_310 = tpu.memref_slice %arg5[%add3A_229, %dma_wait3A_309] : memref<16x128xi32, #tpu.memory_space<vmem>> -> memref<1x128xi32, #tpu.memory_space<vmem>>
      %dma_wait3A_311 = tpu.memref_squeeze %dma_wait3A_310 : memref<1x128xi32, #tpu.memory_space<vmem>> -> memref<128xi32, #tpu.memory_space<vmem>>
      %dma_wait3A_312 = arith.constant 0 : i32
      %dma_wait3A_313 = arith.constant 0 : i32
      %dma_wait3A_314 = tpu.memref_slice %arg4[%dma_wait3A_312, %dma_wait3A_313] : memref<65536x128xf32, #tpu.memory_space<hbm>> -> memref<65536x128xf32, #tpu.memory_space<hbm>>
      tpu.wait_indirect_dma semaphore(%arg12 : memref<!tpu.dma_semaphore, #tpu.memory_space<semaphore_mem>>) src(%dma_wait3A_308 : memref<128x128xf32, #tpu.memory_space<vmem>>) dst(%dma_wait3A_314 : memref<65536x128xf32, #tpu.memory_space<hbm>>)
      %dma_wait3A_315 = arith.constant 2 : i32
      %dma_wait3A_316 = arith.constant 0 : i32
      %dma_wait3A_317 = arith.constant 0 : i32
      %dma_wait3A_318 = tpu.memref_slice %arg6[%dma_wait3A_315, %dma_wait3A_316, %dma_wait3A_317] : memref<4x128x128xf32, #tpu.memory_space<vmem>> -> memref<1x128x128xf32, #tpu.memory_space<vmem>>
      %dma_wait3A_319 = tpu.memref_squeeze %dma_wait3A_318 : memref<1x128x128xf32, #tpu.memory_space<vmem>> -> memref<128x128xf32, #tpu.memory_space<vmem>>
      %dma_wait3A_320 = arith.constant 0 : i32
      %dma_wait3A_321 = tpu.memref_slice %arg5[%add3A_255, %dma_wait3A_320] : memref<16x128xi32, #tpu.memory_space<vmem>> -> memref<1x128xi32, #tpu.memory_space<vmem>>
      %dma_wait3A_322 = tpu.memref_squeeze %dma_wait3A_321 : memref<1x128xi32, #tpu.memory_space<vmem>> -> memref<128xi32, #tpu.memory_space<vmem>>
      %dma_wait3A_323 = arith.constant 0 : i32
      %dma_wait3A_324 = arith.constant 0 : i32
      %dma_wait3A_325 = tpu.memref_slice %arg4[%dma_wait3A_323, %dma_wait3A_324] : memref<65536x128xf32, #tpu.memory_space<hbm>> -> memref<65536x128xf32, #tpu.memory_space<hbm>>
      tpu.wait_indirect_dma semaphore(%arg13 : memref<!tpu.dma_semaphore, #tpu.memory_space<semaphore_mem>>) src(%dma_wait3A_319 : memref<128x128xf32, #tpu.memory_space<vmem>>) dst(%dma_wait3A_325 : memref<65536x128xf32, #tpu.memory_space<hbm>>)
      %dma_wait3A_326 = arith.constant 3 : i32
      %dma_wait3A_327 = arith.constant 0 : i32
      %dma_wait3A_328 = arith.constant 0 : i32
      %dma_wait3A_329 = tpu.memref_slice %arg6[%dma_wait3A_326, %dma_wait3A_327, %dma_wait3A_328] : memref<4x128x128xf32, #tpu.memory_space<vmem>> -> memref<1x128x128xf32, #tpu.memory_space<vmem>>
      %dma_wait3A_330 = tpu.memref_squeeze %dma_wait3A_329 : memref<1x128x128xf32, #tpu.memory_space<vmem>> -> memref<128x128xf32, #tpu.memory_space<vmem>>
      %dma_wait3A_331 = arith.constant 0 : i32
      %dma_wait3A_332 = tpu.memref_slice %arg5[%add3A_281, %dma_wait3A_331] : memref<16x128xi32, #tpu.memory_space<vmem>> -> memref<1x128xi32, #tpu.memory_space<vmem>>
      %dma_wait3A_333 = tpu.memref_squeeze %dma_wait3A_332 : memref<1x128xi32, #tpu.memory_space<vmem>> -> memref<128xi32, #tpu.memory_space<vmem>>
      %dma_wait3A_334 = arith.constant 0 : i32
      %dma_wait3A_335 = arith.constant 0 : i32
      %dma_wait3A_336 = tpu.memref_slice %arg4[%dma_wait3A_334, %dma_wait3A_335] : memref<65536x128xf32, #tpu.memory_space<hbm>> -> memref<65536x128xf32, #tpu.memory_space<hbm>>
      tpu.wait_indirect_dma semaphore(%arg14 : memref<!tpu.dma_semaphore, #tpu.memory_space<semaphore_mem>>) src(%dma_wait3A_330 : memref<128x128xf32, #tpu.memory_space<vmem>>) dst(%dma_wait3A_336 : memref<65536x128xf32, #tpu.memory_space<hbm>>)
    }
    %scan3A_7 = arith.constant 4 : i32
    return
  }
}

#map = affine_map<(d0, d1) -> (0, 0)>
module attributes {stable_mosaic.version = 14 : i64} {
  func.func @run(%arg0: i32, %arg1: i32, %arg2: memref<65536x128xf32, #tpu.memory_space<hbm>>, %arg3: memref<512x128xi32, #tpu.memory_space<hbm>>, %arg4: memref<65536x128xf32, #tpu.memory_space<hbm>>, %arg5: memref<16x128xi32, #tpu.memory_space<vmem>>, %arg6: memref<4x128x128xf32, #tpu.memory_space<vmem>>, %arg7: memref<!tpu.dma_semaphore, #tpu.memory_space<semaphore_mem>>, %arg8: memref<!tpu.dma_semaphore, #tpu.memory_space<semaphore_mem>>, %arg9: memref<!tpu.dma_semaphore, #tpu.memory_space<semaphore_mem>>, %arg10: memref<!tpu.dma_semaphore, #tpu.memory_space<semaphore_mem>>, %arg11: memref<!tpu.dma_semaphore, #tpu.memory_space<semaphore_mem>>, %arg12: memref<!tpu.dma_semaphore, #tpu.memory_space<semaphore_mem>>, %arg13: memref<!tpu.dma_semaphore, #tpu.memory_space<semaphore_mem>>, %arg14: memref<!tpu.dma_semaphore, #tpu.memory_space<semaphore_mem>>) attributes {dimension_semantics = [#tpu.dimension_semantics<core_parallel>, #tpu.dimension_semantics<subcore_parallel>], iteration_bounds = array<i64: 2, 16>, scalar_prefetch = 0 : i64, scratch_operands = 10 : i64, tpu.core_type = #tpu.core_type<sc_vector_subcore>, window_params = [{transform_indices = #map}, {transform_indices = #map}, {transform_indices = #map}]} {
    %mul3A = arith.constant 2 : i32
    %mul3A_0 = arith.muli %arg1, %mul3A : i32
    %add3A = arith.addi %mul3A_0, %arg0 : i32
    %mul3A_1 = arith.constant 16 : i32
    %mul3A_2 = arith.muli %add3A, %mul3A_1 : i32
    "tpu.region"() ({
      %run_scoped3A = tpu.sem_alloc : memref<!tpu.dma_semaphore, #tpu.memory_space<semaphore_mem>>
      %dma_start3A = arith.constant 0 : i32
      %dma_start3A_8 = tpu.memref_slice %arg3[%mul3A_2, %dma_start3A] : memref<512x128xi32, #tpu.memory_space<hbm>> -> memref<16x128xi32, #tpu.memory_space<hbm>>
      %dma_start3A_9 = arith.constant 0 : i32
      %dma_start3A_10 = tpu.memref_slice %arg3[%mul3A_2, %dma_start3A_9] : memref<512x128xi32, #tpu.memory_space<hbm>> -> memref<16x128xi32, #tpu.memory_space<hbm>>
      tpu.enqueue_dma source(%dma_start3A_10 : memref<16x128xi32, #tpu.memory_space<hbm>>) target(%arg5 : memref<16x128xi32, #tpu.memory_space<vmem>>) target_semaphore(%run_scoped3A : memref<!tpu.dma_semaphore, #tpu.memory_space<semaphore_mem>>)
      %dma_wait3A = arith.constant 0 : i32
      %dma_wait3A_11 = tpu.memref_slice %arg3[%mul3A_2, %dma_wait3A] : memref<512x128xi32, #tpu.memory_space<hbm>> -> memref<16x128xi32, #tpu.memory_space<hbm>>
      %dma_wait3A_12 = arith.constant 0 : i32
      %dma_wait3A_13 = tpu.memref_slice %arg3[%mul3A_2, %dma_wait3A_12] : memref<512x128xi32, #tpu.memory_space<hbm>> -> memref<16x128xi32, #tpu.memory_space<hbm>>
      tpu.wait_dma2 semaphore(%run_scoped3A : memref<!tpu.dma_semaphore, #tpu.memory_space<semaphore_mem>>) src(%dma_wait3A_13 : memref<16x128xi32, #tpu.memory_space<hbm>>) dst(%arg5 : memref<16x128xi32, #tpu.memory_space<vmem>>)
      tpu.yield
    }) : () -> ()
    %scan3A = arith.constant 0 : i32
    %scan3A_3 = arith.constant 0 : i32
    %scan3A_4 = arith.constant 4 : i32
    %scan3A_5 = arith.addi %scan3A_3, %scan3A_4 : i32
    %scan3A_6 = arith.constant 1 : i32
    scf.for %scan3A_8 = %scan3A_3 to %scan3A_5 step %scan3A_6  : i32 {
      %mul3A_9 = arith.constant 4 : i32
      %mul3A_10 = arith.muli %mul3A_9, %scan3A_8 : i32
      %add3A_11 = arith.constant 0 : i32
      %add3A_12 = arith.addi %mul3A_10, %add3A_11 : i32
      %dma_start3A = arith.constant 0 : i32
      %dma_start3A_13 = arith.constant 0 : i32
      %dma_start3A_14 = arith.constant 0 : i32
      %dma_start3A_15 = tpu.memref_slice %arg6[%dma_start3A, %dma_start3A_13, %dma_start3A_14] : memref<4x128x128xf32, #tpu.memory_space<vmem>> -> memref<1x128x128xf32, #tpu.memory_space<vmem>>
      %dma_start3A_16 = tpu.memref_squeeze %dma_start3A_15 : memref<1x128x128xf32, #tpu.memory_space<vmem>> -> memref<128x128xf32, #tpu.memory_space<vmem>>
      %dma_start3A_17 = arith.constant 0 : i32
      %dma_start3A_18 = tpu.memref_slice %arg5[%add3A_12, %dma_start3A_17] : memref<16x128xi32, #tpu.memory_space<vmem>> -> memref<1x128xi32, #tpu.memory_space<vmem>>
      %dma_start3A_19 = tpu.memref_squeeze %dma_start3A_18 : memref<1x128xi32, #tpu.memory_space<vmem>> -> memref<128xi32, #tpu.memory_space<vmem>>
      %dma_start3A_20 = arith.constant 0 : i32
      %dma_start3A_21 = arith.constant 0 : i32
      %dma_start3A_22 = tpu.memref_slice %arg2[%dma_start3A_20, %dma_start3A_21] : memref<65536x128xf32, #tpu.memory_space<hbm>> -> memref<65536x128xf32, #tpu.memory_space<hbm>>
      tpu.enqueue_indirect_dma source(%dma_start3A_22 : memref<65536x128xf32, #tpu.memory_space<hbm>>) target(%dma_start3A_16 : memref<128x128xf32, #tpu.memory_space<vmem>>) offsets(%dma_start3A_19 : memref<128xi32, #tpu.memory_space<vmem>>) semaphore(%arg7 : memref<!tpu.dma_semaphore, #tpu.memory_space<semaphore_mem>>)
      %add3A_23 = arith.constant 1 : i32
      %add3A_24 = arith.addi %mul3A_10, %add3A_23 : i32
      %dma_start3A_25 = arith.constant 1 : i32
      %dma_start3A_26 = arith.constant 0 : i32
      %dma_start3A_27 = arith.constant 0 : i32
      %dma_start3A_28 = tpu.memref_slice %arg6[%dma_start3A_25, %dma_start3A_26, %dma_start3A_27] : memref<4x128x128xf32, #tpu.memory_space<vmem>> -> memref<1x128x128xf32, #tpu.memory_space<vmem>>
      %dma_start3A_29 = tpu.memref_squeeze %dma_start3A_28 : memref<1x128x128xf32, #tpu.memory_space<vmem>> -> memref<128x128xf32, #tpu.memory_space<vmem>>
      %dma_start3A_30 = arith.constant 0 : i32
      %dma_start3A_31 = tpu.memref_slice %arg5[%add3A_24, %dma_start3A_30] : memref<16x128xi32, #tpu.memory_space<vmem>> -> memref<1x128xi32, #tpu.memory_space<vmem>>
      %dma_start3A_32 = tpu.memref_squeeze %dma_start3A_31 : memref<1x128xi32, #tpu.memory_space<vmem>> -> memref<128xi32, #tpu.memory_space<vmem>>
      %dma_start3A_33 = arith.constant 0 : i32
      %dma_start3A_34 = arith.constant 0 : i32
      %dma_start3A_35 = tpu.memref_slice %arg2[%dma_start3A_33, %dma_start3A_34] : memref<65536x128xf32, #tpu.memory_space<hbm>> -> memref<65536x128xf32, #tpu.memory_space<hbm>>
      tpu.enqueue_indirect_dma source(%dma_start3A_35 : memref<65536x128xf32, #tpu.memory_space<hbm>>) target(%dma_start3A_29 : memref<128x128xf32, #tpu.memory_space<vmem>>) offsets(%dma_start3A_32 : memref<128xi32, #tpu.memory_space<vmem>>) semaphore(%arg8 : memref<!tpu.dma_semaphore, #tpu.memory_space<semaphore_mem>>)
      %add3A_36 = arith.constant 2 : i32
      %add3A_37 = arith.addi %mul3A_10, %add3A_36 : i32
      %dma_start3A_38 = arith.constant 2 : i32
      %dma_start3A_39 = arith.constant 0 : i32
      %dma_start3A_40 = arith.constant 0 : i32
      %dma_start3A_41 = tpu.memref_slice %arg6[%dma_start3A_38, %dma_start3A_39, %dma_start3A_40] : memref<4x128x128xf32, #tpu.memory_space<vmem>> -> memref<1x128x128xf32, #tpu.memory_space<vmem>>
      %dma_start3A_42 = tpu.memref_squeeze %dma_start3A_41 : memref<1x128x128xf32, #tpu.memory_space<vmem>> -> memref<128x128xf32, #tpu.memory_space<vmem>>
      %dma_start3A_43 = arith.constant 0 : i32
      %dma_start3A_44 = tpu.memref_slice %arg5[%add3A_37, %dma_start3A_43] : memref<16x128xi32, #tpu.memory_space<vmem>> -> memref<1x128xi32, #tpu.memory_space<vmem>>
      %dma_start3A_45 = tpu.memref_squeeze %dma_start3A_44 : memref<1x128xi32, #tpu.memory_space<vmem>> -> memref<128xi32, #tpu.memory_space<vmem>>
      %dma_start3A_46 = arith.constant 0 : i32
      %dma_start3A_47 = arith.constant 0 : i32
      %dma_start3A_48 = tpu.memref_slice %arg2[%dma_start3A_46, %dma_start3A_47] : memref<65536x128xf32, #tpu.memory_space<hbm>> -> memref<65536x128xf32, #tpu.memory_space<hbm>>
      tpu.enqueue_indirect_dma source(%dma_start3A_48 : memref<65536x128xf32, #tpu.memory_space<hbm>>) target(%dma_start3A_42 : memref<128x128xf32, #tpu.memory_space<vmem>>) offsets(%dma_start3A_45 : memref<128xi32, #tpu.memory_space<vmem>>) semaphore(%arg9 : memref<!tpu.dma_semaphore, #tpu.memory_space<semaphore_mem>>)
      %add3A_49 = arith.constant 3 : i32
      %add3A_50 = arith.addi %mul3A_10, %add3A_49 : i32
      %dma_start3A_51 = arith.constant 3 : i32
      %dma_start3A_52 = arith.constant 0 : i32
      %dma_start3A_53 = arith.constant 0 : i32
      %dma_start3A_54 = tpu.memref_slice %arg6[%dma_start3A_51, %dma_start3A_52, %dma_start3A_53] : memref<4x128x128xf32, #tpu.memory_space<vmem>> -> memref<1x128x128xf32, #tpu.memory_space<vmem>>
      %dma_start3A_55 = tpu.memref_squeeze %dma_start3A_54 : memref<1x128x128xf32, #tpu.memory_space<vmem>> -> memref<128x128xf32, #tpu.memory_space<vmem>>
      %dma_start3A_56 = arith.constant 0 : i32
      %dma_start3A_57 = tpu.memref_slice %arg5[%add3A_50, %dma_start3A_56] : memref<16x128xi32, #tpu.memory_space<vmem>> -> memref<1x128xi32, #tpu.memory_space<vmem>>
      %dma_start3A_58 = tpu.memref_squeeze %dma_start3A_57 : memref<1x128xi32, #tpu.memory_space<vmem>> -> memref<128xi32, #tpu.memory_space<vmem>>
      %dma_start3A_59 = arith.constant 0 : i32
      %dma_start3A_60 = arith.constant 0 : i32
      %dma_start3A_61 = tpu.memref_slice %arg2[%dma_start3A_59, %dma_start3A_60] : memref<65536x128xf32, #tpu.memory_space<hbm>> -> memref<65536x128xf32, #tpu.memory_space<hbm>>
      tpu.enqueue_indirect_dma source(%dma_start3A_61 : memref<65536x128xf32, #tpu.memory_space<hbm>>) target(%dma_start3A_55 : memref<128x128xf32, #tpu.memory_space<vmem>>) offsets(%dma_start3A_58 : memref<128xi32, #tpu.memory_space<vmem>>) semaphore(%arg10 : memref<!tpu.dma_semaphore, #tpu.memory_space<semaphore_mem>>)
      %dma_wait3A = arith.constant 0 : i32
      %dma_wait3A_62 = arith.constant 0 : i32
      %dma_wait3A_63 = arith.constant 0 : i32
      %dma_wait3A_64 = tpu.memref_slice %arg6[%dma_wait3A, %dma_wait3A_62, %dma_wait3A_63] : memref<4x128x128xf32, #tpu.memory_space<vmem>> -> memref<1x128x128xf32, #tpu.memory_space<vmem>>
      %dma_wait3A_65 = tpu.memref_squeeze %dma_wait3A_64 : memref<1x128x128xf32, #tpu.memory_space<vmem>> -> memref<128x128xf32, #tpu.memory_space<vmem>>
      %dma_wait3A_66 = arith.constant 0 : i32
      %dma_wait3A_67 = tpu.memref_slice %arg5[%add3A_12, %dma_wait3A_66] : memref<16x128xi32, #tpu.memory_space<vmem>> -> memref<1x128xi32, #tpu.memory_space<vmem>>
      %dma_wait3A_68 = tpu.memref_squeeze %dma_wait3A_67 : memref<1x128xi32, #tpu.memory_space<vmem>> -> memref<128xi32, #tpu.memory_space<vmem>>
      %dma_wait3A_69 = arith.constant 0 : i32
      %dma_wait3A_70 = arith.constant 0 : i32
      %dma_wait3A_71 = tpu.memref_slice %arg2[%dma_wait3A_69, %dma_wait3A_70] : memref<65536x128xf32, #tpu.memory_space<hbm>> -> memref<65536x128xf32, #tpu.memory_space<hbm>>
      tpu.wait_indirect_dma semaphore(%arg7 : memref<!tpu.dma_semaphore, #tpu.memory_space<semaphore_mem>>) src(%dma_wait3A_71 : memref<65536x128xf32, #tpu.memory_space<hbm>>) dst(%dma_wait3A_65 : memref<128x128xf32, #tpu.memory_space<vmem>>)
      %add3A_72 = arith.addi %mul3A_2, %mul3A_10 : i32
      %add3A_73 = arith.constant 0 : i32
      %add3A_74 = arith.addi %add3A_72, %add3A_73 : i32
      %mul3A_75 = arith.constant 128 : i32
      %mul3A_76 = arith.muli %add3A_74, %mul3A_75 : i32
      %dma_start3A_77 = arith.constant 0 : i32
      %dma_start3A_78 = arith.constant 0 : i32
      %dma_start3A_79 = arith.constant 0 : i32
      %dma_start3A_80 = tpu.memref_slice %arg6[%dma_start3A_77, %dma_start3A_78, %dma_start3A_79] : memref<4x128x128xf32, #tpu.memory_space<vmem>> -> memref<1x128x128xf32, #tpu.memory_space<vmem>>
      %dma_start3A_81 = tpu.memref_squeeze %dma_start3A_80 : memref<1x128x128xf32, #tpu.memory_space<vmem>> -> memref<128x128xf32, #tpu.memory_space<vmem>>
      %dma_start3A_82 = arith.constant 0 : i32
      %dma_start3A_83 = tpu.memref_slice %arg4[%mul3A_76, %dma_start3A_82] : memref<65536x128xf32, #tpu.memory_space<hbm>> -> memref<128x128xf32, #tpu.memory_space<hbm>>
      %dma_start3A_84 = arith.constant 0 : i32
      %dma_start3A_85 = tpu.memref_slice %arg4[%mul3A_76, %dma_start3A_84] : memref<65536x128xf32, #tpu.memory_space<hbm>> -> memref<128x128xf32, #tpu.memory_space<hbm>>
      %dma_start3A_86 = arith.constant 0 : i32
      %dma_start3A_87 = arith.constant 0 : i32
      %dma_start3A_88 = tpu.memref_slice %arg6[%dma_start3A_77, %dma_start3A_86, %dma_start3A_87] : memref<4x128x128xf32, #tpu.memory_space<vmem>> -> memref<1x128x128xf32, #tpu.memory_space<vmem>>
      %dma_start3A_89 = tpu.memref_squeeze %dma_start3A_88 : memref<1x128x128xf32, #tpu.memory_space<vmem>> -> memref<128x128xf32, #tpu.memory_space<vmem>>
      tpu.enqueue_dma source(%dma_start3A_89 : memref<128x128xf32, #tpu.memory_space<vmem>>) target(%dma_start3A_85 : memref<128x128xf32, #tpu.memory_space<hbm>>) target_semaphore(%arg11 : memref<!tpu.dma_semaphore, #tpu.memory_space<semaphore_mem>>)
      %dma_wait3A_90 = arith.constant 1 : i32
      %dma_wait3A_91 = arith.constant 0 : i32
      %dma_wait3A_92 = arith.constant 0 : i32
      %dma_wait3A_93 = tpu.memref_slice %arg6[%dma_wait3A_90, %dma_wait3A_91, %dma_wait3A_92] : memref<4x128x128xf32, #tpu.memory_space<vmem>> -> memref<1x128x128xf32, #tpu.memory_space<vmem>>
      %dma_wait3A_94 = tpu.memref_squeeze %dma_wait3A_93 : memref<1x128x128xf32, #tpu.memory_space<vmem>> -> memref<128x128xf32, #tpu.memory_space<vmem>>
      %dma_wait3A_95 = arith.constant 0 : i32
      %dma_wait3A_96 = tpu.memref_slice %arg5[%add3A_24, %dma_wait3A_95] : memref<16x128xi32, #tpu.memory_space<vmem>> -> memref<1x128xi32, #tpu.memory_space<vmem>>
      %dma_wait3A_97 = tpu.memref_squeeze %dma_wait3A_96 : memref<1x128xi32, #tpu.memory_space<vmem>> -> memref<128xi32, #tpu.memory_space<vmem>>
      %dma_wait3A_98 = arith.constant 0 : i32
      %dma_wait3A_99 = arith.constant 0 : i32
      %dma_wait3A_100 = tpu.memref_slice %arg2[%dma_wait3A_98, %dma_wait3A_99] : memref<65536x128xf32, #tpu.memory_space<hbm>> -> memref<65536x128xf32, #tpu.memory_space<hbm>>
      tpu.wait_indirect_dma semaphore(%arg8 : memref<!tpu.dma_semaphore, #tpu.memory_space<semaphore_mem>>) src(%dma_wait3A_100 : memref<65536x128xf32, #tpu.memory_space<hbm>>) dst(%dma_wait3A_94 : memref<128x128xf32, #tpu.memory_space<vmem>>)
      %add3A_101 = arith.addi %mul3A_2, %mul3A_10 : i32
      %add3A_102 = arith.constant 1 : i32
      %add3A_103 = arith.addi %add3A_101, %add3A_102 : i32
      %mul3A_104 = arith.constant 128 : i32
      %mul3A_105 = arith.muli %add3A_103, %mul3A_104 : i32
      %dma_start3A_106 = arith.constant 1 : i32
      %dma_start3A_107 = arith.constant 0 : i32
      %dma_start3A_108 = arith.constant 0 : i32
      %dma_start3A_109 = tpu.memref_slice %arg6[%dma_start3A_106, %dma_start3A_107, %dma_start3A_108] : memref<4x128x128xf32, #tpu.memory_space<vmem>> -> memref<1x128x128xf32, #tpu.memory_space<vmem>>
      %dma_start3A_110 = tpu.memref_squeeze %dma_start3A_109 : memref<1x128x128xf32, #tpu.memory_space<vmem>> -> memref<128x128xf32, #tpu.memory_space<vmem>>
      %dma_start3A_111 = arith.constant 0 : i32
      %dma_start3A_112 = tpu.memref_slice %arg4[%mul3A_105, %dma_start3A_111] : memref<65536x128xf32, #tpu.memory_space<hbm>> -> memref<128x128xf32, #tpu.memory_space<hbm>>
      %dma_start3A_113 = arith.constant 0 : i32
      %dma_start3A_114 = tpu.memref_slice %arg4[%mul3A_105, %dma_start3A_113] : memref<65536x128xf32, #tpu.memory_space<hbm>> -> memref<128x128xf32, #tpu.memory_space<hbm>>
      %dma_start3A_115 = arith.constant 0 : i32
      %dma_start3A_116 = arith.constant 0 : i32
      %dma_start3A_117 = tpu.memref_slice %arg6[%dma_start3A_106, %dma_start3A_115, %dma_start3A_116] : memref<4x128x128xf32, #tpu.memory_space<vmem>> -> memref<1x128x128xf32, #tpu.memory_space<vmem>>
      %dma_start3A_118 = tpu.memref_squeeze %dma_start3A_117 : memref<1x128x128xf32, #tpu.memory_space<vmem>> -> memref<128x128xf32, #tpu.memory_space<vmem>>
      tpu.enqueue_dma source(%dma_start3A_118 : memref<128x128xf32, #tpu.memory_space<vmem>>) target(%dma_start3A_114 : memref<128x128xf32, #tpu.memory_space<hbm>>) target_semaphore(%arg12 : memref<!tpu.dma_semaphore, #tpu.memory_space<semaphore_mem>>)
      %dma_wait3A_119 = arith.constant 2 : i32
      %dma_wait3A_120 = arith.constant 0 : i32
      %dma_wait3A_121 = arith.constant 0 : i32
      %dma_wait3A_122 = tpu.memref_slice %arg6[%dma_wait3A_119, %dma_wait3A_120, %dma_wait3A_121] : memref<4x128x128xf32, #tpu.memory_space<vmem>> -> memref<1x128x128xf32, #tpu.memory_space<vmem>>
      %dma_wait3A_123 = tpu.memref_squeeze %dma_wait3A_122 : memref<1x128x128xf32, #tpu.memory_space<vmem>> -> memref<128x128xf32, #tpu.memory_space<vmem>>
      %dma_wait3A_124 = arith.constant 0 : i32
      %dma_wait3A_125 = tpu.memref_slice %arg5[%add3A_37, %dma_wait3A_124] : memref<16x128xi32, #tpu.memory_space<vmem>> -> memref<1x128xi32, #tpu.memory_space<vmem>>
      %dma_wait3A_126 = tpu.memref_squeeze %dma_wait3A_125 : memref<1x128xi32, #tpu.memory_space<vmem>> -> memref<128xi32, #tpu.memory_space<vmem>>
      %dma_wait3A_127 = arith.constant 0 : i32
      %dma_wait3A_128 = arith.constant 0 : i32
      %dma_wait3A_129 = tpu.memref_slice %arg2[%dma_wait3A_127, %dma_wait3A_128] : memref<65536x128xf32, #tpu.memory_space<hbm>> -> memref<65536x128xf32, #tpu.memory_space<hbm>>
      tpu.wait_indirect_dma semaphore(%arg9 : memref<!tpu.dma_semaphore, #tpu.memory_space<semaphore_mem>>) src(%dma_wait3A_129 : memref<65536x128xf32, #tpu.memory_space<hbm>>) dst(%dma_wait3A_123 : memref<128x128xf32, #tpu.memory_space<vmem>>)
      %add3A_130 = arith.addi %mul3A_2, %mul3A_10 : i32
      %add3A_131 = arith.constant 2 : i32
      %add3A_132 = arith.addi %add3A_130, %add3A_131 : i32
      %mul3A_133 = arith.constant 128 : i32
      %mul3A_134 = arith.muli %add3A_132, %mul3A_133 : i32
      %dma_start3A_135 = arith.constant 2 : i32
      %dma_start3A_136 = arith.constant 0 : i32
      %dma_start3A_137 = arith.constant 0 : i32
      %dma_start3A_138 = tpu.memref_slice %arg6[%dma_start3A_135, %dma_start3A_136, %dma_start3A_137] : memref<4x128x128xf32, #tpu.memory_space<vmem>> -> memref<1x128x128xf32, #tpu.memory_space<vmem>>
      %dma_start3A_139 = tpu.memref_squeeze %dma_start3A_138 : memref<1x128x128xf32, #tpu.memory_space<vmem>> -> memref<128x128xf32, #tpu.memory_space<vmem>>
      %dma_start3A_140 = arith.constant 0 : i32
      %dma_start3A_141 = tpu.memref_slice %arg4[%mul3A_134, %dma_start3A_140] : memref<65536x128xf32, #tpu.memory_space<hbm>> -> memref<128x128xf32, #tpu.memory_space<hbm>>
      %dma_start3A_142 = arith.constant 0 : i32
      %dma_start3A_143 = tpu.memref_slice %arg4[%mul3A_134, %dma_start3A_142] : memref<65536x128xf32, #tpu.memory_space<hbm>> -> memref<128x128xf32, #tpu.memory_space<hbm>>
      %dma_start3A_144 = arith.constant 0 : i32
      %dma_start3A_145 = arith.constant 0 : i32
      %dma_start3A_146 = tpu.memref_slice %arg6[%dma_start3A_135, %dma_start3A_144, %dma_start3A_145] : memref<4x128x128xf32, #tpu.memory_space<vmem>> -> memref<1x128x128xf32, #tpu.memory_space<vmem>>
      %dma_start3A_147 = tpu.memref_squeeze %dma_start3A_146 : memref<1x128x128xf32, #tpu.memory_space<vmem>> -> memref<128x128xf32, #tpu.memory_space<vmem>>
      tpu.enqueue_dma source(%dma_start3A_147 : memref<128x128xf32, #tpu.memory_space<vmem>>) target(%dma_start3A_143 : memref<128x128xf32, #tpu.memory_space<hbm>>) target_semaphore(%arg13 : memref<!tpu.dma_semaphore, #tpu.memory_space<semaphore_mem>>)
      %dma_wait3A_148 = arith.constant 3 : i32
      %dma_wait3A_149 = arith.constant 0 : i32
      %dma_wait3A_150 = arith.constant 0 : i32
      %dma_wait3A_151 = tpu.memref_slice %arg6[%dma_wait3A_148, %dma_wait3A_149, %dma_wait3A_150] : memref<4x128x128xf32, #tpu.memory_space<vmem>> -> memref<1x128x128xf32, #tpu.memory_space<vmem>>
      %dma_wait3A_152 = tpu.memref_squeeze %dma_wait3A_151 : memref<1x128x128xf32, #tpu.memory_space<vmem>> -> memref<128x128xf32, #tpu.memory_space<vmem>>
      %dma_wait3A_153 = arith.constant 0 : i32
      %dma_wait3A_154 = tpu.memref_slice %arg5[%add3A_50, %dma_wait3A_153] : memref<16x128xi32, #tpu.memory_space<vmem>> -> memref<1x128xi32, #tpu.memory_space<vmem>>
      %dma_wait3A_155 = tpu.memref_squeeze %dma_wait3A_154 : memref<1x128xi32, #tpu.memory_space<vmem>> -> memref<128xi32, #tpu.memory_space<vmem>>
      %dma_wait3A_156 = arith.constant 0 : i32
      %dma_wait3A_157 = arith.constant 0 : i32
      %dma_wait3A_158 = tpu.memref_slice %arg2[%dma_wait3A_156, %dma_wait3A_157] : memref<65536x128xf32, #tpu.memory_space<hbm>> -> memref<65536x128xf32, #tpu.memory_space<hbm>>
      tpu.wait_indirect_dma semaphore(%arg10 : memref<!tpu.dma_semaphore, #tpu.memory_space<semaphore_mem>>) src(%dma_wait3A_158 : memref<65536x128xf32, #tpu.memory_space<hbm>>) dst(%dma_wait3A_152 : memref<128x128xf32, #tpu.memory_space<vmem>>)
      %add3A_159 = arith.addi %mul3A_2, %mul3A_10 : i32
      %add3A_160 = arith.constant 3 : i32
      %add3A_161 = arith.addi %add3A_159, %add3A_160 : i32
      %mul3A_162 = arith.constant 128 : i32
      %mul3A_163 = arith.muli %add3A_161, %mul3A_162 : i32
      %dma_start3A_164 = arith.constant 3 : i32
      %dma_start3A_165 = arith.constant 0 : i32
      %dma_start3A_166 = arith.constant 0 : i32
      %dma_start3A_167 = tpu.memref_slice %arg6[%dma_start3A_164, %dma_start3A_165, %dma_start3A_166] : memref<4x128x128xf32, #tpu.memory_space<vmem>> -> memref<1x128x128xf32, #tpu.memory_space<vmem>>
      %dma_start3A_168 = tpu.memref_squeeze %dma_start3A_167 : memref<1x128x128xf32, #tpu.memory_space<vmem>> -> memref<128x128xf32, #tpu.memory_space<vmem>>
      %dma_start3A_169 = arith.constant 0 : i32
      %dma_start3A_170 = tpu.memref_slice %arg4[%mul3A_163, %dma_start3A_169] : memref<65536x128xf32, #tpu.memory_space<hbm>> -> memref<128x128xf32, #tpu.memory_space<hbm>>
      %dma_start3A_171 = arith.constant 0 : i32
      %dma_start3A_172 = tpu.memref_slice %arg4[%mul3A_163, %dma_start3A_171] : memref<65536x128xf32, #tpu.memory_space<hbm>> -> memref<128x128xf32, #tpu.memory_space<hbm>>
      %dma_start3A_173 = arith.constant 0 : i32
      %dma_start3A_174 = arith.constant 0 : i32
      %dma_start3A_175 = tpu.memref_slice %arg6[%dma_start3A_164, %dma_start3A_173, %dma_start3A_174] : memref<4x128x128xf32, #tpu.memory_space<vmem>> -> memref<1x128x128xf32, #tpu.memory_space<vmem>>
      %dma_start3A_176 = tpu.memref_squeeze %dma_start3A_175 : memref<1x128x128xf32, #tpu.memory_space<vmem>> -> memref<128x128xf32, #tpu.memory_space<vmem>>
      tpu.enqueue_dma source(%dma_start3A_176 : memref<128x128xf32, #tpu.memory_space<vmem>>) target(%dma_start3A_172 : memref<128x128xf32, #tpu.memory_space<hbm>>) target_semaphore(%arg14 : memref<!tpu.dma_semaphore, #tpu.memory_space<semaphore_mem>>)
      %dma_wait3A_177 = arith.constant 0 : i32
      %dma_wait3A_178 = arith.constant 0 : i32
      %dma_wait3A_179 = arith.constant 0 : i32
      %dma_wait3A_180 = tpu.memref_slice %arg6[%dma_wait3A_177, %dma_wait3A_178, %dma_wait3A_179] : memref<4x128x128xf32, #tpu.memory_space<vmem>> -> memref<1x128x128xf32, #tpu.memory_space<vmem>>
      %dma_wait3A_181 = tpu.memref_squeeze %dma_wait3A_180 : memref<1x128x128xf32, #tpu.memory_space<vmem>> -> memref<128x128xf32, #tpu.memory_space<vmem>>
      %dma_wait3A_182 = arith.constant 0 : i32
      %dma_wait3A_183 = tpu.memref_slice %arg4[%mul3A_76, %dma_wait3A_182] : memref<65536x128xf32, #tpu.memory_space<hbm>> -> memref<128x128xf32, #tpu.memory_space<hbm>>
      %dma_wait3A_184 = arith.constant 0 : i32
      %dma_wait3A_185 = tpu.memref_slice %arg4[%mul3A_76, %dma_wait3A_184] : memref<65536x128xf32, #tpu.memory_space<hbm>> -> memref<128x128xf32, #tpu.memory_space<hbm>>
      %dma_wait3A_186 = arith.constant 0 : i32
      %dma_wait3A_187 = arith.constant 0 : i32
      %dma_wait3A_188 = tpu.memref_slice %arg6[%dma_wait3A_177, %dma_wait3A_186, %dma_wait3A_187] : memref<4x128x128xf32, #tpu.memory_space<vmem>> -> memref<1x128x128xf32, #tpu.memory_space<vmem>>
      %dma_wait3A_189 = tpu.memref_squeeze %dma_wait3A_188 : memref<1x128x128xf32, #tpu.memory_space<vmem>> -> memref<128x128xf32, #tpu.memory_space<vmem>>
      tpu.wait_dma2 semaphore(%arg11 : memref<!tpu.dma_semaphore, #tpu.memory_space<semaphore_mem>>) src(%dma_wait3A_189 : memref<128x128xf32, #tpu.memory_space<vmem>>) dst(%dma_wait3A_185 : memref<128x128xf32, #tpu.memory_space<hbm>>)
      %dma_wait3A_190 = arith.constant 1 : i32
      %dma_wait3A_191 = arith.constant 0 : i32
      %dma_wait3A_192 = arith.constant 0 : i32
      %dma_wait3A_193 = tpu.memref_slice %arg6[%dma_wait3A_190, %dma_wait3A_191, %dma_wait3A_192] : memref<4x128x128xf32, #tpu.memory_space<vmem>> -> memref<1x128x128xf32, #tpu.memory_space<vmem>>
      %dma_wait3A_194 = tpu.memref_squeeze %dma_wait3A_193 : memref<1x128x128xf32, #tpu.memory_space<vmem>> -> memref<128x128xf32, #tpu.memory_space<vmem>>
      %dma_wait3A_195 = arith.constant 0 : i32
      %dma_wait3A_196 = tpu.memref_slice %arg4[%mul3A_105, %dma_wait3A_195] : memref<65536x128xf32, #tpu.memory_space<hbm>> -> memref<128x128xf32, #tpu.memory_space<hbm>>
      %dma_wait3A_197 = arith.constant 0 : i32
      %dma_wait3A_198 = tpu.memref_slice %arg4[%mul3A_105, %dma_wait3A_197] : memref<65536x128xf32, #tpu.memory_space<hbm>> -> memref<128x128xf32, #tpu.memory_space<hbm>>
      %dma_wait3A_199 = arith.constant 0 : i32
      %dma_wait3A_200 = arith.constant 0 : i32
      %dma_wait3A_201 = tpu.memref_slice %arg6[%dma_wait3A_190, %dma_wait3A_199, %dma_wait3A_200] : memref<4x128x128xf32, #tpu.memory_space<vmem>> -> memref<1x128x128xf32, #tpu.memory_space<vmem>>
      %dma_wait3A_202 = tpu.memref_squeeze %dma_wait3A_201 : memref<1x128x128xf32, #tpu.memory_space<vmem>> -> memref<128x128xf32, #tpu.memory_space<vmem>>
      tpu.wait_dma2 semaphore(%arg12 : memref<!tpu.dma_semaphore, #tpu.memory_space<semaphore_mem>>) src(%dma_wait3A_202 : memref<128x128xf32, #tpu.memory_space<vmem>>) dst(%dma_wait3A_198 : memref<128x128xf32, #tpu.memory_space<hbm>>)
      %dma_wait3A_203 = arith.constant 2 : i32
      %dma_wait3A_204 = arith.constant 0 : i32
      %dma_wait3A_205 = arith.constant 0 : i32
      %dma_wait3A_206 = tpu.memref_slice %arg6[%dma_wait3A_203, %dma_wait3A_204, %dma_wait3A_205] : memref<4x128x128xf32, #tpu.memory_space<vmem>> -> memref<1x128x128xf32, #tpu.memory_space<vmem>>
      %dma_wait3A_207 = tpu.memref_squeeze %dma_wait3A_206 : memref<1x128x128xf32, #tpu.memory_space<vmem>> -> memref<128x128xf32, #tpu.memory_space<vmem>>
      %dma_wait3A_208 = arith.constant 0 : i32
      %dma_wait3A_209 = tpu.memref_slice %arg4[%mul3A_134, %dma_wait3A_208] : memref<65536x128xf32, #tpu.memory_space<hbm>> -> memref<128x128xf32, #tpu.memory_space<hbm>>
      %dma_wait3A_210 = arith.constant 0 : i32
      %dma_wait3A_211 = tpu.memref_slice %arg4[%mul3A_134, %dma_wait3A_210] : memref<65536x128xf32, #tpu.memory_space<hbm>> -> memref<128x128xf32, #tpu.memory_space<hbm>>
      %dma_wait3A_212 = arith.constant 0 : i32
      %dma_wait3A_213 = arith.constant 0 : i32
      %dma_wait3A_214 = tpu.memref_slice %arg6[%dma_wait3A_203, %dma_wait3A_212, %dma_wait3A_213] : memref<4x128x128xf32, #tpu.memory_space<vmem>> -> memref<1x128x128xf32, #tpu.memory_space<vmem>>
      %dma_wait3A_215 = tpu.memref_squeeze %dma_wait3A_214 : memref<1x128x128xf32, #tpu.memory_space<vmem>> -> memref<128x128xf32, #tpu.memory_space<vmem>>
      tpu.wait_dma2 semaphore(%arg13 : memref<!tpu.dma_semaphore, #tpu.memory_space<semaphore_mem>>) src(%dma_wait3A_215 : memref<128x128xf32, #tpu.memory_space<vmem>>) dst(%dma_wait3A_211 : memref<128x128xf32, #tpu.memory_space<hbm>>)
      %dma_wait3A_216 = arith.constant 3 : i32
      %dma_wait3A_217 = arith.constant 0 : i32
      %dma_wait3A_218 = arith.constant 0 : i32
      %dma_wait3A_219 = tpu.memref_slice %arg6[%dma_wait3A_216, %dma_wait3A_217, %dma_wait3A_218] : memref<4x128x128xf32, #tpu.memory_space<vmem>> -> memref<1x128x128xf32, #tpu.memory_space<vmem>>
      %dma_wait3A_220 = tpu.memref_squeeze %dma_wait3A_219 : memref<1x128x128xf32, #tpu.memory_space<vmem>> -> memref<128x128xf32, #tpu.memory_space<vmem>>
      %dma_wait3A_221 = arith.constant 0 : i32
      %dma_wait3A_222 = tpu.memref_slice %arg4[%mul3A_163, %dma_wait3A_221] : memref<65536x128xf32, #tpu.memory_space<hbm>> -> memref<128x128xf32, #tpu.memory_space<hbm>>
      %dma_wait3A_223 = arith.constant 0 : i32
      %dma_wait3A_224 = tpu.memref_slice %arg4[%mul3A_163, %dma_wait3A_223] : memref<65536x128xf32, #tpu.memory_space<hbm>> -> memref<128x128xf32, #tpu.memory_space<hbm>>
      %dma_wait3A_225 = arith.constant 0 : i32
      %dma_wait3A_226 = arith.constant 0 : i32
      %dma_wait3A_227 = tpu.memref_slice %arg6[%dma_wait3A_216, %dma_wait3A_225, %dma_wait3A_226] : memref<4x128x128xf32, #tpu.memory_space<vmem>> -> memref<1x128x128xf32, #tpu.memory_space<vmem>>
      %dma_wait3A_228 = tpu.memref_squeeze %dma_wait3A_227 : memref<1x128x128xf32, #tpu.memory_space<vmem>> -> memref<128x128xf32, #tpu.memory_space<vmem>>
      tpu.wait_dma2 semaphore(%arg14 : memref<!tpu.dma_semaphore, #tpu.memory_space<semaphore_mem>>) src(%dma_wait3A_228 : memref<128x128xf32, #tpu.memory_space<vmem>>) dst(%dma_wait3A_224 : memref<128x128xf32, #tpu.memory_space<hbm>>)
    }
    %scan3A_7 = arith.constant 4 : i32
    return
  }
}

module attributes {stable_mosaic.version = 14 : i64} {
  func.func @_proj_body(%arg0: i32, %arg1: i32, %arg2: memref<1x512x1024xf32, #tpu.memory_space<vmem>>, %arg3: memref<1024x1024xf32, #tpu.memory_space<vmem>>, %arg4: memref<1024x1024xf32, #tpu.memory_space<vmem>>, %arg5: memref<1x16x512x64xf32, #tpu.memory_space<vmem>>, %arg6: memref<1x16x512x64xf32, #tpu.memory_space<vmem>>) attributes {dimension_semantics = [#tpu.dimension_semantics<arbitrary>, #tpu.dimension_semantics<arbitrary>], iteration_bounds = array<i64: 2, 4>, scalar_prefetch = 0 : i64, scratch_operands = 0 : i64, tpu.core_type = #tpu.core_type<tc>, window_params = [{transform_indices = @transform_0, window_bounds = array<i64: 1, 512, 1024>}, {pipeline_mode = #tpu.pipeline_mode<synchronous>, transform_indices = @transform_1, window_bounds = array<i64: 1024, 1024>}, {pipeline_mode = #tpu.pipeline_mode<synchronous>, transform_indices = @transform_2, window_bounds = array<i64: 1024, 1024>}, {transform_indices = @transform_3, window_bounds = array<i64: 1, 16, 512, 64>}, {transform_indices = @transform_4, window_bounds = array<i64: 1, 16, 512, 64>}]} {
    %get3A = arith.constant 0 : index
    %get3A_0 = arith.constant 0 : index
    %get3A_1 = arith.constant 0 : index
    %get3A_2 = vector.load %arg2[%get3A, %get3A_0, %get3A_1] : memref<1x512x1024xf32, #tpu.memory_space<vmem>>, vector<1x512x1024xf32>
    %get3A_3 = vector.shape_cast %get3A_2 : vector<1x512x1024xf32> to vector<512x1024xf32>
    %get3A_4 = arith.constant 0 : index
    %get3A_5 = arith.constant 0 : index
    %get3A_6 = vector.load %arg3[%get3A_4, %get3A_5] : memref<1024x1024xf32, #tpu.memory_space<vmem>>, vector<1024x1024xf32>
    %dot_general3A = arith.constant dense<0.000000e+00> : vector<512x1024xf32>
    %dot_general3A_7 = tpu.matmul %get3A_3, %get3A_6, %dot_general3A {dimension_numbers = #tpu.dot_dimension_numbers<[1], [0], [0], [1], [0, 0, 1, 1], [], []>, transpose_lhs_hint = false} : vector<512x1024xf32>, vector<1024x1024xf32>, vector<512x1024xf32> -> vector<512x1024xf32>
    %get3A_8 = arith.constant 0 : index
    %get3A_9 = arith.constant 0 : index
    %get3A_10 = vector.load %arg4[%get3A_8, %get3A_9] : memref<1024x1024xf32, #tpu.memory_space<vmem>>, vector<1024x1024xf32>
    %dot_general3A_11 = arith.constant dense<0.000000e+00> : vector<512x1024xf32>
    %dot_general3A_12 = tpu.matmul %get3A_3, %get3A_10, %dot_general3A_11 {dimension_numbers = #tpu.dot_dimension_numbers<[1], [0], [0], [1], [0, 0, 1, 1], [], []>, transpose_lhs_hint = false} : vector<512x1024xf32>, vector<1024x1024xf32>, vector<512x1024xf32> -> vector<512x1024xf32>
    %slice3A = vector.extract_strided_slice %dot_general3A_7 {offsets = [0, 0], sizes = [512, 64], strides = [1, 1]} : vector<512x1024xf32> to vector<512x64xf32>
    %swap3A = arith.constant 0 : index
    %swap3A_13 = arith.constant 0 : index
    %swap3A_14 = arith.constant 0 : index
    %swap3A_15 = arith.constant 0 : index
    %swap3A_16 = vector.load %arg5[%swap3A, %swap3A_13, %swap3A_14, %swap3A_15] : memref<1x16x512x64xf32, #tpu.memory_space<vmem>>, vector<1x1x512x64xf32>
    %swap3A_17 = vector.shape_cast %swap3A_16 : vector<1x1x512x64xf32> to vector<512x64xf32>
    %swap3A_18 = vector.shape_cast %slice3A : vector<512x64xf32> to vector<1x1x512x64xf32>
    tpu.vector_store %arg5[%swap3A, %swap3A_13, %swap3A_14, %swap3A_15], %swap3A_18 {strides = array<i32>} : memref<1x16x512x64xf32, #tpu.memory_space<vmem>>, vector<1x1x512x64xf32>,
    %slice3A_19 = vector.extract_strided_slice %dot_general3A_12 {offsets = [0, 0], sizes = [512, 64], strides = [1, 1]} : vector<512x1024xf32> to vector<512x64xf32>
    %swap3A_20 = arith.constant 0 : index
    %swap3A_21 = arith.constant 0 : index
    %swap3A_22 = arith.constant 0 : index
    %swap3A_23 = arith.constant 0 : index
    %swap3A_24 = vector.load %arg6[%swap3A_20, %swap3A_21, %swap3A_22, %swap3A_23] : memref<1x16x512x64xf32, #tpu.memory_space<vmem>>, vector<1x1x512x64xf32>
    %swap3A_25 = vector.shape_cast %swap3A_24 : vector<1x1x512x64xf32> to vector<512x64xf32>
    %swap3A_26 = vector.shape_cast %slice3A_19 : vector<512x64xf32> to vector<1x1x512x64xf32>
    tpu.vector_store %arg6[%swap3A_20, %swap3A_21, %swap3A_22, %swap3A_23], %swap3A_26 {strides = array<i32>} : memref<1x16x512x64xf32, #tpu.memory_space<vmem>>, vector<1x1x512x64xf32>,
    %slice3A_27 = vector.extract_strided_slice %dot_general3A_7 {offsets = [0, 64], sizes = [512, 64], strides = [1, 1]} : vector<512x1024xf32> to vector<512x64xf32>
    %swap3A_28 = arith.constant 0 : index
    %swap3A_29 = arith.constant 1 : index
    %swap3A_30 = arith.constant 0 : index
    %swap3A_31 = arith.constant 0 : index
    %swap3A_32 = vector.load %arg5[%swap3A_28, %swap3A_29, %swap3A_30, %swap3A_31] : memref<1x16x512x64xf32, #tpu.memory_space<vmem>>, vector<1x1x512x64xf32>
    %swap3A_33 = vector.shape_cast %swap3A_32 : vector<1x1x512x64xf32> to vector<512x64xf32>
    %swap3A_34 = vector.shape_cast %slice3A_27 : vector<512x64xf32> to vector<1x1x512x64xf32>
    tpu.vector_store %arg5[%swap3A_28, %swap3A_29, %swap3A_30, %swap3A_31], %swap3A_34 {strides = array<i32>} : memref<1x16x512x64xf32, #tpu.memory_space<vmem>>, vector<1x1x512x64xf32>,
    %slice3A_35 = vector.extract_strided_slice %dot_general3A_12 {offsets = [0, 64], sizes = [512, 64], strides = [1, 1]} : vector<512x1024xf32> to vector<512x64xf32>
    %swap3A_36 = arith.constant 0 : index
    %swap3A_37 = arith.constant 1 : index
    %swap3A_38 = arith.constant 0 : index
    %swap3A_39 = arith.constant 0 : index
    %swap3A_40 = vector.load %arg6[%swap3A_36, %swap3A_37, %swap3A_38, %swap3A_39] : memref<1x16x512x64xf32, #tpu.memory_space<vmem>>, vector<1x1x512x64xf32>
    %swap3A_41 = vector.shape_cast %swap3A_40 : vector<1x1x512x64xf32> to vector<512x64xf32>
    %swap3A_42 = vector.shape_cast %slice3A_35 : vector<512x64xf32> to vector<1x1x512x64xf32>
    tpu.vector_store %arg6[%swap3A_36, %swap3A_37, %swap3A_38, %swap3A_39], %swap3A_42 {strides = array<i32>} : memref<1x16x512x64xf32, #tpu.memory_space<vmem>>, vector<1x1x512x64xf32>,
    %slice3A_43 = vector.extract_strided_slice %dot_general3A_7 {offsets = [0, 128], sizes = [512, 64], strides = [1, 1]} : vector<512x1024xf32> to vector<512x64xf32>
    %swap3A_44 = arith.constant 0 : index
    %swap3A_45 = arith.constant 2 : index
    %swap3A_46 = arith.constant 0 : index
    %swap3A_47 = arith.constant 0 : index
    %swap3A_48 = vector.load %arg5[%swap3A_44, %swap3A_45, %swap3A_46, %swap3A_47] : memref<1x16x512x64xf32, #tpu.memory_space<vmem>>, vector<1x1x512x64xf32>
    %swap3A_49 = vector.shape_cast %swap3A_48 : vector<1x1x512x64xf32> to vector<512x64xf32>
    %swap3A_50 = vector.shape_cast %slice3A_43 : vector<512x64xf32> to vector<1x1x512x64xf32>
    tpu.vector_store %arg5[%swap3A_44, %swap3A_45, %swap3A_46, %swap3A_47], %swap3A_50 {strides = array<i32>} : memref<1x16x512x64xf32, #tpu.memory_space<vmem>>, vector<1x1x512x64xf32>,
    %slice3A_51 = vector.extract_strided_slice %dot_general3A_12 {offsets = [0, 128], sizes = [512, 64], strides = [1, 1]} : vector<512x1024xf32> to vector<512x64xf32>
    %swap3A_52 = arith.constant 0 : index
    %swap3A_53 = arith.constant 2 : index
    %swap3A_54 = arith.constant 0 : index
    %swap3A_55 = arith.constant 0 : index
    %swap3A_56 = vector.load %arg6[%swap3A_52, %swap3A_53, %swap3A_54, %swap3A_55] : memref<1x16x512x64xf32, #tpu.memory_space<vmem>>, vector<1x1x512x64xf32>
    %swap3A_57 = vector.shape_cast %swap3A_56 : vector<1x1x512x64xf32> to vector<512x64xf32>
    %swap3A_58 = vector.shape_cast %slice3A_51 : vector<512x64xf32> to vector<1x1x512x64xf32>
    tpu.vector_store %arg6[%swap3A_52, %swap3A_53, %swap3A_54, %swap3A_55], %swap3A_58 {strides = array<i32>} : memref<1x16x512x64xf32, #tpu.memory_space<vmem>>, vector<1x1x512x64xf32>,
    %slice3A_59 = vector.extract_strided_slice %dot_general3A_7 {offsets = [0, 192], sizes = [512, 64], strides = [1, 1]} : vector<512x1024xf32> to vector<512x64xf32>
    %swap3A_60 = arith.constant 0 : index
    %swap3A_61 = arith.constant 3 : index
    %swap3A_62 = arith.constant 0 : index
    %swap3A_63 = arith.constant 0 : index
    %swap3A_64 = vector.load %arg5[%swap3A_60, %swap3A_61, %swap3A_62, %swap3A_63] : memref<1x16x512x64xf32, #tpu.memory_space<vmem>>, vector<1x1x512x64xf32>
    %swap3A_65 = vector.shape_cast %swap3A_64 : vector<1x1x512x64xf32> to vector<512x64xf32>
    %swap3A_66 = vector.shape_cast %slice3A_59 : vector<512x64xf32> to vector<1x1x512x64xf32>
    tpu.vector_store %arg5[%swap3A_60, %swap3A_61, %swap3A_62, %swap3A_63], %swap3A_66 {strides = array<i32>} : memref<1x16x512x64xf32, #tpu.memory_space<vmem>>, vector<1x1x512x64xf32>,
    %slice3A_67 = vector.extract_strided_slice %dot_general3A_12 {offsets = [0, 192], sizes = [512, 64], strides = [1, 1]} : vector<512x1024xf32> to vector<512x64xf32>
    %swap3A_68 = arith.constant 0 : index
    %swap3A_69 = arith.constant 3 : index
    %swap3A_70 = arith.constant 0 : index
    %swap3A_71 = arith.constant 0 : index
    %swap3A_72 = vector.load %arg6[%swap3A_68, %swap3A_69, %swap3A_70, %swap3A_71] : memref<1x16x512x64xf32, #tpu.memory_space<vmem>>, vector<1x1x512x64xf32>
    %swap3A_73 = vector.shape_cast %swap3A_72 : vector<1x1x512x64xf32> to vector<512x64xf32>
    %swap3A_74 = vector.shape_cast %slice3A_67 : vector<512x64xf32> to vector<1x1x512x64xf32>
    tpu.vector_store %arg6[%swap3A_68, %swap3A_69, %swap3A_70, %swap3A_71], %swap3A_74 {strides = array<i32>} : memref<1x16x512x64xf32, #tpu.memory_space<vmem>>, vector<1x1x512x64xf32>,
    %slice3A_75 = vector.extract_strided_slice %dot_general3A_7 {offsets = [0, 256], sizes = [512, 64], strides = [1, 1]} : vector<512x1024xf32> to vector<512x64xf32>
    %swap3A_76 = arith.constant 0 : index
    %swap3A_77 = arith.constant 4 : index
    %swap3A_78 = arith.constant 0 : index
    %swap3A_79 = arith.constant 0 : index
    %swap3A_80 = vector.load %arg5[%swap3A_76, %swap3A_77, %swap3A_78, %swap3A_79] : memref<1x16x512x64xf32, #tpu.memory_space<vmem>>, vector<1x1x512x64xf32>
    %swap3A_81 = vector.shape_cast %swap3A_80 : vector<1x1x512x64xf32> to vector<512x64xf32>
    %swap3A_82 = vector.shape_cast %slice3A_75 : vector<512x64xf32> to vector<1x1x512x64xf32>
    tpu.vector_store %arg5[%swap3A_76, %swap3A_77, %swap3A_78, %swap3A_79], %swap3A_82 {strides = array<i32>} : memref<1x16x512x64xf32, #tpu.memory_space<vmem>>, vector<1x1x512x64xf32>,
    %slice3A_83 = vector.extract_strided_slice %dot_general3A_12 {offsets = [0, 256], sizes = [512, 64], strides = [1, 1]} : vector<512x1024xf32> to vector<512x64xf32>
    %swap3A_84 = arith.constant 0 : index
    %swap3A_85 = arith.constant 4 : index
    %swap3A_86 = arith.constant 0 : index
    %swap3A_87 = arith.constant 0 : index
    %swap3A_88 = vector.load %arg6[%swap3A_84, %swap3A_85, %swap3A_86, %swap3A_87] : memref<1x16x512x64xf32, #tpu.memory_space<vmem>>, vector<1x1x512x64xf32>
    %swap3A_89 = vector.shape_cast %swap3A_88 : vector<1x1x512x64xf32> to vector<512x64xf32>
    %swap3A_90 = vector.shape_cast %slice3A_83 : vector<512x64xf32> to vector<1x1x512x64xf32>
    tpu.vector_store %arg6[%swap3A_84, %swap3A_85, %swap3A_86, %swap3A_87], %swap3A_90 {strides = array<i32>} : memref<1x16x512x64xf32, #tpu.memory_space<vmem>>, vector<1x1x512x64xf32>,
    %slice3A_91 = vector.extract_strided_slice %dot_general3A_7 {offsets = [0, 320], sizes = [512, 64], strides = [1, 1]} : vector<512x1024xf32> to vector<512x64xf32>
    %swap3A_92 = arith.constant 0 : index
    %swap3A_93 = arith.constant 5 : index
    %swap3A_94 = arith.constant 0 : index
    %swap3A_95 = arith.constant 0 : index
    %swap3A_96 = vector.load %arg5[%swap3A_92, %swap3A_93, %swap3A_94, %swap3A_95] : memref<1x16x512x64xf32, #tpu.memory_space<vmem>>, vector<1x1x512x64xf32>
    %swap3A_97 = vector.shape_cast %swap3A_96 : vector<1x1x512x64xf32> to vector<512x64xf32>
    %swap3A_98 = vector.shape_cast %slice3A_91 : vector<512x64xf32> to vector<1x1x512x64xf32>
    tpu.vector_store %arg5[%swap3A_92, %swap3A_93, %swap3A_94, %swap3A_95], %swap3A_98 {strides = array<i32>} : memref<1x16x512x64xf32, #tpu.memory_space<vmem>>, vector<1x1x512x64xf32>,
    %slice3A_99 = vector.extract_strided_slice %dot_general3A_12 {offsets = [0, 320], sizes = [512, 64], strides = [1, 1]} : vector<512x1024xf32> to vector<512x64xf32>
    %swap3A_100 = arith.constant 0 : index
    %swap3A_101 = arith.constant 5 : index
    %swap3A_102 = arith.constant 0 : index
    %swap3A_103 = arith.constant 0 : index
    %swap3A_104 = vector.load %arg6[%swap3A_100, %swap3A_101, %swap3A_102, %swap3A_103] : memref<1x16x512x64xf32, #tpu.memory_space<vmem>>, vector<1x1x512x64xf32>
    %swap3A_105 = vector.shape_cast %swap3A_104 : vector<1x1x512x64xf32> to vector<512x64xf32>
    %swap3A_106 = vector.shape_cast %slice3A_99 : vector<512x64xf32> to vector<1x1x512x64xf32>
    tpu.vector_store %arg6[%swap3A_100, %swap3A_101, %swap3A_102, %swap3A_103], %swap3A_106 {strides = array<i32>} : memref<1x16x512x64xf32, #tpu.memory_space<vmem>>, vector<1x1x512x64xf32>,
    %slice3A_107 = vector.extract_strided_slice %dot_general3A_7 {offsets = [0, 384], sizes = [512, 64], strides = [1, 1]} : vector<512x1024xf32> to vector<512x64xf32>
    %swap3A_108 = arith.constant 0 : index
    %swap3A_109 = arith.constant 6 : index
    %swap3A_110 = arith.constant 0 : index
    %swap3A_111 = arith.constant 0 : index
    %swap3A_112 = vector.load %arg5[%swap3A_108, %swap3A_109, %swap3A_110, %swap3A_111] : memref<1x16x512x64xf32, #tpu.memory_space<vmem>>, vector<1x1x512x64xf32>
    %swap3A_113 = vector.shape_cast %swap3A_112 : vector<1x1x512x64xf32> to vector<512x64xf32>
    %swap3A_114 = vector.shape_cast %slice3A_107 : vector<512x64xf32> to vector<1x1x512x64xf32>
    tpu.vector_store %arg5[%swap3A_108, %swap3A_109, %swap3A_110, %swap3A_111], %swap3A_114 {strides = array<i32>} : memref<1x16x512x64xf32, #tpu.memory_space<vmem>>, vector<1x1x512x64xf32>,
    %slice3A_115 = vector.extract_strided_slice %dot_general3A_12 {offsets = [0, 384], sizes = [512, 64], strides = [1, 1]} : vector<512x1024xf32> to vector<512x64xf32>
    %swap3A_116 = arith.constant 0 : index
    %swap3A_117 = arith.constant 6 : index
    %swap3A_118 = arith.constant 0 : index
    %swap3A_119 = arith.constant 0 : index
    %swap3A_120 = vector.load %arg6[%swap3A_116, %swap3A_117, %swap3A_118, %swap3A_119] : memref<1x16x512x64xf32, #tpu.memory_space<vmem>>, vector<1x1x512x64xf32>
    %swap3A_121 = vector.shape_cast %swap3A_120 : vector<1x1x512x64xf32> to vector<512x64xf32>
    %swap3A_122 = vector.shape_cast %slice3A_115 : vector<512x64xf32> to vector<1x1x512x64xf32>
    tpu.vector_store %arg6[%swap3A_116, %swap3A_117, %swap3A_118, %swap3A_119], %swap3A_122 {strides = array<i32>} : memref<1x16x512x64xf32, #tpu.memory_space<vmem>>, vector<1x1x512x64xf32>,
    %slice3A_123 = vector.extract_strided_slice %dot_general3A_7 {offsets = [0, 448], sizes = [512, 64], strides = [1, 1]} : vector<512x1024xf32> to vector<512x64xf32>
    %swap3A_124 = arith.constant 0 : index
    %swap3A_125 = arith.constant 7 : index
    %swap3A_126 = arith.constant 0 : index
    %swap3A_127 = arith.constant 0 : index
    %swap3A_128 = vector.load %arg5[%swap3A_124, %swap3A_125, %swap3A_126, %swap3A_127] : memref<1x16x512x64xf32, #tpu.memory_space<vmem>>, vector<1x1x512x64xf32>
    %swap3A_129 = vector.shape_cast %swap3A_128 : vector<1x1x512x64xf32> to vector<512x64xf32>
    %swap3A_130 = vector.shape_cast %slice3A_123 : vector<512x64xf32> to vector<1x1x512x64xf32>
    tpu.vector_store %arg5[%swap3A_124, %swap3A_125, %swap3A_126, %swap3A_127], %swap3A_130 {strides = array<i32>} : memref<1x16x512x64xf32, #tpu.memory_space<vmem>>, vector<1x1x512x64xf32>,
    %slice3A_131 = vector.extract_strided_slice %dot_general3A_12 {offsets = [0, 448], sizes = [512, 64], strides = [1, 1]} : vector<512x1024xf32> to vector<512x64xf32>
    %swap3A_132 = arith.constant 0 : index
    %swap3A_133 = arith.constant 7 : index
    %swap3A_134 = arith.constant 0 : index
    %swap3A_135 = arith.constant 0 : index
    %swap3A_136 = vector.load %arg6[%swap3A_132, %swap3A_133, %swap3A_134, %swap3A_135] : memref<1x16x512x64xf32, #tpu.memory_space<vmem>>, vector<1x1x512x64xf32>
    %swap3A_137 = vector.shape_cast %swap3A_136 : vector<1x1x512x64xf32> to vector<512x64xf32>
    %swap3A_138 = vector.shape_cast %slice3A_131 : vector<512x64xf32> to vector<1x1x512x64xf32>
    tpu.vector_store %arg6[%swap3A_132, %swap3A_133, %swap3A_134, %swap3A_135], %swap3A_138 {strides = array<i32>} : memref<1x16x512x64xf32, #tpu.memory_space<vmem>>, vector<1x1x512x64xf32>,
    %slice3A_139 = vector.extract_strided_slice %dot_general3A_7 {offsets = [0, 512], sizes = [512, 64], strides = [1, 1]} : vector<512x1024xf32> to vector<512x64xf32>
    %swap3A_140 = arith.constant 0 : index
    %swap3A_141 = arith.constant 8 : index
    %swap3A_142 = arith.constant 0 : index
    %swap3A_143 = arith.constant 0 : index
    %swap3A_144 = vector.load %arg5[%swap3A_140, %swap3A_141, %swap3A_142, %swap3A_143] : memref<1x16x512x64xf32, #tpu.memory_space<vmem>>, vector<1x1x512x64xf32>
    %swap3A_145 = vector.shape_cast %swap3A_144 : vector<1x1x512x64xf32> to vector<512x64xf32>
    %swap3A_146 = vector.shape_cast %slice3A_139 : vector<512x64xf32> to vector<1x1x512x64xf32>
    tpu.vector_store %arg5[%swap3A_140, %swap3A_141, %swap3A_142, %swap3A_143], %swap3A_146 {strides = array<i32>} : memref<1x16x512x64xf32, #tpu.memory_space<vmem>>, vector<1x1x512x64xf32>,
    %slice3A_147 = vector.extract_strided_slice %dot_general3A_12 {offsets = [0, 512], sizes = [512, 64], strides = [1, 1]} : vector<512x1024xf32> to vector<512x64xf32>
    %swap3A_148 = arith.constant 0 : index
    %swap3A_149 = arith.constant 8 : index
    %swap3A_150 = arith.constant 0 : index
    %swap3A_151 = arith.constant 0 : index
    %swap3A_152 = vector.load %arg6[%swap3A_148, %swap3A_149, %swap3A_150, %swap3A_151] : memref<1x16x512x64xf32, #tpu.memory_space<vmem>>, vector<1x1x512x64xf32>
    %swap3A_153 = vector.shape_cast %swap3A_152 : vector<1x1x512x64xf32> to vector<512x64xf32>
    %swap3A_154 = vector.shape_cast %slice3A_147 : vector<512x64xf32> to vector<1x1x512x64xf32>
    tpu.vector_store %arg6[%swap3A_148, %swap3A_149, %swap3A_150, %swap3A_151], %swap3A_154 {strides = array<i32>} : memref<1x16x512x64xf32, #tpu.memory_space<vmem>>, vector<1x1x512x64xf32>,
    %slice3A_155 = vector.extract_strided_slice %dot_general3A_7 {offsets = [0, 576], sizes = [512, 64], strides = [1, 1]} : vector<512x1024xf32> to vector<512x64xf32>
    %swap3A_156 = arith.constant 0 : index
    %swap3A_157 = arith.constant 9 : index
    %swap3A_158 = arith.constant 0 : index
    %swap3A_159 = arith.constant 0 : index
    %swap3A_160 = vector.load %arg5[%swap3A_156, %swap3A_157, %swap3A_158, %swap3A_159] : memref<1x16x512x64xf32, #tpu.memory_space<vmem>>, vector<1x1x512x64xf32>
    %swap3A_161 = vector.shape_cast %swap3A_160 : vector<1x1x512x64xf32> to vector<512x64xf32>
    %swap3A_162 = vector.shape_cast %slice3A_155 : vector<512x64xf32> to vector<1x1x512x64xf32>
    tpu.vector_store %arg5[%swap3A_156, %swap3A_157, %swap3A_158, %swap3A_159], %swap3A_162 {strides = array<i32>} : memref<1x16x512x64xf32, #tpu.memory_space<vmem>>, vector<1x1x512x64xf32>,
    %slice3A_163 = vector.extract_strided_slice %dot_general3A_12 {offsets = [0, 576], sizes = [512, 64], strides = [1, 1]} : vector<512x1024xf32> to vector<512x64xf32>
    %swap3A_164 = arith.constant 0 : index
    %swap3A_165 = arith.constant 9 : index
    %swap3A_166 = arith.constant 0 : index
    %swap3A_167 = arith.constant 0 : index
    %swap3A_168 = vector.load %arg6[%swap3A_164, %swap3A_165, %swap3A_166, %swap3A_167] : memref<1x16x512x64xf32, #tpu.memory_space<vmem>>, vector<1x1x512x64xf32>
    %swap3A_169 = vector.shape_cast %swap3A_168 : vector<1x1x512x64xf32> to vector<512x64xf32>
    %swap3A_170 = vector.shape_cast %slice3A_163 : vector<512x64xf32> to vector<1x1x512x64xf32>
    tpu.vector_store %arg6[%swap3A_164, %swap3A_165, %swap3A_166, %swap3A_167], %swap3A_170 {strides = array<i32>} : memref<1x16x512x64xf32, #tpu.memory_space<vmem>>, vector<1x1x512x64xf32>,
    %slice3A_171 = vector.extract_strided_slice %dot_general3A_7 {offsets = [0, 640], sizes = [512, 64], strides = [1, 1]} : vector<512x1024xf32> to vector<512x64xf32>
    %swap3A_172 = arith.constant 0 : index
    %swap3A_173 = arith.constant 10 : index
    %swap3A_174 = arith.constant 0 : index
    %swap3A_175 = arith.constant 0 : index
    %swap3A_176 = vector.load %arg5[%swap3A_172, %swap3A_173, %swap3A_174, %swap3A_175] : memref<1x16x512x64xf32, #tpu.memory_space<vmem>>, vector<1x1x512x64xf32>
    %swap3A_177 = vector.shape_cast %swap3A_176 : vector<1x1x512x64xf32> to vector<512x64xf32>
    %swap3A_178 = vector.shape_cast %slice3A_171 : vector<512x64xf32> to vector<1x1x512x64xf32>
    tpu.vector_store %arg5[%swap3A_172, %swap3A_173, %swap3A_174, %swap3A_175], %swap3A_178 {strides = array<i32>} : memref<1x16x512x64xf32, #tpu.memory_space<vmem>>, vector<1x1x512x64xf32>,
    %slice3A_179 = vector.extract_strided_slice %dot_general3A_12 {offsets = [0, 640], sizes = [512, 64], strides = [1, 1]} : vector<512x1024xf32> to vector<512x64xf32>
    %swap3A_180 = arith.constant 0 : index
    %swap3A_181 = arith.constant 10 : index
    %swap3A_182 = arith.constant 0 : index
    %swap3A_183 = arith.constant 0 : index
    %swap3A_184 = vector.load %arg6[%swap3A_180, %swap3A_181, %swap3A_182, %swap3A_183] : memref<1x16x512x64xf32, #tpu.memory_space<vmem>>, vector<1x1x512x64xf32>
    %swap3A_185 = vector.shape_cast %swap3A_184 : vector<1x1x512x64xf32> to vector<512x64xf32>
    %swap3A_186 = vector.shape_cast %slice3A_179 : vector<512x64xf32> to vector<1x1x512x64xf32>
    tpu.vector_store %arg6[%swap3A_180, %swap3A_181, %swap3A_182, %swap3A_183], %swap3A_186 {strides = array<i32>} : memref<1x16x512x64xf32, #tpu.memory_space<vmem>>, vector<1x1x512x64xf32>,
    %slice3A_187 = vector.extract_strided_slice %dot_general3A_7 {offsets = [0, 704], sizes = [512, 64], strides = [1, 1]} : vector<512x1024xf32> to vector<512x64xf32>
    %swap3A_188 = arith.constant 0 : index
    %swap3A_189 = arith.constant 11 : index
    %swap3A_190 = arith.constant 0 : index
    %swap3A_191 = arith.constant 0 : index
    %swap3A_192 = vector.load %arg5[%swap3A_188, %swap3A_189, %swap3A_190, %swap3A_191] : memref<1x16x512x64xf32, #tpu.memory_space<vmem>>, vector<1x1x512x64xf32>
    %swap3A_193 = vector.shape_cast %swap3A_192 : vector<1x1x512x64xf32> to vector<512x64xf32>
    %swap3A_194 = vector.shape_cast %slice3A_187 : vector<512x64xf32> to vector<1x1x512x64xf32>
    tpu.vector_store %arg5[%swap3A_188, %swap3A_189, %swap3A_190, %swap3A_191], %swap3A_194 {strides = array<i32>} : memref<1x16x512x64xf32, #tpu.memory_space<vmem>>, vector<1x1x512x64xf32>,
    %slice3A_195 = vector.extract_strided_slice %dot_general3A_12 {offsets = [0, 704], sizes = [512, 64], strides = [1, 1]} : vector<512x1024xf32> to vector<512x64xf32>
    %swap3A_196 = arith.constant 0 : index
    %swap3A_197 = arith.constant 11 : index
    %swap3A_198 = arith.constant 0 : index
    %swap3A_199 = arith.constant 0 : index
    %swap3A_200 = vector.load %arg6[%swap3A_196, %swap3A_197, %swap3A_198, %swap3A_199] : memref<1x16x512x64xf32, #tpu.memory_space<vmem>>, vector<1x1x512x64xf32>
    %swap3A_201 = vector.shape_cast %swap3A_200 : vector<1x1x512x64xf32> to vector<512x64xf32>
    %swap3A_202 = vector.shape_cast %slice3A_195 : vector<512x64xf32> to vector<1x1x512x64xf32>
    tpu.vector_store %arg6[%swap3A_196, %swap3A_197, %swap3A_198, %swap3A_199], %swap3A_202 {strides = array<i32>} : memref<1x16x512x64xf32, #tpu.memory_space<vmem>>, vector<1x1x512x64xf32>,
    %slice3A_203 = vector.extract_strided_slice %dot_general3A_7 {offsets = [0, 768], sizes = [512, 64], strides = [1, 1]} : vector<512x1024xf32> to vector<512x64xf32>
    %swap3A_204 = arith.constant 0 : index
    %swap3A_205 = arith.constant 12 : index
    %swap3A_206 = arith.constant 0 : index
    %swap3A_207 = arith.constant 0 : index
    %swap3A_208 = vector.load %arg5[%swap3A_204, %swap3A_205, %swap3A_206, %swap3A_207] : memref<1x16x512x64xf32, #tpu.memory_space<vmem>>, vector<1x1x512x64xf32>
    %swap3A_209 = vector.shape_cast %swap3A_208 : vector<1x1x512x64xf32> to vector<512x64xf32>
    %swap3A_210 = vector.shape_cast %slice3A_203 : vector<512x64xf32> to vector<1x1x512x64xf32>
    tpu.vector_store %arg5[%swap3A_204, %swap3A_205, %swap3A_206, %swap3A_207], %swap3A_210 {strides = array<i32>} : memref<1x16x512x64xf32, #tpu.memory_space<vmem>>, vector<1x1x512x64xf32>,
    %slice3A_211 = vector.extract_strided_slice %dot_general3A_12 {offsets = [0, 768], sizes = [512, 64], strides = [1, 1]} : vector<512x1024xf32> to vector<512x64xf32>
    %swap3A_212 = arith.constant 0 : index
    %swap3A_213 = arith.constant 12 : index
    %swap3A_214 = arith.constant 0 : index
    %swap3A_215 = arith.constant 0 : index
    %swap3A_216 = vector.load %arg6[%swap3A_212, %swap3A_213, %swap3A_214, %swap3A_215] : memref<1x16x512x64xf32, #tpu.memory_space<vmem>>, vector<1x1x512x64xf32>
    %swap3A_217 = vector.shape_cast %swap3A_216 : vector<1x1x512x64xf32> to vector<512x64xf32>
    %swap3A_218 = vector.shape_cast %slice3A_211 : vector<512x64xf32> to vector<1x1x512x64xf32>
    tpu.vector_store %arg6[%swap3A_212, %swap3A_213, %swap3A_214, %swap3A_215], %swap3A_218 {strides = array<i32>} : memref<1x16x512x64xf32, #tpu.memory_space<vmem>>, vector<1x1x512x64xf32>,
    %slice3A_219 = vector.extract_strided_slice %dot_general3A_7 {offsets = [0, 832], sizes = [512, 64], strides = [1, 1]} : vector<512x1024xf32> to vector<512x64xf32>
    %swap3A_220 = arith.constant 0 : index
    %swap3A_221 = arith.constant 13 : index
    %swap3A_222 = arith.constant 0 : index
    %swap3A_223 = arith.constant 0 : index
    %swap3A_224 = vector.load %arg5[%swap3A_220, %swap3A_221, %swap3A_222, %swap3A_223] : memref<1x16x512x64xf32, #tpu.memory_space<vmem>>, vector<1x1x512x64xf32>
    %swap3A_225 = vector.shape_cast %swap3A_224 : vector<1x1x512x64xf32> to vector<512x64xf32>
    %swap3A_226 = vector.shape_cast %slice3A_219 : vector<512x64xf32> to vector<1x1x512x64xf32>
    tpu.vector_store %arg5[%swap3A_220, %swap3A_221, %swap3A_222, %swap3A_223], %swap3A_226 {strides = array<i32>} : memref<1x16x512x64xf32, #tpu.memory_space<vmem>>, vector<1x1x512x64xf32>,
    %slice3A_227 = vector.extract_strided_slice %dot_general3A_12 {offsets = [0, 832], sizes = [512, 64], strides = [1, 1]} : vector<512x1024xf32> to vector<512x64xf32>
    %swap3A_228 = arith.constant 0 : index
    %swap3A_229 = arith.constant 13 : index
    %swap3A_230 = arith.constant 0 : index
    %swap3A_231 = arith.constant 0 : index
    %swap3A_232 = vector.load %arg6[%swap3A_228, %swap3A_229, %swap3A_230, %swap3A_231] : memref<1x16x512x64xf32, #tpu.memory_space<vmem>>, vector<1x1x512x64xf32>
    %swap3A_233 = vector.shape_cast %swap3A_232 : vector<1x1x512x64xf32> to vector<512x64xf32>
    %swap3A_234 = vector.shape_cast %slice3A_227 : vector<512x64xf32> to vector<1x1x512x64xf32>
    tpu.vector_store %arg6[%swap3A_228, %swap3A_229, %swap3A_230, %swap3A_231], %swap3A_234 {strides = array<i32>} : memref<1x16x512x64xf32, #tpu.memory_space<vmem>>, vector<1x1x512x64xf32>,
    %slice3A_235 = vector.extract_strided_slice %dot_general3A_7 {offsets = [0, 896], sizes = [512, 64], strides = [1, 1]} : vector<512x1024xf32> to vector<512x64xf32>
    %swap3A_236 = arith.constant 0 : index
    %swap3A_237 = arith.constant 14 : index
    %swap3A_238 = arith.constant 0 : index
    %swap3A_239 = arith.constant 0 : index
    %swap3A_240 = vector.load %arg5[%swap3A_236, %swap3A_237, %swap3A_238, %swap3A_239] : memref<1x16x512x64xf32, #tpu.memory_space<vmem>>, vector<1x1x512x64xf32>
    %swap3A_241 = vector.shape_cast %swap3A_240 : vector<1x1x512x64xf32> to vector<512x64xf32>
    %swap3A_242 = vector.shape_cast %slice3A_235 : vector<512x64xf32> to vector<1x1x512x64xf32>
    tpu.vector_store %arg5[%swap3A_236, %swap3A_237, %swap3A_238, %swap3A_239], %swap3A_242 {strides = array<i32>} : memref<1x16x512x64xf32, #tpu.memory_space<vmem>>, vector<1x1x512x64xf32>,
    %slice3A_243 = vector.extract_strided_slice %dot_general3A_12 {offsets = [0, 896], sizes = [512, 64], strides = [1, 1]} : vector<512x1024xf32> to vector<512x64xf32>
    %swap3A_244 = arith.constant 0 : index
    %swap3A_245 = arith.constant 14 : index
    %swap3A_246 = arith.constant 0 : index
    %swap3A_247 = arith.constant 0 : index
    %swap3A_248 = vector.load %arg6[%swap3A_244, %swap3A_245, %swap3A_246, %swap3A_247] : memref<1x16x512x64xf32, #tpu.memory_space<vmem>>, vector<1x1x512x64xf32>
    %swap3A_249 = vector.shape_cast %swap3A_248 : vector<1x1x512x64xf32> to vector<512x64xf32>
    %swap3A_250 = vector.shape_cast %slice3A_243 : vector<512x64xf32> to vector<1x1x512x64xf32>
    tpu.vector_store %arg6[%swap3A_244, %swap3A_245, %swap3A_246, %swap3A_247], %swap3A_250 {strides = array<i32>} : memref<1x16x512x64xf32, #tpu.memory_space<vmem>>, vector<1x1x512x64xf32>,
    %slice3A_251 = vector.extract_strided_slice %dot_general3A_7 {offsets = [0, 960], sizes = [512, 64], strides = [1, 1]} : vector<512x1024xf32> to vector<512x64xf32>
    %swap3A_252 = arith.constant 0 : index
    %swap3A_253 = arith.constant 15 : index
    %swap3A_254 = arith.constant 0 : index
    %swap3A_255 = arith.constant 0 : index
    %swap3A_256 = vector.load %arg5[%swap3A_252, %swap3A_253, %swap3A_254, %swap3A_255] : memref<1x16x512x64xf32, #tpu.memory_space<vmem>>, vector<1x1x512x64xf32>
    %swap3A_257 = vector.shape_cast %swap3A_256 : vector<1x1x512x64xf32> to vector<512x64xf32>
    %swap3A_258 = vector.shape_cast %slice3A_251 : vector<512x64xf32> to vector<1x1x512x64xf32>
    tpu.vector_store %arg5[%swap3A_252, %swap3A_253, %swap3A_254, %swap3A_255], %swap3A_258 {strides = array<i32>} : memref<1x16x512x64xf32, #tpu.memory_space<vmem>>, vector<1x1x512x64xf32>,
    %slice3A_259 = vector.extract_strided_slice %dot_general3A_12 {offsets = [0, 960], sizes = [512, 64], strides = [1, 1]} : vector<512x1024xf32> to vector<512x64xf32>
    %swap3A_260 = arith.constant 0 : index
    %swap3A_261 = arith.constant 15 : index
    %swap3A_262 = arith.constant 0 : index
    %swap3A_263 = arith.constant 0 : index
    %swap3A_264 = vector.load %arg6[%swap3A_260, %swap3A_261, %swap3A_262, %swap3A_263] : memref<1x16x512x64xf32, #tpu.memory_space<vmem>>, vector<1x1x512x64xf32>
    %swap3A_265 = vector.shape_cast %swap3A_264 : vector<1x1x512x64xf32> to vector<512x64xf32>
    %swap3A_266 = vector.shape_cast %slice3A_259 : vector<512x64xf32> to vector<1x1x512x64xf32>
    tpu.vector_store %arg6[%swap3A_260, %swap3A_261, %swap3A_262, %swap3A_263], %swap3A_266 {strides = array<i32>} : memref<1x16x512x64xf32, #tpu.memory_space<vmem>>, vector<1x1x512x64xf32>,
    return
  }
  func.func @transform_0(%arg0: i32, %arg1: i32) -> (i32, i32, i32) {
    %c0_i32 = arith.constant 0 : i32
    %c0_i32_0 = arith.constant 0 : i32
    return %arg0, %arg1, %c0_i32 : i32, i32, i32
  }
  func.func @transform_1(%arg0: i32, %arg1: i32) -> (i32, i32) {
    %c0_i32 = arith.constant 0 : i32
    %c0_i32_0 = arith.constant 0 : i32
    %c0_i32_1 = arith.constant 0 : i32
    return %c0_i32, %c0_i32_0 : i32, i32
  }
  func.func @transform_2(%arg0: i32, %arg1: i32) -> (i32, i32) {
    %c0_i32 = arith.constant 0 : i32
    %c0_i32_0 = arith.constant 0 : i32
    %c0_i32_1 = arith.constant 0 : i32
    return %c0_i32, %c0_i32_0 : i32, i32
  }
  func.func @transform_3(%arg0: i32, %arg1: i32) -> (i32, i32, i32, i32) {
    %c0_i32 = arith.constant 0 : i32
    %c0_i32_0 = arith.constant 0 : i32
    %c0_i32_1 = arith.constant 0 : i32
    return %arg0, %c0_i32, %arg1, %c0_i32_0 : i32, i32, i32, i32
  }
  func.func @transform_4(%arg0: i32, %arg1: i32) -> (i32, i32, i32, i32) {
    %c0_i32 = arith.constant 0 : i32
    %c0_i32_0 = arith.constant 0 : i32
    %c0_i32_1 = arith.constant 0 : i32
    return %arg0, %c0_i32, %arg1, %c0_i32_0 : i32, i32, i32, i32
  }
}

module attributes {stable_mosaic.version = 14 : i64} {
  func.func @_hash_body(%arg0: i32, %arg1: memref<1x1x2048x64xf32, #tpu.memory_space<vmem>>, %arg2: memref<1x1x2048x64xf32, #tpu.memory_space<vmem>>, %arg3: memref<2x64x64xf32, #tpu.memory_space<vmem>>, %arg4: memref<1x4096x1xi32, #tpu.memory_space<vmem>>, %arg5: memref<1x2048x128xf32, #tpu.memory_space<vmem>>, %arg6: memref<1x64x64xf32, #tpu.memory_space<vmem>>) attributes {dimension_semantics = [#tpu.dimension_semantics<arbitrary>], iteration_bounds = array<i64: 16>, scalar_prefetch = 0 : i64, scratch_operands = 0 : i64, tpu.core_type = #tpu.core_type<tc>, window_params = [{transform_indices = @transform_0, window_bounds = array<i64: 1, 1, 2048, 64>}, {transform_indices = @transform_1, window_bounds = array<i64: 1, 1, 2048, 64>}, {pipeline_mode = #tpu.pipeline_mode<synchronous>, transform_indices = @transform_2, window_bounds = array<i64: 2, 64, 64>}, {transform_indices = @transform_3, window_bounds = array<i64: 1, 4096, 1>}, {transform_indices = @transform_4, window_bounds = array<i64: 1, 2048, 128>}, {transform_indices = @transform_5, window_bounds = array<i64: 1, 64, 64>}]} {
    %get3A = arith.constant 0 : index
    %get3A_0 = arith.constant 0 : index
    %get3A_1 = arith.constant 0 : index
    %get3A_2 = arith.constant 0 : index
    %get3A_3 = vector.load %arg1[%get3A, %get3A_0, %get3A_1, %get3A_2] : memref<1x1x2048x64xf32, #tpu.memory_space<vmem>>, vector<1x1x2048x64xf32>
    %get3A_4 = vector.shape_cast %get3A_3 : vector<1x1x2048x64xf32> to vector<2048x64xf32>
    %get3A_5 = arith.constant 0 : index
    %get3A_6 = arith.constant 0 : index
    %get3A_7 = arith.constant 0 : index
    %get3A_8 = arith.constant 0 : index
    %get3A_9 = vector.load %arg2[%get3A_5, %get3A_6, %get3A_7, %get3A_8] : memref<1x1x2048x64xf32, #tpu.memory_space<vmem>>, vector<1x1x2048x64xf32>
    %get3A_10 = vector.shape_cast %get3A_9 : vector<1x1x2048x64xf32> to vector<2048x64xf32>
    %concatenate3A = tpu.concatenate %get3A_4, %get3A_10 in 1 : vector<2048x64xf32>, vector<2048x64xf32> -> vector<2048x128xf32>
    %swap3A = arith.constant 0 : index
    %swap3A_11 = arith.constant 0 : index
    %swap3A_12 = arith.constant 0 : index
    %swap3A_13 = vector.load %arg5[%swap3A, %swap3A_11, %swap3A_12] : memref<1x2048x128xf32, #tpu.memory_space<vmem>>, vector<1x2048x128xf32>
    %swap3A_14 = vector.shape_cast %swap3A_13 : vector<1x2048x128xf32> to vector<2048x128xf32>
    %swap3A_15 = vector.shape_cast %concatenate3A : vector<2048x128xf32> to vector<1x2048x128xf32>
    tpu.vector_store %arg5[%swap3A, %swap3A_11, %swap3A_12], %swap3A_15 {strides = array<i32>} : memref<1x2048x128xf32, #tpu.memory_space<vmem>>, vector<1x2048x128xf32>,
    %iota3A = tpu.iota {dimensions = array<i32: 0>} : vector<128x128xi32>
    %iota3A_16 = tpu.iota {dimensions = array<i32: 1>} : vector<128x128xi32>
    %gt3A = arith.cmpi sgt, %iota3A, %iota3A_16 : vector<128x128xi32>
    %convert_element_type3A = arith.extui %gt3A : vector<128x128xi1> to vector<128x128xi32>
    %convert_element_type3A_17 = arith.sitofp %convert_element_type3A : vector<128x128xi32> to vector<128x128xf32>
    %iota3A_18 = tpu.iota {dimensions = array<i32: 0>} : vector<128x128xi32>
    %iota3A_19 = tpu.iota {dimensions = array<i32: 1>} : vector<128x128xi32>
    %lt3A = arith.cmpi slt, %iota3A_18, %iota3A_19 : vector<128x128xi32>
    %convert_element_type3A_20 = arith.extui %lt3A : vector<128x128xi1> to vector<128x128xi32>
    %convert_element_type3A_21 = arith.sitofp %convert_element_type3A_20 : vector<128x128xi32> to vector<128x128xf32>
    %get3A_22 = arith.constant 0 : index
    %get3A_23 = arith.constant 0 : index
    %get3A_24 = arith.constant 0 : index
    %get3A_25 = vector.load %arg3[%get3A_22, %get3A_23, %get3A_24] : memref<2x64x64xf32, #tpu.memory_space<vmem>>, vector<1x64x64xf32>
    %get3A_26 = vector.shape_cast %get3A_25 : vector<1x64x64xf32> to vector<64x64xf32>
    %get3A_27 = arith.constant 1 : index
    %get3A_28 = arith.constant 0 : index
    %get3A_29 = arith.constant 0 : index
    %get3A_30 = vector.load %arg3[%get3A_27, %get3A_28, %get3A_29] : memref<2x64x64xf32, #tpu.memory_space<vmem>>, vector<1x64x64xf32>
    %get3A_31 = vector.shape_cast %get3A_30 : vector<1x64x64xf32> to vector<64x64xf32>
    %concatenate3A_32 = tpu.concatenate %get3A_26, %get3A_31 in 1 : vector<64x64xf32>, vector<64x64xf32> -> vector<64x128xf32>
    %dot_general3A = arith.constant dense<0.000000e+00> : vector<2048x128xf32>
    %dot_general3A_33 = tpu.matmul %get3A_4, %concatenate3A_32, %dot_general3A {dimension_numbers = #tpu.dot_dimension_numbers<[1], [0], [0], [1], [0, 0, 1, 1], [], []>, transpose_lhs_hint = false} : vector<2048x64xf32>, vector<64x128xf32>, vector<2048x128xf32> -> vector<2048x128xf32>
    %slice3A = vector.extract_strided_slice %dot_general3A_33 {offsets = [0, 0], sizes = [2048, 64], strides = [1, 1]} : vector<2048x128xf32> to vector<2048x64xf32>
    %argmax3A = tpu.reduce_index %slice3A {axis = 1 : i32, kind = #tpu.reduction_kind<arg_max>} : vector<2048x64xf32> -> vector<2048xi32>
    %broadcast_in_dim3A = vector.shape_cast %argmax3A : vector<2048xi32> to vector<2048x1xi32>
    %add3A = arith.constant 0 : i32
    %add3A_34 = vector.broadcast %add3A : i32 to vector<2048x1xi32>
    %add3A_35 = arith.addi %broadcast_in_dim3A, %add3A_34 : vector<2048x1xi32>
    %slice3A_36 = vector.extract_strided_slice %dot_general3A_33 {offsets = [0, 64], sizes = [2048, 64], strides = [1, 1]} : vector<2048x128xf32> to vector<2048x64xf32>
    %argmax3A_37 = tpu.reduce_index %slice3A_36 {axis = 1 : i32, kind = #tpu.reduction_kind<arg_max>} : vector<2048x64xf32> -> vector<2048xi32>
    %broadcast_in_dim3A_38 = vector.shape_cast %argmax3A_37 : vector<2048xi32> to vector<2048x1xi32>
    %add3A_39 = arith.constant 64 : i32
    %add3A_40 = vector.broadcast %add3A_39 : i32 to vector<2048x1xi32>
    %add3A_41 = arith.addi %broadcast_in_dim3A_38, %add3A_40 : vector<2048x1xi32>
    %concatenate3A_42 = tpu.concatenate %add3A_35, %add3A_41 in 0 : vector<2048x1xi32>, vector<2048x1xi32> -> vector<4096x1xi32>
    %iota3A_43 = tpu.iota {dimensions = array<i32: 1>} : vector<4096x128xi32>
    %eq3A = vector.broadcast %concatenate3A_42 : vector<4096x1xi32> to vector<4096x128xi32>
    %eq3A_44 = arith.cmpi eq, %iota3A_43, %eq3A : vector<4096x128xi32>
    %convert_element_type3A_45 = arith.extui %eq3A_44 : vector<4096x128xi1> to vector<4096x128xi32>
    %convert_element_type3A_46 = arith.sitofp %convert_element_type3A_45 : vector<4096x128xi32> to vector<4096x128xf32>
    %broadcast_in_dim3A_47 = arith.constant 0.000000e+00 : f32
    %broadcast_in_dim3A_48 = vector.broadcast %broadcast_in_dim3A_47 : f32 to vector<1x128xf32>
    %slice3A_49 = vector.extract_strided_slice %convert_element_type3A_46 {offsets = [0, 0], sizes = [128, 128], strides = [1, 1]} : vector<4096x128xf32> to vector<128x128xf32>
    %dot_general3A_50 = arith.constant dense<0.000000e+00> : vector<128x128xf32>
    %dot_general3A_51 = tpu.matmul %convert_element_type3A_17, %slice3A_49, %dot_general3A_50 {dimension_numbers = #tpu.dot_dimension_numbers<[1], [0], [0], [1], [0, 0, 1, 1], [], []>, transpose_lhs_hint = false} : vector<128x128xf32>, vector<128x128xf32>, vector<128x128xf32> -> vector<128x128xf32>
    %add3A_52 = vector.broadcast %broadcast_in_dim3A_48 : vector<1x128xf32> to vector<128x128xf32>
    %add3A_53 = arith.addf %dot_general3A_51, %add3A_52 : vector<128x128xf32>
    %mul3A = arith.mulf %add3A_53, %slice3A_49 : vector<128x128xf32>
    %reduce_sum3A = arith.constant dense<0.000000e+00> : vector<128xf32>
    %reduce_sum3A_54 = vector.multi_reduction <add>, %mul3A, %reduce_sum3A [1] : vector<128x128xf32> to vector<128xf32>
    %broadcast_in_dim3A_55 = vector.shape_cast %reduce_sum3A_54 : vector<128xf32> to vector<128x1xf32>
    %reduce_sum3A_56 = arith.constant dense<0.000000e+00> : vector<128xf32>
    %reduce_sum3A_57 = vector.multi_reduction <add>, %slice3A_49, %reduce_sum3A_56 [0] : vector<128x128xf32> to vector<128xf32>
    %broadcast_in_dim3A_58 = vector.shape_cast %reduce_sum3A_57 : vector<128xf32> to vector<1x128xf32>
    %add3A_59 = arith.addf %broadcast_in_dim3A_48, %broadcast_in_dim3A_58 : vector<1x128xf32>
    %slice3A_60 = vector.extract_strided_slice %convert_element_type3A_46 {offsets = [128, 0], sizes = [128, 128], strides = [1, 1]} : vector<4096x128xf32> to vector<128x128xf32>
    %dot_general3A_61 = arith.constant dense<0.000000e+00> : vector<128x128xf32>
    %dot_general3A_62 = tpu.matmul %convert_element_type3A_17, %slice3A_60, %dot_general3A_61 {dimension_numbers = #tpu.dot_dimension_numbers<[1], [0], [0], [1], [0, 0, 1, 1], [], []>, transpose_lhs_hint = false} : vector<128x128xf32>, vector<128x128xf32>, vector<128x128xf32> -> vector<128x128xf32>
    %add3A_63 = vector.broadcast %add3A_59 : vector<1x128xf32> to vector<128x128xf32>
    %add3A_64 = arith.addf %dot_general3A_62, %add3A_63 : vector<128x128xf32>
    %mul3A_65 = arith.mulf %add3A_64, %slice3A_60 : vector<128x128xf32>
    %reduce_sum3A_66 = arith.constant dense<0.000000e+00> : vector<128xf32>
    %reduce_sum3A_67 = vector.multi_reduction <add>, %mul3A_65, %reduce_sum3A_66 [1] : vector<128x128xf32> to vector<128xf32>
    %broadcast_in_dim3A_68 = vector.shape_cast %reduce_sum3A_67 : vector<128xf32> to vector<128x1xf32>
    %reduce_sum3A_69 = arith.constant dense<0.000000e+00> : vector<128xf32>
    %reduce_sum3A_70 = vector.multi_reduction <add>, %slice3A_60, %reduce_sum3A_69 [0] : vector<128x128xf32> to vector<128xf32>
    %broadcast_in_dim3A_71 = vector.shape_cast %reduce_sum3A_70 : vector<128xf32> to vector<1x128xf32>
    %add3A_72 = arith.addf %add3A_59, %broadcast_in_dim3A_71 : vector<1x128xf32>
    %slice3A_73 = vector.extract_strided_slice %convert_element_type3A_46 {offsets = [256, 0], sizes = [128, 128], strides = [1, 1]} : vector<4096x128xf32> to vector<128x128xf32>
    %dot_general3A_74 = arith.constant dense<0.000000e+00> : vector<128x128xf32>
    %dot_general3A_75 = tpu.matmul %convert_element_type3A_17, %slice3A_73, %dot_general3A_74 {dimension_numbers = #tpu.dot_dimension_numbers<[1], [0], [0], [1], [0, 0, 1, 1], [], []>, transpose_lhs_hint = false} : vector<128x128xf32>, vector<128x128xf32>, vector<128x128xf32> -> vector<128x128xf32>
    %add3A_76 = vector.broadcast %add3A_72 : vector<1x128xf32> to vector<128x128xf32>
    %add3A_77 = arith.addf %dot_general3A_75, %add3A_76 : vector<128x128xf32>
    %mul3A_78 = arith.mulf %add3A_77, %slice3A_73 : vector<128x128xf32>
    %reduce_sum3A_79 = arith.constant dense<0.000000e+00> : vector<128xf32>
    %reduce_sum3A_80 = vector.multi_reduction <add>, %mul3A_78, %reduce_sum3A_79 [1] : vector<128x128xf32> to vector<128xf32>
    %broadcast_in_dim3A_81 = vector.shape_cast %reduce_sum3A_80 : vector<128xf32> to vector<128x1xf32>
    %reduce_sum3A_82 = arith.constant dense<0.000000e+00> : vector<128xf32>
    %reduce_sum3A_83 = vector.multi_reduction <add>, %slice3A_73, %reduce_sum3A_82 [0] : vector<128x128xf32> to vector<128xf32>
    %broadcast_in_dim3A_84 = vector.shape_cast %reduce_sum3A_83 : vector<128xf32> to vector<1x128xf32>
    %add3A_85 = arith.addf %add3A_72, %broadcast_in_dim3A_84 : vector<1x128xf32>
    %slice3A_86 = vector.extract_strided_slice %convert_element_type3A_46 {offsets = [384, 0], sizes = [128, 128], strides = [1, 1]} : vector<4096x128xf32> to vector<128x128xf32>
    %dot_general3A_87 = arith.constant dense<0.000000e+00> : vector<128x128xf32>
    %dot_general3A_88 = tpu.matmul %convert_element_type3A_17, %slice3A_86, %dot_general3A_87 {dimension_numbers = #tpu.dot_dimension_numbers<[1], [0], [0], [1], [0, 0, 1, 1], [], []>, transpose_lhs_hint = false} : vector<128x128xf32>, vector<128x128xf32>, vector<128x128xf32> -> vector<128x128xf32>
    %add3A_89 = vector.broadcast %add3A_85 : vector<1x128xf32> to vector<128x128xf32>
    %add3A_90 = arith.addf %dot_general3A_88, %add3A_89 : vector<128x128xf32>
    %mul3A_91 = arith.mulf %add3A_90, %slice3A_86 : vector<128x128xf32>
    %reduce_sum3A_92 = arith.constant dense<0.000000e+00> : vector<128xf32>
    %reduce_sum3A_93 = vector.multi_reduction <add>, %mul3A_91, %reduce_sum3A_92 [1] : vector<128x128xf32> to vector<128xf32>
    %broadcast_in_dim3A_94 = vector.shape_cast %reduce_sum3A_93 : vector<128xf32> to vector<128x1xf32>
    %reduce_sum3A_95 = arith.constant dense<0.000000e+00> : vector<128xf32>
    %reduce_sum3A_96 = vector.multi_reduction <add>, %slice3A_86, %reduce_sum3A_95 [0] : vector<128x128xf32> to vector<128xf32>
    %broadcast_in_dim3A_97 = vector.shape_cast %reduce_sum3A_96 : vector<128xf32> to vector<1x128xf32>
    %add3A_98 = arith.addf %add3A_85, %broadcast_in_dim3A_97 : vector<1x128xf32>
    %slice3A_99 = vector.extract_strided_slice %convert_element_type3A_46 {offsets = [512, 0], sizes = [128, 128], strides = [1, 1]} : vector<4096x128xf32> to vector<128x128xf32>
    %dot_general3A_100 = arith.constant dense<0.000000e+00> : vector<128x128xf32>
    %dot_general3A_101 = tpu.matmul %convert_element_type3A_17, %slice3A_99, %dot_general3A_100 {dimension_numbers = #tpu.dot_dimension_numbers<[1], [0], [0], [1], [0, 0, 1, 1], [], []>, transpose_lhs_hint = false} : vector<128x128xf32>, vector<128x128xf32>, vector<128x128xf32> -> vector<128x128xf32>
    %add3A_102 = vector.broadcast %add3A_98 : vector<1x128xf32> to vector<128x128xf32>
    %add3A_103 = arith.addf %dot_general3A_101, %add3A_102 : vector<128x128xf32>
    %mul3A_104 = arith.mulf %add3A_103, %slice3A_99 : vector<128x128xf32>
    %reduce_sum3A_105 = arith.constant dense<0.000000e+00> : vector<128xf32>
    %reduce_sum3A_106 = vector.multi_reduction <add>, %mul3A_104, %reduce_sum3A_105 [1] : vector<128x128xf32> to vector<128xf32>
    %broadcast_in_dim3A_107 = vector.shape_cast %reduce_sum3A_106 : vector<128xf32> to vector<128x1xf32>
    %reduce_sum3A_108 = arith.constant dense<0.000000e+00> : vector<128xf32>
    %reduce_sum3A_109 = vector.multi_reduction <add>, %slice3A_99, %reduce_sum3A_108 [0] : vector<128x128xf32> to vector<128xf32>
    %broadcast_in_dim3A_110 = vector.shape_cast %reduce_sum3A_109 : vector<128xf32> to vector<1x128xf32>
    %add3A_111 = arith.addf %add3A_98, %broadcast_in_dim3A_110 : vector<1x128xf32>
    %slice3A_112 = vector.extract_strided_slice %convert_element_type3A_46 {offsets = [640, 0], sizes = [128, 128], strides = [1, 1]} : vector<4096x128xf32> to vector<128x128xf32>
    %dot_general3A_113 = arith.constant dense<0.000000e+00> : vector<128x128xf32>
    %dot_general3A_114 = tpu.matmul %convert_element_type3A_17, %slice3A_112, %dot_general3A_113 {dimension_numbers = #tpu.dot_dimension_numbers<[1], [0], [0], [1], [0, 0, 1, 1], [], []>, transpose_lhs_hint = false} : vector<128x128xf32>, vector<128x128xf32>, vector<128x128xf32> -> vector<128x128xf32>
    %add3A_115 = vector.broadcast %add3A_111 : vector<1x128xf32> to vector<128x128xf32>
    %add3A_116 = arith.addf %dot_general3A_114, %add3A_115 : vector<128x128xf32>
    %mul3A_117 = arith.mulf %add3A_116, %slice3A_112 : vector<128x128xf32>
    %reduce_sum3A_118 = arith.constant dense<0.000000e+00> : vector<128xf32>
    %reduce_sum3A_119 = vector.multi_reduction <add>, %mul3A_117, %reduce_sum3A_118 [1] : vector<128x128xf32> to vector<128xf32>
    %broadcast_in_dim3A_120 = vector.shape_cast %reduce_sum3A_119 : vector<128xf32> to vector<128x1xf32>
    %reduce_sum3A_121 = arith.constant dense<0.000000e+00> : vector<128xf32>
    %reduce_sum3A_122 = vector.multi_reduction <add>, %slice3A_112, %reduce_sum3A_121 [0] : vector<128x128xf32> to vector<128xf32>
    %broadcast_in_dim3A_123 = vector.shape_cast %reduce_sum3A_122 : vector<128xf32> to vector<1x128xf32>
    %add3A_124 = arith.addf %add3A_111, %broadcast_in_dim3A_123 : vector<1x128xf32>
    %slice3A_125 = vector.extract_strided_slice %convert_element_type3A_46 {offsets = [768, 0], sizes = [128, 128], strides = [1, 1]} : vector<4096x128xf32> to vector<128x128xf32>
    %dot_general3A_126 = arith.constant dense<0.000000e+00> : vector<128x128xf32>
    %dot_general3A_127 = tpu.matmul %convert_element_type3A_17, %slice3A_125, %dot_general3A_126 {dimension_numbers = #tpu.dot_dimension_numbers<[1], [0], [0], [1], [0, 0, 1, 1], [], []>, transpose_lhs_hint = false} : vector<128x128xf32>, vector<128x128xf32>, vector<128x128xf32> -> vector<128x128xf32>
    %add3A_128 = vector.broadcast %add3A_124 : vector<1x128xf32> to vector<128x128xf32>
    %add3A_129 = arith.addf %dot_general3A_127, %add3A_128 : vector<128x128xf32>
    %mul3A_130 = arith.mulf %add3A_129, %slice3A_125 : vector<128x128xf32>
    %reduce_sum3A_131 = arith.constant dense<0.000000e+00> : vector<128xf32>
    %reduce_sum3A_132 = vector.multi_reduction <add>, %mul3A_130, %reduce_sum3A_131 [1] : vector<128x128xf32> to vector<128xf32>
    %broadcast_in_dim3A_133 = vector.shape_cast %reduce_sum3A_132 : vector<128xf32> to vector<128x1xf32>
    %reduce_sum3A_134 = arith.constant dense<0.000000e+00> : vector<128xf32>
    %reduce_sum3A_135 = vector.multi_reduction <add>, %slice3A_125, %reduce_sum3A_134 [0] : vector<128x128xf32> to vector<128xf32>
    %broadcast_in_dim3A_136 = vector.shape_cast %reduce_sum3A_135 : vector<128xf32> to vector<1x128xf32>
    %add3A_137 = arith.addf %add3A_124, %broadcast_in_dim3A_136 : vector<1x128xf32>
    %slice3A_138 = vector.extract_strided_slice %convert_element_type3A_46 {offsets = [896, 0], sizes = [128, 128], strides = [1, 1]} : vector<4096x128xf32> to vector<128x128xf32>
    %dot_general3A_139 = arith.constant dense<0.000000e+00> : vector<128x128xf32>
    %dot_general3A_140 = tpu.matmul %convert_element_type3A_17, %slice3A_138, %dot_general3A_139 {dimension_numbers = #tpu.dot_dimension_numbers<[1], [0], [0], [1], [0, 0, 1, 1], [], []>, transpose_lhs_hint = false} : vector<128x128xf32>, vector<128x128xf32>, vector<128x128xf32> -> vector<128x128xf32>
    %add3A_141 = vector.broadcast %add3A_137 : vector<1x128xf32> to vector<128x128xf32>
    %add3A_142 = arith.addf %dot_general3A_140, %add3A_141 : vector<128x128xf32>
    %mul3A_143 = arith.mulf %add3A_142, %slice3A_138 : vector<128x128xf32>
    %reduce_sum3A_144 = arith.constant dense<0.000000e+00> : vector<128xf32>
    %reduce_sum3A_145 = vector.multi_reduction <add>, %mul3A_143, %reduce_sum3A_144 [1] : vector<128x128xf32> to vector<128xf32>
    %broadcast_in_dim3A_146 = vector.shape_cast %reduce_sum3A_145 : vector<128xf32> to vector<128x1xf32>
    %reduce_sum3A_147 = arith.constant dense<0.000000e+00> : vector<128xf32>
    %reduce_sum3A_148 = vector.multi_reduction <add>, %slice3A_138, %reduce_sum3A_147 [0] : vector<128x128xf32> to vector<128xf32>
    %broadcast_in_dim3A_149 = vector.shape_cast %reduce_sum3A_148 : vector<128xf32> to vector<1x128xf32>
    %add3A_150 = arith.addf %add3A_137, %broadcast_in_dim3A_149 : vector<1x128xf32>
    %slice3A_151 = vector.extract_strided_slice %convert_element_type3A_46 {offsets = [1024, 0], sizes = [128, 128], strides = [1, 1]} : vector<4096x128xf32> to vector<128x128xf32>
    %dot_general3A_152 = arith.constant dense<0.000000e+00> : vector<128x128xf32>
    %dot_general3A_153 = tpu.matmul %convert_element_type3A_17, %slice3A_151, %dot_general3A_152 {dimension_numbers = #tpu.dot_dimension_numbers<[1], [0], [0], [1], [0, 0, 1, 1], [], []>, transpose_lhs_hint = false} : vector<128x128xf32>, vector<128x128xf32>, vector<128x128xf32> -> vector<128x128xf32>
    %add3A_154 = vector.broadcast %add3A_150 : vector<1x128xf32> to vector<128x128xf32>
    %add3A_155 = arith.addf %dot_general3A_153, %add3A_154 : vector<128x128xf32>
    %mul3A_156 = arith.mulf %add3A_155, %slice3A_151 : vector<128x128xf32>
    %reduce_sum3A_157 = arith.constant dense<0.000000e+00> : vector<128xf32>
    %reduce_sum3A_158 = vector.multi_reduction <add>, %mul3A_156, %reduce_sum3A_157 [1] : vector<128x128xf32> to vector<128xf32>
    %broadcast_in_dim3A_159 = vector.shape_cast %reduce_sum3A_158 : vector<128xf32> to vector<128x1xf32>
    %reduce_sum3A_160 = arith.constant dense<0.000000e+00> : vector<128xf32>
    %reduce_sum3A_161 = vector.multi_reduction <add>, %slice3A_151, %reduce_sum3A_160 [0] : vector<128x128xf32> to vector<128xf32>
    %broadcast_in_dim3A_162 = vector.shape_cast %reduce_sum3A_161 : vector<128xf32> to vector<1x128xf32>
    %add3A_163 = arith.addf %add3A_150, %broadcast_in_dim3A_162 : vector<1x128xf32>
    %slice3A_164 = vector.extract_strided_slice %convert_element_type3A_46 {offsets = [1152, 0], sizes = [128, 128], strides = [1, 1]} : vector<4096x128xf32> to vector<128x128xf32>
    %dot_general3A_165 = arith.constant dense<0.000000e+00> : vector<128x128xf32>
    %dot_general3A_166 = tpu.matmul %convert_element_type3A_17, %slice3A_164, %dot_general3A_165 {dimension_numbers = #tpu.dot_dimension_numbers<[1], [0], [0], [1], [0, 0, 1, 1], [], []>, transpose_lhs_hint = false} : vector<128x128xf32>, vector<128x128xf32>, vector<128x128xf32> -> vector<128x128xf32>
    %add3A_167 = vector.broadcast %add3A_163 : vector<1x128xf32> to vector<128x128xf32>
    %add3A_168 = arith.addf %dot_general3A_166, %add3A_167 : vector<128x128xf32>
    %mul3A_169 = arith.mulf %add3A_168, %slice3A_164 : vector<128x128xf32>
    %reduce_sum3A_170 = arith.constant dense<0.000000e+00> : vector<128xf32>
    %reduce_sum3A_171 = vector.multi_reduction <add>, %mul3A_169, %reduce_sum3A_170 [1] : vector<128x128xf32> to vector<128xf32>
    %broadcast_in_dim3A_172 = vector.shape_cast %reduce_sum3A_171 : vector<128xf32> to vector<128x1xf32>
    %reduce_sum3A_173 = arith.constant dense<0.000000e+00> : vector<128xf32>
    %reduce_sum3A_174 = vector.multi_reduction <add>, %slice3A_164, %reduce_sum3A_173 [0] : vector<128x128xf32> to vector<128xf32>
    %broadcast_in_dim3A_175 = vector.shape_cast %reduce_sum3A_174 : vector<128xf32> to vector<1x128xf32>
    %add3A_176 = arith.addf %add3A_163, %broadcast_in_dim3A_175 : vector<1x128xf32>
    %slice3A_177 = vector.extract_strided_slice %convert_element_type3A_46 {offsets = [1280, 0], sizes = [128, 128], strides = [1, 1]} : vector<4096x128xf32> to vector<128x128xf32>
    %dot_general3A_178 = arith.constant dense<0.000000e+00> : vector<128x128xf32>
    %dot_general3A_179 = tpu.matmul %convert_element_type3A_17, %slice3A_177, %dot_general3A_178 {dimension_numbers = #tpu.dot_dimension_numbers<[1], [0], [0], [1], [0, 0, 1, 1], [], []>, transpose_lhs_hint = false} : vector<128x128xf32>, vector<128x128xf32>, vector<128x128xf32> -> vector<128x128xf32>
    %add3A_180 = vector.broadcast %add3A_176 : vector<1x128xf32> to vector<128x128xf32>
    %add3A_181 = arith.addf %dot_general3A_179, %add3A_180 : vector<128x128xf32>
    %mul3A_182 = arith.mulf %add3A_181, %slice3A_177 : vector<128x128xf32>
    %reduce_sum3A_183 = arith.constant dense<0.000000e+00> : vector<128xf32>
    %reduce_sum3A_184 = vector.multi_reduction <add>, %mul3A_182, %reduce_sum3A_183 [1] : vector<128x128xf32> to vector<128xf32>
    %broadcast_in_dim3A_185 = vector.shape_cast %reduce_sum3A_184 : vector<128xf32> to vector<128x1xf32>
    %reduce_sum3A_186 = arith.constant dense<0.000000e+00> : vector<128xf32>
    %reduce_sum3A_187 = vector.multi_reduction <add>, %slice3A_177, %reduce_sum3A_186 [0] : vector<128x128xf32> to vector<128xf32>
    %broadcast_in_dim3A_188 = vector.shape_cast %reduce_sum3A_187 : vector<128xf32> to vector<1x128xf32>
    %add3A_189 = arith.addf %add3A_176, %broadcast_in_dim3A_188 : vector<1x128xf32>
    %slice3A_190 = vector.extract_strided_slice %convert_element_type3A_46 {offsets = [1408, 0], sizes = [128, 128], strides = [1, 1]} : vector<4096x128xf32> to vector<128x128xf32>
    %dot_general3A_191 = arith.constant dense<0.000000e+00> : vector<128x128xf32>
    %dot_general3A_192 = tpu.matmul %convert_element_type3A_17, %slice3A_190, %dot_general3A_191 {dimension_numbers = #tpu.dot_dimension_numbers<[1], [0], [0], [1], [0, 0, 1, 1], [], []>, transpose_lhs_hint = false} : vector<128x128xf32>, vector<128x128xf32>, vector<128x128xf32> -> vector<128x128xf32>
    %add3A_193 = vector.broadcast %add3A_189 : vector<1x128xf32> to vector<128x128xf32>
    %add3A_194 = arith.addf %dot_general3A_192, %add3A_193 : vector<128x128xf32>
    %mul3A_195 = arith.mulf %add3A_194, %slice3A_190 : vector<128x128xf32>
    %reduce_sum3A_196 = arith.constant dense<0.000000e+00> : vector<128xf32>
    %reduce_sum3A_197 = vector.multi_reduction <add>, %mul3A_195, %reduce_sum3A_196 [1] : vector<128x128xf32> to vector<128xf32>
    %broadcast_in_dim3A_198 = vector.shape_cast %reduce_sum3A_197 : vector<128xf32> to vector<128x1xf32>
    %reduce_sum3A_199 = arith.constant dense<0.000000e+00> : vector<128xf32>
    %reduce_sum3A_200 = vector.multi_reduction <add>, %slice3A_190, %reduce_sum3A_199 [0] : vector<128x128xf32> to vector<128xf32>
    %broadcast_in_dim3A_201 = vector.shape_cast %reduce_sum3A_200 : vector<128xf32> to vector<1x128xf32>
    %add3A_202 = arith.addf %add3A_189, %broadcast_in_dim3A_201 : vector<1x128xf32>
    %slice3A_203 = vector.extract_strided_slice %convert_element_type3A_46 {offsets = [1536, 0], sizes = [128, 128], strides = [1, 1]} : vector<4096x128xf32> to vector<128x128xf32>
    %dot_general3A_204 = arith.constant dense<0.000000e+00> : vector<128x128xf32>
    %dot_general3A_205 = tpu.matmul %convert_element_type3A_17, %slice3A_203, %dot_general3A_204 {dimension_numbers = #tpu.dot_dimension_numbers<[1], [0], [0], [1], [0, 0, 1, 1], [], []>, transpose_lhs_hint = false} : vector<128x128xf32>, vector<128x128xf32>, vector<128x128xf32> -> vector<128x128xf32>
    %add3A_206 = vector.broadcast %add3A_202 : vector<1x128xf32> to vector<128x128xf32>
    %add3A_207 = arith.addf %dot_general3A_205, %add3A_206 : vector<128x128xf32>
    %mul3A_208 = arith.mulf %add3A_207, %slice3A_203 : vector<128x128xf32>
    %reduce_sum3A_209 = arith.constant dense<0.000000e+00> : vector<128xf32>
    %reduce_sum3A_210 = vector.multi_reduction <add>, %mul3A_208, %reduce_sum3A_209 [1] : vector<128x128xf32> to vector<128xf32>
    %broadcast_in_dim3A_211 = vector.shape_cast %reduce_sum3A_210 : vector<128xf32> to vector<128x1xf32>
    %reduce_sum3A_212 = arith.constant dense<0.000000e+00> : vector<128xf32>
    %reduce_sum3A_213 = vector.multi_reduction <add>, %slice3A_203, %reduce_sum3A_212 [0] : vector<128x128xf32> to vector<128xf32>
    %broadcast_in_dim3A_214 = vector.shape_cast %reduce_sum3A_213 : vector<128xf32> to vector<1x128xf32>
    %add3A_215 = arith.addf %add3A_202, %broadcast_in_dim3A_214 : vector<1x128xf32>
    %slice3A_216 = vector.extract_strided_slice %convert_element_type3A_46 {offsets = [1664, 0], sizes = [128, 128], strides = [1, 1]} : vector<4096x128xf32> to vector<128x128xf32>
    %dot_general3A_217 = arith.constant dense<0.000000e+00> : vector<128x128xf32>
    %dot_general3A_218 = tpu.matmul %convert_element_type3A_17, %slice3A_216, %dot_general3A_217 {dimension_numbers = #tpu.dot_dimension_numbers<[1], [0], [0], [1], [0, 0, 1, 1], [], []>, transpose_lhs_hint = false} : vector<128x128xf32>, vector<128x128xf32>, vector<128x128xf32> -> vector<128x128xf32>
    %add3A_219 = vector.broadcast %add3A_215 : vector<1x128xf32> to vector<128x128xf32>
    %add3A_220 = arith.addf %dot_general3A_218, %add3A_219 : vector<128x128xf32>
    %mul3A_221 = arith.mulf %add3A_220, %slice3A_216 : vector<128x128xf32>
    %reduce_sum3A_222 = arith.constant dense<0.000000e+00> : vector<128xf32>
    %reduce_sum3A_223 = vector.multi_reduction <add>, %mul3A_221, %reduce_sum3A_222 [1] : vector<128x128xf32> to vector<128xf32>
    %broadcast_in_dim3A_224 = vector.shape_cast %reduce_sum3A_223 : vector<128xf32> to vector<128x1xf32>
    %reduce_sum3A_225 = arith.constant dense<0.000000e+00> : vector<128xf32>
    %reduce_sum3A_226 = vector.multi_reduction <add>, %slice3A_216, %reduce_sum3A_225 [0] : vector<128x128xf32> to vector<128xf32>
    %broadcast_in_dim3A_227 = vector.shape_cast %reduce_sum3A_226 : vector<128xf32> to vector<1x128xf32>
    %add3A_228 = arith.addf %add3A_215, %broadcast_in_dim3A_227 : vector<1x128xf32>
    %slice3A_229 = vector.extract_strided_slice %convert_element_type3A_46 {offsets = [1792, 0], sizes = [128, 128], strides = [1, 1]} : vector<4096x128xf32> to vector<128x128xf32>
    %dot_general3A_230 = arith.constant dense<0.000000e+00> : vector<128x128xf32>
    %dot_general3A_231 = tpu.matmul %convert_element_type3A_17, %slice3A_229, %dot_general3A_230 {dimension_numbers = #tpu.dot_dimension_numbers<[1], [0], [0], [1], [0, 0, 1, 1], [], []>, transpose_lhs_hint = false} : vector<128x128xf32>, vector<128x128xf32>, vector<128x128xf32> -> vector<128x128xf32>
    %add3A_232 = vector.broadcast %add3A_228 : vector<1x128xf32> to vector<128x128xf32>
    %add3A_233 = arith.addf %dot_general3A_231, %add3A_232 : vector<128x128xf32>
    %mul3A_234 = arith.mulf %add3A_233, %slice3A_229 : vector<128x128xf32>
    %reduce_sum3A_235 = arith.constant dense<0.000000e+00> : vector<128xf32>
    %reduce_sum3A_236 = vector.multi_reduction <add>, %mul3A_234, %reduce_sum3A_235 [1] : vector<128x128xf32> to vector<128xf32>
    %broadcast_in_dim3A_237 = vector.shape_cast %reduce_sum3A_236 : vector<128xf32> to vector<128x1xf32>
    %reduce_sum3A_238 = arith.constant dense<0.000000e+00> : vector<128xf32>
    %reduce_sum3A_239 = vector.multi_reduction <add>, %slice3A_229, %reduce_sum3A_238 [0] : vector<128x128xf32> to vector<128xf32>
    %broadcast_in_dim3A_240 = vector.shape_cast %reduce_sum3A_239 : vector<128xf32> to vector<1x128xf32>
    %add3A_241 = arith.addf %add3A_228, %broadcast_in_dim3A_240 : vector<1x128xf32>
    %slice3A_242 = vector.extract_strided_slice %convert_element_type3A_46 {offsets = [1920, 0], sizes = [128, 128], strides = [1, 1]} : vector<4096x128xf32> to vector<128x128xf32>
    %dot_general3A_243 = arith.constant dense<0.000000e+00> : vector<128x128xf32>
    %dot_general3A_244 = tpu.matmul %convert_element_type3A_17, %slice3A_242, %dot_general3A_243 {dimension_numbers = #tpu.dot_dimension_numbers<[1], [0], [0], [1], [0, 0, 1, 1], [], []>, transpose_lhs_hint = false} : vector<128x128xf32>, vector<128x128xf32>, vector<128x128xf32> -> vector<128x128xf32>
    %add3A_245 = vector.broadcast %add3A_241 : vector<1x128xf32> to vector<128x128xf32>
    %add3A_246 = arith.addf %dot_general3A_244, %add3A_245 : vector<128x128xf32>
    %mul3A_247 = arith.mulf %add3A_246, %slice3A_242 : vector<128x128xf32>
    %reduce_sum3A_248 = arith.constant dense<0.000000e+00> : vector<128xf32>
    %reduce_sum3A_249 = vector.multi_reduction <add>, %mul3A_247, %reduce_sum3A_248 [1] : vector<128x128xf32> to vector<128xf32>
    %broadcast_in_dim3A_250 = vector.shape_cast %reduce_sum3A_249 : vector<128xf32> to vector<128x1xf32>
    %reduce_sum3A_251 = arith.constant dense<0.000000e+00> : vector<128xf32>
    %reduce_sum3A_252 = vector.multi_reduction <add>, %slice3A_242, %reduce_sum3A_251 [0] : vector<128x128xf32> to vector<128xf32>
    %broadcast_in_dim3A_253 = vector.shape_cast %reduce_sum3A_252 : vector<128xf32> to vector<1x128xf32>
    %add3A_254 = arith.addf %add3A_241, %broadcast_in_dim3A_253 : vector<1x128xf32>
    %slice3A_255 = vector.extract_strided_slice %convert_element_type3A_46 {offsets = [2048, 0], sizes = [128, 128], strides = [1, 1]} : vector<4096x128xf32> to vector<128x128xf32>
    %dot_general3A_256 = arith.constant dense<0.000000e+00> : vector<128x128xf32>
    %dot_general3A_257 = tpu.matmul %convert_element_type3A_17, %slice3A_255, %dot_general3A_256 {dimension_numbers = #tpu.dot_dimension_numbers<[1], [0], [0], [1], [0, 0, 1, 1], [], []>, transpose_lhs_hint = false} : vector<128x128xf32>, vector<128x128xf32>, vector<128x128xf32> -> vector<128x128xf32>
    %add3A_258 = vector.broadcast %add3A_254 : vector<1x128xf32> to vector<128x128xf32>
    %add3A_259 = arith.addf %dot_general3A_257, %add3A_258 : vector<128x128xf32>
    %mul3A_260 = arith.mulf %add3A_259, %slice3A_255 : vector<128x128xf32>
    %reduce_sum3A_261 = arith.constant dense<0.000000e+00> : vector<128xf32>
    %reduce_sum3A_262 = vector.multi_reduction <add>, %mul3A_260, %reduce_sum3A_261 [1] : vector<128x128xf32> to vector<128xf32>
    %broadcast_in_dim3A_263 = vector.shape_cast %reduce_sum3A_262 : vector<128xf32> to vector<128x1xf32>
    %reduce_sum3A_264 = arith.constant dense<0.000000e+00> : vector<128xf32>
    %reduce_sum3A_265 = vector.multi_reduction <add>, %slice3A_255, %reduce_sum3A_264 [0] : vector<128x128xf32> to vector<128xf32>
    %broadcast_in_dim3A_266 = vector.shape_cast %reduce_sum3A_265 : vector<128xf32> to vector<1x128xf32>
    %add3A_267 = arith.addf %add3A_254, %broadcast_in_dim3A_266 : vector<1x128xf32>
    %slice3A_268 = vector.extract_strided_slice %convert_element_type3A_46 {offsets = [2176, 0], sizes = [128, 128], strides = [1, 1]} : vector<4096x128xf32> to vector<128x128xf32>
    %dot_general3A_269 = arith.constant dense<0.000000e+00> : vector<128x128xf32>
    %dot_general3A_270 = tpu.matmul %convert_element_type3A_17, %slice3A_268, %dot_general3A_269 {dimension_numbers = #tpu.dot_dimension_numbers<[1], [0], [0], [1], [0, 0, 1, 1], [], []>, transpose_lhs_hint = false} : vector<128x128xf32>, vector<128x128xf32>, vector<128x128xf32> -> vector<128x128xf32>
    %add3A_271 = vector.broadcast %add3A_267 : vector<1x128xf32> to vector<128x128xf32>
    %add3A_272 = arith.addf %dot_general3A_270, %add3A_271 : vector<128x128xf32>
    %mul3A_273 = arith.mulf %add3A_272, %slice3A_268 : vector<128x128xf32>
    %reduce_sum3A_274 = arith.constant dense<0.000000e+00> : vector<128xf32>
    %reduce_sum3A_275 = vector.multi_reduction <add>, %mul3A_273, %reduce_sum3A_274 [1] : vector<128x128xf32> to vector<128xf32>
    %broadcast_in_dim3A_276 = vector.shape_cast %reduce_sum3A_275 : vector<128xf32> to vector<128x1xf32>
    %reduce_sum3A_277 = arith.constant dense<0.000000e+00> : vector<128xf32>
    %reduce_sum3A_278 = vector.multi_reduction <add>, %slice3A_268, %reduce_sum3A_277 [0] : vector<128x128xf32> to vector<128xf32>
    %broadcast_in_dim3A_279 = vector.shape_cast %reduce_sum3A_278 : vector<128xf32> to vector<1x128xf32>
    %add3A_280 = arith.addf %add3A_267, %broadcast_in_dim3A_279 : vector<1x128xf32>
    %slice3A_281 = vector.extract_strided_slice %convert_element_type3A_46 {offsets = [2304, 0], sizes = [128, 128], strides = [1, 1]} : vector<4096x128xf32> to vector<128x128xf32>
    %dot_general3A_282 = arith.constant dense<0.000000e+00> : vector<128x128xf32>
    %dot_general3A_283 = tpu.matmul %convert_element_type3A_17, %slice3A_281, %dot_general3A_282 {dimension_numbers = #tpu.dot_dimension_numbers<[1], [0], [0], [1], [0, 0, 1, 1], [], []>, transpose_lhs_hint = false} : vector<128x128xf32>, vector<128x128xf32>, vector<128x128xf32> -> vector<128x128xf32>
    %add3A_284 = vector.broadcast %add3A_280 : vector<1x128xf32> to vector<128x128xf32>
    %add3A_285 = arith.addf %dot_general3A_283, %add3A_284 : vector<128x128xf32>
    %mul3A_286 = arith.mulf %add3A_285, %slice3A_281 : vector<128x128xf32>
    %reduce_sum3A_287 = arith.constant dense<0.000000e+00> : vector<128xf32>
    %reduce_sum3A_288 = vector.multi_reduction <add>, %mul3A_286, %reduce_sum3A_287 [1] : vector<128x128xf32> to vector<128xf32>
    %broadcast_in_dim3A_289 = vector.shape_cast %reduce_sum3A_288 : vector<128xf32> to vector<128x1xf32>
    %reduce_sum3A_290 = arith.constant dense<0.000000e+00> : vector<128xf32>
    %reduce_sum3A_291 = vector.multi_reduction <add>, %slice3A_281, %reduce_sum3A_290 [0] : vector<128x128xf32> to vector<128xf32>
    %broadcast_in_dim3A_292 = vector.shape_cast %reduce_sum3A_291 : vector<128xf32> to vector<1x128xf32>
    %add3A_293 = arith.addf %add3A_280, %broadcast_in_dim3A_292 : vector<1x128xf32>
    %slice3A_294 = vector.extract_strided_slice %convert_element_type3A_46 {offsets = [2432, 0], sizes = [128, 128], strides = [1, 1]} : vector<4096x128xf32> to vector<128x128xf32>
    %dot_general3A_295 = arith.constant dense<0.000000e+00> : vector<128x128xf32>
    %dot_general3A_296 = tpu.matmul %convert_element_type3A_17, %slice3A_294, %dot_general3A_295 {dimension_numbers = #tpu.dot_dimension_numbers<[1], [0], [0], [1], [0, 0, 1, 1], [], []>, transpose_lhs_hint = false} : vector<128x128xf32>, vector<128x128xf32>, vector<128x128xf32> -> vector<128x128xf32>
    %add3A_297 = vector.broadcast %add3A_293 : vector<1x128xf32> to vector<128x128xf32>
    %add3A_298 = arith.addf %dot_general3A_296, %add3A_297 : vector<128x128xf32>
    %mul3A_299 = arith.mulf %add3A_298, %slice3A_294 : vector<128x128xf32>
    %reduce_sum3A_300 = arith.constant dense<0.000000e+00> : vector<128xf32>
    %reduce_sum3A_301 = vector.multi_reduction <add>, %mul3A_299, %reduce_sum3A_300 [1] : vector<128x128xf32> to vector<128xf32>
    %broadcast_in_dim3A_302 = vector.shape_cast %reduce_sum3A_301 : vector<128xf32> to vector<128x1xf32>
    %reduce_sum3A_303 = arith.constant dense<0.000000e+00> : vector<128xf32>
    %reduce_sum3A_304 = vector.multi_reduction <add>, %slice3A_294, %reduce_sum3A_303 [0] : vector<128x128xf32> to vector<128xf32>
    %broadcast_in_dim3A_305 = vector.shape_cast %reduce_sum3A_304 : vector<128xf32> to vector<1x128xf32>
    %add3A_306 = arith.addf %add3A_293, %broadcast_in_dim3A_305 : vector<1x128xf32>
    %slice3A_307 = vector.extract_strided_slice %convert_element_type3A_46 {offsets = [2560, 0], sizes = [128, 128], strides = [1, 1]} : vector<4096x128xf32> to vector<128x128xf32>
    %dot_general3A_308 = arith.constant dense<0.000000e+00> : vector<128x128xf32>
    %dot_general3A_309 = tpu.matmul %convert_element_type3A_17, %slice3A_307, %dot_general3A_308 {dimension_numbers = #tpu.dot_dimension_numbers<[1], [0], [0], [1], [0, 0, 1, 1], [], []>, transpose_lhs_hint = false} : vector<128x128xf32>, vector<128x128xf32>, vector<128x128xf32> -> vector<128x128xf32>
    %add3A_310 = vector.broadcast %add3A_306 : vector<1x128xf32> to vector<128x128xf32>
    %add3A_311 = arith.addf %dot_general3A_309, %add3A_310 : vector<128x128xf32>
    %mul3A_312 = arith.mulf %add3A_311, %slice3A_307 : vector<128x128xf32>
    %reduce_sum3A_313 = arith.constant dense<0.000000e+00> : vector<128xf32>
    %reduce_sum3A_314 = vector.multi_reduction <add>, %mul3A_312, %reduce_sum3A_313 [1] : vector<128x128xf32> to vector<128xf32>
    %broadcast_in_dim3A_315 = vector.shape_cast %reduce_sum3A_314 : vector<128xf32> to vector<128x1xf32>
    %reduce_sum3A_316 = arith.constant dense<0.000000e+00> : vector<128xf32>
    %reduce_sum3A_317 = vector.multi_reduction <add>, %slice3A_307, %reduce_sum3A_316 [0] : vector<128x128xf32> to vector<128xf32>
    %broadcast_in_dim3A_318 = vector.shape_cast %reduce_sum3A_317 : vector<128xf32> to vector<1x128xf32>
    %add3A_319 = arith.addf %add3A_306, %broadcast_in_dim3A_318 : vector<1x128xf32>
    %slice3A_320 = vector.extract_strided_slice %convert_element_type3A_46 {offsets = [2688, 0], sizes = [128, 128], strides = [1, 1]} : vector<4096x128xf32> to vector<128x128xf32>
    %dot_general3A_321 = arith.constant dense<0.000000e+00> : vector<128x128xf32>
    %dot_general3A_322 = tpu.matmul %convert_element_type3A_17, %slice3A_320, %dot_general3A_321 {dimension_numbers = #tpu.dot_dimension_numbers<[1], [0], [0], [1], [0, 0, 1, 1], [], []>, transpose_lhs_hint = false} : vector<128x128xf32>, vector<128x128xf32>, vector<128x128xf32> -> vector<128x128xf32>
    %add3A_323 = vector.broadcast %add3A_319 : vector<1x128xf32> to vector<128x128xf32>
    %add3A_324 = arith.addf %dot_general3A_322, %add3A_323 : vector<128x128xf32>
    %mul3A_325 = arith.mulf %add3A_324, %slice3A_320 : vector<128x128xf32>
    %reduce_sum3A_326 = arith.constant dense<0.000000e+00> : vector<128xf32>
    %reduce_sum3A_327 = vector.multi_reduction <add>, %mul3A_325, %reduce_sum3A_326 [1] : vector<128x128xf32> to vector<128xf32>
    %broadcast_in_dim3A_328 = vector.shape_cast %reduce_sum3A_327 : vector<128xf32> to vector<128x1xf32>
    %reduce_sum3A_329 = arith.constant dense<0.000000e+00> : vector<128xf32>
    %reduce_sum3A_330 = vector.multi_reduction <add>, %slice3A_320, %reduce_sum3A_329 [0] : vector<128x128xf32> to vector<128xf32>
    %broadcast_in_dim3A_331 = vector.shape_cast %reduce_sum3A_330 : vector<128xf32> to vector<1x128xf32>
    %add3A_332 = arith.addf %add3A_319, %broadcast_in_dim3A_331 : vector<1x128xf32>
    %slice3A_333 = vector.extract_strided_slice %convert_element_type3A_46 {offsets = [2816, 0], sizes = [128, 128], strides = [1, 1]} : vector<4096x128xf32> to vector<128x128xf32>
    %dot_general3A_334 = arith.constant dense<0.000000e+00> : vector<128x128xf32>
    %dot_general3A_335 = tpu.matmul %convert_element_type3A_17, %slice3A_333, %dot_general3A_334 {dimension_numbers = #tpu.dot_dimension_numbers<[1], [0], [0], [1], [0, 0, 1, 1], [], []>, transpose_lhs_hint = false} : vector<128x128xf32>, vector<128x128xf32>, vector<128x128xf32> -> vector<128x128xf32>
    %add3A_336 = vector.broadcast %add3A_332 : vector<1x128xf32> to vector<128x128xf32>
    %add3A_337 = arith.addf %dot_general3A_335, %add3A_336 : vector<128x128xf32>
    %mul3A_338 = arith.mulf %add3A_337, %slice3A_333 : vector<128x128xf32>
    %reduce_sum3A_339 = arith.constant dense<0.000000e+00> : vector<128xf32>
    %reduce_sum3A_340 = vector.multi_reduction <add>, %mul3A_338, %reduce_sum3A_339 [1] : vector<128x128xf32> to vector<128xf32>
    %broadcast_in_dim3A_341 = vector.shape_cast %reduce_sum3A_340 : vector<128xf32> to vector<128x1xf32>
    %reduce_sum3A_342 = arith.constant dense<0.000000e+00> : vector<128xf32>
    %reduce_sum3A_343 = vector.multi_reduction <add>, %slice3A_333, %reduce_sum3A_342 [0] : vector<128x128xf32> to vector<128xf32>
    %broadcast_in_dim3A_344 = vector.shape_cast %reduce_sum3A_343 : vector<128xf32> to vector<1x128xf32>
    %add3A_345 = arith.addf %add3A_332, %broadcast_in_dim3A_344 : vector<1x128xf32>
    %slice3A_346 = vector.extract_strided_slice %convert_element_type3A_46 {offsets = [2944, 0], sizes = [128, 128], strides = [1, 1]} : vector<4096x128xf32> to vector<128x128xf32>
    %dot_general3A_347 = arith.constant dense<0.000000e+00> : vector<128x128xf32>
    %dot_general3A_348 = tpu.matmul %convert_element_type3A_17, %slice3A_346, %dot_general3A_347 {dimension_numbers = #tpu.dot_dimension_numbers<[1], [0], [0], [1], [0, 0, 1, 1], [], []>, transpose_lhs_hint = false} : vector<128x128xf32>, vector<128x128xf32>, vector<128x128xf32> -> vector<128x128xf32>
    %add3A_349 = vector.broadcast %add3A_345 : vector<1x128xf32> to vector<128x128xf32>
    %add3A_350 = arith.addf %dot_general3A_348, %add3A_349 : vector<128x128xf32>
    %mul3A_351 = arith.mulf %add3A_350, %slice3A_346 : vector<128x128xf32>
    %reduce_sum3A_352 = arith.constant dense<0.000000e+00> : vector<128xf32>
    %reduce_sum3A_353 = vector.multi_reduction <add>, %mul3A_351, %reduce_sum3A_352 [1] : vector<128x128xf32> to vector<128xf32>
    %broadcast_in_dim3A_354 = vector.shape_cast %reduce_sum3A_353 : vector<128xf32> to vector<128x1xf32>
    %reduce_sum3A_355 = arith.constant dense<0.000000e+00> : vector<128xf32>
    %reduce_sum3A_356 = vector.multi_reduction <add>, %slice3A_346, %reduce_sum3A_355 [0] : vector<128x128xf32> to vector<128xf32>
    %broadcast_in_dim3A_357 = vector.shape_cast %reduce_sum3A_356 : vector<128xf32> to vector<1x128xf32>
    %add3A_358 = arith.addf %add3A_345, %broadcast_in_dim3A_357 : vector<1x128xf32>
    %slice3A_359 = vector.extract_strided_slice %convert_element_type3A_46 {offsets = [3072, 0], sizes = [128, 128], strides = [1, 1]} : vector<4096x128xf32> to vector<128x128xf32>
    %dot_general3A_360 = arith.constant dense<0.000000e+00> : vector<128x128xf32>
    %dot_general3A_361 = tpu.matmul %convert_element_type3A_17, %slice3A_359, %dot_general3A_360 {dimension_numbers = #tpu.dot_dimension_numbers<[1], [0], [0], [1], [0, 0, 1, 1], [], []>, transpose_lhs_hint = false} : vector<128x128xf32>, vector<128x128xf32>, vector<128x128xf32> -> vector<128x128xf32>
    %add3A_362 = vector.broadcast %add3A_358 : vector<1x128xf32> to vector<128x128xf32>
    %add3A_363 = arith.addf %dot_general3A_361, %add3A_362 : vector<128x128xf32>
    %mul3A_364 = arith.mulf %add3A_363, %slice3A_359 : vector<128x128xf32>
    %reduce_sum3A_365 = arith.constant dense<0.000000e+00> : vector<128xf32>
    %reduce_sum3A_366 = vector.multi_reduction <add>, %mul3A_364, %reduce_sum3A_365 [1] : vector<128x128xf32> to vector<128xf32>
    %broadcast_in_dim3A_367 = vector.shape_cast %reduce_sum3A_366 : vector<128xf32> to vector<128x1xf32>
    %reduce_sum3A_368 = arith.constant dense<0.000000e+00> : vector<128xf32>
    %reduce_sum3A_369 = vector.multi_reduction <add>, %slice3A_359, %reduce_sum3A_368 [0] : vector<128x128xf32> to vector<128xf32>
    %broadcast_in_dim3A_370 = vector.shape_cast %reduce_sum3A_369 : vector<128xf32> to vector<1x128xf32>
    %add3A_371 = arith.addf %add3A_358, %broadcast_in_dim3A_370 : vector<1x128xf32>
    %slice3A_372 = vector.extract_strided_slice %convert_element_type3A_46 {offsets = [3200, 0], sizes = [128, 128], strides = [1, 1]} : vector<4096x128xf32> to vector<128x128xf32>
    %dot_general3A_373 = arith.constant dense<0.000000e+00> : vector<128x128xf32>
    %dot_general3A_374 = tpu.matmul %convert_element_type3A_17, %slice3A_372, %dot_general3A_373 {dimension_numbers = #tpu.dot_dimension_numbers<[1], [0], [0], [1], [0, 0, 1, 1], [], []>, transpose_lhs_hint = false} : vector<128x128xf32>, vector<128x128xf32>, vector<128x128xf32> -> vector<128x128xf32>
    %add3A_375 = vector.broadcast %add3A_371 : vector<1x128xf32> to vector<128x128xf32>
    %add3A_376 = arith.addf %dot_general3A_374, %add3A_375 : vector<128x128xf32>
    %mul3A_377 = arith.mulf %add3A_376, %slice3A_372 : vector<128x128xf32>
    %reduce_sum3A_378 = arith.constant dense<0.000000e+00> : vector<128xf32>
    %reduce_sum3A_379 = vector.multi_reduction <add>, %mul3A_377, %reduce_sum3A_378 [1] : vector<128x128xf32> to vector<128xf32>
    %broadcast_in_dim3A_380 = vector.shape_cast %reduce_sum3A_379 : vector<128xf32> to vector<128x1xf32>
    %reduce_sum3A_381 = arith.constant dense<0.000000e+00> : vector<128xf32>
    %reduce_sum3A_382 = vector.multi_reduction <add>, %slice3A_372, %reduce_sum3A_381 [0] : vector<128x128xf32> to vector<128xf32>
    %broadcast_in_dim3A_383 = vector.shape_cast %reduce_sum3A_382 : vector<128xf32> to vector<1x128xf32>
    %add3A_384 = arith.addf %add3A_371, %broadcast_in_dim3A_383 : vector<1x128xf32>
    %slice3A_385 = vector.extract_strided_slice %convert_element_type3A_46 {offsets = [3328, 0], sizes = [128, 128], strides = [1, 1]} : vector<4096x128xf32> to vector<128x128xf32>
    %dot_general3A_386 = arith.constant dense<0.000000e+00> : vector<128x128xf32>
    %dot_general3A_387 = tpu.matmul %convert_element_type3A_17, %slice3A_385, %dot_general3A_386 {dimension_numbers = #tpu.dot_dimension_numbers<[1], [0], [0], [1], [0, 0, 1, 1], [], []>, transpose_lhs_hint = false} : vector<128x128xf32>, vector<128x128xf32>, vector<128x128xf32> -> vector<128x128xf32>
    %add3A_388 = vector.broadcast %add3A_384 : vector<1x128xf32> to vector<128x128xf32>
    %add3A_389 = arith.addf %dot_general3A_387, %add3A_388 : vector<128x128xf32>
    %mul3A_390 = arith.mulf %add3A_389, %slice3A_385 : vector<128x128xf32>
    %reduce_sum3A_391 = arith.constant dense<0.000000e+00> : vector<128xf32>
    %reduce_sum3A_392 = vector.multi_reduction <add>, %mul3A_390, %reduce_sum3A_391 [1] : vector<128x128xf32> to vector<128xf32>
    %broadcast_in_dim3A_393 = vector.shape_cast %reduce_sum3A_392 : vector<128xf32> to vector<128x1xf32>
    %reduce_sum3A_394 = arith.constant dense<0.000000e+00> : vector<128xf32>
    %reduce_sum3A_395 = vector.multi_reduction <add>, %slice3A_385, %reduce_sum3A_394 [0] : vector<128x128xf32> to vector<128xf32>
    %broadcast_in_dim3A_396 = vector.shape_cast %reduce_sum3A_395 : vector<128xf32> to vector<1x128xf32>
    %add3A_397 = arith.addf %add3A_384, %broadcast_in_dim3A_396 : vector<1x128xf32>
    %slice3A_398 = vector.extract_strided_slice %convert_element_type3A_46 {offsets = [3456, 0], sizes = [128, 128], strides = [1, 1]} : vector<4096x128xf32> to vector<128x128xf32>
    %dot_general3A_399 = arith.constant dense<0.000000e+00> : vector<128x128xf32>
    %dot_general3A_400 = tpu.matmul %convert_element_type3A_17, %slice3A_398, %dot_general3A_399 {dimension_numbers = #tpu.dot_dimension_numbers<[1], [0], [0], [1], [0, 0, 1, 1], [], []>, transpose_lhs_hint = false} : vector<128x128xf32>, vector<128x128xf32>, vector<128x128xf32> -> vector<128x128xf32>
    %add3A_401 = vector.broadcast %add3A_397 : vector<1x128xf32> to vector<128x128xf32>
    %add3A_402 = arith.addf %dot_general3A_400, %add3A_401 : vector<128x128xf32>
    %mul3A_403 = arith.mulf %add3A_402, %slice3A_398 : vector<128x128xf32>
    %reduce_sum3A_404 = arith.constant dense<0.000000e+00> : vector<128xf32>
    %reduce_sum3A_405 = vector.multi_reduction <add>, %mul3A_403, %reduce_sum3A_404 [1] : vector<128x128xf32> to vector<128xf32>
    %broadcast_in_dim3A_406 = vector.shape_cast %reduce_sum3A_405 : vector<128xf32> to vector<128x1xf32>
    %reduce_sum3A_407 = arith.constant dense<0.000000e+00> : vector<128xf32>
    %reduce_sum3A_408 = vector.multi_reduction <add>, %slice3A_398, %reduce_sum3A_407 [0] : vector<128x128xf32> to vector<128xf32>
    %broadcast_in_dim3A_409 = vector.shape_cast %reduce_sum3A_408 : vector<128xf32> to vector<1x128xf32>
    %add3A_410 = arith.addf %add3A_397, %broadcast_in_dim3A_409 : vector<1x128xf32>
    %slice3A_411 = vector.extract_strided_slice %convert_element_type3A_46 {offsets = [3584, 0], sizes = [128, 128], strides = [1, 1]} : vector<4096x128xf32> to vector<128x128xf32>
    %dot_general3A_412 = arith.constant dense<0.000000e+00> : vector<128x128xf32>
    %dot_general3A_413 = tpu.matmul %convert_element_type3A_17, %slice3A_411, %dot_general3A_412 {dimension_numbers = #tpu.dot_dimension_numbers<[1], [0], [0], [1], [0, 0, 1, 1], [], []>, transpose_lhs_hint = false} : vector<128x128xf32>, vector<128x128xf32>, vector<128x128xf32> -> vector<128x128xf32>
    %add3A_414 = vector.broadcast %add3A_410 : vector<1x128xf32> to vector<128x128xf32>
    %add3A_415 = arith.addf %dot_general3A_413, %add3A_414 : vector<128x128xf32>
    %mul3A_416 = arith.mulf %add3A_415, %slice3A_411 : vector<128x128xf32>
    %reduce_sum3A_417 = arith.constant dense<0.000000e+00> : vector<128xf32>
    %reduce_sum3A_418 = vector.multi_reduction <add>, %mul3A_416, %reduce_sum3A_417 [1] : vector<128x128xf32> to vector<128xf32>
    %broadcast_in_dim3A_419 = vector.shape_cast %reduce_sum3A_418 : vector<128xf32> to vector<128x1xf32>
    %reduce_sum3A_420 = arith.constant dense<0.000000e+00> : vector<128xf32>
    %reduce_sum3A_421 = vector.multi_reduction <add>, %slice3A_411, %reduce_sum3A_420 [0] : vector<128x128xf32> to vector<128xf32>
    %broadcast_in_dim3A_422 = vector.shape_cast %reduce_sum3A_421 : vector<128xf32> to vector<1x128xf32>
    %add3A_423 = arith.addf %add3A_410, %broadcast_in_dim3A_422 : vector<1x128xf32>
    %slice3A_424 = vector.extract_strided_slice %convert_element_type3A_46 {offsets = [3712, 0], sizes = [128, 128], strides = [1, 1]} : vector<4096x128xf32> to vector<128x128xf32>
    %dot_general3A_425 = arith.constant dense<0.000000e+00> : vector<128x128xf32>
    %dot_general3A_426 = tpu.matmul %convert_element_type3A_17, %slice3A_424, %dot_general3A_425 {dimension_numbers = #tpu.dot_dimension_numbers<[1], [0], [0], [1], [0, 0, 1, 1], [], []>, transpose_lhs_hint = false} : vector<128x128xf32>, vector<128x128xf32>, vector<128x128xf32> -> vector<128x128xf32>
    %add3A_427 = vector.broadcast %add3A_423 : vector<1x128xf32> to vector<128x128xf32>
    %add3A_428 = arith.addf %dot_general3A_426, %add3A_427 : vector<128x128xf32>
    %mul3A_429 = arith.mulf %add3A_428, %slice3A_424 : vector<128x128xf32>
    %reduce_sum3A_430 = arith.constant dense<0.000000e+00> : vector<128xf32>
    %reduce_sum3A_431 = vector.multi_reduction <add>, %mul3A_429, %reduce_sum3A_430 [1] : vector<128x128xf32> to vector<128xf32>
    %broadcast_in_dim3A_432 = vector.shape_cast %reduce_sum3A_431 : vector<128xf32> to vector<128x1xf32>
    %reduce_sum3A_433 = arith.constant dense<0.000000e+00> : vector<128xf32>
    %reduce_sum3A_434 = vector.multi_reduction <add>, %slice3A_424, %reduce_sum3A_433 [0] : vector<128x128xf32> to vector<128xf32>
    %broadcast_in_dim3A_435 = vector.shape_cast %reduce_sum3A_434 : vector<128xf32> to vector<1x128xf32>
    %add3A_436 = arith.addf %add3A_423, %broadcast_in_dim3A_435 : vector<1x128xf32>
    %slice3A_437 = vector.extract_strided_slice %convert_element_type3A_46 {offsets = [3840, 0], sizes = [128, 128], strides = [1, 1]} : vector<4096x128xf32> to vector<128x128xf32>
    %dot_general3A_438 = arith.constant dense<0.000000e+00> : vector<128x128xf32>
    %dot_general3A_439 = tpu.matmul %convert_element_type3A_17, %slice3A_437, %dot_general3A_438 {dimension_numbers = #tpu.dot_dimension_numbers<[1], [0], [0], [1], [0, 0, 1, 1], [], []>, transpose_lhs_hint = false} : vector<128x128xf32>, vector<128x128xf32>, vector<128x128xf32> -> vector<128x128xf32>
    %add3A_440 = vector.broadcast %add3A_436 : vector<1x128xf32> to vector<128x128xf32>
    %add3A_441 = arith.addf %dot_general3A_439, %add3A_440 : vector<128x128xf32>
    %mul3A_442 = arith.mulf %add3A_441, %slice3A_437 : vector<128x128xf32>
    %reduce_sum3A_443 = arith.constant dense<0.000000e+00> : vector<128xf32>
    %reduce_sum3A_444 = vector.multi_reduction <add>, %mul3A_442, %reduce_sum3A_443 [1] : vector<128x128xf32> to vector<128xf32>
    %broadcast_in_dim3A_445 = vector.shape_cast %reduce_sum3A_444 : vector<128xf32> to vector<128x1xf32>
    %reduce_sum3A_446 = arith.constant dense<0.000000e+00> : vector<128xf32>
    %reduce_sum3A_447 = vector.multi_reduction <add>, %slice3A_437, %reduce_sum3A_446 [0] : vector<128x128xf32> to vector<128xf32>
    %broadcast_in_dim3A_448 = vector.shape_cast %reduce_sum3A_447 : vector<128xf32> to vector<1x128xf32>
    %add3A_449 = arith.addf %add3A_436, %broadcast_in_dim3A_448 : vector<1x128xf32>
    %slice3A_450 = vector.extract_strided_slice %convert_element_type3A_46 {offsets = [3968, 0], sizes = [128, 128], strides = [1, 1]} : vector<4096x128xf32> to vector<128x128xf32>
    %dot_general3A_451 = arith.constant dense<0.000000e+00> : vector<128x128xf32>
    %dot_general3A_452 = tpu.matmul %convert_element_type3A_17, %slice3A_450, %dot_general3A_451 {dimension_numbers = #tpu.dot_dimension_numbers<[1], [0], [0], [1], [0, 0, 1, 1], [], []>, transpose_lhs_hint = false} : vector<128x128xf32>, vector<128x128xf32>, vector<128x128xf32> -> vector<128x128xf32>
    %add3A_453 = vector.broadcast %add3A_449 : vector<1x128xf32> to vector<128x128xf32>
    %add3A_454 = arith.addf %dot_general3A_452, %add3A_453 : vector<128x128xf32>
    %mul3A_455 = arith.mulf %add3A_454, %slice3A_450 : vector<128x128xf32>
    %reduce_sum3A_456 = arith.constant dense<0.000000e+00> : vector<128xf32>
    %reduce_sum3A_457 = vector.multi_reduction <add>, %mul3A_455, %reduce_sum3A_456 [1] : vector<128x128xf32> to vector<128xf32>
    %broadcast_in_dim3A_458 = vector.shape_cast %reduce_sum3A_457 : vector<128xf32> to vector<128x1xf32>
    %reduce_sum3A_459 = arith.constant dense<0.000000e+00> : vector<128xf32>
    %reduce_sum3A_460 = vector.multi_reduction <add>, %slice3A_450, %reduce_sum3A_459 [0] : vector<128x128xf32> to vector<128xf32>
    %broadcast_in_dim3A_461 = vector.shape_cast %reduce_sum3A_460 : vector<128xf32> to vector<1x128xf32>
    %add3A_462 = arith.addf %add3A_449, %broadcast_in_dim3A_461 : vector<1x128xf32>
    %concatenate3A_463 = tpu.concatenate %broadcast_in_dim3A_55, %broadcast_in_dim3A_68, %broadcast_in_dim3A_81, %broadcast_in_dim3A_94, %broadcast_in_dim3A_107, %broadcast_in_dim3A_120, %broadcast_in_dim3A_133, %broadcast_in_dim3A_146, %broadcast_in_dim3A_159, %broadcast_in_dim3A_172, %broadcast_in_dim3A_185, %broadcast_in_dim3A_198, %broadcast_in_dim3A_211, %broadcast_in_dim3A_224, %broadcast_in_dim3A_237, %broadcast_in_dim3A_250, %broadcast_in_dim3A_263, %broadcast_in_dim3A_276, %broadcast_in_dim3A_289, %broadcast_in_dim3A_302, %broadcast_in_dim3A_315, %broadcast_in_dim3A_328, %broadcast_in_dim3A_341, %broadcast_in_dim3A_354, %broadcast_in_dim3A_367, %broadcast_in_dim3A_380, %broadcast_in_dim3A_393, %broadcast_in_dim3A_406, %broadcast_in_dim3A_419, %broadcast_in_dim3A_432, %broadcast_in_dim3A_445, %broadcast_in_dim3A_458 in 0 : vector<128x1xf32>, vector<128x1xf32>, vector<128x1xf32>, vector<128x1xf32>, vector<128x1xf32>, vector<128x1xf32>, vector<128x1xf32>, vector<128x1xf32>, vector<128x1xf32>, vector<128x1xf32>, vector<128x1xf32>, vector<128x1xf32>, vector<128x1xf32>, vector<128x1xf32>, vector<128x1xf32>, vector<128x1xf32>, vector<128x1xf32>, vector<128x1xf32>, vector<128x1xf32>, vector<128x1xf32>, vector<128x1xf32>, vector<128x1xf32>, vector<128x1xf32>, vector<128x1xf32>, vector<128x1xf32>, vector<128x1xf32>, vector<128x1xf32>, vector<128x1xf32>, vector<128x1xf32>, vector<128x1xf32>, vector<128x1xf32>, vector<128x1xf32> -> vector<4096x1xf32>
    %dot_general3A_464 = arith.constant dense<0.000000e+00> : vector<1x128xf32>
    %dot_general3A_465 = tpu.matmul %add3A_462, %convert_element_type3A_21, %dot_general3A_464 {dimension_numbers = #tpu.dot_dimension_numbers<[1], [0], [0], [1], [0, 0, 1, 1], [], []>, precision = #tpu.contract_precision<fp32>, transpose_lhs_hint = false} : vector<1x128xf32>, vector<128x128xf32>, vector<1x128xf32> -> vector<1x128xf32>
    %mul3A_466 = vector.broadcast %dot_general3A_465 : vector<1x128xf32> to vector<4096x128xf32>
    %mul3A_467 = arith.mulf %mul3A_466, %convert_element_type3A_46 : vector<4096x128xf32>
    %reduce_sum3A_468 = arith.constant dense<0.000000e+00> : vector<4096xf32>
    %reduce_sum3A_469 = vector.multi_reduction <add>, %mul3A_467, %reduce_sum3A_468 [1] : vector<4096x128xf32> to vector<4096xf32>
    %broadcast_in_dim3A_470 = vector.shape_cast %reduce_sum3A_469 : vector<4096xf32> to vector<4096x1xf32>
    %add3A_471 = arith.addf %broadcast_in_dim3A_470, %concatenate3A_463 : vector<4096x1xf32>
    %mul3A_472 = arith.constant 4096 : i32
    %mul3A_473 = arith.muli %arg0, %mul3A_472 : i32
    %convert_element_type3A_474 = arith.sitofp %mul3A_473 : i32 to f32
    %add3A_475 = vector.broadcast %convert_element_type3A_474 : f32 to vector<4096x1xf32>
    %add3A_476 = arith.addf %add3A_471, %add3A_475 : vector<4096x1xf32>
    %convert_element_type3A_477 = arith.fptosi %add3A_476 : vector<4096x1xf32> to vector<4096x1xi32>
    %swap3A_478 = arith.constant 0 : index
    %swap3A_479 = arith.constant 0 : index
    %swap3A_480 = arith.constant 0 : index
    %swap3A_481 = vector.load %arg4[%swap3A_478, %swap3A_479, %swap3A_480] : memref<1x4096x1xi32, #tpu.memory_space<vmem>>, vector<1x4096x1xi32>
    %swap3A_482 = vector.shape_cast %swap3A_481 : vector<1x4096x1xi32> to vector<4096x1xi32>
    %swap3A_483 = vector.shape_cast %convert_element_type3A_477 : vector<4096x1xi32> to vector<1x4096x1xi32>
    tpu.vector_store %arg4[%swap3A_478, %swap3A_479, %swap3A_480], %swap3A_483 {strides = array<i32>} : memref<1x4096x1xi32, #tpu.memory_space<vmem>>, vector<1x4096x1xi32>,
    %convert_element_type3A_484 = arith.fptosi %add3A_471 : vector<4096x1xf32> to vector<4096x1xi32>
    %shift_right_logical3A = arith.constant 6 : i32
    %shift_right_logical3A_485 = vector.broadcast %shift_right_logical3A : i32 to vector<4096x1xi32>
    %shift_right_logical3A_486 = arith.shrui %convert_element_type3A_484, %shift_right_logical3A_485 : vector<4096x1xi32>
    %and3A = arith.constant 63 : i32
    %and3A_487 = vector.broadcast %and3A : i32 to vector<4096x1xi32>
    %and3A_488 = arith.andi %convert_element_type3A_484, %and3A_487 : vector<4096x1xi32>
    %iota3A_489 = tpu.iota {dimensions = array<i32: 1>} : vector<4096x64xi32>
    %eq3A_490 = vector.broadcast %shift_right_logical3A_486 : vector<4096x1xi32> to vector<4096x64xi32>
    %eq3A_491 = arith.cmpi eq, %iota3A_489, %eq3A_490 : vector<4096x64xi32>
    %convert_element_type3A_492 = arith.extui %eq3A_491 : vector<4096x64xi1> to vector<4096x64xi32>
    %convert_element_type3A_493 = arith.sitofp %convert_element_type3A_492 : vector<4096x64xi32> to vector<4096x64xf32>
    %eq3A_494 = vector.broadcast %and3A_488 : vector<4096x1xi32> to vector<4096x64xi32>
    %eq3A_495 = arith.cmpi eq, %iota3A_489, %eq3A_494 : vector<4096x64xi32>
    %iota3A_496 = tpu.iota {dimensions = array<i32: 0>} : vector<2048x1xi32>
    %concatenate3A_497 = tpu.concatenate %iota3A_496, %iota3A_496 in 0 : vector<2048x1xi32>, vector<2048x1xi32> -> vector<4096x1xi32>
    %shift_right_logical3A_498 = arith.constant 6 : i32
    %shift_right_logical3A_499 = vector.broadcast %shift_right_logical3A_498 : i32 to vector<4096x1xi32>
    %shift_right_logical3A_500 = arith.shrui %concatenate3A_497, %shift_right_logical3A_499 : vector<4096x1xi32>
    %jit3A = arith.constant 0 : i32
    %broadcast_in_dim3A_501 = vector.shape_cast %shift_right_logical3A_500 : vector<4096x1xi32> to vector<4096x1xi32>
    %broadcast_in_dim3A_502 = vector.broadcast %broadcast_in_dim3A_501 : vector<4096x1xi32> to vector<4096x64xi32>
    %broadcast_in_dim3A_503 = vector.broadcast %jit3A : i32 to vector<4096x64xi32>
    %select_n3A = arith.select %eq3A_495, %broadcast_in_dim3A_502, %broadcast_in_dim3A_503 : vector<4096x64xi1>, vector<4096x64xi32>
    %convert_element_type3A_504 = arith.sitofp %select_n3A : vector<4096x64xi32> to vector<4096x64xf32>
    %and3A_505 = arith.constant 63 : i32
    %and3A_506 = vector.broadcast %and3A_505 : i32 to vector<4096x1xi32>
    %and3A_507 = arith.andi %concatenate3A_497, %and3A_506 : vector<4096x1xi32>
    %jit3A_508 = arith.constant 0 : i32
    %broadcast_in_dim3A_509 = vector.shape_cast %and3A_507 : vector<4096x1xi32> to vector<4096x1xi32>
    %broadcast_in_dim3A_510 = vector.broadcast %broadcast_in_dim3A_509 : vector<4096x1xi32> to vector<4096x64xi32>
    %broadcast_in_dim3A_511 = vector.broadcast %jit3A_508 : i32 to vector<4096x64xi32>
    %select_n3A_512 = arith.select %eq3A_495, %broadcast_in_dim3A_510, %broadcast_in_dim3A_511 : vector<4096x64xi1>, vector<4096x64xi32>
    %convert_element_type3A_513 = arith.sitofp %select_n3A_512 : vector<4096x64xi32> to vector<4096x64xf32>
    %dot_general3A_514 = arith.constant dense<0.000000e+00> : vector<64x64xf32>
    %dot_general3A_515 = tpu.matmul %convert_element_type3A_493, %convert_element_type3A_504, %dot_general3A_514 {dimension_numbers = #tpu.dot_dimension_numbers<[0], [0], [1], [1], [0, 1, 1, 1], [], []>, transpose_lhs_hint = false} : vector<4096x64xf32>, vector<4096x64xf32>, vector<64x64xf32> -> vector<64x64xf32>
    %dot_general3A_516 = arith.constant dense<0.000000e+00> : vector<64x64xf32>
    %dot_general3A_517 = tpu.matmul %convert_element_type3A_493, %convert_element_type3A_513, %dot_general3A_516 {dimension_numbers = #tpu.dot_dimension_numbers<[0], [0], [1], [1], [0, 1, 1, 1], [], []>, transpose_lhs_hint = false} : vector<4096x64xf32>, vector<4096x64xf32>, vector<64x64xf32> -> vector<64x64xf32>
    %mul3A_518 = arith.constant 6.400000e+01 : f32
    %mul3A_519 = vector.broadcast %mul3A_518 : f32 to vector<64x64xf32>
    %mul3A_520 = arith.mulf %dot_general3A_515, %mul3A_519 : vector<64x64xf32>
    %add3A_521 = arith.addf %mul3A_520, %dot_general3A_517 : vector<64x64xf32>
    %swap3A_522 = arith.constant 0 : index
    %swap3A_523 = arith.constant 0 : index
    %swap3A_524 = arith.constant 0 : index
    %swap3A_525 = vector.load %arg6[%swap3A_522, %swap3A_523, %swap3A_524] : memref<1x64x64xf32, #tpu.memory_space<vmem>>, vector<1x64x64xf32>
    %swap3A_526 = vector.shape_cast %swap3A_525 : vector<1x64x64xf32> to vector<64x64xf32>
    %swap3A_527 = vector.shape_cast %add3A_521 : vector<64x64xf32> to vector<1x64x64xf32>
    tpu.vector_store %arg6[%swap3A_522, %swap3A_523, %swap3A_524], %swap3A_527 {strides = array<i32>} : memref<1x64x64xf32, #tpu.memory_space<vmem>>, vector<1x64x64xf32>,
    return
  }
  func.func @transform_0(%arg0: i32) -> (i32, i32, i32, i32) {
    %jit3A = arith.constant 16 : i32
    %div3A = arith.divsi %arg0, %jit3A : i32
    %sign3A = arith.constant 0 : i32
    %sign3A_0 = arith.cmpi sgt, %arg0, %sign3A : i32
    %sign3A_1 = arith.extui %sign3A_0 : i1 to i32
    %sign3A_2 = arith.constant 0 : i32
    %sign3A_3 = arith.cmpi slt, %arg0, %sign3A_2 : i32
    %sign3A_4 = arith.extui %sign3A_3 : i1 to i32
    %sign3A_5 = arith.subi %sign3A_1, %sign3A_4 : i32
    %sign3A_6 = arith.constant 0 : i32
    %sign3A_7 = arith.cmpi sgt, %jit3A, %sign3A_6 : i32
    %sign3A_8 = arith.extui %sign3A_7 : i1 to i32
    %sign3A_9 = arith.constant 0 : i32
    %sign3A_10 = arith.cmpi slt, %jit3A, %sign3A_9 : i32
    %sign3A_11 = arith.extui %sign3A_10 : i1 to i32
    %sign3A_12 = arith.subi %sign3A_8, %sign3A_11 : i32
    %ne3A = arith.cmpi ne, %sign3A_5, %sign3A_12 : i32
    %rem3A = arith.remsi %arg0, %jit3A : i32
    %ne3A_13 = arith.constant 0 : i32
    %ne3A_14 = arith.cmpi ne, %rem3A, %ne3A_13 : i32
    %and3A = arith.andi %ne3A, %ne3A_14 : i1
    %sub3A = arith.constant 1 : i32
    %sub3A_15 = arith.subi %div3A, %sub3A : i32
    %select_n3A = arith.select %and3A, %sub3A_15, %div3A : i32
    %jit3A_16 = arith.constant 16 : i32
    %eq3A = arith.constant 0 : i32
    %eq3A_17 = arith.cmpi eq, %jit3A_16, %eq3A : i32
    %jit3A_18 = arith.constant 1 : i32
    %select_n3A_19 = arith.select %eq3A_17, %jit3A_18, %jit3A_16 : i32
    %rem3A_20 = arith.remsi %arg0, %select_n3A_19 : i32
    %ne3A_21 = arith.constant 0 : i32
    %ne3A_22 = arith.cmpi ne, %rem3A_20, %ne3A_21 : i32
    %lt3A = arith.constant 0 : i32
    %lt3A_23 = arith.cmpi slt, %rem3A_20, %lt3A : i32
    %lt3A_24 = arith.constant 0 : i32
    %lt3A_25 = arith.cmpi slt, %select_n3A_19, %lt3A_24 : i32
    %ne3A_26 = arith.xori %lt3A_23, %lt3A_25 : i1
    %and3A_27 = arith.andi %ne3A_26, %ne3A_22 : i1
    %add3A = arith.addi %rem3A_20, %select_n3A_19 : i32
    %select_n3A_28 = arith.select %and3A_27, %add3A, %rem3A_20 : i32
    %c0_i32 = arith.constant 0 : i32
    %c0_i32_29 = arith.constant 0 : i32
    %c0_i32_30 = arith.constant 0 : i32
    return %select_n3A, %select_n3A_28, %c0_i32, %c0_i32_29 : i32, i32, i32, i32
  }
  func.func @transform_1(%arg0: i32) -> (i32, i32, i32, i32) {
    %jit3A = arith.constant 16 : i32
    %div3A = arith.divsi %arg0, %jit3A : i32
    %sign3A = arith.constant 0 : i32
    %sign3A_0 = arith.cmpi sgt, %arg0, %sign3A : i32
    %sign3A_1 = arith.extui %sign3A_0 : i1 to i32
    %sign3A_2 = arith.constant 0 : i32
    %sign3A_3 = arith.cmpi slt, %arg0, %sign3A_2 : i32
    %sign3A_4 = arith.extui %sign3A_3 : i1 to i32
    %sign3A_5 = arith.subi %sign3A_1, %sign3A_4 : i32
    %sign3A_6 = arith.constant 0 : i32
    %sign3A_7 = arith.cmpi sgt, %jit3A, %sign3A_6 : i32
    %sign3A_8 = arith.extui %sign3A_7 : i1 to i32
    %sign3A_9 = arith.constant 0 : i32
    %sign3A_10 = arith.cmpi slt, %jit3A, %sign3A_9 : i32
    %sign3A_11 = arith.extui %sign3A_10 : i1 to i32
    %sign3A_12 = arith.subi %sign3A_8, %sign3A_11 : i32
    %ne3A = arith.cmpi ne, %sign3A_5, %sign3A_12 : i32
    %rem3A = arith.remsi %arg0, %jit3A : i32
    %ne3A_13 = arith.constant 0 : i32
    %ne3A_14 = arith.cmpi ne, %rem3A, %ne3A_13 : i32
    %and3A = arith.andi %ne3A, %ne3A_14 : i1
    %sub3A = arith.constant 1 : i32
    %sub3A_15 = arith.subi %div3A, %sub3A : i32
    %select_n3A = arith.select %and3A, %sub3A_15, %div3A : i32
    %jit3A_16 = arith.constant 16 : i32
    %eq3A = arith.constant 0 : i32
    %eq3A_17 = arith.cmpi eq, %jit3A_16, %eq3A : i32
    %jit3A_18 = arith.constant 1 : i32
    %select_n3A_19 = arith.select %eq3A_17, %jit3A_18, %jit3A_16 : i32
    %rem3A_20 = arith.remsi %arg0, %select_n3A_19 : i32
    %ne3A_21 = arith.constant 0 : i32
    %ne3A_22 = arith.cmpi ne, %rem3A_20, %ne3A_21 : i32
    %lt3A = arith.constant 0 : i32
    %lt3A_23 = arith.cmpi slt, %rem3A_20, %lt3A : i32
    %lt3A_24 = arith.constant 0 : i32
    %lt3A_25 = arith.cmpi slt, %select_n3A_19, %lt3A_24 : i32
    %ne3A_26 = arith.xori %lt3A_23, %lt3A_25 : i1
    %and3A_27 = arith.andi %ne3A_26, %ne3A_22 : i1
    %add3A = arith.addi %rem3A_20, %select_n3A_19 : i32
    %select_n3A_28 = arith.select %and3A_27, %add3A, %rem3A_20 : i32
    %c0_i32 = arith.constant 0 : i32
    %c0_i32_29 = arith.constant 0 : i32
    %c0_i32_30 = arith.constant 0 : i32
    return %select_n3A, %select_n3A_28, %c0_i32, %c0_i32_29 : i32, i32, i32, i32
  }
  func.func @transform_2(%arg0: i32) -> (i32, i32, i32) {
    %c0_i32 = arith.constant 0 : i32
    %c0_i32_0 = arith.constant 0 : i32
    %c0_i32_1 = arith.constant 0 : i32
    %c0_i32_2 = arith.constant 0 : i32
    return %c0_i32, %c0_i32_0, %c0_i32_1 : i32, i32, i32
  }
  func.func @transform_3(%arg0: i32) -> (i32, i32, i32) {
    %c0_i32 = arith.constant 0 : i32
    %c0_i32_0 = arith.constant 0 : i32
    %c0_i32_1 = arith.constant 0 : i32
    return %arg0, %c0_i32, %c0_i32_0 : i32, i32, i32
  }
  func.func @transform_4(%arg0: i32) -> (i32, i32, i32) {
    %c0_i32 = arith.constant 0 : i32
    %c0_i32_0 = arith.constant 0 : i32
    %c0_i32_1 = arith.constant 0 : i32
    return %arg0, %c0_i32, %c0_i32_0 : i32, i32, i32
  }
  func.func @transform_5(%arg0: i32) -> (i32, i32, i32) {
    %c0_i32 = arith.constant 0 : i32
    %c0_i32_0 = arith.constant 0 : i32
    %c0_i32_1 = arith.constant 0 : i32
    return %arg0, %c0_i32, %c0_i32_0 : i32, i32, i32
  }
}

module attributes {stable_mosaic.version = 14 : i64} {
  func.func @_attn_body(%arg0: i32, %arg1: memref<1x4096x128xf32, #tpu.memory_space<vmem>>, %arg2: memref<1x64x64xf32, #tpu.memory_space<vmem>>, %arg3: memref<4096x64xf32, #tpu.memory_space<vmem>>, %arg4: memref<4096x64xf32, #tpu.memory_space<vmem>>, %arg5: memref<1x4096x128xf32, #tpu.memory_space<vmem>>) attributes {dimension_semantics = [#tpu.dimension_semantics<arbitrary>], iteration_bounds = array<i64: 16>, scalar_prefetch = 0 : i64, scratch_operands = 0 : i64, tpu.core_type = #tpu.core_type<tc>, window_params = [{transform_indices = @transform_0, window_bounds = array<i64: 1, 4096, 128>}, {transform_indices = @transform_1, window_bounds = array<i64: 1, 64, 64>}, {pipeline_mode = #tpu.pipeline_mode<synchronous>, transform_indices = @transform_2, window_bounds = array<i64: 4096, 64>}, {pipeline_mode = #tpu.pipeline_mode<synchronous>, transform_indices = @transform_3, window_bounds = array<i64: 4096, 64>}, {transform_indices = @transform_4, window_bounds = array<i64: 1, 4096, 128>}]} {
    %get3A = arith.constant 0 : index
    %get3A_0 = arith.constant 0 : index
    %get3A_1 = arith.constant 0 : index
    %get3A_2 = vector.load %arg2[%get3A, %get3A_0, %get3A_1] : memref<1x64x64xf32, #tpu.memory_space<vmem>>, vector<1x64x64xf32>
    %get3A_3 = vector.shape_cast %get3A_2 : vector<1x64x64xf32> to vector<64x64xf32>
    %get3A_4 = arith.constant 0 : index
    %get3A_5 = arith.constant 0 : index
    %get3A_6 = vector.load %arg3[%get3A_4, %get3A_5] : memref<4096x64xf32, #tpu.memory_space<vmem>>, vector<4096x64xf32>
    %mul3A = arith.constant 1.562500e-02 : f32
    %mul3A_7 = vector.broadcast %mul3A : f32 to vector<64x64xf32>
    %mul3A_8 = arith.mulf %get3A_3, %mul3A_7 : vector<64x64xf32>
    %floor3A = math.floor %mul3A_8 : vector<64x64xf32>
    %dot_general3A = arith.constant dense<0.000000e+00> : vector<4096x64xf32>
    %dot_general3A_9 = tpu.matmul %get3A_6, %floor3A, %dot_general3A {dimension_numbers = #tpu.dot_dimension_numbers<[1], [0], [0], [1], [0, 0, 1, 1], [], []>, transpose_lhs_hint = false} : vector<4096x64xf32>, vector<64x64xf32>, vector<4096x64xf32> -> vector<4096x64xf32>
    %get3A_10 = arith.constant 0 : index
    %get3A_11 = arith.constant 0 : index
    %get3A_12 = vector.load %arg3[%get3A_10, %get3A_11] : memref<4096x64xf32, #tpu.memory_space<vmem>>, vector<4096x64xf32>
    %mul3A_13 = arith.constant 1.562500e-02 : f32
    %mul3A_14 = vector.broadcast %mul3A_13 : f32 to vector<64x64xf32>
    %mul3A_15 = arith.mulf %get3A_3, %mul3A_14 : vector<64x64xf32>
    %floor3A_16 = math.floor %mul3A_15 : vector<64x64xf32>
    %mul3A_17 = arith.constant 6.400000e+01 : f32
    %mul3A_18 = vector.broadcast %mul3A_17 : f32 to vector<64x64xf32>
    %mul3A_19 = arith.mulf %floor3A_16, %mul3A_18 : vector<64x64xf32>
    %sub3A = arith.subf %get3A_3, %mul3A_19 : vector<64x64xf32>
    %dot_general3A_20 = arith.constant dense<0.000000e+00> : vector<4096x64xf32>
    %dot_general3A_21 = tpu.matmul %get3A_12, %sub3A, %dot_general3A_20 {dimension_numbers = #tpu.dot_dimension_numbers<[1], [0], [0], [1], [0, 0, 1, 1], [], []>, transpose_lhs_hint = false} : vector<4096x64xf32>, vector<64x64xf32>, vector<4096x64xf32> -> vector<4096x64xf32>
    %mul3A_22 = arith.constant 6.400000e+01 : f32
    %mul3A_23 = vector.broadcast %mul3A_22 : f32 to vector<4096x64xf32>
    %mul3A_24 = arith.mulf %dot_general3A_9, %mul3A_23 : vector<4096x64xf32>
    %add3A = arith.addf %mul3A_24, %dot_general3A_21 : vector<4096x64xf32>
    %get3A_25 = arith.constant 0 : index
    %get3A_26 = arith.constant 0 : index
    %get3A_27 = vector.load %arg4[%get3A_25, %get3A_26] : memref<4096x64xf32, #tpu.memory_space<vmem>>, vector<4096x64xf32>
    %mul3A_28 = arith.mulf %add3A, %get3A_27 : vector<4096x64xf32>
    %reduce_sum3A = arith.constant dense<0.000000e+00> : vector<4096xf32>
    %reduce_sum3A_29 = vector.multi_reduction <add>, %mul3A_28, %reduce_sum3A [1] : vector<4096x64xf32> to vector<4096xf32>
    %broadcast_in_dim3A = vector.shape_cast %reduce_sum3A_29 : vector<4096xf32> to vector<4096x1xf32>
    %iota3A = tpu.iota {dimensions = array<i32: 0>} : vector<512x576xi32>
    %shift_right_logical3A = arith.constant 6 : i32
    %shift_right_logical3A_30 = vector.broadcast %shift_right_logical3A : i32 to vector<512x576xi32>
    %shift_right_logical3A_31 = arith.shrui %iota3A, %shift_right_logical3A_30 : vector<512x576xi32>
    %iota3A_32 = tpu.iota {dimensions = array<i32: 1>} : vector<512x576xi32>
    %shift_right_logical3A_33 = arith.constant 6 : i32
    %shift_right_logical3A_34 = vector.broadcast %shift_right_logical3A_33 : i32 to vector<512x576xi32>
    %shift_right_logical3A_35 = arith.shrui %iota3A_32, %shift_right_logical3A_34 : vector<512x576xi32>
    %eq3A = arith.cmpi eq, %shift_right_logical3A_35, %shift_right_logical3A_31 : vector<512x576xi32>
    %add3A_36 = arith.constant 1 : i32
    %add3A_37 = vector.broadcast %add3A_36 : i32 to vector<512x576xi32>
    %add3A_38 = arith.addi %shift_right_logical3A_31, %add3A_37 : vector<512x576xi32>
    %eq3A_39 = arith.cmpi eq, %shift_right_logical3A_35, %add3A_38 : vector<512x576xi32>
    %or3A = arith.ori %eq3A, %eq3A_39 : vector<512x576xi1>
    %get3A_40 = arith.constant 0 : index
    %get3A_41 = arith.constant 0 : index
    %get3A_42 = arith.constant 0 : index
    %get3A_43 = vector.load %arg1[%get3A_40, %get3A_41, %get3A_42] : memref<1x4096x128xf32, #tpu.memory_space<vmem>>, vector<1x4096x128xf32>
    %get3A_44 = vector.shape_cast %get3A_43 : vector<1x4096x128xf32> to vector<4096x128xf32>
    %slice3A = vector.extract_strided_slice %get3A_44 {offsets = [0, 0], sizes = [4096, 64], strides = [1, 1]} : vector<4096x128xf32> to vector<4096x64xf32>
    %mul3A_45 = arith.mulf %slice3A, %slice3A : vector<4096x64xf32>
    %reduce_sum3A_46 = arith.constant dense<0.000000e+00> : vector<4096xf32>
    %reduce_sum3A_47 = vector.multi_reduction <add>, %mul3A_45, %reduce_sum3A_46 [1] : vector<4096x64xf32> to vector<4096xf32>
    %broadcast_in_dim3A_48 = vector.shape_cast %reduce_sum3A_47 : vector<4096xf32> to vector<4096x1xf32>
    %div3A = arith.constant 6.400000e+01 : f32
    %div3A_49 = vector.broadcast %div3A : f32 to vector<4096x1xf32>
    %div3A_50 = arith.divf %broadcast_in_dim3A_48, %div3A_49 : vector<4096x1xf32>
    %add3A_51 = arith.constant 9.99999997E-7 : f32
    %add3A_52 = vector.broadcast %add3A_51 : f32 to vector<4096x1xf32>
    %add3A_53 = arith.addf %div3A_50, %add3A_52 : vector<4096x1xf32>
    %rsqrt3A = math.rsqrt %add3A_53 : vector<4096x1xf32>
    %mul3A_54 = vector.broadcast %rsqrt3A : vector<4096x1xf32> to vector<4096x64xf32>
    %mul3A_55 = arith.mulf %slice3A, %mul3A_54 : vector<4096x64xf32>
    %mul3A_56 = arith.constant 1.250000e-01 : f32
    %mul3A_57 = vector.broadcast %mul3A_56 : f32 to vector<4096x64xf32>
    %mul3A_58 = arith.mulf %mul3A_55, %mul3A_57 : vector<4096x64xf32>
    %get3A_59 = arith.constant 0 : index
    %get3A_60 = arith.constant 0 : index
    %get3A_61 = arith.constant 0 : index
    %get3A_62 = vector.load %arg1[%get3A_59, %get3A_60, %get3A_61] : memref<1x4096x128xf32, #tpu.memory_space<vmem>>, vector<1x512x128xf32>
    %get3A_63 = vector.shape_cast %get3A_62 : vector<1x512x128xf32> to vector<512x128xf32>
    %get3A_64 = arith.constant 0 : index
    %get3A_65 = arith.constant 4032 : index
    %get3A_66 = arith.constant 0 : index
    %get3A_67 = vector.load %arg1[%get3A_64, %get3A_65, %get3A_66] : memref<1x4096x128xf32, #tpu.memory_space<vmem>>, vector<1x64x128xf32>
    %get3A_68 = vector.shape_cast %get3A_67 : vector<1x64x128xf32> to vector<64x128xf32>
    %slice3A_69 = vector.extract_strided_slice %mul3A_58 {offsets = [4032, 0], sizes = [64, 64], strides = [1, 1]} : vector<4096x64xf32> to vector<64x64xf32>
    %slice3A_70 = vector.extract_strided_slice %mul3A_58 {offsets = [0, 0], sizes = [512, 64], strides = [1, 1]} : vector<4096x64xf32> to vector<512x64xf32>
    %concatenate3A = tpu.concatenate %slice3A_69, %slice3A_70 in 0 : vector<64x64xf32>, vector<512x64xf32> -> vector<576x64xf32>
    %slice3A_71 = vector.extract_strided_slice %get3A_68 {offsets = [0, 64], sizes = [64, 64], strides = [1, 1]} : vector<64x128xf32> to vector<64x64xf32>
    %slice3A_72 = vector.extract_strided_slice %get3A_63 {offsets = [0, 64], sizes = [512, 64], strides = [1, 1]} : vector<512x128xf32> to vector<512x64xf32>
    %concatenate3A_73 = tpu.concatenate %slice3A_71, %slice3A_72 in 0 : vector<64x64xf32>, vector<512x64xf32> -> vector<576x64xf32>
    %slice3A_74 = vector.extract_strided_slice %get3A_63 {offsets = [0, 0], sizes = [512, 64], strides = [1, 1]} : vector<512x128xf32> to vector<512x64xf32>
    %dot_general3A_75 = arith.constant dense<0.000000e+00> : vector<512x576xf32>
    %dot_general3A_76 = tpu.matmul %slice3A_74, %concatenate3A, %dot_general3A_75 {dimension_numbers = #tpu.dot_dimension_numbers<[1], [1], [0], [0], [0, 0, 1, 0], [], []>, transpose_lhs_hint = false} : vector<512x64xf32>, vector<576x64xf32>, vector<512x576xf32> -> vector<512x576xf32>
    %slice3A_77 = vector.extract_strided_slice %broadcast_in_dim3A {offsets = [0, 0], sizes = [512, 1], strides = [1, 1]} : vector<4096x1xf32> to vector<512x1xf32>
    %slice3A_78 = vector.extract_strided_slice %get3A_3 {offsets = [63, 0], sizes = [1, 64], strides = [1, 1]} : vector<64x64xf32> to vector<1x64xf32>
    %slice3A_79 = vector.extract_strided_slice %get3A_3 {offsets = [0, 0], sizes = [1, 64], strides = [1, 1]} : vector<64x64xf32> to vector<1x64xf32>
    %slice3A_80 = vector.extract_strided_slice %get3A_3 {offsets = [1, 0], sizes = [1, 64], strides = [1, 1]} : vector<64x64xf32> to vector<1x64xf32>
    %slice3A_81 = vector.extract_strided_slice %get3A_3 {offsets = [2, 0], sizes = [1, 64], strides = [1, 1]} : vector<64x64xf32> to vector<1x64xf32>
    %slice3A_82 = vector.extract_strided_slice %get3A_3 {offsets = [3, 0], sizes = [1, 64], strides = [1, 1]} : vector<64x64xf32> to vector<1x64xf32>
    %slice3A_83 = vector.extract_strided_slice %get3A_3 {offsets = [4, 0], sizes = [1, 64], strides = [1, 1]} : vector<64x64xf32> to vector<1x64xf32>
    %slice3A_84 = vector.extract_strided_slice %get3A_3 {offsets = [5, 0], sizes = [1, 64], strides = [1, 1]} : vector<64x64xf32> to vector<1x64xf32>
    %slice3A_85 = vector.extract_strided_slice %get3A_3 {offsets = [6, 0], sizes = [1, 64], strides = [1, 1]} : vector<64x64xf32> to vector<1x64xf32>
    %slice3A_86 = vector.extract_strided_slice %get3A_3 {offsets = [7, 0], sizes = [1, 64], strides = [1, 1]} : vector<64x64xf32> to vector<1x64xf32>
    %concatenate3A_87 = tpu.concatenate %slice3A_78, %slice3A_79, %slice3A_80, %slice3A_81, %slice3A_82, %slice3A_83, %slice3A_84, %slice3A_85, %slice3A_86 in 1 : vector<1x64xf32>, vector<1x64xf32>, vector<1x64xf32>, vector<1x64xf32>, vector<1x64xf32>, vector<1x64xf32>, vector<1x64xf32>, vector<1x64xf32>, vector<1x64xf32> -> vector<1x576xf32>
    %ge3A = vector.broadcast %slice3A_77 : vector<512x1xf32> to vector<512x576xf32>
    %ge3A_88 = vector.broadcast %concatenate3A_87 : vector<1x576xf32> to vector<512x576xf32>
    %ge3A_89 = arith.cmpf oge, %ge3A, %ge3A_88 : vector<512x576xf32>
    %and3A = arith.andi %or3A, %ge3A_89 : vector<512x576xi1>
    %jit3A = arith.constant -1.000000e+09 : f32
    %broadcast_in_dim3A_90 = vector.broadcast %jit3A : f32 to vector<512x576xf32>
    %select_n3A = arith.select %and3A, %dot_general3A_76, %broadcast_in_dim3A_90 : vector<512x576xi1>, vector<512x576xf32>
    %eq3A_91 = vector.broadcast %slice3A_77 : vector<512x1xf32> to vector<512x576xf32>
    %eq3A_92 = vector.broadcast %concatenate3A_87 : vector<1x576xf32> to vector<512x576xf32>
    %eq3A_93 = arith.cmpf oeq, %eq3A_91, %eq3A_92 : vector<512x576xf32>
    %and3A_94 = arith.andi %or3A, %eq3A_93 : vector<512x576xi1>
    %jit3A_95 = arith.constant -1.000000e+05 : f32
    %broadcast_in_dim3A_96 = vector.broadcast %jit3A_95 : f32 to vector<512x576xf32>
    %select_n3A_97 = arith.select %and3A_94, %broadcast_in_dim3A_96, %select_n3A : vector<512x576xi1>, vector<512x576xf32>
    %reduce_max3A = arith.constant dense<0xFF800000> : vector<512xf32>
    %reduce_max3A_98 = vector.multi_reduction <maximumf>, %select_n3A_97, %reduce_max3A [1] : vector<512x576xf32> to vector<512xf32>
    %broadcast_in_dim3A_99 = vector.shape_cast %reduce_max3A_98 : vector<512xf32> to vector<512x1xf32>
    %sub3A_100 = vector.broadcast %broadcast_in_dim3A_99 : vector<512x1xf32> to vector<512x576xf32>
    %sub3A_101 = arith.subf %select_n3A_97, %sub3A_100 : vector<512x576xf32>
    %exp3A = math.exp %sub3A_101 : vector<512x576xf32>
    %reduce_sum3A_102 = arith.constant dense<0.000000e+00> : vector<512xf32>
    %reduce_sum3A_103 = vector.multi_reduction <add>, %exp3A, %reduce_sum3A_102 [1] : vector<512x576xf32> to vector<512xf32>
    %broadcast_in_dim3A_104 = vector.shape_cast %reduce_sum3A_103 : vector<512xf32> to vector<512x1xf32>
    %dot_general3A_105 = arith.constant dense<0.000000e+00> : vector<512x64xf32>
    %dot_general3A_106 = tpu.matmul %exp3A, %concatenate3A_73, %dot_general3A_105 {dimension_numbers = #tpu.dot_dimension_numbers<[1], [0], [0], [1], [0, 0, 1, 1], [], []>, transpose_lhs_hint = false} : vector<512x576xf32>, vector<576x64xf32>, vector<512x64xf32> -> vector<512x64xf32>
    %div3A_107 = vector.broadcast %broadcast_in_dim3A_104 : vector<512x1xf32> to vector<512x64xf32>
    %div3A_108 = arith.divf %dot_general3A_106, %div3A_107 : vector<512x64xf32>
    %log3A = math.log %broadcast_in_dim3A_104 : vector<512x1xf32>
    %add3A_109 = arith.addf %broadcast_in_dim3A_99, %log3A : vector<512x1xf32>
    %broadcast_in_dim3A_110 = vector.shape_cast %add3A_109 : vector<512x1xf32> to vector<512x1xf32>
    %broadcast_in_dim3A_111 = vector.broadcast %broadcast_in_dim3A_110 : vector<512x1xf32> to vector<512x64xf32>
    %concatenate3A_112 = tpu.concatenate %div3A_108, %broadcast_in_dim3A_111 in 1 : vector<512x64xf32>, vector<512x64xf32> -> vector<512x128xf32>
    %swap3A = arith.constant 0 : index
    %swap3A_113 = arith.constant 0 : index
    %swap3A_114 = arith.constant 0 : index
    %swap3A_115 = vector.load %arg5[%swap3A, %swap3A_113, %swap3A_114] : memref<1x4096x128xf32, #tpu.memory_space<vmem>>, vector<1x512x128xf32>
    %swap3A_116 = vector.shape_cast %swap3A_115 : vector<1x512x128xf32> to vector<512x128xf32>
    %swap3A_117 = vector.shape_cast %concatenate3A_112 : vector<512x128xf32> to vector<1x512x128xf32>
    tpu.vector_store %arg5[%swap3A, %swap3A_113, %swap3A_114], %swap3A_117 {strides = array<i32>} : memref<1x4096x128xf32, #tpu.memory_space<vmem>>, vector<1x512x128xf32>,
    %get3A_118 = arith.constant 0 : index
    %get3A_119 = arith.constant 512 : index
    %get3A_120 = arith.constant 0 : index
    %get3A_121 = vector.load %arg1[%get3A_118, %get3A_119, %get3A_120] : memref<1x4096x128xf32, #tpu.memory_space<vmem>>, vector<1x512x128xf32>
    %get3A_122 = vector.shape_cast %get3A_121 : vector<1x512x128xf32> to vector<512x128xf32>
    %get3A_123 = arith.constant 0 : index
    %get3A_124 = arith.constant 448 : index
    %get3A_125 = arith.constant 0 : index
    %get3A_126 = vector.load %arg1[%get3A_123, %get3A_124, %get3A_125] : memref<1x4096x128xf32, #tpu.memory_space<vmem>>, vector<1x64x128xf32>
    %get3A_127 = vector.shape_cast %get3A_126 : vector<1x64x128xf32> to vector<64x128xf32>
    %slice3A_128 = vector.extract_strided_slice %mul3A_58 {offsets = [448, 0], sizes = [64, 64], strides = [1, 1]} : vector<4096x64xf32> to vector<64x64xf32>
    %slice3A_129 = vector.extract_strided_slice %mul3A_58 {offsets = [512, 0], sizes = [512, 64], strides = [1, 1]} : vector<4096x64xf32> to vector<512x64xf32>
    %concatenate3A_130 = tpu.concatenate %slice3A_128, %slice3A_129 in 0 : vector<64x64xf32>, vector<512x64xf32> -> vector<576x64xf32>
    %slice3A_131 = vector.extract_strided_slice %get3A_127 {offsets = [0, 64], sizes = [64, 64], strides = [1, 1]} : vector<64x128xf32> to vector<64x64xf32>
    %slice3A_132 = vector.extract_strided_slice %get3A_122 {offsets = [0, 64], sizes = [512, 64], strides = [1, 1]} : vector<512x128xf32> to vector<512x64xf32>
    %concatenate3A_133 = tpu.concatenate %slice3A_131, %slice3A_132 in 0 : vector<64x64xf32>, vector<512x64xf32> -> vector<576x64xf32>
    %slice3A_134 = vector.extract_strided_slice %get3A_122 {offsets = [0, 0], sizes = [512, 64], strides = [1, 1]} : vector<512x128xf32> to vector<512x64xf32>
    %dot_general3A_135 = arith.constant dense<0.000000e+00> : vector<512x576xf32>
    %dot_general3A_136 = tpu.matmul %slice3A_134, %concatenate3A_130, %dot_general3A_135 {dimension_numbers = #tpu.dot_dimension_numbers<[1], [1], [0], [0], [0, 0, 1, 0], [], []>, transpose_lhs_hint = false} : vector<512x64xf32>, vector<576x64xf32>, vector<512x576xf32> -> vector<512x576xf32>
    %slice3A_137 = vector.extract_strided_slice %broadcast_in_dim3A {offsets = [512, 0], sizes = [512, 1], strides = [1, 1]} : vector<4096x1xf32> to vector<512x1xf32>
    %slice3A_138 = vector.extract_strided_slice %get3A_3 {offsets = [7, 0], sizes = [1, 64], strides = [1, 1]} : vector<64x64xf32> to vector<1x64xf32>
    %slice3A_139 = vector.extract_strided_slice %get3A_3 {offsets = [8, 0], sizes = [1, 64], strides = [1, 1]} : vector<64x64xf32> to vector<1x64xf32>
    %slice3A_140 = vector.extract_strided_slice %get3A_3 {offsets = [9, 0], sizes = [1, 64], strides = [1, 1]} : vector<64x64xf32> to vector<1x64xf32>
    %slice3A_141 = vector.extract_strided_slice %get3A_3 {offsets = [10, 0], sizes = [1, 64], strides = [1, 1]} : vector<64x64xf32> to vector<1x64xf32>
    %slice3A_142 = vector.extract_strided_slice %get3A_3 {offsets = [11, 0], sizes = [1, 64], strides = [1, 1]} : vector<64x64xf32> to vector<1x64xf32>
    %slice3A_143 = vector.extract_strided_slice %get3A_3 {offsets = [12, 0], sizes = [1, 64], strides = [1, 1]} : vector<64x64xf32> to vector<1x64xf32>
    %slice3A_144 = vector.extract_strided_slice %get3A_3 {offsets = [13, 0], sizes = [1, 64], strides = [1, 1]} : vector<64x64xf32> to vector<1x64xf32>
    %slice3A_145 = vector.extract_strided_slice %get3A_3 {offsets = [14, 0], sizes = [1, 64], strides = [1, 1]} : vector<64x64xf32> to vector<1x64xf32>
    %slice3A_146 = vector.extract_strided_slice %get3A_3 {offsets = [15, 0], sizes = [1, 64], strides = [1, 1]} : vector<64x64xf32> to vector<1x64xf32>
    %concatenate3A_147 = tpu.concatenate %slice3A_138, %slice3A_139, %slice3A_140, %slice3A_141, %slice3A_142, %slice3A_143, %slice3A_144, %slice3A_145, %slice3A_146 in 1 : vector<1x64xf32>, vector<1x64xf32>, vector<1x64xf32>, vector<1x64xf32>, vector<1x64xf32>, vector<1x64xf32>, vector<1x64xf32>, vector<1x64xf32>, vector<1x64xf32> -> vector<1x576xf32>
    %ge3A_148 = vector.broadcast %slice3A_137 : vector<512x1xf32> to vector<512x576xf32>
    %ge3A_149 = vector.broadcast %concatenate3A_147 : vector<1x576xf32> to vector<512x576xf32>
    %ge3A_150 = arith.cmpf oge, %ge3A_148, %ge3A_149 : vector<512x576xf32>
    %and3A_151 = arith.andi %or3A, %ge3A_150 : vector<512x576xi1>
    %jit3A_152 = arith.constant -1.000000e+09 : f32
    %broadcast_in_dim3A_153 = vector.broadcast %jit3A_152 : f32 to vector<512x576xf32>
    %select_n3A_154 = arith.select %and3A_151, %dot_general3A_136, %broadcast_in_dim3A_153 : vector<512x576xi1>, vector<512x576xf32>
    %eq3A_155 = vector.broadcast %slice3A_137 : vector<512x1xf32> to vector<512x576xf32>
    %eq3A_156 = vector.broadcast %concatenate3A_147 : vector<1x576xf32> to vector<512x576xf32>
    %eq3A_157 = arith.cmpf oeq, %eq3A_155, %eq3A_156 : vector<512x576xf32>
    %and3A_158 = arith.andi %or3A, %eq3A_157 : vector<512x576xi1>
    %jit3A_159 = arith.constant -1.000000e+05 : f32
    %broadcast_in_dim3A_160 = vector.broadcast %jit3A_159 : f32 to vector<512x576xf32>
    %select_n3A_161 = arith.select %and3A_158, %broadcast_in_dim3A_160, %select_n3A_154 : vector<512x576xi1>, vector<512x576xf32>
    %reduce_max3A_162 = arith.constant dense<0xFF800000> : vector<512xf32>
    %reduce_max3A_163 = vector.multi_reduction <maximumf>, %select_n3A_161, %reduce_max3A_162 [1] : vector<512x576xf32> to vector<512xf32>
    %broadcast_in_dim3A_164 = vector.shape_cast %reduce_max3A_163 : vector<512xf32> to vector<512x1xf32>
    %sub3A_165 = vector.broadcast %broadcast_in_dim3A_164 : vector<512x1xf32> to vector<512x576xf32>
    %sub3A_166 = arith.subf %select_n3A_161, %sub3A_165 : vector<512x576xf32>
    %exp3A_167 = math.exp %sub3A_166 : vector<512x576xf32>
    %reduce_sum3A_168 = arith.constant dense<0.000000e+00> : vector<512xf32>
    %reduce_sum3A_169 = vector.multi_reduction <add>, %exp3A_167, %reduce_sum3A_168 [1] : vector<512x576xf32> to vector<512xf32>
    %broadcast_in_dim3A_170 = vector.shape_cast %reduce_sum3A_169 : vector<512xf32> to vector<512x1xf32>
    %dot_general3A_171 = arith.constant dense<0.000000e+00> : vector<512x64xf32>
    %dot_general3A_172 = tpu.matmul %exp3A_167, %concatenate3A_133, %dot_general3A_171 {dimension_numbers = #tpu.dot_dimension_numbers<[1], [0], [0], [1], [0, 0, 1, 1], [], []>, transpose_lhs_hint = false} : vector<512x576xf32>, vector<576x64xf32>, vector<512x64xf32> -> vector<512x64xf32>
    %div3A_173 = vector.broadcast %broadcast_in_dim3A_170 : vector<512x1xf32> to vector<512x64xf32>
    %div3A_174 = arith.divf %dot_general3A_172, %div3A_173 : vector<512x64xf32>
    %log3A_175 = math.log %broadcast_in_dim3A_170 : vector<512x1xf32>
    %add3A_176 = arith.addf %broadcast_in_dim3A_164, %log3A_175 : vector<512x1xf32>
    %broadcast_in_dim3A_177 = vector.shape_cast %add3A_176 : vector<512x1xf32> to vector<512x1xf32>
    %broadcast_in_dim3A_178 = vector.broadcast %broadcast_in_dim3A_177 : vector<512x1xf32> to vector<512x64xf32>
    %concatenate3A_179 = tpu.concatenate %div3A_174, %broadcast_in_dim3A_178 in 1 : vector<512x64xf32>, vector<512x64xf32> -> vector<512x128xf32>
    %swap3A_180 = arith.constant 0 : index
    %swap3A_181 = arith.constant 512 : index
    %swap3A_182 = arith.constant 0 : index
    %swap3A_183 = vector.load %arg5[%swap3A_180, %swap3A_181, %swap3A_182] : memref<1x4096x128xf32, #tpu.memory_space<vmem>>, vector<1x512x128xf32>
    %swap3A_184 = vector.shape_cast %swap3A_183 : vector<1x512x128xf32> to vector<512x128xf32>
    %swap3A_185 = vector.shape_cast %concatenate3A_179 : vector<512x128xf32> to vector<1x512x128xf32>
    tpu.vector_store %arg5[%swap3A_180, %swap3A_181, %swap3A_182], %swap3A_185 {strides = array<i32>} : memref<1x4096x128xf32, #tpu.memory_space<vmem>>, vector<1x512x128xf32>,
    %get3A_186 = arith.constant 0 : index
    %get3A_187 = arith.constant 1024 : index
    %get3A_188 = arith.constant 0 : index
    %get3A_189 = vector.load %arg1[%get3A_186, %get3A_187, %get3A_188] : memref<1x4096x128xf32, #tpu.memory_space<vmem>>, vector<1x512x128xf32>
    %get3A_190 = vector.shape_cast %get3A_189 : vector<1x512x128xf32> to vector<512x128xf32>
    %get3A_191 = arith.constant 0 : index
    %get3A_192 = arith.constant 960 : index
    %get3A_193 = arith.constant 0 : index
    %get3A_194 = vector.load %arg1[%get3A_191, %get3A_192, %get3A_193] : memref<1x4096x128xf32, #tpu.memory_space<vmem>>, vector<1x64x128xf32>
    %get3A_195 = vector.shape_cast %get3A_194 : vector<1x64x128xf32> to vector<64x128xf32>
    %slice3A_196 = vector.extract_strided_slice %mul3A_58 {offsets = [960, 0], sizes = [64, 64], strides = [1, 1]} : vector<4096x64xf32> to vector<64x64xf32>
    %slice3A_197 = vector.extract_strided_slice %mul3A_58 {offsets = [1024, 0], sizes = [512, 64], strides = [1, 1]} : vector<4096x64xf32> to vector<512x64xf32>
    %concatenate3A_198 = tpu.concatenate %slice3A_196, %slice3A_197 in 0 : vector<64x64xf32>, vector<512x64xf32> -> vector<576x64xf32>
    %slice3A_199 = vector.extract_strided_slice %get3A_195 {offsets = [0, 64], sizes = [64, 64], strides = [1, 1]} : vector<64x128xf32> to vector<64x64xf32>
    %slice3A_200 = vector.extract_strided_slice %get3A_190 {offsets = [0, 64], sizes = [512, 64], strides = [1, 1]} : vector<512x128xf32> to vector<512x64xf32>
    %concatenate3A_201 = tpu.concatenate %slice3A_199, %slice3A_200 in 0 : vector<64x64xf32>, vector<512x64xf32> -> vector<576x64xf32>
    %slice3A_202 = vector.extract_strided_slice %get3A_190 {offsets = [0, 0], sizes = [512, 64], strides = [1, 1]} : vector<512x128xf32> to vector<512x64xf32>
    %dot_general3A_203 = arith.constant dense<0.000000e+00> : vector<512x576xf32>
    %dot_general3A_204 = tpu.matmul %slice3A_202, %concatenate3A_198, %dot_general3A_203 {dimension_numbers = #tpu.dot_dimension_numbers<[1], [1], [0], [0], [0, 0, 1, 0], [], []>, transpose_lhs_hint = false} : vector<512x64xf32>, vector<576x64xf32>, vector<512x576xf32> -> vector<512x576xf32>
    %slice3A_205 = vector.extract_strided_slice %broadcast_in_dim3A {offsets = [1024, 0], sizes = [512, 1], strides = [1, 1]} : vector<4096x1xf32> to vector<512x1xf32>
    %slice3A_206 = vector.extract_strided_slice %get3A_3 {offsets = [15, 0], sizes = [1, 64], strides = [1, 1]} : vector<64x64xf32> to vector<1x64xf32>
    %slice3A_207 = vector.extract_strided_slice %get3A_3 {offsets = [16, 0], sizes = [1, 64], strides = [1, 1]} : vector<64x64xf32> to vector<1x64xf32>
    %slice3A_208 = vector.extract_strided_slice %get3A_3 {offsets = [17, 0], sizes = [1, 64], strides = [1, 1]} : vector<64x64xf32> to vector<1x64xf32>
    %slice3A_209 = vector.extract_strided_slice %get3A_3 {offsets = [18, 0], sizes = [1, 64], strides = [1, 1]} : vector<64x64xf32> to vector<1x64xf32>
    %slice3A_210 = vector.extract_strided_slice %get3A_3 {offsets = [19, 0], sizes = [1, 64], strides = [1, 1]} : vector<64x64xf32> to vector<1x64xf32>
    %slice3A_211 = vector.extract_strided_slice %get3A_3 {offsets = [20, 0], sizes = [1, 64], strides = [1, 1]} : vector<64x64xf32> to vector<1x64xf32>
    %slice3A_212 = vector.extract_strided_slice %get3A_3 {offsets = [21, 0], sizes = [1, 64], strides = [1, 1]} : vector<64x64xf32> to vector<1x64xf32>
    %slice3A_213 = vector.extract_strided_slice %get3A_3 {offsets = [22, 0], sizes = [1, 64], strides = [1, 1]} : vector<64x64xf32> to vector<1x64xf32>
    %slice3A_214 = vector.extract_strided_slice %get3A_3 {offsets = [23, 0], sizes = [1, 64], strides = [1, 1]} : vector<64x64xf32> to vector<1x64xf32>
    %concatenate3A_215 = tpu.concatenate %slice3A_206, %slice3A_207, %slice3A_208, %slice3A_209, %slice3A_210, %slice3A_211, %slice3A_212, %slice3A_213, %slice3A_214 in 1 : vector<1x64xf32>, vector<1x64xf32>, vector<1x64xf32>, vector<1x64xf32>, vector<1x64xf32>, vector<1x64xf32>, vector<1x64xf32>, vector<1x64xf32>, vector<1x64xf32> -> vector<1x576xf32>
    %ge3A_216 = vector.broadcast %slice3A_205 : vector<512x1xf32> to vector<512x576xf32>
    %ge3A_217 = vector.broadcast %concatenate3A_215 : vector<1x576xf32> to vector<512x576xf32>
    %ge3A_218 = arith.cmpf oge, %ge3A_216, %ge3A_217 : vector<512x576xf32>
    %and3A_219 = arith.andi %or3A, %ge3A_218 : vector<512x576xi1>
    %jit3A_220 = arith.constant -1.000000e+09 : f32
    %broadcast_in_dim3A_221 = vector.broadcast %jit3A_220 : f32 to vector<512x576xf32>
    %select_n3A_222 = arith.select %and3A_219, %dot_general3A_204, %broadcast_in_dim3A_221 : vector<512x576xi1>, vector<512x576xf32>
    %eq3A_223 = vector.broadcast %slice3A_205 : vector<512x1xf32> to vector<512x576xf32>
    %eq3A_224 = vector.broadcast %concatenate3A_215 : vector<1x576xf32> to vector<512x576xf32>
    %eq3A_225 = arith.cmpf oeq, %eq3A_223, %eq3A_224 : vector<512x576xf32>
    %and3A_226 = arith.andi %or3A, %eq3A_225 : vector<512x576xi1>
    %jit3A_227 = arith.constant -1.000000e+05 : f32
    %broadcast_in_dim3A_228 = vector.broadcast %jit3A_227 : f32 to vector<512x576xf32>
    %select_n3A_229 = arith.select %and3A_226, %broadcast_in_dim3A_228, %select_n3A_222 : vector<512x576xi1>, vector<512x576xf32>
    %reduce_max3A_230 = arith.constant dense<0xFF800000> : vector<512xf32>
    %reduce_max3A_231 = vector.multi_reduction <maximumf>, %select_n3A_229, %reduce_max3A_230 [1] : vector<512x576xf32> to vector<512xf32>
    %broadcast_in_dim3A_232 = vector.shape_cast %reduce_max3A_231 : vector<512xf32> to vector<512x1xf32>
    %sub3A_233 = vector.broadcast %broadcast_in_dim3A_232 : vector<512x1xf32> to vector<512x576xf32>
    %sub3A_234 = arith.subf %select_n3A_229, %sub3A_233 : vector<512x576xf32>
    %exp3A_235 = math.exp %sub3A_234 : vector<512x576xf32>
    %reduce_sum3A_236 = arith.constant dense<0.000000e+00> : vector<512xf32>
    %reduce_sum3A_237 = vector.multi_reduction <add>, %exp3A_235, %reduce_sum3A_236 [1] : vector<512x576xf32> to vector<512xf32>
    %broadcast_in_dim3A_238 = vector.shape_cast %reduce_sum3A_237 : vector<512xf32> to vector<512x1xf32>
    %dot_general3A_239 = arith.constant dense<0.000000e+00> : vector<512x64xf32>
    %dot_general3A_240 = tpu.matmul %exp3A_235, %concatenate3A_201, %dot_general3A_239 {dimension_numbers = #tpu.dot_dimension_numbers<[1], [0], [0], [1], [0, 0, 1, 1], [], []>, transpose_lhs_hint = false} : vector<512x576xf32>, vector<576x64xf32>, vector<512x64xf32> -> vector<512x64xf32>
    %div3A_241 = vector.broadcast %broadcast_in_dim3A_238 : vector<512x1xf32> to vector<512x64xf32>
    %div3A_242 = arith.divf %dot_general3A_240, %div3A_241 : vector<512x64xf32>
    %log3A_243 = math.log %broadcast_in_dim3A_238 : vector<512x1xf32>
    %add3A_244 = arith.addf %broadcast_in_dim3A_232, %log3A_243 : vector<512x1xf32>
    %broadcast_in_dim3A_245 = vector.shape_cast %add3A_244 : vector<512x1xf32> to vector<512x1xf32>
    %broadcast_in_dim3A_246 = vector.broadcast %broadcast_in_dim3A_245 : vector<512x1xf32> to vector<512x64xf32>
    %concatenate3A_247 = tpu.concatenate %div3A_242, %broadcast_in_dim3A_246 in 1 : vector<512x64xf32>, vector<512x64xf32> -> vector<512x128xf32>
    %swap3A_248 = arith.constant 0 : index
    %swap3A_249 = arith.constant 1024 : index
    %swap3A_250 = arith.constant 0 : index
    %swap3A_251 = vector.load %arg5[%swap3A_248, %swap3A_249, %swap3A_250] : memref<1x4096x128xf32, #tpu.memory_space<vmem>>, vector<1x512x128xf32>
    %swap3A_252 = vector.shape_cast %swap3A_251 : vector<1x512x128xf32> to vector<512x128xf32>
    %swap3A_253 = vector.shape_cast %concatenate3A_247 : vector<512x128xf32> to vector<1x512x128xf32>
    tpu.vector_store %arg5[%swap3A_248, %swap3A_249, %swap3A_250], %swap3A_253 {strides = array<i32>} : memref<1x4096x128xf32, #tpu.memory_space<vmem>>, vector<1x512x128xf32>,
    %get3A_254 = arith.constant 0 : index
    %get3A_255 = arith.constant 1536 : index
    %get3A_256 = arith.constant 0 : index
    %get3A_257 = vector.load %arg1[%get3A_254, %get3A_255, %get3A_256] : memref<1x4096x128xf32, #tpu.memory_space<vmem>>, vector<1x512x128xf32>
    %get3A_258 = vector.shape_cast %get3A_257 : vector<1x512x128xf32> to vector<512x128xf32>
    %get3A_259 = arith.constant 0 : index
    %get3A_260 = arith.constant 1472 : index
    %get3A_261 = arith.constant 0 : index
    %get3A_262 = vector.load %arg1[%get3A_259, %get3A_260, %get3A_261] : memref<1x4096x128xf32, #tpu.memory_space<vmem>>, vector<1x64x128xf32>
    %get3A_263 = vector.shape_cast %get3A_262 : vector<1x64x128xf32> to vector<64x128xf32>
    %slice3A_264 = vector.extract_strided_slice %mul3A_58 {offsets = [1472, 0], sizes = [64, 64], strides = [1, 1]} : vector<4096x64xf32> to vector<64x64xf32>
    %slice3A_265 = vector.extract_strided_slice %mul3A_58 {offsets = [1536, 0], sizes = [512, 64], strides = [1, 1]} : vector<4096x64xf32> to vector<512x64xf32>
    %concatenate3A_266 = tpu.concatenate %slice3A_264, %slice3A_265 in 0 : vector<64x64xf32>, vector<512x64xf32> -> vector<576x64xf32>
    %slice3A_267 = vector.extract_strided_slice %get3A_263 {offsets = [0, 64], sizes = [64, 64], strides = [1, 1]} : vector<64x128xf32> to vector<64x64xf32>
    %slice3A_268 = vector.extract_strided_slice %get3A_258 {offsets = [0, 64], sizes = [512, 64], strides = [1, 1]} : vector<512x128xf32> to vector<512x64xf32>
    %concatenate3A_269 = tpu.concatenate %slice3A_267, %slice3A_268 in 0 : vector<64x64xf32>, vector<512x64xf32> -> vector<576x64xf32>
    %slice3A_270 = vector.extract_strided_slice %get3A_258 {offsets = [0, 0], sizes = [512, 64], strides = [1, 1]} : vector<512x128xf32> to vector<512x64xf32>
    %dot_general3A_271 = arith.constant dense<0.000000e+00> : vector<512x576xf32>
    %dot_general3A_272 = tpu.matmul %slice3A_270, %concatenate3A_266, %dot_general3A_271 {dimension_numbers = #tpu.dot_dimension_numbers<[1], [1], [0], [0], [0, 0, 1, 0], [], []>, transpose_lhs_hint = false} : vector<512x64xf32>, vector<576x64xf32>, vector<512x576xf32> -> vector<512x576xf32>
    %slice3A_273 = vector.extract_strided_slice %broadcast_in_dim3A {offsets = [1536, 0], sizes = [512, 1], strides = [1, 1]} : vector<4096x1xf32> to vector<512x1xf32>
    %slice3A_274 = vector.extract_strided_slice %get3A_3 {offsets = [23, 0], sizes = [1, 64], strides = [1, 1]} : vector<64x64xf32> to vector<1x64xf32>
    %slice3A_275 = vector.extract_strided_slice %get3A_3 {offsets = [24, 0], sizes = [1, 64], strides = [1, 1]} : vector<64x64xf32> to vector<1x64xf32>
    %slice3A_276 = vector.extract_strided_slice %get3A_3 {offsets = [25, 0], sizes = [1, 64], strides = [1, 1]} : vector<64x64xf32> to vector<1x64xf32>
    %slice3A_277 = vector.extract_strided_slice %get3A_3 {offsets = [26, 0], sizes = [1, 64], strides = [1, 1]} : vector<64x64xf32> to vector<1x64xf32>
    %slice3A_278 = vector.extract_strided_slice %get3A_3 {offsets = [27, 0], sizes = [1, 64], strides = [1, 1]} : vector<64x64xf32> to vector<1x64xf32>
    %slice3A_279 = vector.extract_strided_slice %get3A_3 {offsets = [28, 0], sizes = [1, 64], strides = [1, 1]} : vector<64x64xf32> to vector<1x64xf32>
    %slice3A_280 = vector.extract_strided_slice %get3A_3 {offsets = [29, 0], sizes = [1, 64], strides = [1, 1]} : vector<64x64xf32> to vector<1x64xf32>
    %slice3A_281 = vector.extract_strided_slice %get3A_3 {offsets = [30, 0], sizes = [1, 64], strides = [1, 1]} : vector<64x64xf32> to vector<1x64xf32>
    %slice3A_282 = vector.extract_strided_slice %get3A_3 {offsets = [31, 0], sizes = [1, 64], strides = [1, 1]} : vector<64x64xf32> to vector<1x64xf32>
    %concatenate3A_283 = tpu.concatenate %slice3A_274, %slice3A_275, %slice3A_276, %slice3A_277, %slice3A_278, %slice3A_279, %slice3A_280, %slice3A_281, %slice3A_282 in 1 : vector<1x64xf32>, vector<1x64xf32>, vector<1x64xf32>, vector<1x64xf32>, vector<1x64xf32>, vector<1x64xf32>, vector<1x64xf32>, vector<1x64xf32>, vector<1x64xf32> -> vector<1x576xf32>
    %ge3A_284 = vector.broadcast %slice3A_273 : vector<512x1xf32> to vector<512x576xf32>
    %ge3A_285 = vector.broadcast %concatenate3A_283 : vector<1x576xf32> to vector<512x576xf32>
    %ge3A_286 = arith.cmpf oge, %ge3A_284, %ge3A_285 : vector<512x576xf32>
    %and3A_287 = arith.andi %or3A, %ge3A_286 : vector<512x576xi1>
    %jit3A_288 = arith.constant -1.000000e+09 : f32
    %broadcast_in_dim3A_289 = vector.broadcast %jit3A_288 : f32 to vector<512x576xf32>
    %select_n3A_290 = arith.select %and3A_287, %dot_general3A_272, %broadcast_in_dim3A_289 : vector<512x576xi1>, vector<512x576xf32>
    %eq3A_291 = vector.broadcast %slice3A_273 : vector<512x1xf32> to vector<512x576xf32>
    %eq3A_292 = vector.broadcast %concatenate3A_283 : vector<1x576xf32> to vector<512x576xf32>
    %eq3A_293 = arith.cmpf oeq, %eq3A_291, %eq3A_292 : vector<512x576xf32>
    %and3A_294 = arith.andi %or3A, %eq3A_293 : vector<512x576xi1>
    %jit3A_295 = arith.constant -1.000000e+05 : f32
    %broadcast_in_dim3A_296 = vector.broadcast %jit3A_295 : f32 to vector<512x576xf32>
    %select_n3A_297 = arith.select %and3A_294, %broadcast_in_dim3A_296, %select_n3A_290 : vector<512x576xi1>, vector<512x576xf32>
    %reduce_max3A_298 = arith.constant dense<0xFF800000> : vector<512xf32>
    %reduce_max3A_299 = vector.multi_reduction <maximumf>, %select_n3A_297, %reduce_max3A_298 [1] : vector<512x576xf32> to vector<512xf32>
    %broadcast_in_dim3A_300 = vector.shape_cast %reduce_max3A_299 : vector<512xf32> to vector<512x1xf32>
    %sub3A_301 = vector.broadcast %broadcast_in_dim3A_300 : vector<512x1xf32> to vector<512x576xf32>
    %sub3A_302 = arith.subf %select_n3A_297, %sub3A_301 : vector<512x576xf32>
    %exp3A_303 = math.exp %sub3A_302 : vector<512x576xf32>
    %reduce_sum3A_304 = arith.constant dense<0.000000e+00> : vector<512xf32>
    %reduce_sum3A_305 = vector.multi_reduction <add>, %exp3A_303, %reduce_sum3A_304 [1] : vector<512x576xf32> to vector<512xf32>
    %broadcast_in_dim3A_306 = vector.shape_cast %reduce_sum3A_305 : vector<512xf32> to vector<512x1xf32>
    %dot_general3A_307 = arith.constant dense<0.000000e+00> : vector<512x64xf32>
    %dot_general3A_308 = tpu.matmul %exp3A_303, %concatenate3A_269, %dot_general3A_307 {dimension_numbers = #tpu.dot_dimension_numbers<[1], [0], [0], [1], [0, 0, 1, 1], [], []>, transpose_lhs_hint = false} : vector<512x576xf32>, vector<576x64xf32>, vector<512x64xf32> -> vector<512x64xf32>
    %div3A_309 = vector.broadcast %broadcast_in_dim3A_306 : vector<512x1xf32> to vector<512x64xf32>
    %div3A_310 = arith.divf %dot_general3A_308, %div3A_309 : vector<512x64xf32>
    %log3A_311 = math.log %broadcast_in_dim3A_306 : vector<512x1xf32>
    %add3A_312 = arith.addf %broadcast_in_dim3A_300, %log3A_311 : vector<512x1xf32>
    %broadcast_in_dim3A_313 = vector.shape_cast %add3A_312 : vector<512x1xf32> to vector<512x1xf32>
    %broadcast_in_dim3A_314 = vector.broadcast %broadcast_in_dim3A_313 : vector<512x1xf32> to vector<512x64xf32>
    %concatenate3A_315 = tpu.concatenate %div3A_310, %broadcast_in_dim3A_314 in 1 : vector<512x64xf32>, vector<512x64xf32> -> vector<512x128xf32>
    %swap3A_316 = arith.constant 0 : index
    %swap3A_317 = arith.constant 1536 : index
    %swap3A_318 = arith.constant 0 : index
    %swap3A_319 = vector.load %arg5[%swap3A_316, %swap3A_317, %swap3A_318] : memref<1x4096x128xf32, #tpu.memory_space<vmem>>, vector<1x512x128xf32>
    %swap3A_320 = vector.shape_cast %swap3A_319 : vector<1x512x128xf32> to vector<512x128xf32>
    %swap3A_321 = vector.shape_cast %concatenate3A_315 : vector<512x128xf32> to vector<1x512x128xf32>
    tpu.vector_store %arg5[%swap3A_316, %swap3A_317, %swap3A_318], %swap3A_321 {strides = array<i32>} : memref<1x4096x128xf32, #tpu.memory_space<vmem>>, vector<1x512x128xf32>,
    %get3A_322 = arith.constant 0 : index
    %get3A_323 = arith.constant 2048 : index
    %get3A_324 = arith.constant 0 : index
    %get3A_325 = vector.load %arg1[%get3A_322, %get3A_323, %get3A_324] : memref<1x4096x128xf32, #tpu.memory_space<vmem>>, vector<1x512x128xf32>
    %get3A_326 = vector.shape_cast %get3A_325 : vector<1x512x128xf32> to vector<512x128xf32>
    %get3A_327 = arith.constant 0 : index
    %get3A_328 = arith.constant 1984 : index
    %get3A_329 = arith.constant 0 : index
    %get3A_330 = vector.load %arg1[%get3A_327, %get3A_328, %get3A_329] : memref<1x4096x128xf32, #tpu.memory_space<vmem>>, vector<1x64x128xf32>
    %get3A_331 = vector.shape_cast %get3A_330 : vector<1x64x128xf32> to vector<64x128xf32>
    %slice3A_332 = vector.extract_strided_slice %mul3A_58 {offsets = [1984, 0], sizes = [64, 64], strides = [1, 1]} : vector<4096x64xf32> to vector<64x64xf32>
    %slice3A_333 = vector.extract_strided_slice %mul3A_58 {offsets = [2048, 0], sizes = [512, 64], strides = [1, 1]} : vector<4096x64xf32> to vector<512x64xf32>
    %concatenate3A_334 = tpu.concatenate %slice3A_332, %slice3A_333 in 0 : vector<64x64xf32>, vector<512x64xf32> -> vector<576x64xf32>
    %slice3A_335 = vector.extract_strided_slice %get3A_331 {offsets = [0, 64], sizes = [64, 64], strides = [1, 1]} : vector<64x128xf32> to vector<64x64xf32>
    %slice3A_336 = vector.extract_strided_slice %get3A_326 {offsets = [0, 64], sizes = [512, 64], strides = [1, 1]} : vector<512x128xf32> to vector<512x64xf32>
    %concatenate3A_337 = tpu.concatenate %slice3A_335, %slice3A_336 in 0 : vector<64x64xf32>, vector<512x64xf32> -> vector<576x64xf32>
    %slice3A_338 = vector.extract_strided_slice %get3A_326 {offsets = [0, 0], sizes = [512, 64], strides = [1, 1]} : vector<512x128xf32> to vector<512x64xf32>
    %dot_general3A_339 = arith.constant dense<0.000000e+00> : vector<512x576xf32>
    %dot_general3A_340 = tpu.matmul %slice3A_338, %concatenate3A_334, %dot_general3A_339 {dimension_numbers = #tpu.dot_dimension_numbers<[1], [1], [0], [0], [0, 0, 1, 0], [], []>, transpose_lhs_hint = false} : vector<512x64xf32>, vector<576x64xf32>, vector<512x576xf32> -> vector<512x576xf32>
    %slice3A_341 = vector.extract_strided_slice %broadcast_in_dim3A {offsets = [2048, 0], sizes = [512, 1], strides = [1, 1]} : vector<4096x1xf32> to vector<512x1xf32>
    %slice3A_342 = vector.extract_strided_slice %get3A_3 {offsets = [31, 0], sizes = [1, 64], strides = [1, 1]} : vector<64x64xf32> to vector<1x64xf32>
    %slice3A_343 = vector.extract_strided_slice %get3A_3 {offsets = [32, 0], sizes = [1, 64], strides = [1, 1]} : vector<64x64xf32> to vector<1x64xf32>
    %slice3A_344 = vector.extract_strided_slice %get3A_3 {offsets = [33, 0], sizes = [1, 64], strides = [1, 1]} : vector<64x64xf32> to vector<1x64xf32>
    %slice3A_345 = vector.extract_strided_slice %get3A_3 {offsets = [34, 0], sizes = [1, 64], strides = [1, 1]} : vector<64x64xf32> to vector<1x64xf32>
    %slice3A_346 = vector.extract_strided_slice %get3A_3 {offsets = [35, 0], sizes = [1, 64], strides = [1, 1]} : vector<64x64xf32> to vector<1x64xf32>
    %slice3A_347 = vector.extract_strided_slice %get3A_3 {offsets = [36, 0], sizes = [1, 64], strides = [1, 1]} : vector<64x64xf32> to vector<1x64xf32>
    %slice3A_348 = vector.extract_strided_slice %get3A_3 {offsets = [37, 0], sizes = [1, 64], strides = [1, 1]} : vector<64x64xf32> to vector<1x64xf32>
    %slice3A_349 = vector.extract_strided_slice %get3A_3 {offsets = [38, 0], sizes = [1, 64], strides = [1, 1]} : vector<64x64xf32> to vector<1x64xf32>
    %slice3A_350 = vector.extract_strided_slice %get3A_3 {offsets = [39, 0], sizes = [1, 64], strides = [1, 1]} : vector<64x64xf32> to vector<1x64xf32>
    %concatenate3A_351 = tpu.concatenate %slice3A_342, %slice3A_343, %slice3A_344, %slice3A_345, %slice3A_346, %slice3A_347, %slice3A_348, %slice3A_349, %slice3A_350 in 1 : vector<1x64xf32>, vector<1x64xf32>, vector<1x64xf32>, vector<1x64xf32>, vector<1x64xf32>, vector<1x64xf32>, vector<1x64xf32>, vector<1x64xf32>, vector<1x64xf32> -> vector<1x576xf32>
    %ge3A_352 = vector.broadcast %slice3A_341 : vector<512x1xf32> to vector<512x576xf32>
    %ge3A_353 = vector.broadcast %concatenate3A_351 : vector<1x576xf32> to vector<512x576xf32>
    %ge3A_354 = arith.cmpf oge, %ge3A_352, %ge3A_353 : vector<512x576xf32>
    %and3A_355 = arith.andi %or3A, %ge3A_354 : vector<512x576xi1>
    %jit3A_356 = arith.constant -1.000000e+09 : f32
    %broadcast_in_dim3A_357 = vector.broadcast %jit3A_356 : f32 to vector<512x576xf32>
    %select_n3A_358 = arith.select %and3A_355, %dot_general3A_340, %broadcast_in_dim3A_357 : vector<512x576xi1>, vector<512x576xf32>
    %eq3A_359 = vector.broadcast %slice3A_341 : vector<512x1xf32> to vector<512x576xf32>
    %eq3A_360 = vector.broadcast %concatenate3A_351 : vector<1x576xf32> to vector<512x576xf32>
    %eq3A_361 = arith.cmpf oeq, %eq3A_359, %eq3A_360 : vector<512x576xf32>
    %and3A_362 = arith.andi %or3A, %eq3A_361 : vector<512x576xi1>
    %jit3A_363 = arith.constant -1.000000e+05 : f32
    %broadcast_in_dim3A_364 = vector.broadcast %jit3A_363 : f32 to vector<512x576xf32>
    %select_n3A_365 = arith.select %and3A_362, %broadcast_in_dim3A_364, %select_n3A_358 : vector<512x576xi1>, vector<512x576xf32>
    %reduce_max3A_366 = arith.constant dense<0xFF800000> : vector<512xf32>
    %reduce_max3A_367 = vector.multi_reduction <maximumf>, %select_n3A_365, %reduce_max3A_366 [1] : vector<512x576xf32> to vector<512xf32>
    %broadcast_in_dim3A_368 = vector.shape_cast %reduce_max3A_367 : vector<512xf32> to vector<512x1xf32>
    %sub3A_369 = vector.broadcast %broadcast_in_dim3A_368 : vector<512x1xf32> to vector<512x576xf32>
    %sub3A_370 = arith.subf %select_n3A_365, %sub3A_369 : vector<512x576xf32>
    %exp3A_371 = math.exp %sub3A_370 : vector<512x576xf32>
    %reduce_sum3A_372 = arith.constant dense<0.000000e+00> : vector<512xf32>
    %reduce_sum3A_373 = vector.multi_reduction <add>, %exp3A_371, %reduce_sum3A_372 [1] : vector<512x576xf32> to vector<512xf32>
    %broadcast_in_dim3A_374 = vector.shape_cast %reduce_sum3A_373 : vector<512xf32> to vector<512x1xf32>
    %dot_general3A_375 = arith.constant dense<0.000000e+00> : vector<512x64xf32>
    %dot_general3A_376 = tpu.matmul %exp3A_371, %concatenate3A_337, %dot_general3A_375 {dimension_numbers = #tpu.dot_dimension_numbers<[1], [0], [0], [1], [0, 0, 1, 1], [], []>, transpose_lhs_hint = false} : vector<512x576xf32>, vector<576x64xf32>, vector<512x64xf32> -> vector<512x64xf32>
    %div3A_377 = vector.broadcast %broadcast_in_dim3A_374 : vector<512x1xf32> to vector<512x64xf32>
    %div3A_378 = arith.divf %dot_general3A_376, %div3A_377 : vector<512x64xf32>
    %log3A_379 = math.log %broadcast_in_dim3A_374 : vector<512x1xf32>
    %add3A_380 = arith.addf %broadcast_in_dim3A_368, %log3A_379 : vector<512x1xf32>
    %broadcast_in_dim3A_381 = vector.shape_cast %add3A_380 : vector<512x1xf32> to vector<512x1xf32>
    %broadcast_in_dim3A_382 = vector.broadcast %broadcast_in_dim3A_381 : vector<512x1xf32> to vector<512x64xf32>
    %concatenate3A_383 = tpu.concatenate %div3A_378, %broadcast_in_dim3A_382 in 1 : vector<512x64xf32>, vector<512x64xf32> -> vector<512x128xf32>
    %swap3A_384 = arith.constant 0 : index
    %swap3A_385 = arith.constant 2048 : index
    %swap3A_386 = arith.constant 0 : index
    %swap3A_387 = vector.load %arg5[%swap3A_384, %swap3A_385, %swap3A_386] : memref<1x4096x128xf32, #tpu.memory_space<vmem>>, vector<1x512x128xf32>
    %swap3A_388 = vector.shape_cast %swap3A_387 : vector<1x512x128xf32> to vector<512x128xf32>
    %swap3A_389 = vector.shape_cast %concatenate3A_383 : vector<512x128xf32> to vector<1x512x128xf32>
    tpu.vector_store %arg5[%swap3A_384, %swap3A_385, %swap3A_386], %swap3A_389 {strides = array<i32>} : memref<1x4096x128xf32, #tpu.memory_space<vmem>>, vector<1x512x128xf32>,
    %get3A_390 = arith.constant 0 : index
    %get3A_391 = arith.constant 2560 : index
    %get3A_392 = arith.constant 0 : index
    %get3A_393 = vector.load %arg1[%get3A_390, %get3A_391, %get3A_392] : memref<1x4096x128xf32, #tpu.memory_space<vmem>>, vector<1x512x128xf32>
    %get3A_394 = vector.shape_cast %get3A_393 : vector<1x512x128xf32> to vector<512x128xf32>
    %get3A_395 = arith.constant 0 : index
    %get3A_396 = arith.constant 2496 : index
    %get3A_397 = arith.constant 0 : index
    %get3A_398 = vector.load %arg1[%get3A_395, %get3A_396, %get3A_397] : memref<1x4096x128xf32, #tpu.memory_space<vmem>>, vector<1x64x128xf32>
    %get3A_399 = vector.shape_cast %get3A_398 : vector<1x64x128xf32> to vector<64x128xf32>
    %slice3A_400 = vector.extract_strided_slice %mul3A_58 {offsets = [2496, 0], sizes = [64, 64], strides = [1, 1]} : vector<4096x64xf32> to vector<64x64xf32>
    %slice3A_401 = vector.extract_strided_slice %mul3A_58 {offsets = [2560, 0], sizes = [512, 64], strides = [1, 1]} : vector<4096x64xf32> to vector<512x64xf32>
    %concatenate3A_402 = tpu.concatenate %slice3A_400, %slice3A_401 in 0 : vector<64x64xf32>, vector<512x64xf32> -> vector<576x64xf32>
    %slice3A_403 = vector.extract_strided_slice %get3A_399 {offsets = [0, 64], sizes = [64, 64], strides = [1, 1]} : vector<64x128xf32> to vector<64x64xf32>
    %slice3A_404 = vector.extract_strided_slice %get3A_394 {offsets = [0, 64], sizes = [512, 64], strides = [1, 1]} : vector<512x128xf32> to vector<512x64xf32>
    %concatenate3A_405 = tpu.concatenate %slice3A_403, %slice3A_404 in 0 : vector<64x64xf32>, vector<512x64xf32> -> vector<576x64xf32>
    %slice3A_406 = vector.extract_strided_slice %get3A_394 {offsets = [0, 0], sizes = [512, 64], strides = [1, 1]} : vector<512x128xf32> to vector<512x64xf32>
    %dot_general3A_407 = arith.constant dense<0.000000e+00> : vector<512x576xf32>
    %dot_general3A_408 = tpu.matmul %slice3A_406, %concatenate3A_402, %dot_general3A_407 {dimension_numbers = #tpu.dot_dimension_numbers<[1], [1], [0], [0], [0, 0, 1, 0], [], []>, transpose_lhs_hint = false} : vector<512x64xf32>, vector<576x64xf32>, vector<512x576xf32> -> vector<512x576xf32>
    %slice3A_409 = vector.extract_strided_slice %broadcast_in_dim3A {offsets = [2560, 0], sizes = [512, 1], strides = [1, 1]} : vector<4096x1xf32> to vector<512x1xf32>
    %slice3A_410 = vector.extract_strided_slice %get3A_3 {offsets = [39, 0], sizes = [1, 64], strides = [1, 1]} : vector<64x64xf32> to vector<1x64xf32>
    %slice3A_411 = vector.extract_strided_slice %get3A_3 {offsets = [40, 0], sizes = [1, 64], strides = [1, 1]} : vector<64x64xf32> to vector<1x64xf32>
    %slice3A_412 = vector.extract_strided_slice %get3A_3 {offsets = [41, 0], sizes = [1, 64], strides = [1, 1]} : vector<64x64xf32> to vector<1x64xf32>
    %slice3A_413 = vector.extract_strided_slice %get3A_3 {offsets = [42, 0], sizes = [1, 64], strides = [1, 1]} : vector<64x64xf32> to vector<1x64xf32>
    %slice3A_414 = vector.extract_strided_slice %get3A_3 {offsets = [43, 0], sizes = [1, 64], strides = [1, 1]} : vector<64x64xf32> to vector<1x64xf32>
    %slice3A_415 = vector.extract_strided_slice %get3A_3 {offsets = [44, 0], sizes = [1, 64], strides = [1, 1]} : vector<64x64xf32> to vector<1x64xf32>
    %slice3A_416 = vector.extract_strided_slice %get3A_3 {offsets = [45, 0], sizes = [1, 64], strides = [1, 1]} : vector<64x64xf32> to vector<1x64xf32>
    %slice3A_417 = vector.extract_strided_slice %get3A_3 {offsets = [46, 0], sizes = [1, 64], strides = [1, 1]} : vector<64x64xf32> to vector<1x64xf32>
    %slice3A_418 = vector.extract_strided_slice %get3A_3 {offsets = [47, 0], sizes = [1, 64], strides = [1, 1]} : vector<64x64xf32> to vector<1x64xf32>
    %concatenate3A_419 = tpu.concatenate %slice3A_410, %slice3A_411, %slice3A_412, %slice3A_413, %slice3A_414, %slice3A_415, %slice3A_416, %slice3A_417, %slice3A_418 in 1 : vector<1x64xf32>, vector<1x64xf32>, vector<1x64xf32>, vector<1x64xf32>, vector<1x64xf32>, vector<1x64xf32>, vector<1x64xf32>, vector<1x64xf32>, vector<1x64xf32> -> vector<1x576xf32>
    %ge3A_420 = vector.broadcast %slice3A_409 : vector<512x1xf32> to vector<512x576xf32>
    %ge3A_421 = vector.broadcast %concatenate3A_419 : vector<1x576xf32> to vector<512x576xf32>
    %ge3A_422 = arith.cmpf oge, %ge3A_420, %ge3A_421 : vector<512x576xf32>
    %and3A_423 = arith.andi %or3A, %ge3A_422 : vector<512x576xi1>
    %jit3A_424 = arith.constant -1.000000e+09 : f32
    %broadcast_in_dim3A_425 = vector.broadcast %jit3A_424 : f32 to vector<512x576xf32>
    %select_n3A_426 = arith.select %and3A_423, %dot_general3A_408, %broadcast_in_dim3A_425 : vector<512x576xi1>, vector<512x576xf32>
    %eq3A_427 = vector.broadcast %slice3A_409 : vector<512x1xf32> to vector<512x576xf32>
    %eq3A_428 = vector.broadcast %concatenate3A_419 : vector<1x576xf32> to vector<512x576xf32>
    %eq3A_429 = arith.cmpf oeq, %eq3A_427, %eq3A_428 : vector<512x576xf32>
    %and3A_430 = arith.andi %or3A, %eq3A_429 : vector<512x576xi1>
    %jit3A_431 = arith.constant -1.000000e+05 : f32
    %broadcast_in_dim3A_432 = vector.broadcast %jit3A_431 : f32 to vector<512x576xf32>
    %select_n3A_433 = arith.select %and3A_430, %broadcast_in_dim3A_432, %select_n3A_426 : vector<512x576xi1>, vector<512x576xf32>
    %reduce_max3A_434 = arith.constant dense<0xFF800000> : vector<512xf32>
    %reduce_max3A_435 = vector.multi_reduction <maximumf>, %select_n3A_433, %reduce_max3A_434 [1] : vector<512x576xf32> to vector<512xf32>
    %broadcast_in_dim3A_436 = vector.shape_cast %reduce_max3A_435 : vector<512xf32> to vector<512x1xf32>
    %sub3A_437 = vector.broadcast %broadcast_in_dim3A_436 : vector<512x1xf32> to vector<512x576xf32>
    %sub3A_438 = arith.subf %select_n3A_433, %sub3A_437 : vector<512x576xf32>
    %exp3A_439 = math.exp %sub3A_438 : vector<512x576xf32>
    %reduce_sum3A_440 = arith.constant dense<0.000000e+00> : vector<512xf32>
    %reduce_sum3A_441 = vector.multi_reduction <add>, %exp3A_439, %reduce_sum3A_440 [1] : vector<512x576xf32> to vector<512xf32>
    %broadcast_in_dim3A_442 = vector.shape_cast %reduce_sum3A_441 : vector<512xf32> to vector<512x1xf32>
    %dot_general3A_443 = arith.constant dense<0.000000e+00> : vector<512x64xf32>
    %dot_general3A_444 = tpu.matmul %exp3A_439, %concatenate3A_405, %dot_general3A_443 {dimension_numbers = #tpu.dot_dimension_numbers<[1], [0], [0], [1], [0, 0, 1, 1], [], []>, transpose_lhs_hint = false} : vector<512x576xf32>, vector<576x64xf32>, vector<512x64xf32> -> vector<512x64xf32>
    %div3A_445 = vector.broadcast %broadcast_in_dim3A_442 : vector<512x1xf32> to vector<512x64xf32>
    %div3A_446 = arith.divf %dot_general3A_444, %div3A_445 : vector<512x64xf32>
    %log3A_447 = math.log %broadcast_in_dim3A_442 : vector<512x1xf32>
    %add3A_448 = arith.addf %broadcast_in_dim3A_436, %log3A_447 : vector<512x1xf32>
    %broadcast_in_dim3A_449 = vector.shape_cast %add3A_448 : vector<512x1xf32> to vector<512x1xf32>
    %broadcast_in_dim3A_450 = vector.broadcast %broadcast_in_dim3A_449 : vector<512x1xf32> to vector<512x64xf32>
    %concatenate3A_451 = tpu.concatenate %div3A_446, %broadcast_in_dim3A_450 in 1 : vector<512x64xf32>, vector<512x64xf32> -> vector<512x128xf32>
    %swap3A_452 = arith.constant 0 : index
    %swap3A_453 = arith.constant 2560 : index
    %swap3A_454 = arith.constant 0 : index
    %swap3A_455 = vector.load %arg5[%swap3A_452, %swap3A_453, %swap3A_454] : memref<1x4096x128xf32, #tpu.memory_space<vmem>>, vector<1x512x128xf32>
    %swap3A_456 = vector.shape_cast %swap3A_455 : vector<1x512x128xf32> to vector<512x128xf32>
    %swap3A_457 = vector.shape_cast %concatenate3A_451 : vector<512x128xf32> to vector<1x512x128xf32>
    tpu.vector_store %arg5[%swap3A_452, %swap3A_453, %swap3A_454], %swap3A_457 {strides = array<i32>} : memref<1x4096x128xf32, #tpu.memory_space<vmem>>, vector<1x512x128xf32>,
    %get3A_458 = arith.constant 0 : index
    %get3A_459 = arith.constant 3072 : index
    %get3A_460 = arith.constant 0 : index
    %get3A_461 = vector.load %arg1[%get3A_458, %get3A_459, %get3A_460] : memref<1x4096x128xf32, #tpu.memory_space<vmem>>, vector<1x512x128xf32>
    %get3A_462 = vector.shape_cast %get3A_461 : vector<1x512x128xf32> to vector<512x128xf32>
    %get3A_463 = arith.constant 0 : index
    %get3A_464 = arith.constant 3008 : index
    %get3A_465 = arith.constant 0 : index
    %get3A_466 = vector.load %arg1[%get3A_463, %get3A_464, %get3A_465] : memref<1x4096x128xf32, #tpu.memory_space<vmem>>, vector<1x64x128xf32>
    %get3A_467 = vector.shape_cast %get3A_466 : vector<1x64x128xf32> to vector<64x128xf32>
    %slice3A_468 = vector.extract_strided_slice %mul3A_58 {offsets = [3008, 0], sizes = [64, 64], strides = [1, 1]} : vector<4096x64xf32> to vector<64x64xf32>
    %slice3A_469 = vector.extract_strided_slice %mul3A_58 {offsets = [3072, 0], sizes = [512, 64], strides = [1, 1]} : vector<4096x64xf32> to vector<512x64xf32>
    %concatenate3A_470 = tpu.concatenate %slice3A_468, %slice3A_469 in 0 : vector<64x64xf32>, vector<512x64xf32> -> vector<576x64xf32>
    %slice3A_471 = vector.extract_strided_slice %get3A_467 {offsets = [0, 64], sizes = [64, 64], strides = [1, 1]} : vector<64x128xf32> to vector<64x64xf32>
    %slice3A_472 = vector.extract_strided_slice %get3A_462 {offsets = [0, 64], sizes = [512, 64], strides = [1, 1]} : vector<512x128xf32> to vector<512x64xf32>
    %concatenate3A_473 = tpu.concatenate %slice3A_471, %slice3A_472 in 0 : vector<64x64xf32>, vector<512x64xf32> -> vector<576x64xf32>
    %slice3A_474 = vector.extract_strided_slice %get3A_462 {offsets = [0, 0], sizes = [512, 64], strides = [1, 1]} : vector<512x128xf32> to vector<512x64xf32>
    %dot_general3A_475 = arith.constant dense<0.000000e+00> : vector<512x576xf32>
    %dot_general3A_476 = tpu.matmul %slice3A_474, %concatenate3A_470, %dot_general3A_475 {dimension_numbers = #tpu.dot_dimension_numbers<[1], [1], [0], [0], [0, 0, 1, 0], [], []>, transpose_lhs_hint = false} : vector<512x64xf32>, vector<576x64xf32>, vector<512x576xf32> -> vector<512x576xf32>
    %slice3A_477 = vector.extract_strided_slice %broadcast_in_dim3A {offsets = [3072, 0], sizes = [512, 1], strides = [1, 1]} : vector<4096x1xf32> to vector<512x1xf32>
    %slice3A_478 = vector.extract_strided_slice %get3A_3 {offsets = [47, 0], sizes = [1, 64], strides = [1, 1]} : vector<64x64xf32> to vector<1x64xf32>
    %slice3A_479 = vector.extract_strided_slice %get3A_3 {offsets = [48, 0], sizes = [1, 64], strides = [1, 1]} : vector<64x64xf32> to vector<1x64xf32>
    %slice3A_480 = vector.extract_strided_slice %get3A_3 {offsets = [49, 0], sizes = [1, 64], strides = [1, 1]} : vector<64x64xf32> to vector<1x64xf32>
    %slice3A_481 = vector.extract_strided_slice %get3A_3 {offsets = [50, 0], sizes = [1, 64], strides = [1, 1]} : vector<64x64xf32> to vector<1x64xf32>
    %slice3A_482 = vector.extract_strided_slice %get3A_3 {offsets = [51, 0], sizes = [1, 64], strides = [1, 1]} : vector<64x64xf32> to vector<1x64xf32>
    %slice3A_483 = vector.extract_strided_slice %get3A_3 {offsets = [52, 0], sizes = [1, 64], strides = [1, 1]} : vector<64x64xf32> to vector<1x64xf32>
    %slice3A_484 = vector.extract_strided_slice %get3A_3 {offsets = [53, 0], sizes = [1, 64], strides = [1, 1]} : vector<64x64xf32> to vector<1x64xf32>
    %slice3A_485 = vector.extract_strided_slice %get3A_3 {offsets = [54, 0], sizes = [1, 64], strides = [1, 1]} : vector<64x64xf32> to vector<1x64xf32>
    %slice3A_486 = vector.extract_strided_slice %get3A_3 {offsets = [55, 0], sizes = [1, 64], strides = [1, 1]} : vector<64x64xf32> to vector<1x64xf32>
    %concatenate3A_487 = tpu.concatenate %slice3A_478, %slice3A_479, %slice3A_480, %slice3A_481, %slice3A_482, %slice3A_483, %slice3A_484, %slice3A_485, %slice3A_486 in 1 : vector<1x64xf32>, vector<1x64xf32>, vector<1x64xf32>, vector<1x64xf32>, vector<1x64xf32>, vector<1x64xf32>, vector<1x64xf32>, vector<1x64xf32>, vector<1x64xf32> -> vector<1x576xf32>
    %ge3A_488 = vector.broadcast %slice3A_477 : vector<512x1xf32> to vector<512x576xf32>
    %ge3A_489 = vector.broadcast %concatenate3A_487 : vector<1x576xf32> to vector<512x576xf32>
    %ge3A_490 = arith.cmpf oge, %ge3A_488, %ge3A_489 : vector<512x576xf32>
    %and3A_491 = arith.andi %or3A, %ge3A_490 : vector<512x576xi1>
    %jit3A_492 = arith.constant -1.000000e+09 : f32
    %broadcast_in_dim3A_493 = vector.broadcast %jit3A_492 : f32 to vector<512x576xf32>
    %select_n3A_494 = arith.select %and3A_491, %dot_general3A_476, %broadcast_in_dim3A_493 : vector<512x576xi1>, vector<512x576xf32>
    %eq3A_495 = vector.broadcast %slice3A_477 : vector<512x1xf32> to vector<512x576xf32>
    %eq3A_496 = vector.broadcast %concatenate3A_487 : vector<1x576xf32> to vector<512x576xf32>
    %eq3A_497 = arith.cmpf oeq, %eq3A_495, %eq3A_496 : vector<512x576xf32>
    %and3A_498 = arith.andi %or3A, %eq3A_497 : vector<512x576xi1>
    %jit3A_499 = arith.constant -1.000000e+05 : f32
    %broadcast_in_dim3A_500 = vector.broadcast %jit3A_499 : f32 to vector<512x576xf32>
    %select_n3A_501 = arith.select %and3A_498, %broadcast_in_dim3A_500, %select_n3A_494 : vector<512x576xi1>, vector<512x576xf32>
    %reduce_max3A_502 = arith.constant dense<0xFF800000> : vector<512xf32>
    %reduce_max3A_503 = vector.multi_reduction <maximumf>, %select_n3A_501, %reduce_max3A_502 [1] : vector<512x576xf32> to vector<512xf32>
    %broadcast_in_dim3A_504 = vector.shape_cast %reduce_max3A_503 : vector<512xf32> to vector<512x1xf32>
    %sub3A_505 = vector.broadcast %broadcast_in_dim3A_504 : vector<512x1xf32> to vector<512x576xf32>
    %sub3A_506 = arith.subf %select_n3A_501, %sub3A_505 : vector<512x576xf32>
    %exp3A_507 = math.exp %sub3A_506 : vector<512x576xf32>
    %reduce_sum3A_508 = arith.constant dense<0.000000e+00> : vector<512xf32>
    %reduce_sum3A_509 = vector.multi_reduction <add>, %exp3A_507, %reduce_sum3A_508 [1] : vector<512x576xf32> to vector<512xf32>
    %broadcast_in_dim3A_510 = vector.shape_cast %reduce_sum3A_509 : vector<512xf32> to vector<512x1xf32>
    %dot_general3A_511 = arith.constant dense<0.000000e+00> : vector<512x64xf32>
    %dot_general3A_512 = tpu.matmul %exp3A_507, %concatenate3A_473, %dot_general3A_511 {dimension_numbers = #tpu.dot_dimension_numbers<[1], [0], [0], [1], [0, 0, 1, 1], [], []>, transpose_lhs_hint = false} : vector<512x576xf32>, vector<576x64xf32>, vector<512x64xf32> -> vector<512x64xf32>
    %div3A_513 = vector.broadcast %broadcast_in_dim3A_510 : vector<512x1xf32> to vector<512x64xf32>
    %div3A_514 = arith.divf %dot_general3A_512, %div3A_513 : vector<512x64xf32>
    %log3A_515 = math.log %broadcast_in_dim3A_510 : vector<512x1xf32>
    %add3A_516 = arith.addf %broadcast_in_dim3A_504, %log3A_515 : vector<512x1xf32>
    %broadcast_in_dim3A_517 = vector.shape_cast %add3A_516 : vector<512x1xf32> to vector<512x1xf32>
    %broadcast_in_dim3A_518 = vector.broadcast %broadcast_in_dim3A_517 : vector<512x1xf32> to vector<512x64xf32>
    %concatenate3A_519 = tpu.concatenate %div3A_514, %broadcast_in_dim3A_518 in 1 : vector<512x64xf32>, vector<512x64xf32> -> vector<512x128xf32>
    %swap3A_520 = arith.constant 0 : index
    %swap3A_521 = arith.constant 3072 : index
    %swap3A_522 = arith.constant 0 : index
    %swap3A_523 = vector.load %arg5[%swap3A_520, %swap3A_521, %swap3A_522] : memref<1x4096x128xf32, #tpu.memory_space<vmem>>, vector<1x512x128xf32>
    %swap3A_524 = vector.shape_cast %swap3A_523 : vector<1x512x128xf32> to vector<512x128xf32>
    %swap3A_525 = vector.shape_cast %concatenate3A_519 : vector<512x128xf32> to vector<1x512x128xf32>
    tpu.vector_store %arg5[%swap3A_520, %swap3A_521, %swap3A_522], %swap3A_525 {strides = array<i32>} : memref<1x4096x128xf32, #tpu.memory_space<vmem>>, vector<1x512x128xf32>,
    %get3A_526 = arith.constant 0 : index
    %get3A_527 = arith.constant 3584 : index
    %get3A_528 = arith.constant 0 : index
    %get3A_529 = vector.load %arg1[%get3A_526, %get3A_527, %get3A_528] : memref<1x4096x128xf32, #tpu.memory_space<vmem>>, vector<1x512x128xf32>
    %get3A_530 = vector.shape_cast %get3A_529 : vector<1x512x128xf32> to vector<512x128xf32>
    %get3A_531 = arith.constant 0 : index
    %get3A_532 = arith.constant 3520 : index
    %get3A_533 = arith.constant 0 : index
    %get3A_534 = vector.load %arg1[%get3A_531, %get3A_532, %get3A_533] : memref<1x4096x128xf32, #tpu.memory_space<vmem>>, vector<1x64x128xf32>
    %get3A_535 = vector.shape_cast %get3A_534 : vector<1x64x128xf32> to vector<64x128xf32>
    %slice3A_536 = vector.extract_strided_slice %mul3A_58 {offsets = [3520, 0], sizes = [64, 64], strides = [1, 1]} : vector<4096x64xf32> to vector<64x64xf32>
    %slice3A_537 = vector.extract_strided_slice %mul3A_58 {offsets = [3584, 0], sizes = [512, 64], strides = [1, 1]} : vector<4096x64xf32> to vector<512x64xf32>
    %concatenate3A_538 = tpu.concatenate %slice3A_536, %slice3A_537 in 0 : vector<64x64xf32>, vector<512x64xf32> -> vector<576x64xf32>
    %slice3A_539 = vector.extract_strided_slice %get3A_535 {offsets = [0, 64], sizes = [64, 64], strides = [1, 1]} : vector<64x128xf32> to vector<64x64xf32>
    %slice3A_540 = vector.extract_strided_slice %get3A_530 {offsets = [0, 64], sizes = [512, 64], strides = [1, 1]} : vector<512x128xf32> to vector<512x64xf32>
    %concatenate3A_541 = tpu.concatenate %slice3A_539, %slice3A_540 in 0 : vector<64x64xf32>, vector<512x64xf32> -> vector<576x64xf32>
    %slice3A_542 = vector.extract_strided_slice %get3A_530 {offsets = [0, 0], sizes = [512, 64], strides = [1, 1]} : vector<512x128xf32> to vector<512x64xf32>
    %dot_general3A_543 = arith.constant dense<0.000000e+00> : vector<512x576xf32>
    %dot_general3A_544 = tpu.matmul %slice3A_542, %concatenate3A_538, %dot_general3A_543 {dimension_numbers = #tpu.dot_dimension_numbers<[1], [1], [0], [0], [0, 0, 1, 0], [], []>, transpose_lhs_hint = false} : vector<512x64xf32>, vector<576x64xf32>, vector<512x576xf32> -> vector<512x576xf32>
    %slice3A_545 = vector.extract_strided_slice %broadcast_in_dim3A {offsets = [3584, 0], sizes = [512, 1], strides = [1, 1]} : vector<4096x1xf32> to vector<512x1xf32>
    %slice3A_546 = vector.extract_strided_slice %get3A_3 {offsets = [55, 0], sizes = [1, 64], strides = [1, 1]} : vector<64x64xf32> to vector<1x64xf32>
    %slice3A_547 = vector.extract_strided_slice %get3A_3 {offsets = [56, 0], sizes = [1, 64], strides = [1, 1]} : vector<64x64xf32> to vector<1x64xf32>
    %slice3A_548 = vector.extract_strided_slice %get3A_3 {offsets = [57, 0], sizes = [1, 64], strides = [1, 1]} : vector<64x64xf32> to vector<1x64xf32>
    %slice3A_549 = vector.extract_strided_slice %get3A_3 {offsets = [58, 0], sizes = [1, 64], strides = [1, 1]} : vector<64x64xf32> to vector<1x64xf32>
    %slice3A_550 = vector.extract_strided_slice %get3A_3 {offsets = [59, 0], sizes = [1, 64], strides = [1, 1]} : vector<64x64xf32> to vector<1x64xf32>
    %slice3A_551 = vector.extract_strided_slice %get3A_3 {offsets = [60, 0], sizes = [1, 64], strides = [1, 1]} : vector<64x64xf32> to vector<1x64xf32>
    %slice3A_552 = vector.extract_strided_slice %get3A_3 {offsets = [61, 0], sizes = [1, 64], strides = [1, 1]} : vector<64x64xf32> to vector<1x64xf32>
    %slice3A_553 = vector.extract_strided_slice %get3A_3 {offsets = [62, 0], sizes = [1, 64], strides = [1, 1]} : vector<64x64xf32> to vector<1x64xf32>
    %slice3A_554 = vector.extract_strided_slice %get3A_3 {offsets = [63, 0], sizes = [1, 64], strides = [1, 1]} : vector<64x64xf32> to vector<1x64xf32>
    %concatenate3A_555 = tpu.concatenate %slice3A_546, %slice3A_547, %slice3A_548, %slice3A_549, %slice3A_550, %slice3A_551, %slice3A_552, %slice3A_553, %slice3A_554 in 1 : vector<1x64xf32>, vector<1x64xf32>, vector<1x64xf32>, vector<1x64xf32>, vector<1x64xf32>, vector<1x64xf32>, vector<1x64xf32>, vector<1x64xf32>, vector<1x64xf32> -> vector<1x576xf32>
    %ge3A_556 = vector.broadcast %slice3A_545 : vector<512x1xf32> to vector<512x576xf32>
    %ge3A_557 = vector.broadcast %concatenate3A_555 : vector<1x576xf32> to vector<512x576xf32>
    %ge3A_558 = arith.cmpf oge, %ge3A_556, %ge3A_557 : vector<512x576xf32>
    %and3A_559 = arith.andi %or3A, %ge3A_558 : vector<512x576xi1>
    %jit3A_560 = arith.constant -1.000000e+09 : f32
    %broadcast_in_dim3A_561 = vector.broadcast %jit3A_560 : f32 to vector<512x576xf32>
    %select_n3A_562 = arith.select %and3A_559, %dot_general3A_544, %broadcast_in_dim3A_561 : vector<512x576xi1>, vector<512x576xf32>
    %eq3A_563 = vector.broadcast %slice3A_545 : vector<512x1xf32> to vector<512x576xf32>
    %eq3A_564 = vector.broadcast %concatenate3A_555 : vector<1x576xf32> to vector<512x576xf32>
    %eq3A_565 = arith.cmpf oeq, %eq3A_563, %eq3A_564 : vector<512x576xf32>
    %and3A_566 = arith.andi %or3A, %eq3A_565 : vector<512x576xi1>
    %jit3A_567 = arith.constant -1.000000e+05 : f32
    %broadcast_in_dim3A_568 = vector.broadcast %jit3A_567 : f32 to vector<512x576xf32>
    %select_n3A_569 = arith.select %and3A_566, %broadcast_in_dim3A_568, %select_n3A_562 : vector<512x576xi1>, vector<512x576xf32>
    %reduce_max3A_570 = arith.constant dense<0xFF800000> : vector<512xf32>
    %reduce_max3A_571 = vector.multi_reduction <maximumf>, %select_n3A_569, %reduce_max3A_570 [1] : vector<512x576xf32> to vector<512xf32>
    %broadcast_in_dim3A_572 = vector.shape_cast %reduce_max3A_571 : vector<512xf32> to vector<512x1xf32>
    %sub3A_573 = vector.broadcast %broadcast_in_dim3A_572 : vector<512x1xf32> to vector<512x576xf32>
    %sub3A_574 = arith.subf %select_n3A_569, %sub3A_573 : vector<512x576xf32>
    %exp3A_575 = math.exp %sub3A_574 : vector<512x576xf32>
    %reduce_sum3A_576 = arith.constant dense<0.000000e+00> : vector<512xf32>
    %reduce_sum3A_577 = vector.multi_reduction <add>, %exp3A_575, %reduce_sum3A_576 [1] : vector<512x576xf32> to vector<512xf32>
    %broadcast_in_dim3A_578 = vector.shape_cast %reduce_sum3A_577 : vector<512xf32> to vector<512x1xf32>
    %dot_general3A_579 = arith.constant dense<0.000000e+00> : vector<512x64xf32>
    %dot_general3A_580 = tpu.matmul %exp3A_575, %concatenate3A_541, %dot_general3A_579 {dimension_numbers = #tpu.dot_dimension_numbers<[1], [0], [0], [1], [0, 0, 1, 1], [], []>, transpose_lhs_hint = false} : vector<512x576xf32>, vector<576x64xf32>, vector<512x64xf32> -> vector<512x64xf32>
    %div3A_581 = vector.broadcast %broadcast_in_dim3A_578 : vector<512x1xf32> to vector<512x64xf32>
    %div3A_582 = arith.divf %dot_general3A_580, %div3A_581 : vector<512x64xf32>
    %log3A_583 = math.log %broadcast_in_dim3A_578 : vector<512x1xf32>
    %add3A_584 = arith.addf %broadcast_in_dim3A_572, %log3A_583 : vector<512x1xf32>
    %broadcast_in_dim3A_585 = vector.shape_cast %add3A_584 : vector<512x1xf32> to vector<512x1xf32>
    %broadcast_in_dim3A_586 = vector.broadcast %broadcast_in_dim3A_585 : vector<512x1xf32> to vector<512x64xf32>
    %concatenate3A_587 = tpu.concatenate %div3A_582, %broadcast_in_dim3A_586 in 1 : vector<512x64xf32>, vector<512x64xf32> -> vector<512x128xf32>
    %swap3A_588 = arith.constant 0 : index
    %swap3A_589 = arith.constant 3584 : index
    %swap3A_590 = arith.constant 0 : index
    %swap3A_591 = vector.load %arg5[%swap3A_588, %swap3A_589, %swap3A_590] : memref<1x4096x128xf32, #tpu.memory_space<vmem>>, vector<1x512x128xf32>
    %swap3A_592 = vector.shape_cast %swap3A_591 : vector<1x512x128xf32> to vector<512x128xf32>
    %swap3A_593 = vector.shape_cast %concatenate3A_587 : vector<512x128xf32> to vector<1x512x128xf32>
    tpu.vector_store %arg5[%swap3A_588, %swap3A_589, %swap3A_590], %swap3A_593 {strides = array<i32>} : memref<1x4096x128xf32, #tpu.memory_space<vmem>>, vector<1x512x128xf32>,
    return
  }
  func.func @transform_0(%arg0: i32) -> (i32, i32, i32) {
    %c0_i32 = arith.constant 0 : i32
    %c0_i32_0 = arith.constant 0 : i32
    %c0_i32_1 = arith.constant 0 : i32
    return %arg0, %c0_i32, %c0_i32_0 : i32, i32, i32
  }
  func.func @transform_1(%arg0: i32) -> (i32, i32, i32) {
    %c0_i32 = arith.constant 0 : i32
    %c0_i32_0 = arith.constant 0 : i32
    %c0_i32_1 = arith.constant 0 : i32
    return %arg0, %c0_i32, %c0_i32_0 : i32, i32, i32
  }
  func.func @transform_2(%arg0: i32) -> (i32, i32) {
    %c0_i32 = arith.constant 0 : i32
    %c0_i32_0 = arith.constant 0 : i32
    %c0_i32_1 = arith.constant 0 : i32
    return %c0_i32, %c0_i32_0 : i32, i32
  }
  func.func @transform_3(%arg0: i32) -> (i32, i32) {
    %c0_i32 = arith.constant 0 : i32
    %c0_i32_0 = arith.constant 0 : i32
    %c0_i32_1 = arith.constant 0 : i32
    return %c0_i32, %c0_i32_0 : i32, i32
  }
  func.func @transform_4(%arg0: i32) -> (i32, i32, i32) {
    %c0_i32 = arith.constant 0 : i32
    %c0_i32_0 = arith.constant 0 : i32
    %c0_i32_1 = arith.constant 0 : i32
    return %arg0, %c0_i32, %c0_i32_0 : i32, i32, i32
  }
}

module attributes {stable_mosaic.version = 14 : i64} {
  func.func @_comb_body(%arg0: i32, %arg1: i32, %arg2: memref<1x16x1x1x256x128xf32, #tpu.memory_space<vmem>>, %arg3: memref<1x16x1x1x256x128xf32, #tpu.memory_space<vmem>>, %arg4: memref<1x256x1024xf32, #tpu.memory_space<vmem>>) attributes {dimension_semantics = [#tpu.dimension_semantics<arbitrary>, #tpu.dimension_semantics<arbitrary>], iteration_bounds = array<i64: 1, 8>, scalar_prefetch = 0 : i64, scratch_operands = 0 : i64, tpu.core_type = #tpu.core_type<tc>, window_params = [{transform_indices = @transform_0, window_bounds = array<i64: 1, 16, 1, 1, 256, 128>}, {transform_indices = @transform_1, window_bounds = array<i64: 1, 16, 1, 1, 256, 128>}, {transform_indices = @transform_2, window_bounds = array<i64: 1, 256, 1024>}]} {
    %get3A = arith.constant 0 : index
    %get3A_0 = arith.constant 0 : index
    %get3A_1 = arith.constant 0 : index
    %get3A_2 = arith.constant 0 : index
    %get3A_3 = arith.constant 0 : index
    %get3A_4 = arith.constant 0 : index
    %get3A_5 = vector.load %arg2[%get3A, %get3A_0, %get3A_1, %get3A_2, %get3A_3, %get3A_4] : memref<1x16x1x1x256x128xf32, #tpu.memory_space<vmem>>, vector<1x1x1x1x256x64xf32>
    %get3A_6 = vector.shape_cast %get3A_5 : vector<1x1x1x1x256x64xf32> to vector<256x64xf32>
    %get3A_7 = arith.constant 0 : index
    %get3A_8 = arith.constant 0 : index
    %get3A_9 = arith.constant 0 : index
    %get3A_10 = arith.constant 0 : index
    %get3A_11 = arith.constant 0 : index
    %get3A_12 = arith.constant 64 : index
    %get3A_13 = vector.load %arg2[%get3A_7, %get3A_8, %get3A_9, %get3A_10, %get3A_11, %get3A_12] : memref<1x16x1x1x256x128xf32, #tpu.memory_space<vmem>>, vector<1x1x1x1x256x1xf32>
    %get3A_14 = vector.shape_cast %get3A_13 : vector<1x1x1x1x256x1xf32> to vector<256x1xf32>
    %get3A_15 = arith.constant 0 : index
    %get3A_16 = arith.constant 0 : index
    %get3A_17 = arith.constant 0 : index
    %get3A_18 = arith.constant 0 : index
    %get3A_19 = arith.constant 0 : index
    %get3A_20 = arith.constant 0 : index
    %get3A_21 = vector.load %arg3[%get3A_15, %get3A_16, %get3A_17, %get3A_18, %get3A_19, %get3A_20] : memref<1x16x1x1x256x128xf32, #tpu.memory_space<vmem>>, vector<1x1x1x1x256x64xf32>
    %get3A_22 = vector.shape_cast %get3A_21 : vector<1x1x1x1x256x64xf32> to vector<256x64xf32>
    %get3A_23 = arith.constant 0 : index
    %get3A_24 = arith.constant 0 : index
    %get3A_25 = arith.constant 0 : index
    %get3A_26 = arith.constant 0 : index
    %get3A_27 = arith.constant 0 : index
    %get3A_28 = arith.constant 64 : index
    %get3A_29 = vector.load %arg3[%get3A_23, %get3A_24, %get3A_25, %get3A_26, %get3A_27, %get3A_28] : memref<1x16x1x1x256x128xf32, #tpu.memory_space<vmem>>, vector<1x1x1x1x256x1xf32>
    %get3A_30 = vector.shape_cast %get3A_29 : vector<1x1x1x1x256x1xf32> to vector<256x1xf32>
    %max3A = arith.maximumf %get3A_14, %get3A_30 : vector<256x1xf32>
    %sub3A = arith.subf %get3A_14, %max3A : vector<256x1xf32>
    %exp3A = math.exp %sub3A : vector<256x1xf32>
    %sub3A_31 = arith.subf %get3A_30, %max3A : vector<256x1xf32>
    %exp3A_32 = math.exp %sub3A_31 : vector<256x1xf32>
    %mul3A = vector.broadcast %exp3A : vector<256x1xf32> to vector<256x64xf32>
    %mul3A_33 = arith.mulf %get3A_6, %mul3A : vector<256x64xf32>
    %mul3A_34 = vector.broadcast %exp3A_32 : vector<256x1xf32> to vector<256x64xf32>
    %mul3A_35 = arith.mulf %get3A_22, %mul3A_34 : vector<256x64xf32>
    %add3A = arith.addf %mul3A_33, %mul3A_35 : vector<256x64xf32>
    %add3A_36 = arith.addf %exp3A, %exp3A_32 : vector<256x1xf32>
    %div3A = vector.broadcast %add3A_36 : vector<256x1xf32> to vector<256x64xf32>
    %div3A_37 = arith.divf %add3A, %div3A : vector<256x64xf32>
    %swap3A = arith.constant 0 : index
    %swap3A_38 = arith.constant 0 : index
    %swap3A_39 = arith.constant 0 : index
    %swap3A_40 = vector.load %arg4[%swap3A, %swap3A_38, %swap3A_39] : memref<1x256x1024xf32, #tpu.memory_space<vmem>>, vector<1x256x64xf32>
    %swap3A_41 = vector.shape_cast %swap3A_40 : vector<1x256x64xf32> to vector<256x64xf32>
    %swap3A_42 = vector.shape_cast %div3A_37 : vector<256x64xf32> to vector<1x256x64xf32>
    tpu.vector_store %arg4[%swap3A, %swap3A_38, %swap3A_39], %swap3A_42 {strides = array<i32>} : memref<1x256x1024xf32, #tpu.memory_space<vmem>>, vector<1x256x64xf32>,
    %get3A_43 = arith.constant 0 : index
    %get3A_44 = arith.constant 1 : index
    %get3A_45 = arith.constant 0 : index
    %get3A_46 = arith.constant 0 : index
    %get3A_47 = arith.constant 0 : index
    %get3A_48 = arith.constant 0 : index
    %get3A_49 = vector.load %arg2[%get3A_43, %get3A_44, %get3A_45, %get3A_46, %get3A_47, %get3A_48] : memref<1x16x1x1x256x128xf32, #tpu.memory_space<vmem>>, vector<1x1x1x1x256x64xf32>
    %get3A_50 = vector.shape_cast %get3A_49 : vector<1x1x1x1x256x64xf32> to vector<256x64xf32>
    %get3A_51 = arith.constant 0 : index
    %get3A_52 = arith.constant 1 : index
    %get3A_53 = arith.constant 0 : index
    %get3A_54 = arith.constant 0 : index
    %get3A_55 = arith.constant 0 : index
    %get3A_56 = arith.constant 64 : index
    %get3A_57 = vector.load %arg2[%get3A_51, %get3A_52, %get3A_53, %get3A_54, %get3A_55, %get3A_56] : memref<1x16x1x1x256x128xf32, #tpu.memory_space<vmem>>, vector<1x1x1x1x256x1xf32>
    %get3A_58 = vector.shape_cast %get3A_57 : vector<1x1x1x1x256x1xf32> to vector<256x1xf32>
    %get3A_59 = arith.constant 0 : index
    %get3A_60 = arith.constant 1 : index
    %get3A_61 = arith.constant 0 : index
    %get3A_62 = arith.constant 0 : index
    %get3A_63 = arith.constant 0 : index
    %get3A_64 = arith.constant 0 : index
    %get3A_65 = vector.load %arg3[%get3A_59, %get3A_60, %get3A_61, %get3A_62, %get3A_63, %get3A_64] : memref<1x16x1x1x256x128xf32, #tpu.memory_space<vmem>>, vector<1x1x1x1x256x64xf32>
    %get3A_66 = vector.shape_cast %get3A_65 : vector<1x1x1x1x256x64xf32> to vector<256x64xf32>
    %get3A_67 = arith.constant 0 : index
    %get3A_68 = arith.constant 1 : index
    %get3A_69 = arith.constant 0 : index
    %get3A_70 = arith.constant 0 : index
    %get3A_71 = arith.constant 0 : index
    %get3A_72 = arith.constant 64 : index
    %get3A_73 = vector.load %arg3[%get3A_67, %get3A_68, %get3A_69, %get3A_70, %get3A_71, %get3A_72] : memref<1x16x1x1x256x128xf32, #tpu.memory_space<vmem>>, vector<1x1x1x1x256x1xf32>
    %get3A_74 = vector.shape_cast %get3A_73 : vector<1x1x1x1x256x1xf32> to vector<256x1xf32>
    %max3A_75 = arith.maximumf %get3A_58, %get3A_74 : vector<256x1xf32>
    %sub3A_76 = arith.subf %get3A_58, %max3A_75 : vector<256x1xf32>
    %exp3A_77 = math.exp %sub3A_76 : vector<256x1xf32>
    %sub3A_78 = arith.subf %get3A_74, %max3A_75 : vector<256x1xf32>
    %exp3A_79 = math.exp %sub3A_78 : vector<256x1xf32>
    %mul3A_80 = vector.broadcast %exp3A_77 : vector<256x1xf32> to vector<256x64xf32>
    %mul3A_81 = arith.mulf %get3A_50, %mul3A_80 : vector<256x64xf32>
    %mul3A_82 = vector.broadcast %exp3A_79 : vector<256x1xf32> to vector<256x64xf32>
    %mul3A_83 = arith.mulf %get3A_66, %mul3A_82 : vector<256x64xf32>
    %add3A_84 = arith.addf %mul3A_81, %mul3A_83 : vector<256x64xf32>
    %add3A_85 = arith.addf %exp3A_77, %exp3A_79 : vector<256x1xf32>
    %div3A_86 = vector.broadcast %add3A_85 : vector<256x1xf32> to vector<256x64xf32>
    %div3A_87 = arith.divf %add3A_84, %div3A_86 : vector<256x64xf32>
    %swap3A_88 = arith.constant 0 : index
    %swap3A_89 = arith.constant 0 : index
    %swap3A_90 = arith.constant 64 : index
    %swap3A_91 = vector.load %arg4[%swap3A_88, %swap3A_89, %swap3A_90] : memref<1x256x1024xf32, #tpu.memory_space<vmem>>, vector<1x256x64xf32>
    %swap3A_92 = vector.shape_cast %swap3A_91 : vector<1x256x64xf32> to vector<256x64xf32>
    %swap3A_93 = vector.shape_cast %div3A_87 : vector<256x64xf32> to vector<1x256x64xf32>
    tpu.vector_store %arg4[%swap3A_88, %swap3A_89, %swap3A_90], %swap3A_93 {strides = array<i32>} : memref<1x256x1024xf32, #tpu.memory_space<vmem>>, vector<1x256x64xf32>,
    %get3A_94 = arith.constant 0 : index
    %get3A_95 = arith.constant 2 : index
    %get3A_96 = arith.constant 0 : index
    %get3A_97 = arith.constant 0 : index
    %get3A_98 = arith.constant 0 : index
    %get3A_99 = arith.constant 0 : index
    %get3A_100 = vector.load %arg2[%get3A_94, %get3A_95, %get3A_96, %get3A_97, %get3A_98, %get3A_99] : memref<1x16x1x1x256x128xf32, #tpu.memory_space<vmem>>, vector<1x1x1x1x256x64xf32>
    %get3A_101 = vector.shape_cast %get3A_100 : vector<1x1x1x1x256x64xf32> to vector<256x64xf32>
    %get3A_102 = arith.constant 0 : index
    %get3A_103 = arith.constant 2 : index
    %get3A_104 = arith.constant 0 : index
    %get3A_105 = arith.constant 0 : index
    %get3A_106 = arith.constant 0 : index
    %get3A_107 = arith.constant 64 : index
    %get3A_108 = vector.load %arg2[%get3A_102, %get3A_103, %get3A_104, %get3A_105, %get3A_106, %get3A_107] : memref<1x16x1x1x256x128xf32, #tpu.memory_space<vmem>>, vector<1x1x1x1x256x1xf32>
    %get3A_109 = vector.shape_cast %get3A_108 : vector<1x1x1x1x256x1xf32> to vector<256x1xf32>
    %get3A_110 = arith.constant 0 : index
    %get3A_111 = arith.constant 2 : index
    %get3A_112 = arith.constant 0 : index
    %get3A_113 = arith.constant 0 : index
    %get3A_114 = arith.constant 0 : index
    %get3A_115 = arith.constant 0 : index
    %get3A_116 = vector.load %arg3[%get3A_110, %get3A_111, %get3A_112, %get3A_113, %get3A_114, %get3A_115] : memref<1x16x1x1x256x128xf32, #tpu.memory_space<vmem>>, vector<1x1x1x1x256x64xf32>
    %get3A_117 = vector.shape_cast %get3A_116 : vector<1x1x1x1x256x64xf32> to vector<256x64xf32>
    %get3A_118 = arith.constant 0 : index
    %get3A_119 = arith.constant 2 : index
    %get3A_120 = arith.constant 0 : index
    %get3A_121 = arith.constant 0 : index
    %get3A_122 = arith.constant 0 : index
    %get3A_123 = arith.constant 64 : index
    %get3A_124 = vector.load %arg3[%get3A_118, %get3A_119, %get3A_120, %get3A_121, %get3A_122, %get3A_123] : memref<1x16x1x1x256x128xf32, #tpu.memory_space<vmem>>, vector<1x1x1x1x256x1xf32>
    %get3A_125 = vector.shape_cast %get3A_124 : vector<1x1x1x1x256x1xf32> to vector<256x1xf32>
    %max3A_126 = arith.maximumf %get3A_109, %get3A_125 : vector<256x1xf32>
    %sub3A_127 = arith.subf %get3A_109, %max3A_126 : vector<256x1xf32>
    %exp3A_128 = math.exp %sub3A_127 : vector<256x1xf32>
    %sub3A_129 = arith.subf %get3A_125, %max3A_126 : vector<256x1xf32>
    %exp3A_130 = math.exp %sub3A_129 : vector<256x1xf32>
    %mul3A_131 = vector.broadcast %exp3A_128 : vector<256x1xf32> to vector<256x64xf32>
    %mul3A_132 = arith.mulf %get3A_101, %mul3A_131 : vector<256x64xf32>
    %mul3A_133 = vector.broadcast %exp3A_130 : vector<256x1xf32> to vector<256x64xf32>
    %mul3A_134 = arith.mulf %get3A_117, %mul3A_133 : vector<256x64xf32>
    %add3A_135 = arith.addf %mul3A_132, %mul3A_134 : vector<256x64xf32>
    %add3A_136 = arith.addf %exp3A_128, %exp3A_130 : vector<256x1xf32>
    %div3A_137 = vector.broadcast %add3A_136 : vector<256x1xf32> to vector<256x64xf32>
    %div3A_138 = arith.divf %add3A_135, %div3A_137 : vector<256x64xf32>
    %swap3A_139 = arith.constant 0 : index
    %swap3A_140 = arith.constant 0 : index
    %swap3A_141 = arith.constant 128 : index
    %swap3A_142 = vector.load %arg4[%swap3A_139, %swap3A_140, %swap3A_141] : memref<1x256x1024xf32, #tpu.memory_space<vmem>>, vector<1x256x64xf32>
    %swap3A_143 = vector.shape_cast %swap3A_142 : vector<1x256x64xf32> to vector<256x64xf32>
    %swap3A_144 = vector.shape_cast %div3A_138 : vector<256x64xf32> to vector<1x256x64xf32>
    tpu.vector_store %arg4[%swap3A_139, %swap3A_140, %swap3A_141], %swap3A_144 {strides = array<i32>} : memref<1x256x1024xf32, #tpu.memory_space<vmem>>, vector<1x256x64xf32>,
    %get3A_145 = arith.constant 0 : index
    %get3A_146 = arith.constant 3 : index
    %get3A_147 = arith.constant 0 : index
    %get3A_148 = arith.constant 0 : index
    %get3A_149 = arith.constant 0 : index
    %get3A_150 = arith.constant 0 : index
    %get3A_151 = vector.load %arg2[%get3A_145, %get3A_146, %get3A_147, %get3A_148, %get3A_149, %get3A_150] : memref<1x16x1x1x256x128xf32, #tpu.memory_space<vmem>>, vector<1x1x1x1x256x64xf32>
    %get3A_152 = vector.shape_cast %get3A_151 : vector<1x1x1x1x256x64xf32> to vector<256x64xf32>
    %get3A_153 = arith.constant 0 : index
    %get3A_154 = arith.constant 3 : index
    %get3A_155 = arith.constant 0 : index
    %get3A_156 = arith.constant 0 : index
    %get3A_157 = arith.constant 0 : index
    %get3A_158 = arith.constant 64 : index
    %get3A_159 = vector.load %arg2[%get3A_153, %get3A_154, %get3A_155, %get3A_156, %get3A_157, %get3A_158] : memref<1x16x1x1x256x128xf32, #tpu.memory_space<vmem>>, vector<1x1x1x1x256x1xf32>
    %get3A_160 = vector.shape_cast %get3A_159 : vector<1x1x1x1x256x1xf32> to vector<256x1xf32>
    %get3A_161 = arith.constant 0 : index
    %get3A_162 = arith.constant 3 : index
    %get3A_163 = arith.constant 0 : index
    %get3A_164 = arith.constant 0 : index
    %get3A_165 = arith.constant 0 : index
    %get3A_166 = arith.constant 0 : index
    %get3A_167 = vector.load %arg3[%get3A_161, %get3A_162, %get3A_163, %get3A_164, %get3A_165, %get3A_166] : memref<1x16x1x1x256x128xf32, #tpu.memory_space<vmem>>, vector<1x1x1x1x256x64xf32>
    %get3A_168 = vector.shape_cast %get3A_167 : vector<1x1x1x1x256x64xf32> to vector<256x64xf32>
    %get3A_169 = arith.constant 0 : index
    %get3A_170 = arith.constant 3 : index
    %get3A_171 = arith.constant 0 : index
    %get3A_172 = arith.constant 0 : index
    %get3A_173 = arith.constant 0 : index
    %get3A_174 = arith.constant 64 : index
    %get3A_175 = vector.load %arg3[%get3A_169, %get3A_170, %get3A_171, %get3A_172, %get3A_173, %get3A_174] : memref<1x16x1x1x256x128xf32, #tpu.memory_space<vmem>>, vector<1x1x1x1x256x1xf32>
    %get3A_176 = vector.shape_cast %get3A_175 : vector<1x1x1x1x256x1xf32> to vector<256x1xf32>
    %max3A_177 = arith.maximumf %get3A_160, %get3A_176 : vector<256x1xf32>
    %sub3A_178 = arith.subf %get3A_160, %max3A_177 : vector<256x1xf32>
    %exp3A_179 = math.exp %sub3A_178 : vector<256x1xf32>
    %sub3A_180 = arith.subf %get3A_176, %max3A_177 : vector<256x1xf32>
    %exp3A_181 = math.exp %sub3A_180 : vector<256x1xf32>
    %mul3A_182 = vector.broadcast %exp3A_179 : vector<256x1xf32> to vector<256x64xf32>
    %mul3A_183 = arith.mulf %get3A_152, %mul3A_182 : vector<256x64xf32>
    %mul3A_184 = vector.broadcast %exp3A_181 : vector<256x1xf32> to vector<256x64xf32>
    %mul3A_185 = arith.mulf %get3A_168, %mul3A_184 : vector<256x64xf32>
    %add3A_186 = arith.addf %mul3A_183, %mul3A_185 : vector<256x64xf32>
    %add3A_187 = arith.addf %exp3A_179, %exp3A_181 : vector<256x1xf32>
    %div3A_188 = vector.broadcast %add3A_187 : vector<256x1xf32> to vector<256x64xf32>
    %div3A_189 = arith.divf %add3A_186, %div3A_188 : vector<256x64xf32>
    %swap3A_190 = arith.constant 0 : index
    %swap3A_191 = arith.constant 0 : index
    %swap3A_192 = arith.constant 192 : index
    %swap3A_193 = vector.load %arg4[%swap3A_190, %swap3A_191, %swap3A_192] : memref<1x256x1024xf32, #tpu.memory_space<vmem>>, vector<1x256x64xf32>
    %swap3A_194 = vector.shape_cast %swap3A_193 : vector<1x256x64xf32> to vector<256x64xf32>
    %swap3A_195 = vector.shape_cast %div3A_189 : vector<256x64xf32> to vector<1x256x64xf32>
    tpu.vector_store %arg4[%swap3A_190, %swap3A_191, %swap3A_192], %swap3A_195 {strides = array<i32>} : memref<1x256x1024xf32, #tpu.memory_space<vmem>>, vector<1x256x64xf32>,
    %get3A_196 = arith.constant 0 : index
    %get3A_197 = arith.constant 4 : index
    %get3A_198 = arith.constant 0 : index
    %get3A_199 = arith.constant 0 : index
    %get3A_200 = arith.constant 0 : index
    %get3A_201 = arith.constant 0 : index
    %get3A_202 = vector.load %arg2[%get3A_196, %get3A_197, %get3A_198, %get3A_199, %get3A_200, %get3A_201] : memref<1x16x1x1x256x128xf32, #tpu.memory_space<vmem>>, vector<1x1x1x1x256x64xf32>
    %get3A_203 = vector.shape_cast %get3A_202 : vector<1x1x1x1x256x64xf32> to vector<256x64xf32>
    %get3A_204 = arith.constant 0 : index
    %get3A_205 = arith.constant 4 : index
    %get3A_206 = arith.constant 0 : index
    %get3A_207 = arith.constant 0 : index
    %get3A_208 = arith.constant 0 : index
    %get3A_209 = arith.constant 64 : index
    %get3A_210 = vector.load %arg2[%get3A_204, %get3A_205, %get3A_206, %get3A_207, %get3A_208, %get3A_209] : memref<1x16x1x1x256x128xf32, #tpu.memory_space<vmem>>, vector<1x1x1x1x256x1xf32>
    %get3A_211 = vector.shape_cast %get3A_210 : vector<1x1x1x1x256x1xf32> to vector<256x1xf32>
    %get3A_212 = arith.constant 0 : index
    %get3A_213 = arith.constant 4 : index
    %get3A_214 = arith.constant 0 : index
    %get3A_215 = arith.constant 0 : index
    %get3A_216 = arith.constant 0 : index
    %get3A_217 = arith.constant 0 : index
    %get3A_218 = vector.load %arg3[%get3A_212, %get3A_213, %get3A_214, %get3A_215, %get3A_216, %get3A_217] : memref<1x16x1x1x256x128xf32, #tpu.memory_space<vmem>>, vector<1x1x1x1x256x64xf32>
    %get3A_219 = vector.shape_cast %get3A_218 : vector<1x1x1x1x256x64xf32> to vector<256x64xf32>
    %get3A_220 = arith.constant 0 : index
    %get3A_221 = arith.constant 4 : index
    %get3A_222 = arith.constant 0 : index
    %get3A_223 = arith.constant 0 : index
    %get3A_224 = arith.constant 0 : index
    %get3A_225 = arith.constant 64 : index
    %get3A_226 = vector.load %arg3[%get3A_220, %get3A_221, %get3A_222, %get3A_223, %get3A_224, %get3A_225] : memref<1x16x1x1x256x128xf32, #tpu.memory_space<vmem>>, vector<1x1x1x1x256x1xf32>
    %get3A_227 = vector.shape_cast %get3A_226 : vector<1x1x1x1x256x1xf32> to vector<256x1xf32>
    %max3A_228 = arith.maximumf %get3A_211, %get3A_227 : vector<256x1xf32>
    %sub3A_229 = arith.subf %get3A_211, %max3A_228 : vector<256x1xf32>
    %exp3A_230 = math.exp %sub3A_229 : vector<256x1xf32>
    %sub3A_231 = arith.subf %get3A_227, %max3A_228 : vector<256x1xf32>
    %exp3A_232 = math.exp %sub3A_231 : vector<256x1xf32>
    %mul3A_233 = vector.broadcast %exp3A_230 : vector<256x1xf32> to vector<256x64xf32>
    %mul3A_234 = arith.mulf %get3A_203, %mul3A_233 : vector<256x64xf32>
    %mul3A_235 = vector.broadcast %exp3A_232 : vector<256x1xf32> to vector<256x64xf32>
    %mul3A_236 = arith.mulf %get3A_219, %mul3A_235 : vector<256x64xf32>
    %add3A_237 = arith.addf %mul3A_234, %mul3A_236 : vector<256x64xf32>
    %add3A_238 = arith.addf %exp3A_230, %exp3A_232 : vector<256x1xf32>
    %div3A_239 = vector.broadcast %add3A_238 : vector<256x1xf32> to vector<256x64xf32>
    %div3A_240 = arith.divf %add3A_237, %div3A_239 : vector<256x64xf32>
    %swap3A_241 = arith.constant 0 : index
    %swap3A_242 = arith.constant 0 : index
    %swap3A_243 = arith.constant 256 : index
    %swap3A_244 = vector.load %arg4[%swap3A_241, %swap3A_242, %swap3A_243] : memref<1x256x1024xf32, #tpu.memory_space<vmem>>, vector<1x256x64xf32>
    %swap3A_245 = vector.shape_cast %swap3A_244 : vector<1x256x64xf32> to vector<256x64xf32>
    %swap3A_246 = vector.shape_cast %div3A_240 : vector<256x64xf32> to vector<1x256x64xf32>
    tpu.vector_store %arg4[%swap3A_241, %swap3A_242, %swap3A_243], %swap3A_246 {strides = array<i32>} : memref<1x256x1024xf32, #tpu.memory_space<vmem>>, vector<1x256x64xf32>,
    %get3A_247 = arith.constant 0 : index
    %get3A_248 = arith.constant 5 : index
    %get3A_249 = arith.constant 0 : index
    %get3A_250 = arith.constant 0 : index
    %get3A_251 = arith.constant 0 : index
    %get3A_252 = arith.constant 0 : index
    %get3A_253 = vector.load %arg2[%get3A_247, %get3A_248, %get3A_249, %get3A_250, %get3A_251, %get3A_252] : memref<1x16x1x1x256x128xf32, #tpu.memory_space<vmem>>, vector<1x1x1x1x256x64xf32>
    %get3A_254 = vector.shape_cast %get3A_253 : vector<1x1x1x1x256x64xf32> to vector<256x64xf32>
    %get3A_255 = arith.constant 0 : index
    %get3A_256 = arith.constant 5 : index
    %get3A_257 = arith.constant 0 : index
    %get3A_258 = arith.constant 0 : index
    %get3A_259 = arith.constant 0 : index
    %get3A_260 = arith.constant 64 : index
    %get3A_261 = vector.load %arg2[%get3A_255, %get3A_256, %get3A_257, %get3A_258, %get3A_259, %get3A_260] : memref<1x16x1x1x256x128xf32, #tpu.memory_space<vmem>>, vector<1x1x1x1x256x1xf32>
    %get3A_262 = vector.shape_cast %get3A_261 : vector<1x1x1x1x256x1xf32> to vector<256x1xf32>
    %get3A_263 = arith.constant 0 : index
    %get3A_264 = arith.constant 5 : index
    %get3A_265 = arith.constant 0 : index
    %get3A_266 = arith.constant 0 : index
    %get3A_267 = arith.constant 0 : index
    %get3A_268 = arith.constant 0 : index
    %get3A_269 = vector.load %arg3[%get3A_263, %get3A_264, %get3A_265, %get3A_266, %get3A_267, %get3A_268] : memref<1x16x1x1x256x128xf32, #tpu.memory_space<vmem>>, vector<1x1x1x1x256x64xf32>
    %get3A_270 = vector.shape_cast %get3A_269 : vector<1x1x1x1x256x64xf32> to vector<256x64xf32>
    %get3A_271 = arith.constant 0 : index
    %get3A_272 = arith.constant 5 : index
    %get3A_273 = arith.constant 0 : index
    %get3A_274 = arith.constant 0 : index
    %get3A_275 = arith.constant 0 : index
    %get3A_276 = arith.constant 64 : index
    %get3A_277 = vector.load %arg3[%get3A_271, %get3A_272, %get3A_273, %get3A_274, %get3A_275, %get3A_276] : memref<1x16x1x1x256x128xf32, #tpu.memory_space<vmem>>, vector<1x1x1x1x256x1xf32>
    %get3A_278 = vector.shape_cast %get3A_277 : vector<1x1x1x1x256x1xf32> to vector<256x1xf32>
    %max3A_279 = arith.maximumf %get3A_262, %get3A_278 : vector<256x1xf32>
    %sub3A_280 = arith.subf %get3A_262, %max3A_279 : vector<256x1xf32>
    %exp3A_281 = math.exp %sub3A_280 : vector<256x1xf32>
    %sub3A_282 = arith.subf %get3A_278, %max3A_279 : vector<256x1xf32>
    %exp3A_283 = math.exp %sub3A_282 : vector<256x1xf32>
    %mul3A_284 = vector.broadcast %exp3A_281 : vector<256x1xf32> to vector<256x64xf32>
    %mul3A_285 = arith.mulf %get3A_254, %mul3A_284 : vector<256x64xf32>
    %mul3A_286 = vector.broadcast %exp3A_283 : vector<256x1xf32> to vector<256x64xf32>
    %mul3A_287 = arith.mulf %get3A_270, %mul3A_286 : vector<256x64xf32>
    %add3A_288 = arith.addf %mul3A_285, %mul3A_287 : vector<256x64xf32>
    %add3A_289 = arith.addf %exp3A_281, %exp3A_283 : vector<256x1xf32>
    %div3A_290 = vector.broadcast %add3A_289 : vector<256x1xf32> to vector<256x64xf32>
    %div3A_291 = arith.divf %add3A_288, %div3A_290 : vector<256x64xf32>
    %swap3A_292 = arith.constant 0 : index
    %swap3A_293 = arith.constant 0 : index
    %swap3A_294 = arith.constant 320 : index
    %swap3A_295 = vector.load %arg4[%swap3A_292, %swap3A_293, %swap3A_294] : memref<1x256x1024xf32, #tpu.memory_space<vmem>>, vector<1x256x64xf32>
    %swap3A_296 = vector.shape_cast %swap3A_295 : vector<1x256x64xf32> to vector<256x64xf32>
    %swap3A_297 = vector.shape_cast %div3A_291 : vector<256x64xf32> to vector<1x256x64xf32>
    tpu.vector_store %arg4[%swap3A_292, %swap3A_293, %swap3A_294], %swap3A_297 {strides = array<i32>} : memref<1x256x1024xf32, #tpu.memory_space<vmem>>, vector<1x256x64xf32>,
    %get3A_298 = arith.constant 0 : index
    %get3A_299 = arith.constant 6 : index
    %get3A_300 = arith.constant 0 : index
    %get3A_301 = arith.constant 0 : index
    %get3A_302 = arith.constant 0 : index
    %get3A_303 = arith.constant 0 : index
    %get3A_304 = vector.load %arg2[%get3A_298, %get3A_299, %get3A_300, %get3A_301, %get3A_302, %get3A_303] : memref<1x16x1x1x256x128xf32, #tpu.memory_space<vmem>>, vector<1x1x1x1x256x64xf32>
    %get3A_305 = vector.shape_cast %get3A_304 : vector<1x1x1x1x256x64xf32> to vector<256x64xf32>
    %get3A_306 = arith.constant 0 : index
    %get3A_307 = arith.constant 6 : index
    %get3A_308 = arith.constant 0 : index
    %get3A_309 = arith.constant 0 : index
    %get3A_310 = arith.constant 0 : index
    %get3A_311 = arith.constant 64 : index
    %get3A_312 = vector.load %arg2[%get3A_306, %get3A_307, %get3A_308, %get3A_309, %get3A_310, %get3A_311] : memref<1x16x1x1x256x128xf32, #tpu.memory_space<vmem>>, vector<1x1x1x1x256x1xf32>
    %get3A_313 = vector.shape_cast %get3A_312 : vector<1x1x1x1x256x1xf32> to vector<256x1xf32>
    %get3A_314 = arith.constant 0 : index
    %get3A_315 = arith.constant 6 : index
    %get3A_316 = arith.constant 0 : index
    %get3A_317 = arith.constant 0 : index
    %get3A_318 = arith.constant 0 : index
    %get3A_319 = arith.constant 0 : index
    %get3A_320 = vector.load %arg3[%get3A_314, %get3A_315, %get3A_316, %get3A_317, %get3A_318, %get3A_319] : memref<1x16x1x1x256x128xf32, #tpu.memory_space<vmem>>, vector<1x1x1x1x256x64xf32>
    %get3A_321 = vector.shape_cast %get3A_320 : vector<1x1x1x1x256x64xf32> to vector<256x64xf32>
    %get3A_322 = arith.constant 0 : index
    %get3A_323 = arith.constant 6 : index
    %get3A_324 = arith.constant 0 : index
    %get3A_325 = arith.constant 0 : index
    %get3A_326 = arith.constant 0 : index
    %get3A_327 = arith.constant 64 : index
    %get3A_328 = vector.load %arg3[%get3A_322, %get3A_323, %get3A_324, %get3A_325, %get3A_326, %get3A_327] : memref<1x16x1x1x256x128xf32, #tpu.memory_space<vmem>>, vector<1x1x1x1x256x1xf32>
    %get3A_329 = vector.shape_cast %get3A_328 : vector<1x1x1x1x256x1xf32> to vector<256x1xf32>
    %max3A_330 = arith.maximumf %get3A_313, %get3A_329 : vector<256x1xf32>
    %sub3A_331 = arith.subf %get3A_313, %max3A_330 : vector<256x1xf32>
    %exp3A_332 = math.exp %sub3A_331 : vector<256x1xf32>
    %sub3A_333 = arith.subf %get3A_329, %max3A_330 : vector<256x1xf32>
    %exp3A_334 = math.exp %sub3A_333 : vector<256x1xf32>
    %mul3A_335 = vector.broadcast %exp3A_332 : vector<256x1xf32> to vector<256x64xf32>
    %mul3A_336 = arith.mulf %get3A_305, %mul3A_335 : vector<256x64xf32>
    %mul3A_337 = vector.broadcast %exp3A_334 : vector<256x1xf32> to vector<256x64xf32>
    %mul3A_338 = arith.mulf %get3A_321, %mul3A_337 : vector<256x64xf32>
    %add3A_339 = arith.addf %mul3A_336, %mul3A_338 : vector<256x64xf32>
    %add3A_340 = arith.addf %exp3A_332, %exp3A_334 : vector<256x1xf32>
    %div3A_341 = vector.broadcast %add3A_340 : vector<256x1xf32> to vector<256x64xf32>
    %div3A_342 = arith.divf %add3A_339, %div3A_341 : vector<256x64xf32>
    %swap3A_343 = arith.constant 0 : index
    %swap3A_344 = arith.constant 0 : index
    %swap3A_345 = arith.constant 384 : index
    %swap3A_346 = vector.load %arg4[%swap3A_343, %swap3A_344, %swap3A_345] : memref<1x256x1024xf32, #tpu.memory_space<vmem>>, vector<1x256x64xf32>
    %swap3A_347 = vector.shape_cast %swap3A_346 : vector<1x256x64xf32> to vector<256x64xf32>
    %swap3A_348 = vector.shape_cast %div3A_342 : vector<256x64xf32> to vector<1x256x64xf32>
    tpu.vector_store %arg4[%swap3A_343, %swap3A_344, %swap3A_345], %swap3A_348 {strides = array<i32>} : memref<1x256x1024xf32, #tpu.memory_space<vmem>>, vector<1x256x64xf32>,
    %get3A_349 = arith.constant 0 : index
    %get3A_350 = arith.constant 7 : index
    %get3A_351 = arith.constant 0 : index
    %get3A_352 = arith.constant 0 : index
    %get3A_353 = arith.constant 0 : index
    %get3A_354 = arith.constant 0 : index
    %get3A_355 = vector.load %arg2[%get3A_349, %get3A_350, %get3A_351, %get3A_352, %get3A_353, %get3A_354] : memref<1x16x1x1x256x128xf32, #tpu.memory_space<vmem>>, vector<1x1x1x1x256x64xf32>
    %get3A_356 = vector.shape_cast %get3A_355 : vector<1x1x1x1x256x64xf32> to vector<256x64xf32>
    %get3A_357 = arith.constant 0 : index
    %get3A_358 = arith.constant 7 : index
    %get3A_359 = arith.constant 0 : index
    %get3A_360 = arith.constant 0 : index
    %get3A_361 = arith.constant 0 : index
    %get3A_362 = arith.constant 64 : index
    %get3A_363 = vector.load %arg2[%get3A_357, %get3A_358, %get3A_359, %get3A_360, %get3A_361, %get3A_362] : memref<1x16x1x1x256x128xf32, #tpu.memory_space<vmem>>, vector<1x1x1x1x256x1xf32>
    %get3A_364 = vector.shape_cast %get3A_363 : vector<1x1x1x1x256x1xf32> to vector<256x1xf32>
    %get3A_365 = arith.constant 0 : index
    %get3A_366 = arith.constant 7 : index
    %get3A_367 = arith.constant 0 : index
    %get3A_368 = arith.constant 0 : index
    %get3A_369 = arith.constant 0 : index
    %get3A_370 = arith.constant 0 : index
    %get3A_371 = vector.load %arg3[%get3A_365, %get3A_366, %get3A_367, %get3A_368, %get3A_369, %get3A_370] : memref<1x16x1x1x256x128xf32, #tpu.memory_space<vmem>>, vector<1x1x1x1x256x64xf32>
    %get3A_372 = vector.shape_cast %get3A_371 : vector<1x1x1x1x256x64xf32> to vector<256x64xf32>
    %get3A_373 = arith.constant 0 : index
    %get3A_374 = arith.constant 7 : index
    %get3A_375 = arith.constant 0 : index
    %get3A_376 = arith.constant 0 : index
    %get3A_377 = arith.constant 0 : index
    %get3A_378 = arith.constant 64 : index
    %get3A_379 = vector.load %arg3[%get3A_373, %get3A_374, %get3A_375, %get3A_376, %get3A_377, %get3A_378] : memref<1x16x1x1x256x128xf32, #tpu.memory_space<vmem>>, vector<1x1x1x1x256x1xf32>
    %get3A_380 = vector.shape_cast %get3A_379 : vector<1x1x1x1x256x1xf32> to vector<256x1xf32>
    %max3A_381 = arith.maximumf %get3A_364, %get3A_380 : vector<256x1xf32>
    %sub3A_382 = arith.subf %get3A_364, %max3A_381 : vector<256x1xf32>
    %exp3A_383 = math.exp %sub3A_382 : vector<256x1xf32>
    %sub3A_384 = arith.subf %get3A_380, %max3A_381 : vector<256x1xf32>
    %exp3A_385 = math.exp %sub3A_384 : vector<256x1xf32>
    %mul3A_386 = vector.broadcast %exp3A_383 : vector<256x1xf32> to vector<256x64xf32>
    %mul3A_387 = arith.mulf %get3A_356, %mul3A_386 : vector<256x64xf32>
    %mul3A_388 = vector.broadcast %exp3A_385 : vector<256x1xf32> to vector<256x64xf32>
    %mul3A_389 = arith.mulf %get3A_372, %mul3A_388 : vector<256x64xf32>
    %add3A_390 = arith.addf %mul3A_387, %mul3A_389 : vector<256x64xf32>
    %add3A_391 = arith.addf %exp3A_383, %exp3A_385 : vector<256x1xf32>
    %div3A_392 = vector.broadcast %add3A_391 : vector<256x1xf32> to vector<256x64xf32>
    %div3A_393 = arith.divf %add3A_390, %div3A_392 : vector<256x64xf32>
    %swap3A_394 = arith.constant 0 : index
    %swap3A_395 = arith.constant 0 : index
    %swap3A_396 = arith.constant 448 : index
    %swap3A_397 = vector.load %arg4[%swap3A_394, %swap3A_395, %swap3A_396] : memref<1x256x1024xf32, #tpu.memory_space<vmem>>, vector<1x256x64xf32>
    %swap3A_398 = vector.shape_cast %swap3A_397 : vector<1x256x64xf32> to vector<256x64xf32>
    %swap3A_399 = vector.shape_cast %div3A_393 : vector<256x64xf32> to vector<1x256x64xf32>
    tpu.vector_store %arg4[%swap3A_394, %swap3A_395, %swap3A_396], %swap3A_399 {strides = array<i32>} : memref<1x256x1024xf32, #tpu.memory_space<vmem>>, vector<1x256x64xf32>,
    %get3A_400 = arith.constant 0 : index
    %get3A_401 = arith.constant 8 : index
    %get3A_402 = arith.constant 0 : index
    %get3A_403 = arith.constant 0 : index
    %get3A_404 = arith.constant 0 : index
    %get3A_405 = arith.constant 0 : index
    %get3A_406 = vector.load %arg2[%get3A_400, %get3A_401, %get3A_402, %get3A_403, %get3A_404, %get3A_405] : memref<1x16x1x1x256x128xf32, #tpu.memory_space<vmem>>, vector<1x1x1x1x256x64xf32>
    %get3A_407 = vector.shape_cast %get3A_406 : vector<1x1x1x1x256x64xf32> to vector<256x64xf32>
    %get3A_408 = arith.constant 0 : index
    %get3A_409 = arith.constant 8 : index
    %get3A_410 = arith.constant 0 : index
    %get3A_411 = arith.constant 0 : index
    %get3A_412 = arith.constant 0 : index
    %get3A_413 = arith.constant 64 : index
    %get3A_414 = vector.load %arg2[%get3A_408, %get3A_409, %get3A_410, %get3A_411, %get3A_412, %get3A_413] : memref<1x16x1x1x256x128xf32, #tpu.memory_space<vmem>>, vector<1x1x1x1x256x1xf32>
    %get3A_415 = vector.shape_cast %get3A_414 : vector<1x1x1x1x256x1xf32> to vector<256x1xf32>
    %get3A_416 = arith.constant 0 : index
    %get3A_417 = arith.constant 8 : index
    %get3A_418 = arith.constant 0 : index
    %get3A_419 = arith.constant 0 : index
    %get3A_420 = arith.constant 0 : index
    %get3A_421 = arith.constant 0 : index
    %get3A_422 = vector.load %arg3[%get3A_416, %get3A_417, %get3A_418, %get3A_419, %get3A_420, %get3A_421] : memref<1x16x1x1x256x128xf32, #tpu.memory_space<vmem>>, vector<1x1x1x1x256x64xf32>
    %get3A_423 = vector.shape_cast %get3A_422 : vector<1x1x1x1x256x64xf32> to vector<256x64xf32>
    %get3A_424 = arith.constant 0 : index
    %get3A_425 = arith.constant 8 : index
    %get3A_426 = arith.constant 0 : index
    %get3A_427 = arith.constant 0 : index
    %get3A_428 = arith.constant 0 : index
    %get3A_429 = arith.constant 64 : index
    %get3A_430 = vector.load %arg3[%get3A_424, %get3A_425, %get3A_426, %get3A_427, %get3A_428, %get3A_429] : memref<1x16x1x1x256x128xf32, #tpu.memory_space<vmem>>, vector<1x1x1x1x256x1xf32>
    %get3A_431 = vector.shape_cast %get3A_430 : vector<1x1x1x1x256x1xf32> to vector<256x1xf32>
    %max3A_432 = arith.maximumf %get3A_415, %get3A_431 : vector<256x1xf32>
    %sub3A_433 = arith.subf %get3A_415, %max3A_432 : vector<256x1xf32>
    %exp3A_434 = math.exp %sub3A_433 : vector<256x1xf32>
    %sub3A_435 = arith.subf %get3A_431, %max3A_432 : vector<256x1xf32>
    %exp3A_436 = math.exp %sub3A_435 : vector<256x1xf32>
    %mul3A_437 = vector.broadcast %exp3A_434 : vector<256x1xf32> to vector<256x64xf32>
    %mul3A_438 = arith.mulf %get3A_407, %mul3A_437 : vector<256x64xf32>
    %mul3A_439 = vector.broadcast %exp3A_436 : vector<256x1xf32> to vector<256x64xf32>
    %mul3A_440 = arith.mulf %get3A_423, %mul3A_439 : vector<256x64xf32>
    %add3A_441 = arith.addf %mul3A_438, %mul3A_440 : vector<256x64xf32>
    %add3A_442 = arith.addf %exp3A_434, %exp3A_436 : vector<256x1xf32>
    %div3A_443 = vector.broadcast %add3A_442 : vector<256x1xf32> to vector<256x64xf32>
    %div3A_444 = arith.divf %add3A_441, %div3A_443 : vector<256x64xf32>
    %swap3A_445 = arith.constant 0 : index
    %swap3A_446 = arith.constant 0 : index
    %swap3A_447 = arith.constant 512 : index
    %swap3A_448 = vector.load %arg4[%swap3A_445, %swap3A_446, %swap3A_447] : memref<1x256x1024xf32, #tpu.memory_space<vmem>>, vector<1x256x64xf32>
    %swap3A_449 = vector.shape_cast %swap3A_448 : vector<1x256x64xf32> to vector<256x64xf32>
    %swap3A_450 = vector.shape_cast %div3A_444 : vector<256x64xf32> to vector<1x256x64xf32>
    tpu.vector_store %arg4[%swap3A_445, %swap3A_446, %swap3A_447], %swap3A_450 {strides = array<i32>} : memref<1x256x1024xf32, #tpu.memory_space<vmem>>, vector<1x256x64xf32>,
    %get3A_451 = arith.constant 0 : index
    %get3A_452 = arith.constant 9 : index
    %get3A_453 = arith.constant 0 : index
    %get3A_454 = arith.constant 0 : index
    %get3A_455 = arith.constant 0 : index
    %get3A_456 = arith.constant 0 : index
    %get3A_457 = vector.load %arg2[%get3A_451, %get3A_452, %get3A_453, %get3A_454, %get3A_455, %get3A_456] : memref<1x16x1x1x256x128xf32, #tpu.memory_space<vmem>>, vector<1x1x1x1x256x64xf32>
    %get3A_458 = vector.shape_cast %get3A_457 : vector<1x1x1x1x256x64xf32> to vector<256x64xf32>
    %get3A_459 = arith.constant 0 : index
    %get3A_460 = arith.constant 9 : index
    %get3A_461 = arith.constant 0 : index
    %get3A_462 = arith.constant 0 : index
    %get3A_463 = arith.constant 0 : index
    %get3A_464 = arith.constant 64 : index
    %get3A_465 = vector.load %arg2[%get3A_459, %get3A_460, %get3A_461, %get3A_462, %get3A_463, %get3A_464] : memref<1x16x1x1x256x128xf32, #tpu.memory_space<vmem>>, vector<1x1x1x1x256x1xf32>
    %get3A_466 = vector.shape_cast %get3A_465 : vector<1x1x1x1x256x1xf32> to vector<256x1xf32>
    %get3A_467 = arith.constant 0 : index
    %get3A_468 = arith.constant 9 : index
    %get3A_469 = arith.constant 0 : index
    %get3A_470 = arith.constant 0 : index
    %get3A_471 = arith.constant 0 : index
    %get3A_472 = arith.constant 0 : index
    %get3A_473 = vector.load %arg3[%get3A_467, %get3A_468, %get3A_469, %get3A_470, %get3A_471, %get3A_472] : memref<1x16x1x1x256x128xf32, #tpu.memory_space<vmem>>, vector<1x1x1x1x256x64xf32>
    %get3A_474 = vector.shape_cast %get3A_473 : vector<1x1x1x1x256x64xf32> to vector<256x64xf32>
    %get3A_475 = arith.constant 0 : index
    %get3A_476 = arith.constant 9 : index
    %get3A_477 = arith.constant 0 : index
    %get3A_478 = arith.constant 0 : index
    %get3A_479 = arith.constant 0 : index
    %get3A_480 = arith.constant 64 : index
    %get3A_481 = vector.load %arg3[%get3A_475, %get3A_476, %get3A_477, %get3A_478, %get3A_479, %get3A_480] : memref<1x16x1x1x256x128xf32, #tpu.memory_space<vmem>>, vector<1x1x1x1x256x1xf32>
    %get3A_482 = vector.shape_cast %get3A_481 : vector<1x1x1x1x256x1xf32> to vector<256x1xf32>
    %max3A_483 = arith.maximumf %get3A_466, %get3A_482 : vector<256x1xf32>
    %sub3A_484 = arith.subf %get3A_466, %max3A_483 : vector<256x1xf32>
    %exp3A_485 = math.exp %sub3A_484 : vector<256x1xf32>
    %sub3A_486 = arith.subf %get3A_482, %max3A_483 : vector<256x1xf32>
    %exp3A_487 = math.exp %sub3A_486 : vector<256x1xf32>
    %mul3A_488 = vector.broadcast %exp3A_485 : vector<256x1xf32> to vector<256x64xf32>
    %mul3A_489 = arith.mulf %get3A_458, %mul3A_488 : vector<256x64xf32>
    %mul3A_490 = vector.broadcast %exp3A_487 : vector<256x1xf32> to vector<256x64xf32>
    %mul3A_491 = arith.mulf %get3A_474, %mul3A_490 : vector<256x64xf32>
    %add3A_492 = arith.addf %mul3A_489, %mul3A_491 : vector<256x64xf32>
    %add3A_493 = arith.addf %exp3A_485, %exp3A_487 : vector<256x1xf32>
    %div3A_494 = vector.broadcast %add3A_493 : vector<256x1xf32> to vector<256x64xf32>
    %div3A_495 = arith.divf %add3A_492, %div3A_494 : vector<256x64xf32>
    %swap3A_496 = arith.constant 0 : index
    %swap3A_497 = arith.constant 0 : index
    %swap3A_498 = arith.constant 576 : index
    %swap3A_499 = vector.load %arg4[%swap3A_496, %swap3A_497, %swap3A_498] : memref<1x256x1024xf32, #tpu.memory_space<vmem>>, vector<1x256x64xf32>
    %swap3A_500 = vector.shape_cast %swap3A_499 : vector<1x256x64xf32> to vector<256x64xf32>
    %swap3A_501 = vector.shape_cast %div3A_495 : vector<256x64xf32> to vector<1x256x64xf32>
    tpu.vector_store %arg4[%swap3A_496, %swap3A_497, %swap3A_498], %swap3A_501 {strides = array<i32>} : memref<1x256x1024xf32, #tpu.memory_space<vmem>>, vector<1x256x64xf32>,
    %get3A_502 = arith.constant 0 : index
    %get3A_503 = arith.constant 10 : index
    %get3A_504 = arith.constant 0 : index
    %get3A_505 = arith.constant 0 : index
    %get3A_506 = arith.constant 0 : index
    %get3A_507 = arith.constant 0 : index
    %get3A_508 = vector.load %arg2[%get3A_502, %get3A_503, %get3A_504, %get3A_505, %get3A_506, %get3A_507] : memref<1x16x1x1x256x128xf32, #tpu.memory_space<vmem>>, vector<1x1x1x1x256x64xf32>
    %get3A_509 = vector.shape_cast %get3A_508 : vector<1x1x1x1x256x64xf32> to vector<256x64xf32>
    %get3A_510 = arith.constant 0 : index
    %get3A_511 = arith.constant 10 : index
    %get3A_512 = arith.constant 0 : index
    %get3A_513 = arith.constant 0 : index
    %get3A_514 = arith.constant 0 : index
    %get3A_515 = arith.constant 64 : index
    %get3A_516 = vector.load %arg2[%get3A_510, %get3A_511, %get3A_512, %get3A_513, %get3A_514, %get3A_515] : memref<1x16x1x1x256x128xf32, #tpu.memory_space<vmem>>, vector<1x1x1x1x256x1xf32>
    %get3A_517 = vector.shape_cast %get3A_516 : vector<1x1x1x1x256x1xf32> to vector<256x1xf32>
    %get3A_518 = arith.constant 0 : index
    %get3A_519 = arith.constant 10 : index
    %get3A_520 = arith.constant 0 : index
    %get3A_521 = arith.constant 0 : index
    %get3A_522 = arith.constant 0 : index
    %get3A_523 = arith.constant 0 : index
    %get3A_524 = vector.load %arg3[%get3A_518, %get3A_519, %get3A_520, %get3A_521, %get3A_522, %get3A_523] : memref<1x16x1x1x256x128xf32, #tpu.memory_space<vmem>>, vector<1x1x1x1x256x64xf32>
    %get3A_525 = vector.shape_cast %get3A_524 : vector<1x1x1x1x256x64xf32> to vector<256x64xf32>
    %get3A_526 = arith.constant 0 : index
    %get3A_527 = arith.constant 10 : index
    %get3A_528 = arith.constant 0 : index
    %get3A_529 = arith.constant 0 : index
    %get3A_530 = arith.constant 0 : index
    %get3A_531 = arith.constant 64 : index
    %get3A_532 = vector.load %arg3[%get3A_526, %get3A_527, %get3A_528, %get3A_529, %get3A_530, %get3A_531] : memref<1x16x1x1x256x128xf32, #tpu.memory_space<vmem>>, vector<1x1x1x1x256x1xf32>
    %get3A_533 = vector.shape_cast %get3A_532 : vector<1x1x1x1x256x1xf32> to vector<256x1xf32>
    %max3A_534 = arith.maximumf %get3A_517, %get3A_533 : vector<256x1xf32>
    %sub3A_535 = arith.subf %get3A_517, %max3A_534 : vector<256x1xf32>
    %exp3A_536 = math.exp %sub3A_535 : vector<256x1xf32>
    %sub3A_537 = arith.subf %get3A_533, %max3A_534 : vector<256x1xf32>
    %exp3A_538 = math.exp %sub3A_537 : vector<256x1xf32>
    %mul3A_539 = vector.broadcast %exp3A_536 : vector<256x1xf32> to vector<256x64xf32>
    %mul3A_540 = arith.mulf %get3A_509, %mul3A_539 : vector<256x64xf32>
    %mul3A_541 = vector.broadcast %exp3A_538 : vector<256x1xf32> to vector<256x64xf32>
    %mul3A_542 = arith.mulf %get3A_525, %mul3A_541 : vector<256x64xf32>
    %add3A_543 = arith.addf %mul3A_540, %mul3A_542 : vector<256x64xf32>
    %add3A_544 = arith.addf %exp3A_536, %exp3A_538 : vector<256x1xf32>
    %div3A_545 = vector.broadcast %add3A_544 : vector<256x1xf32> to vector<256x64xf32>
    %div3A_546 = arith.divf %add3A_543, %div3A_545 : vector<256x64xf32>
    %swap3A_547 = arith.constant 0 : index
    %swap3A_548 = arith.constant 0 : index
    %swap3A_549 = arith.constant 640 : index
    %swap3A_550 = vector.load %arg4[%swap3A_547, %swap3A_548, %swap3A_549] : memref<1x256x1024xf32, #tpu.memory_space<vmem>>, vector<1x256x64xf32>
    %swap3A_551 = vector.shape_cast %swap3A_550 : vector<1x256x64xf32> to vector<256x64xf32>
    %swap3A_552 = vector.shape_cast %div3A_546 : vector<256x64xf32> to vector<1x256x64xf32>
    tpu.vector_store %arg4[%swap3A_547, %swap3A_548, %swap3A_549], %swap3A_552 {strides = array<i32>} : memref<1x256x1024xf32, #tpu.memory_space<vmem>>, vector<1x256x64xf32>,
    %get3A_553 = arith.constant 0 : index
    %get3A_554 = arith.constant 11 : index
    %get3A_555 = arith.constant 0 : index
    %get3A_556 = arith.constant 0 : index
    %get3A_557 = arith.constant 0 : index
    %get3A_558 = arith.constant 0 : index
    %get3A_559 = vector.load %arg2[%get3A_553, %get3A_554, %get3A_555, %get3A_556, %get3A_557, %get3A_558] : memref<1x16x1x1x256x128xf32, #tpu.memory_space<vmem>>, vector<1x1x1x1x256x64xf32>
    %get3A_560 = vector.shape_cast %get3A_559 : vector<1x1x1x1x256x64xf32> to vector<256x64xf32>
    %get3A_561 = arith.constant 0 : index
    %get3A_562 = arith.constant 11 : index
    %get3A_563 = arith.constant 0 : index
    %get3A_564 = arith.constant 0 : index
    %get3A_565 = arith.constant 0 : index
    %get3A_566 = arith.constant 64 : index
    %get3A_567 = vector.load %arg2[%get3A_561, %get3A_562, %get3A_563, %get3A_564, %get3A_565, %get3A_566] : memref<1x16x1x1x256x128xf32, #tpu.memory_space<vmem>>, vector<1x1x1x1x256x1xf32>
    %get3A_568 = vector.shape_cast %get3A_567 : vector<1x1x1x1x256x1xf32> to vector<256x1xf32>
    %get3A_569 = arith.constant 0 : index
    %get3A_570 = arith.constant 11 : index
    %get3A_571 = arith.constant 0 : index
    %get3A_572 = arith.constant 0 : index
    %get3A_573 = arith.constant 0 : index
    %get3A_574 = arith.constant 0 : index
    %get3A_575 = vector.load %arg3[%get3A_569, %get3A_570, %get3A_571, %get3A_572, %get3A_573, %get3A_574] : memref<1x16x1x1x256x128xf32, #tpu.memory_space<vmem>>, vector<1x1x1x1x256x64xf32>
    %get3A_576 = vector.shape_cast %get3A_575 : vector<1x1x1x1x256x64xf32> to vector<256x64xf32>
    %get3A_577 = arith.constant 0 : index
    %get3A_578 = arith.constant 11 : index
    %get3A_579 = arith.constant 0 : index
    %get3A_580 = arith.constant 0 : index
    %get3A_581 = arith.constant 0 : index
    %get3A_582 = arith.constant 64 : index
    %get3A_583 = vector.load %arg3[%get3A_577, %get3A_578, %get3A_579, %get3A_580, %get3A_581, %get3A_582] : memref<1x16x1x1x256x128xf32, #tpu.memory_space<vmem>>, vector<1x1x1x1x256x1xf32>
    %get3A_584 = vector.shape_cast %get3A_583 : vector<1x1x1x1x256x1xf32> to vector<256x1xf32>
    %max3A_585 = arith.maximumf %get3A_568, %get3A_584 : vector<256x1xf32>
    %sub3A_586 = arith.subf %get3A_568, %max3A_585 : vector<256x1xf32>
    %exp3A_587 = math.exp %sub3A_586 : vector<256x1xf32>
    %sub3A_588 = arith.subf %get3A_584, %max3A_585 : vector<256x1xf32>
    %exp3A_589 = math.exp %sub3A_588 : vector<256x1xf32>
    %mul3A_590 = vector.broadcast %exp3A_587 : vector<256x1xf32> to vector<256x64xf32>
    %mul3A_591 = arith.mulf %get3A_560, %mul3A_590 : vector<256x64xf32>
    %mul3A_592 = vector.broadcast %exp3A_589 : vector<256x1xf32> to vector<256x64xf32>
    %mul3A_593 = arith.mulf %get3A_576, %mul3A_592 : vector<256x64xf32>
    %add3A_594 = arith.addf %mul3A_591, %mul3A_593 : vector<256x64xf32>
    %add3A_595 = arith.addf %exp3A_587, %exp3A_589 : vector<256x1xf32>
    %div3A_596 = vector.broadcast %add3A_595 : vector<256x1xf32> to vector<256x64xf32>
    %div3A_597 = arith.divf %add3A_594, %div3A_596 : vector<256x64xf32>
    %swap3A_598 = arith.constant 0 : index
    %swap3A_599 = arith.constant 0 : index
    %swap3A_600 = arith.constant 704 : index
    %swap3A_601 = vector.load %arg4[%swap3A_598, %swap3A_599, %swap3A_600] : memref<1x256x1024xf32, #tpu.memory_space<vmem>>, vector<1x256x64xf32>
    %swap3A_602 = vector.shape_cast %swap3A_601 : vector<1x256x64xf32> to vector<256x64xf32>
    %swap3A_603 = vector.shape_cast %div3A_597 : vector<256x64xf32> to vector<1x256x64xf32>
    tpu.vector_store %arg4[%swap3A_598, %swap3A_599, %swap3A_600], %swap3A_603 {strides = array<i32>} : memref<1x256x1024xf32, #tpu.memory_space<vmem>>, vector<1x256x64xf32>,
    %get3A_604 = arith.constant 0 : index
    %get3A_605 = arith.constant 12 : index
    %get3A_606 = arith.constant 0 : index
    %get3A_607 = arith.constant 0 : index
    %get3A_608 = arith.constant 0 : index
    %get3A_609 = arith.constant 0 : index
    %get3A_610 = vector.load %arg2[%get3A_604, %get3A_605, %get3A_606, %get3A_607, %get3A_608, %get3A_609] : memref<1x16x1x1x256x128xf32, #tpu.memory_space<vmem>>, vector<1x1x1x1x256x64xf32>
    %get3A_611 = vector.shape_cast %get3A_610 : vector<1x1x1x1x256x64xf32> to vector<256x64xf32>
    %get3A_612 = arith.constant 0 : index
    %get3A_613 = arith.constant 12 : index
    %get3A_614 = arith.constant 0 : index
    %get3A_615 = arith.constant 0 : index
    %get3A_616 = arith.constant 0 : index
    %get3A_617 = arith.constant 64 : index
    %get3A_618 = vector.load %arg2[%get3A_612, %get3A_613, %get3A_614, %get3A_615, %get3A_616, %get3A_617] : memref<1x16x1x1x256x128xf32, #tpu.memory_space<vmem>>, vector<1x1x1x1x256x1xf32>
    %get3A_619 = vector.shape_cast %get3A_618 : vector<1x1x1x1x256x1xf32> to vector<256x1xf32>
    %get3A_620 = arith.constant 0 : index
    %get3A_621 = arith.constant 12 : index
    %get3A_622 = arith.constant 0 : index
    %get3A_623 = arith.constant 0 : index
    %get3A_624 = arith.constant 0 : index
    %get3A_625 = arith.constant 0 : index
    %get3A_626 = vector.load %arg3[%get3A_620, %get3A_621, %get3A_622, %get3A_623, %get3A_624, %get3A_625] : memref<1x16x1x1x256x128xf32, #tpu.memory_space<vmem>>, vector<1x1x1x1x256x64xf32>
    %get3A_627 = vector.shape_cast %get3A_626 : vector<1x1x1x1x256x64xf32> to vector<256x64xf32>
    %get3A_628 = arith.constant 0 : index
    %get3A_629 = arith.constant 12 : index
    %get3A_630 = arith.constant 0 : index
    %get3A_631 = arith.constant 0 : index
    %get3A_632 = arith.constant 0 : index
    %get3A_633 = arith.constant 64 : index
    %get3A_634 = vector.load %arg3[%get3A_628, %get3A_629, %get3A_630, %get3A_631, %get3A_632, %get3A_633] : memref<1x16x1x1x256x128xf32, #tpu.memory_space<vmem>>, vector<1x1x1x1x256x1xf32>
    %get3A_635 = vector.shape_cast %get3A_634 : vector<1x1x1x1x256x1xf32> to vector<256x1xf32>
    %max3A_636 = arith.maximumf %get3A_619, %get3A_635 : vector<256x1xf32>
    %sub3A_637 = arith.subf %get3A_619, %max3A_636 : vector<256x1xf32>
    %exp3A_638 = math.exp %sub3A_637 : vector<256x1xf32>
    %sub3A_639 = arith.subf %get3A_635, %max3A_636 : vector<256x1xf32>
    %exp3A_640 = math.exp %sub3A_639 : vector<256x1xf32>
    %mul3A_641 = vector.broadcast %exp3A_638 : vector<256x1xf32> to vector<256x64xf32>
    %mul3A_642 = arith.mulf %get3A_611, %mul3A_641 : vector<256x64xf32>
    %mul3A_643 = vector.broadcast %exp3A_640 : vector<256x1xf32> to vector<256x64xf32>
    %mul3A_644 = arith.mulf %get3A_627, %mul3A_643 : vector<256x64xf32>
    %add3A_645 = arith.addf %mul3A_642, %mul3A_644 : vector<256x64xf32>
    %add3A_646 = arith.addf %exp3A_638, %exp3A_640 : vector<256x1xf32>
    %div3A_647 = vector.broadcast %add3A_646 : vector<256x1xf32> to vector<256x64xf32>
    %div3A_648 = arith.divf %add3A_645, %div3A_647 : vector<256x64xf32>
    %swap3A_649 = arith.constant 0 : index
    %swap3A_650 = arith.constant 0 : index
    %swap3A_651 = arith.constant 768 : index
    %swap3A_652 = vector.load %arg4[%swap3A_649, %swap3A_650, %swap3A_651] : memref<1x256x1024xf32, #tpu.memory_space<vmem>>, vector<1x256x64xf32>
    %swap3A_653 = vector.shape_cast %swap3A_652 : vector<1x256x64xf32> to vector<256x64xf32>
    %swap3A_654 = vector.shape_cast %div3A_648 : vector<256x64xf32> to vector<1x256x64xf32>
    tpu.vector_store %arg4[%swap3A_649, %swap3A_650, %swap3A_651], %swap3A_654 {strides = array<i32>} : memref<1x256x1024xf32, #tpu.memory_space<vmem>>, vector<1x256x64xf32>,
    %get3A_655 = arith.constant 0 : index
    %get3A_656 = arith.constant 13 : index
    %get3A_657 = arith.constant 0 : index
    %get3A_658 = arith.constant 0 : index
    %get3A_659 = arith.constant 0 : index
    %get3A_660 = arith.constant 0 : index
    %get3A_661 = vector.load %arg2[%get3A_655, %get3A_656, %get3A_657, %get3A_658, %get3A_659, %get3A_660] : memref<1x16x1x1x256x128xf32, #tpu.memory_space<vmem>>, vector<1x1x1x1x256x64xf32>
    %get3A_662 = vector.shape_cast %get3A_661 : vector<1x1x1x1x256x64xf32> to vector<256x64xf32>
    %get3A_663 = arith.constant 0 : index
    %get3A_664 = arith.constant 13 : index
    %get3A_665 = arith.constant 0 : index
    %get3A_666 = arith.constant 0 : index
    %get3A_667 = arith.constant 0 : index
    %get3A_668 = arith.constant 64 : index
    %get3A_669 = vector.load %arg2[%get3A_663, %get3A_664, %get3A_665, %get3A_666, %get3A_667, %get3A_668] : memref<1x16x1x1x256x128xf32, #tpu.memory_space<vmem>>, vector<1x1x1x1x256x1xf32>
    %get3A_670 = vector.shape_cast %get3A_669 : vector<1x1x1x1x256x1xf32> to vector<256x1xf32>
    %get3A_671 = arith.constant 0 : index
    %get3A_672 = arith.constant 13 : index
    %get3A_673 = arith.constant 0 : index
    %get3A_674 = arith.constant 0 : index
    %get3A_675 = arith.constant 0 : index
    %get3A_676 = arith.constant 0 : index
    %get3A_677 = vector.load %arg3[%get3A_671, %get3A_672, %get3A_673, %get3A_674, %get3A_675, %get3A_676] : memref<1x16x1x1x256x128xf32, #tpu.memory_space<vmem>>, vector<1x1x1x1x256x64xf32>
    %get3A_678 = vector.shape_cast %get3A_677 : vector<1x1x1x1x256x64xf32> to vector<256x64xf32>
    %get3A_679 = arith.constant 0 : index
    %get3A_680 = arith.constant 13 : index
    %get3A_681 = arith.constant 0 : index
    %get3A_682 = arith.constant 0 : index
    %get3A_683 = arith.constant 0 : index
    %get3A_684 = arith.constant 64 : index
    %get3A_685 = vector.load %arg3[%get3A_679, %get3A_680, %get3A_681, %get3A_682, %get3A_683, %get3A_684] : memref<1x16x1x1x256x128xf32, #tpu.memory_space<vmem>>, vector<1x1x1x1x256x1xf32>
    %get3A_686 = vector.shape_cast %get3A_685 : vector<1x1x1x1x256x1xf32> to vector<256x1xf32>
    %max3A_687 = arith.maximumf %get3A_670, %get3A_686 : vector<256x1xf32>
    %sub3A_688 = arith.subf %get3A_670, %max3A_687 : vector<256x1xf32>
    %exp3A_689 = math.exp %sub3A_688 : vector<256x1xf32>
    %sub3A_690 = arith.subf %get3A_686, %max3A_687 : vector<256x1xf32>
    %exp3A_691 = math.exp %sub3A_690 : vector<256x1xf32>
    %mul3A_692 = vector.broadcast %exp3A_689 : vector<256x1xf32> to vector<256x64xf32>
    %mul3A_693 = arith.mulf %get3A_662, %mul3A_692 : vector<256x64xf32>
    %mul3A_694 = vector.broadcast %exp3A_691 : vector<256x1xf32> to vector<256x64xf32>
    %mul3A_695 = arith.mulf %get3A_678, %mul3A_694 : vector<256x64xf32>
    %add3A_696 = arith.addf %mul3A_693, %mul3A_695 : vector<256x64xf32>
    %add3A_697 = arith.addf %exp3A_689, %exp3A_691 : vector<256x1xf32>
    %div3A_698 = vector.broadcast %add3A_697 : vector<256x1xf32> to vector<256x64xf32>
    %div3A_699 = arith.divf %add3A_696, %div3A_698 : vector<256x64xf32>
    %swap3A_700 = arith.constant 0 : index
    %swap3A_701 = arith.constant 0 : index
    %swap3A_702 = arith.constant 832 : index
    %swap3A_703 = vector.load %arg4[%swap3A_700, %swap3A_701, %swap3A_702] : memref<1x256x1024xf32, #tpu.memory_space<vmem>>, vector<1x256x64xf32>
    %swap3A_704 = vector.shape_cast %swap3A_703 : vector<1x256x64xf32> to vector<256x64xf32>
    %swap3A_705 = vector.shape_cast %div3A_699 : vector<256x64xf32> to vector<1x256x64xf32>
    tpu.vector_store %arg4[%swap3A_700, %swap3A_701, %swap3A_702], %swap3A_705 {strides = array<i32>} : memref<1x256x1024xf32, #tpu.memory_space<vmem>>, vector<1x256x64xf32>,
    %get3A_706 = arith.constant 0 : index
    %get3A_707 = arith.constant 14 : index
    %get3A_708 = arith.constant 0 : index
    %get3A_709 = arith.constant 0 : index
    %get3A_710 = arith.constant 0 : index
    %get3A_711 = arith.constant 0 : index
    %get3A_712 = vector.load %arg2[%get3A_706, %get3A_707, %get3A_708, %get3A_709, %get3A_710, %get3A_711] : memref<1x16x1x1x256x128xf32, #tpu.memory_space<vmem>>, vector<1x1x1x1x256x64xf32>
    %get3A_713 = vector.shape_cast %get3A_712 : vector<1x1x1x1x256x64xf32> to vector<256x64xf32>
    %get3A_714 = arith.constant 0 : index
    %get3A_715 = arith.constant 14 : index
    %get3A_716 = arith.constant 0 : index
    %get3A_717 = arith.constant 0 : index
    %get3A_718 = arith.constant 0 : index
    %get3A_719 = arith.constant 64 : index
    %get3A_720 = vector.load %arg2[%get3A_714, %get3A_715, %get3A_716, %get3A_717, %get3A_718, %get3A_719] : memref<1x16x1x1x256x128xf32, #tpu.memory_space<vmem>>, vector<1x1x1x1x256x1xf32>
    %get3A_721 = vector.shape_cast %get3A_720 : vector<1x1x1x1x256x1xf32> to vector<256x1xf32>
    %get3A_722 = arith.constant 0 : index
    %get3A_723 = arith.constant 14 : index
    %get3A_724 = arith.constant 0 : index
    %get3A_725 = arith.constant 0 : index
    %get3A_726 = arith.constant 0 : index
    %get3A_727 = arith.constant 0 : index
    %get3A_728 = vector.load %arg3[%get3A_722, %get3A_723, %get3A_724, %get3A_725, %get3A_726, %get3A_727] : memref<1x16x1x1x256x128xf32, #tpu.memory_space<vmem>>, vector<1x1x1x1x256x64xf32>
    %get3A_729 = vector.shape_cast %get3A_728 : vector<1x1x1x1x256x64xf32> to vector<256x64xf32>
    %get3A_730 = arith.constant 0 : index
    %get3A_731 = arith.constant 14 : index
    %get3A_732 = arith.constant 0 : index
    %get3A_733 = arith.constant 0 : index
    %get3A_734 = arith.constant 0 : index
    %get3A_735 = arith.constant 64 : index
    %get3A_736 = vector.load %arg3[%get3A_730, %get3A_731, %get3A_732, %get3A_733, %get3A_734, %get3A_735] : memref<1x16x1x1x256x128xf32, #tpu.memory_space<vmem>>, vector<1x1x1x1x256x1xf32>
    %get3A_737 = vector.shape_cast %get3A_736 : vector<1x1x1x1x256x1xf32> to vector<256x1xf32>
    %max3A_738 = arith.maximumf %get3A_721, %get3A_737 : vector<256x1xf32>
    %sub3A_739 = arith.subf %get3A_721, %max3A_738 : vector<256x1xf32>
    %exp3A_740 = math.exp %sub3A_739 : vector<256x1xf32>
    %sub3A_741 = arith.subf %get3A_737, %max3A_738 : vector<256x1xf32>
    %exp3A_742 = math.exp %sub3A_741 : vector<256x1xf32>
    %mul3A_743 = vector.broadcast %exp3A_740 : vector<256x1xf32> to vector<256x64xf32>
    %mul3A_744 = arith.mulf %get3A_713, %mul3A_743 : vector<256x64xf32>
    %mul3A_745 = vector.broadcast %exp3A_742 : vector<256x1xf32> to vector<256x64xf32>
    %mul3A_746 = arith.mulf %get3A_729, %mul3A_745 : vector<256x64xf32>
    %add3A_747 = arith.addf %mul3A_744, %mul3A_746 : vector<256x64xf32>
    %add3A_748 = arith.addf %exp3A_740, %exp3A_742 : vector<256x1xf32>
    %div3A_749 = vector.broadcast %add3A_748 : vector<256x1xf32> to vector<256x64xf32>
    %div3A_750 = arith.divf %add3A_747, %div3A_749 : vector<256x64xf32>
    %swap3A_751 = arith.constant 0 : index
    %swap3A_752 = arith.constant 0 : index
    %swap3A_753 = arith.constant 896 : index
    %swap3A_754 = vector.load %arg4[%swap3A_751, %swap3A_752, %swap3A_753] : memref<1x256x1024xf32, #tpu.memory_space<vmem>>, vector<1x256x64xf32>
    %swap3A_755 = vector.shape_cast %swap3A_754 : vector<1x256x64xf32> to vector<256x64xf32>
    %swap3A_756 = vector.shape_cast %div3A_750 : vector<256x64xf32> to vector<1x256x64xf32>
    tpu.vector_store %arg4[%swap3A_751, %swap3A_752, %swap3A_753], %swap3A_756 {strides = array<i32>} : memref<1x256x1024xf32, #tpu.memory_space<vmem>>, vector<1x256x64xf32>,
    %get3A_757 = arith.constant 0 : index
    %get3A_758 = arith.constant 15 : index
    %get3A_759 = arith.constant 0 : index
    %get3A_760 = arith.constant 0 : index
    %get3A_761 = arith.constant 0 : index
    %get3A_762 = arith.constant 0 : index
    %get3A_763 = vector.load %arg2[%get3A_757, %get3A_758, %get3A_759, %get3A_760, %get3A_761, %get3A_762] : memref<1x16x1x1x256x128xf32, #tpu.memory_space<vmem>>, vector<1x1x1x1x256x64xf32>
    %get3A_764 = vector.shape_cast %get3A_763 : vector<1x1x1x1x256x64xf32> to vector<256x64xf32>
    %get3A_765 = arith.constant 0 : index
    %get3A_766 = arith.constant 15 : index
    %get3A_767 = arith.constant 0 : index
    %get3A_768 = arith.constant 0 : index
    %get3A_769 = arith.constant 0 : index
    %get3A_770 = arith.constant 64 : index
    %get3A_771 = vector.load %arg2[%get3A_765, %get3A_766, %get3A_767, %get3A_768, %get3A_769, %get3A_770] : memref<1x16x1x1x256x128xf32, #tpu.memory_space<vmem>>, vector<1x1x1x1x256x1xf32>
    %get3A_772 = vector.shape_cast %get3A_771 : vector<1x1x1x1x256x1xf32> to vector<256x1xf32>
    %get3A_773 = arith.constant 0 : index
    %get3A_774 = arith.constant 15 : index
    %get3A_775 = arith.constant 0 : index
    %get3A_776 = arith.constant 0 : index
    %get3A_777 = arith.constant 0 : index
    %get3A_778 = arith.constant 0 : index
    %get3A_779 = vector.load %arg3[%get3A_773, %get3A_774, %get3A_775, %get3A_776, %get3A_777, %get3A_778] : memref<1x16x1x1x256x128xf32, #tpu.memory_space<vmem>>, vector<1x1x1x1x256x64xf32>
    %get3A_780 = vector.shape_cast %get3A_779 : vector<1x1x1x1x256x64xf32> to vector<256x64xf32>
    %get3A_781 = arith.constant 0 : index
    %get3A_782 = arith.constant 15 : index
    %get3A_783 = arith.constant 0 : index
    %get3A_784 = arith.constant 0 : index
    %get3A_785 = arith.constant 0 : index
    %get3A_786 = arith.constant 64 : index
    %get3A_787 = vector.load %arg3[%get3A_781, %get3A_782, %get3A_783, %get3A_784, %get3A_785, %get3A_786] : memref<1x16x1x1x256x128xf32, #tpu.memory_space<vmem>>, vector<1x1x1x1x256x1xf32>
    %get3A_788 = vector.shape_cast %get3A_787 : vector<1x1x1x1x256x1xf32> to vector<256x1xf32>
    %max3A_789 = arith.maximumf %get3A_772, %get3A_788 : vector<256x1xf32>
    %sub3A_790 = arith.subf %get3A_772, %max3A_789 : vector<256x1xf32>
    %exp3A_791 = math.exp %sub3A_790 : vector<256x1xf32>
    %sub3A_792 = arith.subf %get3A_788, %max3A_789 : vector<256x1xf32>
    %exp3A_793 = math.exp %sub3A_792 : vector<256x1xf32>
    %mul3A_794 = vector.broadcast %exp3A_791 : vector<256x1xf32> to vector<256x64xf32>
    %mul3A_795 = arith.mulf %get3A_764, %mul3A_794 : vector<256x64xf32>
    %mul3A_796 = vector.broadcast %exp3A_793 : vector<256x1xf32> to vector<256x64xf32>
    %mul3A_797 = arith.mulf %get3A_780, %mul3A_796 : vector<256x64xf32>
    %add3A_798 = arith.addf %mul3A_795, %mul3A_797 : vector<256x64xf32>
    %add3A_799 = arith.addf %exp3A_791, %exp3A_793 : vector<256x1xf32>
    %div3A_800 = vector.broadcast %add3A_799 : vector<256x1xf32> to vector<256x64xf32>
    %div3A_801 = arith.divf %add3A_798, %div3A_800 : vector<256x64xf32>
    %swap3A_802 = arith.constant 0 : index
    %swap3A_803 = arith.constant 0 : index
    %swap3A_804 = arith.constant 960 : index
    %swap3A_805 = vector.load %arg4[%swap3A_802, %swap3A_803, %swap3A_804] : memref<1x256x1024xf32, #tpu.memory_space<vmem>>, vector<1x256x64xf32>
    %swap3A_806 = vector.shape_cast %swap3A_805 : vector<1x256x64xf32> to vector<256x64xf32>
    %swap3A_807 = vector.shape_cast %div3A_801 : vector<256x64xf32> to vector<1x256x64xf32>
    tpu.vector_store %arg4[%swap3A_802, %swap3A_803, %swap3A_804], %swap3A_807 {strides = array<i32>} : memref<1x256x1024xf32, #tpu.memory_space<vmem>>, vector<1x256x64xf32>,
    return
  }
  func.func @transform_0(%arg0: i32, %arg1: i32) -> (i32, i32, i32, i32, i32, i32) {
    %c0_i32 = arith.constant 0 : i32
    %c0_i32_0 = arith.constant 0 : i32
    %c0_i32_1 = arith.constant 0 : i32
    %c0_i32_2 = arith.constant 0 : i32
    %c0_i32_3 = arith.constant 0 : i32
    return %arg0, %c0_i32, %c0_i32_0, %arg1, %c0_i32_1, %c0_i32_2 : i32, i32, i32, i32, i32, i32
  }
  func.func @transform_1(%arg0: i32, %arg1: i32) -> (i32, i32, i32, i32, i32, i32) {
    %c0_i32 = arith.constant 0 : i32
    %c1_i32 = arith.constant 1 : i32
    %c0_i32_0 = arith.constant 0 : i32
    %c0_i32_1 = arith.constant 0 : i32
    %c0_i32_2 = arith.constant 0 : i32
    return %arg0, %c0_i32, %c1_i32, %arg1, %c0_i32_0, %c0_i32_1 : i32, i32, i32, i32, i32, i32
  }
  func.func @transform_2(%arg0: i32, %arg1: i32) -> (i32, i32, i32) {
    %c0_i32 = arith.constant 0 : i32
    %c0_i32_0 = arith.constant 0 : i32
    return %arg0, %arg1, %c0_i32 : i32, i32, i32
  }
}

</mosaic_0001>

<sc_bundles>
// kernel: kernel.13.cloned.1.call-start
scs
__scs_entry_jumppad:
0x0: {  	(pc) =	sbr.rel $0x88, $3  }
0x1: {  	(tag) =	ssettag $0x0;
	lr =	simm.s32 $0x1  }
0x2: {  	[smem:$0x3F9E] =	sst lr;
	_ =	strace $0xD0000000  }
0x3: {  	_ = 	snop  }
0x4: {  	_ = 	snop  }
0x5: {  	_ = 	snop  }
0x6: {  	_ = 	snop  }
0x7: {  	_ = 	snop  }
__scs_overlays_trampoline_lowered:
0x8: {  	[smem:$0x3FAD] =	sst s0  }
0x9: {  	[smem:$0x3FAE] =	sst s1  }
0xa: {  	[smem:$0x3FAF] =	sst s2  }
0xb: {  	[smem:$0x3FB0] =	sst s3  }
0xc: {  	[smem:$0x3FB1] =	sst s4  }
0xd: {  	[smem:$0x3FB2] =	sst s5  }
0xe: {  	[smem:$0x3FB3] =	sst s6  }
0xf: {  	[smem:$0x3FB4] =	sst s7  }
0x10: {  	[smem:$0x3FB5] =	sst s8  }
0x11: {  	[smem:$0x3FB6] =	sst s9;
	s0 =	simm.s32 @!p0 $0x0  }
0x12: {  	s1 =	sld [smem:$0x3F9C];
	s0 =	simm.s32 @p0 $0x1  }
0x13: {  	[smem:$0x3FB7] =	sst s0;
	s0 =	simm.s32 @!p1 $0x0  }
0x14: {  	s2 =	sld [smem:$0x3F9B];
	s0 =	simm.s32 @p1 $0x1  }
0x15: {  	[smem:$0x3FB8] =	sst s0;
	s0 =	simm.s32 @!p2 $0x0  }
0x16: {  	s3 =	sld [smem:$0x3FDB];
	s0 =	simm.s32 @p2 $0x1  }
0x17: {  	s4 =	simm.s32 $0x1BF5;
	[smem:$0x3FBA] =	sst s0  }
0x18: {  	s0 =	sld [smem:$0x3F9D];
	_ =	swait.ge [sflag:s4], $0x0  }
0x19: {  	s7 =	sld [smem:$0x3F9E]  }
0x1a: {  	s8 =	sadd.s32 $0xFFFFE003, lr  }
0x1b: {  	s9 =	sadd.s32 $0xFFFFFEF7, lr;
	s5 =	simm.s32 $0xFFFFFFFF;
	p2 =	slt.u32 s8, $0xFFFFF086  }
0x1c: {  	p1 =	slt.u32 s9, $0xF7A;
	s5 =	simm.s32 @!p2 $0x0  }
0x1d: {  	s5 =	simm.s32 @p1 $0x1;
	p0 =	seq.s32 s7, s2  }
0x1e: {  	s7 =	smul.u32 @!p0 $0xF7A, s2;
	p2 =	seq.s32 @!p0 s5, $0x0  }
0x1f: {  	s9 =	smul.u32 $0xF7A, s1;
	s8 =	simm.s32 @!p0 $0x1BF5;
	p2 =	por !p2, p0  }
0x20: {  	[sflag:s8] =	ssyncset.s32 @!p0 $0xFFFFF086;
	s6 =	sadd.s32 @!p0 s3, s7;
	s7 =	simm.s32 @!p0 $0x108  }
0x21: {  	s3 =	sadd.s32 s3, s9;
	s6 =	sadd.s32 @!p0 $0x88, s6;
	s7 =	simm.s32 @p2 $0x1082  }
0x22: {  	[simem:s7], [sflag:s8] =	dma.local @!p0 [hbm:s6], $0xF7A  }
0x23: {  	s9 =	sor.u32 $0xD0000000, s2;
	s6 =	simm.s32 $0x108;
	_ =	swait.ge @!p0 [sflag:s8], $0x0  }
0x24: {  	s3 =	sadd.s32 $0x88, s3;
	s6 =	simm.s32 @!p1 $0x1082;
	[sflag:s4] =	ssyncset.s32 $0xFFFFF086  }
0x25: {  	[simem:s6], [sflag:s4] =	dma.local [hbm:s3], $0xF7A  }
0x26: {  	[smem:$0x3F9E] =	sst s1;
	(tag) =	ssettag s2;
	_ =	strace s9  }
0x27: {  	s1 =	sld [smem:$0x3FAE]  }
0x28: {  	s2 =	sld [smem:$0x3FAF]  }
0x29: {  	s4 =	sld [smem:$0x3FB1]  }
0x2a: {  	p0 =	seq.s32 s5, $0x0;
	s5 =	sld [smem:$0x3FB2]  }
0x2b: {  	s6 =	sld [smem:$0x3FB3]  }
0x2c: {  	s7 =	sld [smem:$0x3FB4]  }
0x2d: {  	s3 =	simm.s32 $0x108;
	s8 =	sld [smem:$0x3FB5]  }
0x2e: {  	s3 =	simm.s32 @!p0 $0x1082;
	s9 =	sld [smem:$0x3FB6]  }
0x2f: {  	lr =	sadd.s32 s0, s3;
	s0 =	sld [smem:$0x3FAD]  }
0x30: {  	s3 =	sld [smem:$0x3FB0]  }
0x31: {  	[smem:$0x3FB9] =	sst s10  }
0x32: {  	s10 =	sld [smem:$0x3FB7];
	_ =	sdelay $0x3  }
0x33: {  	p0 =	seq.s32 s10, $0x1;
	s10 =	sld [smem:$0x3FB9];
	_ =	sdelay $0x3  }
0x34: {  	[smem:$0x3FB9] =	sst s10  }
0x35: {  	s10 =	sld [smem:$0x3FB8];
	_ =	sdelay $0x3  }
0x36: {  	p1 =	seq.s32 s10, $0x1;
	s10 =	sld [smem:$0x3FB9];
	_ =	sdelay $0x3  }
0x37: {  	[smem:$0x3FB9] =	sst s10  }
0x38: {  	s10 =	sld [smem:$0x3FBA]  }
0x39: {  	_ = 	snop;
	(pc) =	sbr.ind lr, $3  }
0x3a: {  	_ = 	snop  }
0x3b: {  	_ = 	snop  }
0x3c: {  	p2 =	seq.s32 s10, $0x1;
	s10 =	sld [smem:$0x3FB9]  }
0x3d: {  	_ =	shalt  }
0x3e: {  	_ =	shalt  }
0x3f: {  	_ =	shalt  }
0x40: {  	_ =	shalt  }
0x41: {  	_ =	shalt  }
0x42: {  	_ =	shalt  }
0x43: {  	_ =	shalt  }
0x44: {  	_ =	shalt  }
0x45: {  	_ =	shalt  }
0x46: {  	_ =	shalt  }
0x47: {  	_ =	shalt  }
0x48: {  	_ =	shalt  }
0x49: {  	_ =	shalt  }
0x4a: {  	_ =	shalt  }
0x4b: {  	_ =	shalt  }
0x4c: {  	_ =	shalt  }
0x4d: {  	_ =	shalt  }
0x4e: {  	_ =	shalt  }
0x4f: {  	_ =	shalt  }
0x50: {  	_ =	shalt  }
0x51: {  	_ =	shalt  }
0x52: {  	_ =	shalt  }
0x53: {  	_ =	shalt  }
0x54: {  	_ =	shalt  }
0x55: {  	_ =	shalt  }
0x56: {  	_ =	shalt  }
0x57: {  	_ =	shalt  }
0x58: {  	_ =	shalt  }
0x59: {  	_ =	shalt  }
0x5a: {  	_ =	shalt  }
0x5b: {  	_ =	shalt  }
0x5c: {  	_ =	shalt  }
0x5d: {  	_ =	shalt  }
0x5e: {  	_ =	shalt  }
0x5f: {  	_ =	shalt  }
0x60: {  	_ =	shalt  }
0x61: {  	_ =	shalt  }
0x62: {  	_ =	shalt  }
0x63: {  	_ =	shalt  }
0x64: {  	_ =	shalt  }
0x65: {  	_ =	shalt  }
0x66: {  	_ =	shalt  }
0x67: {  	_ =	shalt  }
0x68: {  	_ =	shalt  }
0x69: {  	_ =	shalt  }
0x6a: {  	_ =	shalt  }
0x6b: {  	_ =	shalt  }
0x6c: {  	_ =	shalt  }
0x6d: {  	_ =	shalt  }
0x6e: {  	_ =	shalt  }
0x6f: {  	_ =	shalt  }
0x70: {  	_ =	shalt  }
0x71: {  	_ =	shalt  }
0x72: {  	_ =	shalt  }
0x73: {  	_ =	shalt  }
0x74: {  	_ =	shalt  }
0x75: {  	_ =	shalt  }
0x76: {  	_ =	shalt  }
0x77: {  	_ =	shalt  }
0x78: {  	_ =	shalt  }
0x79: {  	_ =	shalt  }
0x7a: {  	_ =	shalt  }
0x7b: {  	_ =	shalt  }
0x7c: {  	_ =	shalt  }
0x7d: {  	_ =	shalt  }
0x7e: {  	_ =	shalt  }
0x7f: {  	_ =	shalt  }
0x80: {  	_ =	shalt  }
0x81: {  	_ =	shalt  }
0x82: {  	_ =	shalt  }
0x83: {  	_ =	shalt  }
0x84: {  	_ =	shalt  }
0x85: {  	_ =	shalt  }
0x86: {  	_ =	shalt  }
0x87: {  	_ =	shalt  }
.Lfunc_end0:
.L_simem_size_0:
called_computation_lowered:
.L_overlay_start_0:
0x88: {  	s2 =	sld [smem:$0x3FD9]  }
0x89: {  	s3 =	sld [smem:$0x3FFE];
	_ =	sdelay $0x1  }
0x8a: {  	s1 =	srdreg.scid  }
0x8b: {  	s0 =	sand.u32 $0x1, s1  }
0x8c: {  	s17 =	sshll.u32 s0, $0xA;
	s2 =	sadd.s32 s3, s2  }
0x8d: {  	s2 =	sadd.s32 s2, s17  }
0x8e: {  	[smem:$0x3FC5] =	sst s2  }
0x8f: {  	_ = 	snop  }
0x90: {  	s18 =	sld [smem:$0x3FD0];
	(tm) =	ssettm $0x1  }
0x91: {  	s19 =	sld [smem:$0x3FFB];
	_ =	sdelay $0x3  }
0x92: {  	_ =	strace s19  }
0x93: {  	s2 =	sld [smem:$0x3FFC];
	_ =	sdelay $0x3  }
0x94: {  	_ =	strace s2  }
0x95: {  	s2 =	sld [smem:$0x3FFD];
	_ =	sdelay $0x3  }
0x96: {  	_ =	strace s2  }
0x97: {  	_ =	strace $0x8FFFFFFF  }
0x98: {  	s20 =	sld [smem:$0x3FDB];
	_ =	sdelay $0x1  }
0x99: {  	s4 =	simm.s32 $_scs_section_size  }
0x9a: {  	s5 =	simm.s32 $_size__tile_overlayer_lowered;
	s6 =	simm.s32 $_tile_overlayer_lowered  }
0x9b: {  	s7 =	simm.s32 $0x1BFF;
	s21 =	sshll.u32 s6, $0x1;
	s4 =	sadd.s32 s4, s20  }
0x9c: {  	s22 =	simm.s32 $0x0;
	s5 =	sshll.u32 s5, $0x1;
	s6 =	sadd.s32 s21, s4  }
0x9d: {  	[timem:s22], [sflag:s7] =	dma.local [hbm:s6], s5  }
0x9e: {  	_ =	swait.ge [sflag:s7], s5  }
0x9f: {  	s5 =	ssub.s32 $0x0, s5;
	[sflag:s7] =	ssyncset.done $0x0  }
0xa0: {  	[sflag:s7] =	ssyncadd.s32 s5;
	_ =	sdelay $0x1  }
0xa1: {  	s23 =	simm.s32 $0x1B8B  }
0xa2: {  	_ =	swait.ge [sflag:s23], $0x1  }
0xa3: {  	[sflag:s23] =	ssyncset.done $0x0  }
0xa4: {  	[sflag:s23] =	ssyncadd.s32 $0xFFFFFFFF  }
0xa5: {  	s5 =	sld [smem:$0x0]  }
0xa6: {  	s6 =	sand.u32 $0xFFFFFFFE, s1  }
0xa7: {  	p0 =	sne.s32 s1, s6  }
0xa8: {  	s6 =	sshll.u32 @p0 s6, $0xE  }
0xa9: {  	s6 =	sadd.s32 @p0 $0x11B8D, s6;
	s7 =	sshll.u32 @p0 s5, $0x11  }
0xaa: {  	s6 =	sor.u32 @p0 s7, s6  }
0xab: {  	[sflag:s6] =	ssyncadd.remote.s32 @p0 $0x1;
	_ =	sdelay $0x1  }
0xac: {  	s6 =	simm.s32 @p0 $0x1B8D  }
0xad: {  	_ =	swait.eq @p0 [sflag:s6], $0x1  }
0xae: {  	[sflag:s6] =	ssyncadd.s32 @p0 $0xFFFFFFFF  }
0xaf: {  	s7 =	sshll.u32 @!p0 s1, $0xE  }
0xb0: {  	s7 =	sor.u32 @!p0 $0x4000, s7;
	s6 =	simm.s32 @!p0 $0x1B8D  }
0xb1: {  	s5 =	sshll.u32 @!p0 s5, $0x11;
	s7 =	sadd.s32 @!p0 $0x11B8D, s7;
	_ =	swait.eq @!p0 [sflag:s6], $0x1  }
0xb2: {  	s5 =	sor.u32 @!p0 s5, s7;
	[sflag:s6] =	ssyncadd.s32 @!p0 $0xFFFFFFFF  }
0xb3: {  	s25 =	simm.s32 $0x1B8E;
	s24 =	sld [smem:$0x3FFE];
	[sflag:s5] =	ssyncadd.remote.s32 @!p0 $0x1  }
0xb4: {  	s26 =	simm.s32 $execute0_lowered;
	[smem:$0x3FD2] =	sst s25  }
0xb5: {  	s6 =	sshll.u32 s26, $0x1;
	_ =	strace $0x80000049;
	[dreg:$0x1] =	wrdreg $0xFFFFFFFF  }
0xb6: {  	s28 =	simm.s32 $_size_execute0_lowered;
	s4 =	sadd.s32 s4, s6;
	[dreg:$0x0] =	wrdreg $0x0  }
0xb7: {  	s6 =	sshll.u32 s28, $0x1;
	[dreg:$0x2] =	wrdreg s4  }
0xb8: {  	[dreg:$0x3] =	wrdreg s6  }
0xb9: {  	[dreg:$0x4] =	wrdreg $0xC0  }
0xba: {  	_ =	task [dreg:s22], $0x5FFFF  }
0xbb: {  	[dreg:$0x1] =	wrdreg $0xFFFFFFFF  }
0xbc: {  	[dreg:$0x0] =	wrdreg $0x60  }
0xbd: {  	[dreg:$0x2] =	wrdreg s18  }
0xbe: {  	[dreg:$0x3] =	wrdreg s24  }
0xbf: {  	[dreg:$0x4] =	wrdreg $0x9  }
0xc0: {  	_ =	task.clear_ibuf [dreg:s22], $0x5FFFF;
	_ =	strace $0x90000049  }
0xc1: {  	s29 =	simm.s32 $0x9;
	_ =	strace $0x8000004B  }
0xc2: {  	_ =	swait.ge [sflag:s29], $0x1  }
0xc3: {  	[sflag:s29] =	ssyncadd.s32 $0xFFFFFFFF  }
0xc4: {  	_ =	strace $0x9000004B  }
0xc5: {  	_ =	sfence  }
0xc6: {  	s30 =	sld [smem:$0x0];
	_ =	sdelay $0x2  }
0xc7: {  	s31 =	sshll.u32 s1, $0xD;
	s1 =	sshrl.u32 s1, $0x2  }
0xc8: {  	s4 =	sand.u32 $0x4000, s31;
	s1 =	sadd.s32 s1, s30  }
0xc9: {  	s0 =	sor.u32 s4, s0;
	s1 =	sshll.u32 s1, $0x11  }
0xca: {  	s0 =	sor.u32 s1, s0  }
0xcb: {  	s0 =	sadd.s32 $0x8F2B, s0  }
0xcc: {  	[sflag:s0] =	ssyncadd.remote.s32 $0x1  }
0xcd: {  	_ =	sfence.sel $0xFFFF  }
0xce: {  	[dreg:$0x0] =	wrdreg $0xFFFFFFFF;
	(pc) =	sbr.abs _section_cstart, $3  }
0xcf: {  	[dreg:$0x1] =	wrdreg $0xFFFFFFFF  }
0xd0: {  	_ =	task.clear_ibuf [dreg:s22], $0x2FFFF;
	_ =	strace $0x9FFFFFFF  }
0xd1: {  	(tm) =	ssettm $0x7FFFFFFF  }
tec
execute0_lowered:
.L_overlay_start_1:
0x0: {  	(tag) =	ssettag $0x1  }
0x1: {  	s6 =	rddreg [dreg:$0x0]  }
0x2: {  	s3 =	rddreg [dreg:$0x1]  }
0x3: {  	s0 =	rddreg [dreg:$0x2]  }
0x4: {  	s1 =	simm.s32 $0x0;
	s2 =	srdreg.scid;
	s9 =	simm.s32 $0x4800  }
0x5: {  	s10 =	simm.s32 $0x8800;
	s11 =	simm.s32 $0xC800;
	s12 =	simm.s32 $0x1  }
0x6: {  	s13 =	simm.s32 $0x80;
	s14 =	simm.s32 $0x2;
	s15 =	simm.s32 $0x3  }
0x7: {  	s16 =	simm.s32 $0x4;
	s17 =	simm.s32 $0x5;
	s18 =	simm.s32 $0x6  }
0x8: {  	s19 =	simm.s32 $0x7;
	s20 =	simm.s32 $0x8;
	s4 =	sand.u32 $0x1, s2  }
0x9: {  	s21 =	simm.s32 $0x0;
	[smem:$0x7FF] =	sst s1;
	s2 =	sshll.u32 s4, $0x8  }
0xa: {  	_ =	strace $0x8000004A;
	s4 =	ssub.s32 $0x2, s4;
	s5 =	sadd.s32 s2, s3  }
0xb: {  	s2 =	stileid.u32;
	s3 =	sadd.s32 $0x281C00, s3;
	s7 =	sshrl.u32 s4, $0x1  }
0xc: {  	s8 =	sshll.u32 s2, $0x9;
	s7 =	ssub.s32 s4, s7;
	s31 =	sshll.u32 s2, $0xF  }
0xd: {  	s30 =	sadd.s32 s8, s5;
	s5 =	smax.u32 s7, $0x1;
	s6 =	sadd.s32 s31, s6  }
0xe: {  	s7 =	simm.s32 $0x9;
	s8 =	simm.s32 $0x800;
	s4 =	sadd.s32 $0x3C00, s30  }
.LBB2_1:
0xf: {  	[tilespmem:s1], [sflag:$0x9] =	stream.linear.gather [hbm4b:s4+s1], $0x800, $0x38;
	[tilespmem:$0x10800] =	vst v63  }
0x10: {  	_ =	swait.ge [sflag:s7], $0x800  }
0x11: {  	[sflag:s7] =	ssyncset.done $0x0  }
0x12: {  	[sflag:s7] =	ssyncadd.s32 $0xFFFFF800  }
0x13: {  	[tilespmem:s8], [sflag:$0x1] =	stream.linear.gather [hbm4b:s6+s1], $0x4000, $0x38;
	[tilespmem:$0x10800] =	vst v63  }
0x14: {  	s22 =	sadd.s32 $0x800, s6  }
0x15: {  	[tilespmem:s9], [sflag:$0x2] =	stream.linear.gather [hbm4b:s22+s1], $0x4000, $0x38;
	[tilespmem:$0x10800] =	vst v63  }
0x16: {  	s25 =	sadd.s32 $0x1000, s6  }
0x17: {  	[tilespmem:s10], [sflag:$0x3] =	stream.linear.gather [hbm4b:s25+s1], $0x4000, $0x38;
	[tilespmem:$0x10800] =	vst v63  }
0x18: {  	s26 =	sadd.s32 $0x1800, s6  }
0x19: {  	[tilespmem:s11], [sflag:$0x4] =	stream.linear.gather [hbm4b:s26+s1], $0x4000, $0x38;
	[tilespmem:$0x10800] =	vst v63  }
0x1a: {  	_ =	swait.ge [sflag:s12], $0x4000  }
0x1b: {  	[sflag:s12] =	ssyncset.done $0x0  }
0x1c: {  	s28 =	simm.s32 $0x0;
	[sflag:s12] =	ssyncadd.s32 $0xFFFFC000  }
0x1d: {  	[hbm4b:s3+s13] =	stream.indirect.scatter [tilespmem:s8], [sflag:$0x5], $0x80, s28, s13, $0xb8;
	[tilespmem:$0x10800] =	vst v63  }
0x1e: {  	_ =	swait.ge [sflag:s14], $0x4000  }
0x1f: {  	[sflag:s14] =	ssyncset.done $0x0  }
0x20: {  	s29 =	simm.s32 $0x80;
	[sflag:s14] =	ssyncadd.s32 $0xFFFFC000  }
0x21: {  	[hbm4b:s3+s13] =	stream.indirect.scatter [tilespmem:s9], [sflag:$0x6], $0x80, s29, s13, $0xb8;
	[tilespmem:$0x10800] =	vst v63  }
0x22: {  	_ =	swait.ge [sflag:s15], $0x4000  }
0x23: {  	[sflag:s15] =	ssyncset.done $0x0  }
0x24: {  	s30 =	simm.s32 $0x100;
	[sflag:s15] =	ssyncadd.s32 $0xFFFFC000  }
0x25: {  	[hbm4b:s3+s13] =	stream.indirect.scatter [tilespmem:s10], [sflag:$0x7], $0x80, s30, s13, $0xb8;
	[tilespmem:$0x10800] =	vst v63  }
0x26: {  	_ =	swait.ge [sflag:s16], $0x4000  }
0x27: {  	[sflag:s16] =	ssyncset.done $0x0  }
0x28: {  	s31 =	simm.s32 $0x180;
	[sflag:s16] =	ssyncadd.s32 $0xFFFFC000  }
0x29: {  	[hbm4b:s3+s13] =	stream.indirect.scatter [tilespmem:s11], [sflag:$0x8], $0x80, s31, s13, $0xb8;
	[tilespmem:$0x10800] =	vst v63  }
0x2a: {  	_ =	swait.ge [sflag:s17], $0x4000  }
0x2b: {  	[sflag:s17] =	ssyncset.done $0x0  }
0x2c: {  	[sflag:s17] =	ssyncadd.s32 $0xFFFFC000  }
0x2d: {  	_ =	swait.ge [sflag:s18], $0x4000  }
0x2e: {  	[sflag:s18] =	ssyncset.done $0x0  }
0x2f: {  	[sflag:s18] =	ssyncadd.s32 $0xFFFFC000  }
0x30: {  	_ =	swait.ge [sflag:s19], $0x4000  }
0x31: {  	[sflag:s19] =	ssyncset.done $0x0  }
0x32: {  	[sflag:s19] =	ssyncadd.s32 $0xFFFFC000  }
0x33: {  	_ =	swait.ge [sflag:s20], $0x4000  }
0x34: {  	s23 =	smov.u32 s6;
	s22 =	simm.s32 $0x800;
	[sflag:s20] =	ssyncset.done $0x0  }
.LBB2_2:
0x35: {  	p0 =	sne.s32 s22, $0x1800;
	[sflag:s20] =	ssyncadd.s32 $0xFFFFC000;
	s23 =	sadd.s32 $0x2000, s23  }
0x36: {  	[tilespmem:s8], [sflag:$0x1] =	stream.linear.gather [hbm4b:s23+s1], $0x4000, $0x38;
	[tilespmem:$0x10800] =	vst v63  }
0x37: {  	s25 =	smov.u32 s22;
	s22 =	sadd.s32 $0x800, s22;
	s24 =	sadd.s32 $0x800, s23  }
0x38: {  	[tilespmem:s9], [sflag:$0x2] =	stream.linear.gather [hbm4b:s24+s1], $0x4000, $0x38;
	[tilespmem:$0x10800] =	vst v63  }
0x39: {  	s24 =	sadd.s32 $0x1000, s23  }
0x3a: {  	[tilespmem:s10], [sflag:$0x3] =	stream.linear.gather [hbm4b:s24+s1], $0x4000, $0x38;
	[tilespmem:$0x10800] =	vst v63  }
0x3b: {  	s24 =	sadd.s32 $0x1800, s23  }
0x3c: {  	[tilespmem:s11], [sflag:$0x4] =	stream.linear.gather [hbm4b:s24+s1], $0x4000, $0x38;
	[tilespmem:$0x10800] =	vst v63  }
0x3d: {  	_ =	swait.ge [sflag:s12], $0x4000  }
0x3e: {  	[sflag:s12] =	ssyncset.done $0x0  }
0x3f: {  	s24 =	sshra.s32 s25, $0x2;
	[sflag:s12] =	ssyncadd.s32 $0xFFFFC000  }
0x40: {  	[hbm4b:s3+s13] =	stream.indirect.scatter [tilespmem:s8], [sflag:$0x5], $0x80, s24, s13, $0xb8;
	[tilespmem:$0x10800] =	vst v63  }
0x41: {  	_ =	swait.ge [sflag:s14], $0x4000  }
0x42: {  	[sflag:s14] =	ssyncset.done $0x0  }
0x43: {  	s25 =	sadd.s32 $0x80, s24;
	[sflag:s14] =	ssyncadd.s32 $0xFFFFC000  }
0x44: {  	[hbm4b:s3+s13] =	stream.indirect.scatter [tilespmem:s9], [sflag:$0x6], $0x80, s25, s13, $0xb8;
	[tilespmem:$0x10800] =	vst v63  }
0x45: {  	_ =	swait.ge [sflag:s15], $0x4000  }
0x46: {  	[sflag:s15] =	ssyncset.done $0x0  }
0x47: {  	s25 =	sadd.s32 $0x100, s24;
	[sflag:s15] =	ssyncadd.s32 $0xFFFFC000  }
0x48: {  	[hbm4b:s3+s13] =	stream.indirect.scatter [tilespmem:s10], [sflag:$0x7], $0x80, s25, s13, $0xb8;
	[tilespmem:$0x10800] =	vst v63  }
0x49: {  	_ =	swait.ge [sflag:s16], $0x4000  }
0x4a: {  	[sflag:s16] =	ssyncset.done $0x0  }
0x4b: {  	s24 =	sadd.s32 $0x180, s24;
	[sflag:s16] =	ssyncadd.s32 $0xFFFFC000  }
0x4c: {  	[hbm4b:s3+s13] =	stream.indirect.scatter [tilespmem:s11], [sflag:$0x8], $0x80, s24, s13, $0xb8;
	[tilespmem:$0x10800] =	vst v63  }
0x4d: {  	_ =	swait.ge [sflag:s17], $0x4000  }
0x4e: {  	[sflag:s17] =	ssyncset.done $0x0  }
0x4f: {  	[sflag:s17] =	ssyncadd.s32 $0xFFFFC000  }
0x50: {  	_ =	swait.ge [sflag:s18], $0x4000  }
0x51: {  	[sflag:s18] =	ssyncset.done $0x0  }
0x52: {  	[sflag:s18] =	ssyncadd.s32 $0xFFFFC000  }
.Ltmp0:
0x53: {  	_ =	swait.ge [sflag:s19], $0x4000;
	(pc) =	sbr.rel @p0 .LBB2_2-.Ltmp0, $4  }
0x54: {  	[sflag:s19] =	ssyncset.done $0x0  }
0x55: {  	[sflag:s19] =	ssyncadd.s32 $0xFFFFC000  }
0x56: {  	_ =	swait.ge [sflag:s20], $0x4000  }
0x57: {  	[sflag:s20] =	ssyncset.done $0x0  }
0x58: {  	s21 =	sadd.s32 $0x1, s21  }
0x59: {  	p0 =	sne.s32 s21, s5  }
.Ltmp1:
0x5a: {  	_ = 	snop;
	(pc) =	sbr.rel @p0 .LBB2_1-.Ltmp1, $2  }
0x5b: {  	_ =	sdelay $0x2  }
0x5c: {  	[sflag:s20] =	ssyncadd.s32 $0xFFFFC000  }
0x5d: {  	_ =	sfence.sel $0x180000  }
0x5e: {  	[bflag:$0x0] =	sbarrier.arrive $0xFFFF  }
0x5f: {  	p0 =	sne.s32 s2, $0x0;
	_ =	strace $0x9000004A  }
0x60: {  	s0 =	sadd.s32 @!p0 $0x100000, s0;
	[bflag:$0x2] =	sbarrier.arrive $0xFFFF  }
0x61: {  	[sflag:s0] =	ssyncadd.tile.s32 @!p0 $0x1;
	_ =	shalt  }
.Lfunc_end2:
_tile_overlayer_lowered:
.L_overlay_start_2:
0x62: {  	(tag) =	ssettag $0x2  }
0x63: {  	s0 =	rddreg [dreg:$0x0];
	s2 =	stileid.u32  }
0x64: {  	s1 =	rddreg [dreg:$0x1];
	p0 =	sne.s32 s2, $0x0  }
0x65: {  	s3 =	rddreg [dreg:$0x2];
	[bflag:$0x3] =	sbarrier.arrive $0xFFFF;
	s2 =	simm.s32 @!p0 $0x1C09  }
0x66: {  	[timem:s3], [sflag:s2] =	dma.local @!p0 [hbm:s0], s1  }
0x67: {  	s0 =	simm.s32 @!p0 $0x9  }
0x68: {  	_ =	swait.ge @!p0 [sflag:s0], s1  }
0x69: {  	s1 =	ssub.s32 @!p0 $0x0, s1;
	[sflag:s0] =	ssyncset.done @!p0 $0x0  }
0x6a: {  	[sflag:s0] =	ssyncadd.s32 @!p0 s1  }
0x6b: {  	[bflag:$0x3] =	sbarrier.arrive $0xFFFF  }
0x6c: {  	_ =	shalt  }

// kernel: kernel.16.cloned.1.call-start
scs
__scs_entry_jumppad:
0x0: {  	(pc) =	sbr.rel $0x88, $3  }
0x1: {  	(tag) =	ssettag $0x0;
	lr =	simm.s32 $0x1  }
0x2: {  	[smem:$0x3F9E] =	sst lr;
	_ =	strace $0xD0000000  }
0x3: {  	_ = 	snop  }
0x4: {  	_ = 	snop  }
0x5: {  	_ = 	snop  }
0x6: {  	_ = 	snop  }
0x7: {  	_ = 	snop  }
__scs_overlays_trampoline_lowered:
0x8: {  	[smem:$0x3FAD] =	sst s0  }
0x9: {  	[smem:$0x3FAE] =	sst s1  }
0xa: {  	[smem:$0x3FAF] =	sst s2  }
0xb: {  	[smem:$0x3FB0] =	sst s3  }
0xc: {  	[smem:$0x3FB1] =	sst s4  }
0xd: {  	[smem:$0x3FB2] =	sst s5  }
0xe: {  	[smem:$0x3FB3] =	sst s6  }
0xf: {  	[smem:$0x3FB4] =	sst s7  }
0x10: {  	[smem:$0x3FB5] =	sst s8  }
0x11: {  	[smem:$0x3FB6] =	sst s9;
	s0 =	simm.s32 @!p0 $0x0  }
0x12: {  	s1 =	sld [smem:$0x3F9C];
	s0 =	simm.s32 @p0 $0x1  }
0x13: {  	[smem:$0x3FB7] =	sst s0;
	s0 =	simm.s32 @!p1 $0x0  }
0x14: {  	s2 =	sld [smem:$0x3F9B];
	s0 =	simm.s32 @p1 $0x1  }
0x15: {  	[smem:$0x3FB8] =	sst s0;
	s0 =	simm.s32 @!p2 $0x0  }
0x16: {  	s3 =	sld [smem:$0x3FDB];
	s0 =	simm.s32 @p2 $0x1  }
0x17: {  	s4 =	simm.s32 $0x1BF5;
	[smem:$0x3FBA] =	sst s0  }
0x18: {  	s0 =	sld [smem:$0x3F9D];
	_ =	swait.ge [sflag:s4], $0x0  }
0x19: {  	s7 =	sld [smem:$0x3F9E]  }
0x1a: {  	s8 =	sadd.s32 $0xFFFFE003, lr  }
0x1b: {  	s9 =	sadd.s32 $0xFFFFFEF7, lr;
	s5 =	simm.s32 $0xFFFFFFFF;
	p2 =	slt.u32 s8, $0xFFFFF086  }
0x1c: {  	p1 =	slt.u32 s9, $0xF7A;
	s5 =	simm.s32 @!p2 $0x0  }
0x1d: {  	s5 =	simm.s32 @p1 $0x1;
	p0 =	seq.s32 s7, s2  }
0x1e: {  	s7 =	smul.u32 @!p0 $0xF7A, s2;
	p2 =	seq.s32 @!p0 s5, $0x0  }
0x1f: {  	s9 =	smul.u32 $0xF7A, s1;
	s8 =	simm.s32 @!p0 $0x1BF5;
	p2 =	por !p2, p0  }
0x20: {  	[sflag:s8] =	ssyncset.s32 @!p0 $0xFFFFF086;
	s6 =	sadd.s32 @!p0 s3, s7;
	s7 =	simm.s32 @!p0 $0x108  }
0x21: {  	s3 =	sadd.s32 s3, s9;
	s6 =	sadd.s32 @!p0 $0x88, s6;
	s7 =	simm.s32 @p2 $0x1082  }
0x22: {  	[simem:s7], [sflag:s8] =	dma.local @!p0 [hbm:s6], $0xF7A  }
0x23: {  	s9 =	sor.u32 $0xD0000000, s2;
	s6 =	simm.s32 $0x108;
	_ =	swait.ge @!p0 [sflag:s8], $0x0  }
0x24: {  	s3 =	sadd.s32 $0x88, s3;
	s6 =	simm.s32 @!p1 $0x1082;
	[sflag:s4] =	ssyncset.s32 $0xFFFFF086  }
0x25: {  	[simem:s6], [sflag:s4] =	dma.local [hbm:s3], $0xF7A  }
0x26: {  	[smem:$0x3F9E] =	sst s1;
	(tag) =	ssettag s2;
	_ =	strace s9  }
0x27: {  	s1 =	sld [smem:$0x3FAE]  }
0x28: {  	s2 =	sld [smem:$0x3FAF]  }
0x29: {  	s4 =	sld [smem:$0x3FB1]  }
0x2a: {  	p0 =	seq.s32 s5, $0x0;
	s5 =	sld [smem:$0x3FB2]  }
0x2b: {  	s6 =	sld [smem:$0x3FB3]  }
0x2c: {  	s7 =	sld [smem:$0x3FB4]  }
0x2d: {  	s3 =	simm.s32 $0x108;
	s8 =	sld [smem:$0x3FB5]  }
0x2e: {  	s3 =	simm.s32 @!p0 $0x1082;
	s9 =	sld [smem:$0x3FB6]  }
0x2f: {  	lr =	sadd.s32 s0, s3;
	s0 =	sld [smem:$0x3FAD]  }
0x30: {  	s3 =	sld [smem:$0x3FB0]  }
0x31: {  	[smem:$0x3FB9] =	sst s10  }
0x32: {  	s10 =	sld [smem:$0x3FB7];
	_ =	sdelay $0x3  }
0x33: {  	p0 =	seq.s32 s10, $0x1;
	s10 =	sld [smem:$0x3FB9];
	_ =	sdelay $0x3  }
0x34: {  	[smem:$0x3FB9] =	sst s10  }
0x35: {  	s10 =	sld [smem:$0x3FB8];
	_ =	sdelay $0x3  }
0x36: {  	p1 =	seq.s32 s10, $0x1;
	s10 =	sld [smem:$0x3FB9];
	_ =	sdelay $0x3  }
0x37: {  	[smem:$0x3FB9] =	sst s10  }
0x38: {  	s10 =	sld [smem:$0x3FBA]  }
0x39: {  	_ = 	snop;
	(pc) =	sbr.ind lr, $3  }
0x3a: {  	_ = 	snop  }
0x3b: {  	_ = 	snop  }
0x3c: {  	p2 =	seq.s32 s10, $0x1;
	s10 =	sld [smem:$0x3FB9]  }
0x3d: {  	_ =	shalt  }
0x3e: {  	_ =	shalt  }
0x3f: {  	_ =	shalt  }
0x40: {  	_ =	shalt  }
0x41: {  	_ =	shalt  }
0x42: {  	_ =	shalt  }
0x43: {  	_ =	shalt  }
0x44: {  	_ =	shalt  }
0x45: {  	_ =	shalt  }
0x46: {  	_ =	shalt  }
0x47: {  	_ =	shalt  }
0x48: {  	_ =	shalt  }
0x49: {  	_ =	shalt  }
0x4a: {  	_ =	shalt  }
0x4b: {  	_ =	shalt  }
0x4c: {  	_ =	shalt  }
0x4d: {  	_ =	shalt  }
0x4e: {  	_ =	shalt  }
0x4f: {  	_ =	shalt  }
0x50: {  	_ =	shalt  }
0x51: {  	_ =	shalt  }
0x52: {  	_ =	shalt  }
0x53: {  	_ =	shalt  }
0x54: {  	_ =	shalt  }
0x55: {  	_ =	shalt  }
0x56: {  	_ =	shalt  }
0x57: {  	_ =	shalt  }
0x58: {  	_ =	shalt  }
0x59: {  	_ =	shalt  }
0x5a: {  	_ =	shalt  }
0x5b: {  	_ =	shalt  }
0x5c: {  	_ =	shalt  }
0x5d: {  	_ =	shalt  }
0x5e: {  	_ =	shalt  }
0x5f: {  	_ =	shalt  }
0x60: {  	_ =	shalt  }
0x61: {  	_ =	shalt  }
0x62: {  	_ =	shalt  }
0x63: {  	_ =	shalt  }
0x64: {  	_ =	shalt  }
0x65: {  	_ =	shalt  }
0x66: {  	_ =	shalt  }
0x67: {  	_ =	shalt  }
0x68: {  	_ =	shalt  }
0x69: {  	_ =	shalt  }
0x6a: {  	_ =	shalt  }
0x6b: {  	_ =	shalt  }
0x6c: {  	_ =	shalt  }
0x6d: {  	_ =	shalt  }
0x6e: {  	_ =	shalt  }
0x6f: {  	_ =	shalt  }
0x70: {  	_ =	shalt  }
0x71: {  	_ =	shalt  }
0x72: {  	_ =	shalt  }
0x73: {  	_ =	shalt  }
0x74: {  	_ =	shalt  }
0x75: {  	_ =	shalt  }
0x76: {  	_ =	shalt  }
0x77: {  	_ =	shalt  }
0x78: {  	_ =	shalt  }
0x79: {  	_ =	shalt  }
0x7a: {  	_ =	shalt  }
0x7b: {  	_ =	shalt  }
0x7c: {  	_ =	shalt  }
0x7d: {  	_ =	shalt  }
0x7e: {  	_ =	shalt  }
0x7f: {  	_ =	shalt  }
0x80: {  	_ =	shalt  }
0x81: {  	_ =	shalt  }
0x82: {  	_ =	shalt  }
0x83: {  	_ =	shalt  }
0x84: {  	_ =	shalt  }
0x85: {  	_ =	shalt  }
0x86: {  	_ =	shalt  }
0x87: {  	_ =	shalt  }
.Lfunc_end0:
.L_simem_size_0:
called_computation.1_lowered:
.L_overlay_start_0:
0x88: {  	s2 =	sld [smem:$0x3FD9]  }
0x89: {  	s3 =	sld [smem:$0x3FFE];
	_ =	sdelay $0x1  }
0x8a: {  	s1 =	srdreg.scid  }
0x8b: {  	s0 =	sand.u32 $0x1, s1  }
0x8c: {  	s17 =	sshll.u32 s0, $0xA;
	s2 =	sadd.s32 s3, s2  }
0x8d: {  	s2 =	sadd.s32 s2, s17  }
0x8e: {  	[smem:$0x3FC5] =	sst s2  }
0x8f: {  	_ = 	snop  }
0x90: {  	(tm) =	ssettm $0x1  }
0x91: {  	s18 =	sld [smem:$0x3FFB];
	_ =	sdelay $0x3  }
0x92: {  	_ =	strace s18  }
0x93: {  	s2 =	sld [smem:$0x3FFC];
	_ =	sdelay $0x3  }
0x94: {  	_ =	strace s2  }
0x95: {  	s2 =	sld [smem:$0x3FFD];
	_ =	sdelay $0x3  }
0x96: {  	_ =	strace s2  }
0x97: {  	_ =	strace $0x8FFFFFFF  }
0x98: {  	s19 =	sld [smem:$0x3FDB];
	_ =	sdelay $0x1  }
0x99: {  	s20 =	simm.s32 $_scs_section_size  }
0x9a: {  	s4 =	simm.s32 $_size__tile_overlayer_lowered;
	s5 =	simm.s32 $_tile_overlayer_lowered  }
0x9b: {  	s6 =	simm.s32 $0x1BFF;
	s21 =	sshll.u32 s5, $0x1;
	s3 =	sadd.s32 s20, s19  }
0x9c: {  	s22 =	simm.s32 $0x0;
	s4 =	sshll.u32 s4, $0x1;
	s5 =	sadd.s32 s21, s3  }
0x9d: {  	[timem:s22], [sflag:s6] =	dma.local [hbm:s5], s4  }
0x9e: {  	_ =	swait.ge [sflag:s6], s4  }
0x9f: {  	s4 =	ssub.s32 $0x0, s4;
	[sflag:s6] =	ssyncset.done $0x0  }
0xa0: {  	[sflag:s6] =	ssyncadd.s32 s4;
	_ =	sdelay $0x1  }
0xa1: {  	s23 =	simm.s32 $0x1B8B  }
0xa2: {  	_ =	swait.ge [sflag:s23], $0x1  }
0xa3: {  	[sflag:s23] =	ssyncset.done $0x0  }
0xa4: {  	[sflag:s23] =	ssyncadd.s32 $0xFFFFFFFF  }
0xa5: {  	s4 =	sld [smem:$0x0]  }
0xa6: {  	s5 =	sand.u32 $0xFFFFFFFE, s1  }
0xa7: {  	p0 =	sne.s32 s1, s5  }
0xa8: {  	s5 =	sshll.u32 @p0 s5, $0xE  }
0xa9: {  	s5 =	sadd.s32 @p0 $0x11B8D, s5;
	s6 =	sshll.u32 @p0 s4, $0x11  }
0xaa: {  	s5 =	sor.u32 @p0 s6, s5  }
0xab: {  	[sflag:s5] =	ssyncadd.remote.s32 @p0 $0x1;
	_ =	sdelay $0x1  }
0xac: {  	s5 =	simm.s32 @p0 $0x1B8D  }
0xad: {  	_ =	swait.eq @p0 [sflag:s5], $0x1  }
0xae: {  	[sflag:s5] =	ssyncadd.s32 @p0 $0xFFFFFFFF  }
0xaf: {  	s6 =	sshll.u32 @!p0 s1, $0xE  }
0xb0: {  	s6 =	sor.u32 @!p0 $0x4000, s6;
	s5 =	simm.s32 @!p0 $0x1B8D  }
0xb1: {  	s4 =	sshll.u32 @!p0 s4, $0x11;
	s6 =	sadd.s32 @!p0 $0x11B8D, s6;
	_ =	swait.eq @!p0 [sflag:s5], $0x1  }
0xb2: {  	s4 =	sor.u32 @!p0 s4, s6;
	[sflag:s5] =	ssyncadd.s32 @!p0 $0xFFFFFFFF  }
0xb3: {  	s25 =	simm.s32 $0x1B8E;
	s24 =	sld [smem:$0x3FFE];
	[sflag:s4] =	ssyncadd.remote.s32 @!p0 $0x1  }
0xb4: {  	s26 =	simm.s32 $execute0_lowered;
	[smem:$0x3FD2] =	sst s25  }
0xb5: {  	s5 =	sshll.u32 s26, $0x1;
	_ =	strace $0x8000004F;
	[dreg:$0x1] =	wrdreg $0xFFFFFFFF  }
0xb6: {  	s28 =	simm.s32 $_size_execute0_lowered;
	s3 =	sadd.s32 s3, s5;
	[dreg:$0x0] =	wrdreg $0x0  }
0xb7: {  	s5 =	sshll.u32 s28, $0x1;
	[dreg:$0x2] =	wrdreg s3  }
0xb8: {  	[dreg:$0x3] =	wrdreg s5  }
0xb9: {  	[dreg:$0x4] =	wrdreg $0xC0  }
0xba: {  	_ =	task [dreg:s22], $0x5FFFF  }
0xbb: {  	[dreg:$0x1] =	wrdreg $0xFFFFFFFF  }
0xbc: {  	[dreg:$0x0] =	wrdreg $0x60  }
0xbd: {  	[dreg:$0x2] =	wrdreg s24  }
0xbe: {  	[dreg:$0x3] =	wrdreg $0x9  }
0xbf: {  	_ =	task.clear_ibuf [dreg:s22], $0x4FFFF;
	_ =	strace $0x9000004F  }
0xc0: {  	s29 =	simm.s32 $0x9;
	_ =	strace $0x80000051  }
0xc1: {  	_ =	swait.ge [sflag:s29], $0x1  }
0xc2: {  	[sflag:s29] =	ssyncadd.s32 $0xFFFFFFFF  }
0xc3: {  	_ =	strace $0x90000051  }
0xc4: {  	_ =	sfence  }
0xc5: {  	s30 =	sld [smem:$0x0];
	_ =	sdelay $0x2  }
0xc6: {  	s31 =	sshll.u32 s1, $0xD;
	s1 =	sshrl.u32 s1, $0x2  }
0xc7: {  	s4 =	sand.u32 $0x4000, s31;
	s1 =	sadd.s32 s1, s30  }
0xc8: {  	s0 =	sor.u32 s4, s0;
	s1 =	sshll.u32 s1, $0x11  }
0xc9: {  	s0 =	sor.u32 s1, s0  }
0xca: {  	s0 =	sadd.s32 $0x8F2B, s0  }
0xcb: {  	[sflag:s0] =	ssyncadd.remote.s32 $0x1  }
0xcc: {  	_ =	sfence.sel $0xFFFF  }
0xcd: {  	[dreg:$0x0] =	wrdreg $0xFFFFFFFF;
	(pc) =	sbr.abs _section_cstart, $3  }
0xce: {  	[dreg:$0x1] =	wrdreg $0xFFFFFFFF  }
0xcf: {  	_ =	task.clear_ibuf [dreg:s22], $0x2FFFF;
	_ =	strace $0x9FFFFFFF  }
0xd0: {  	(tm) =	ssettm $0x7FFFFFFF  }
0xd1: {  	_ =	shalt  }
tec
execute0_lowered:
.L_overlay_start_1:
0x0: {  	(tag) =	ssettag $0x1  }
0x1: {  	s4 =	rddreg [dreg:$0x0]  }
0x2: {  	s0 =	rddreg [dreg:$0x1]  }
0x3: {  	s2 =	simm.s32 $0x0;
	s3 =	srdreg.scid;
	s1 =	stileid.u32  }
0x4: {  	s10 =	simm.s32 $0x4800;
	s11 =	simm.s32 $0x8800;
	s12 =	simm.s32 $0xC800  }
0x5: {  	s13 =	simm.s32 $0x1;
	s14 =	simm.s32 $0x2;
	s15 =	simm.s32 $0x3  }
0x6: {  	s16 =	simm.s32 $0x4;
	s17 =	simm.s32 $0x5;
	s18 =	simm.s32 $0x6  }
0x7: {  	s19 =	simm.s32 $0x7;
	s20 =	simm.s32 $0x8;
	s21 =	simm.s32 $0x0  }
0x8: {  	[smem:$0x7FF] =	sst s2;
	s5 =	sand.u32 $0x1, s3;
	s3 =	sadd.s32 $0x381C00, s4  }
0x9: {  	s6 =	sshll.u32 s1, $0x9;
	s30 =	sshll.u32 s1, $0x10;
	_ =	strace $0x80000050  }
0xa: {  	s7 =	sshll.u32 s5, $0x8;
	s8 =	ssub.s32 $0x2, s5;
	s5 =	sshll.u32 s5, $0xF  }
0xb: {  	s6 =	sor.u32 s7, s6;
	s7 =	sadd.s32 s30, s4;
	s9 =	sshrl.u32 s8, $0x1  }
0xc: {  	s4 =	sadd.s32 s6, s4;
	s31 =	ssub.s32 s8, s9;
	s7 =	sadd.s32 s5, s7  }
0xd: {  	s8 =	simm.s32 $0x80;
	s9 =	simm.s32 $0x800;
	s4 =	sadd.s32 $0x3C00, s4  }
0xe: {  	s5 =	smax.u32 s31, $0x1;
	s6 =	sadd.s32 $0x207400, s7;
	s7 =	simm.s32 $0x9  }
.LBB2_1:
0xf: {  	[tilespmem:s2], [sflag:$0x9] =	stream.linear.gather [hbm4b:s4+s2], $0x800, $0x38;
	[tilespmem:$0x10800] =	vst v63  }
0x10: {  	_ =	swait.ge [sflag:s7], $0x800  }
0x11: {  	[sflag:s7] =	ssyncset.done $0x0  }
0x12: {  	s22 =	simm.s32 $0x0;
	[sflag:s7] =	ssyncadd.s32 $0xFFFFF800  }
0x13: {  	[tilespmem:s9], [sflag:$0x1] =	stream.indirect.gather [hbm4b:s3+s8], $0x80, s22, s8, $0xb8;
	[tilespmem:$0x10800] =	vst v63  }
0x14: {  	s25 =	simm.s32 $0x80  }
0x15: {  	[tilespmem:s10], [sflag:$0x2] =	stream.indirect.gather [hbm4b:s3+s8], $0x80, s25, s8, $0xb8;
	[tilespmem:$0x10800] =	vst v63  }
0x16: {  	s26 =	simm.s32 $0x100  }
0x17: {  	[tilespmem:s11], [sflag:$0x3] =	stream.indirect.gather [hbm4b:s3+s8], $0x80, s26, s8, $0xb8;
	[tilespmem:$0x10800] =	vst v63  }
0x18: {  	s28 =	simm.s32 $0x180  }
0x19: {  	[tilespmem:s12], [sflag:$0x4] =	stream.indirect.gather [hbm4b:s3+s8], $0x80, s28, s8, $0xb8;
	[tilespmem:$0x10800] =	vst v63  }
0x1a: {  	_ =	swait.ge [sflag:s13], $0x4000  }
0x1b: {  	[sflag:s13] =	ssyncset.done $0x0  }
0x1c: {  	s29 =	sadd.s32 $0xFFFFE800, s6;
	[sflag:s13] =	ssyncadd.s32 $0xFFFFC000  }
0x1d: {  	[hbm4b:s29+s2] =	stream.linear.scatter [tilespmem:s9], [sflag:$0x5], $0x4000, $0x38;
	[tilespmem:$0x10800] =	vst v63  }
0x1e: {  	_ =	swait.ge [sflag:s14], $0x4000  }
0x1f: {  	[sflag:s14] =	ssyncset.done $0x0  }
0x20: {  	s30 =	sadd.s32 $0xFFFFF000, s6;
	[sflag:s14] =	ssyncadd.s32 $0xFFFFC000  }
0x21: {  	[hbm4b:s30+s2] =	stream.linear.scatter [tilespmem:s10], [sflag:$0x6], $0x4000, $0x38;
	[tilespmem:$0x10800] =	vst v63  }
0x22: {  	_ =	swait.ge [sflag:s15], $0x4000  }
0x23: {  	[sflag:s15] =	ssyncset.done $0x0  }
0x24: {  	s31 =	sadd.s32 $0xFFFFF800, s6;
	[sflag:s15] =	ssyncadd.s32 $0xFFFFC000  }
0x25: {  	[hbm4b:s31+s2] =	stream.linear.scatter [tilespmem:s11], [sflag:$0x7], $0x4000, $0x38;
	[tilespmem:$0x10800] =	vst v63  }
0x26: {  	_ =	swait.ge [sflag:s16], $0x4000  }
0x27: {  	[sflag:s16] =	ssyncset.done $0x0  }
0x28: {  	[sflag:s16] =	ssyncadd.s32 $0xFFFFC000  }
0x29: {  	[hbm4b:s6+s2] =	stream.linear.scatter [tilespmem:s12], [sflag:$0x8], $0x4000, $0x38;
	[tilespmem:$0x10800] =	vst v63  }
0x2a: {  	_ =	swait.ge [sflag:s17], $0x4000  }
0x2b: {  	[sflag:s17] =	ssyncset.done $0x0  }
0x2c: {  	[sflag:s17] =	ssyncadd.s32 $0xFFFFC000  }
0x2d: {  	_ =	swait.ge [sflag:s18], $0x4000  }
0x2e: {  	[sflag:s18] =	ssyncset.done $0x0  }
0x2f: {  	[sflag:s18] =	ssyncadd.s32 $0xFFFFC000  }
0x30: {  	_ =	swait.ge [sflag:s19], $0x4000  }
0x31: {  	[sflag:s19] =	ssyncset.done $0x0  }
0x32: {  	[sflag:s19] =	ssyncadd.s32 $0xFFFFC000  }
0x33: {  	s23 =	simm.s32 $0x800;
	_ =	swait.ge [sflag:s20], $0x4000  }
0x34: {  	s22 =	sadd.s32 $0x2000, s6;
	s25 =	simm.s32 $0x1000;
	[sflag:s20] =	ssyncset.done $0x0  }
.LBB2_2:
0x35: {  	s26 =	sshra.s32 s23, $0x2  }
0x36: {  	[sflag:s20] =	ssyncadd.s32 $0xFFFFC000;
	s23 =	smov.u32 s25;
	s24 =	sadd.s32 $0x800, s25  }
0x37: {  	[tilespmem:s9], [sflag:$0x1] =	stream.indirect.gather [hbm4b:s3+s8], $0x80, s26, s8, $0xb8;
	[tilespmem:$0x10800] =	vst v63  }
0x38: {  	p0 =	sne.s32 s25, $0x1800;
	s25 =	sadd.s32 $0x80, s26  }
0x39: {  	[tilespmem:s10], [sflag:$0x2] =	stream.indirect.gather [hbm4b:s3+s8], $0x80, s25, s8, $0xb8;
	[tilespmem:$0x10800] =	vst v63  }
0x3a: {  	s25 =	sadd.s32 $0x100, s26  }
0x3b: {  	[tilespmem:s11], [sflag:$0x3] =	stream.indirect.gather [hbm4b:s3+s8], $0x80, s25, s8, $0xb8;
	[tilespmem:$0x10800] =	vst v63  }
0x3c: {  	s25 =	sadd.s32 $0x180, s26  }
0x3d: {  	[tilespmem:s12], [sflag:$0x4] =	stream.indirect.gather [hbm4b:s3+s8], $0x80, s25, s8, $0xb8;
	[tilespmem:$0x10800] =	vst v63  }
0x3e: {  	_ =	swait.ge [sflag:s13], $0x4000  }
0x3f: {  	[sflag:s13] =	ssyncset.done $0x0  }
0x40: {  	s25 =	sadd.s32 $0xFFFFE800, s22;
	[sflag:s13] =	ssyncadd.s32 $0xFFFFC000  }
0x41: {  	[hbm4b:s25+s2] =	stream.linear.scatter [tilespmem:s9], [sflag:$0x5], $0x4000, $0x38;
	[tilespmem:$0x10800] =	vst v63  }
0x42: {  	_ =	swait.ge [sflag:s14], $0x4000  }
0x43: {  	[sflag:s14] =	ssyncset.done $0x0  }
0x44: {  	s25 =	sadd.s32 $0xFFFFF000, s22;
	[sflag:s14] =	ssyncadd.s32 $0xFFFFC000  }
0x45: {  	[hbm4b:s25+s2] =	stream.linear.scatter [tilespmem:s10], [sflag:$0x6], $0x4000, $0x38;
	[tilespmem:$0x10800] =	vst v63  }
0x46: {  	_ =	swait.ge [sflag:s15], $0x4000  }
0x47: {  	[sflag:s15] =	ssyncset.done $0x0  }
0x48: {  	s25 =	sadd.s32 $0xFFFFF800, s22;
	[sflag:s15] =	ssyncadd.s32 $0xFFFFC000  }
0x49: {  	[hbm4b:s25+s2] =	stream.linear.scatter [tilespmem:s11], [sflag:$0x7], $0x4000, $0x38;
	[tilespmem:$0x10800] =	vst v63  }
0x4a: {  	_ =	swait.ge [sflag:s16], $0x4000  }
0x4b: {  	[sflag:s16] =	ssyncset.done $0x0  }
0x4c: {  	[sflag:s16] =	ssyncadd.s32 $0xFFFFC000  }
0x4d: {  	[hbm4b:s22+s2] =	stream.linear.scatter [tilespmem:s12], [sflag:$0x8], $0x4000, $0x38;
	[tilespmem:$0x10800] =	vst v63  }
0x4e: {  	_ =	swait.ge [sflag:s17], $0x4000  }
0x4f: {  	[sflag:s17] =	ssyncset.done $0x0  }
0x50: {  	[sflag:s17] =	ssyncadd.s32 $0xFFFFC000  }
0x51: {  	_ =	swait.ge [sflag:s18], $0x4000  }
0x52: {  	[sflag:s18] =	ssyncset.done $0x0  }
0x53: {  	[sflag:s18] =	ssyncadd.s32 $0xFFFFC000  }
.Ltmp0:
0x54: {  	_ =	swait.ge [sflag:s19], $0x4000;
	(pc) =	sbr.rel @p0 .LBB2_2-.Ltmp0, $4  }
0x55: {  	[sflag:s19] =	ssyncset.done $0x0  }
0x56: {  	[sflag:s19] =	ssyncadd.s32 $0xFFFFC000  }
0x57: {  	_ =	swait.ge [sflag:s20], $0x4000  }
0x58: {  	s25 =	smov.u32 s24;
	s22 =	sadd.s32 $0x2000, s22;
	[sflag:s20] =	ssyncset.done $0x0  }
0x59: {  	s23 =	sshra.s32 s23, $0x2;
	[sflag:s20] =	ssyncadd.s32 $0xFFFFC000  }
0x5a: {  	[tilespmem:s9], [sflag:$0x1] =	stream.indirect.gather [hbm4b:s3+s8], $0x80, s23, s8, $0xb8;
	[tilespmem:$0x10800] =	vst v63  }
0x5b: {  	s24 =	sadd.s32 $0x80, s23  }
0x5c: {  	[tilespmem:s10], [sflag:$0x2] =	stream.indirect.gather [hbm4b:s3+s8], $0x80, s24, s8, $0xb8;
	[tilespmem:$0x10800] =	vst v63  }
0x5d: {  	s28 =	sadd.s32 $0x100, s23  }
0x5e: {  	[tilespmem:s11], [sflag:$0x3] =	stream.indirect.gather [hbm4b:s3+s8], $0x80, s28, s8, $0xb8;
	[tilespmem:$0x10800] =	vst v63  }
0x5f: {  	s23 =	sadd.s32 $0x180, s23  }
0x60: {  	[tilespmem:s12], [sflag:$0x4] =	stream.indirect.gather [hbm4b:s3+s8], $0x80, s23, s8, $0xb8;
	[tilespmem:$0x10800] =	vst v63  }
0x61: {  	_ =	swait.ge [sflag:s13], $0x4000  }
0x62: {  	[sflag:s13] =	ssyncset.done $0x0  }
0x63: {  	s29 =	sadd.s32 $0xFFFFE800, s22;
	[sflag:s13] =	ssyncadd.s32 $0xFFFFC000  }
0x64: {  	[hbm4b:s29+s2] =	stream.linear.scatter [tilespmem:s9], [sflag:$0x5], $0x4000, $0x38;
	[tilespmem:$0x10800] =	vst v63  }
0x65: {  	_ =	swait.ge [sflag:s14], $0x4000  }
0x66: {  	[sflag:s14] =	ssyncset.done $0x0  }
0x67: {  	s30 =	sadd.s32 $0xFFFFF000, s22;
	[sflag:s14] =	ssyncadd.s32 $0xFFFFC000  }
0x68: {  	[hbm4b:s30+s2] =	stream.linear.scatter [tilespmem:s10], [sflag:$0x6], $0x4000, $0x38;
	[tilespmem:$0x10800] =	vst v63  }
0x69: {  	_ =	swait.ge [sflag:s15], $0x4000  }
0x6a: {  	[sflag:s15] =	ssyncset.done $0x0  }
0x6b: {  	s31 =	sadd.s32 $0xFFFFF800, s22;
	[sflag:s15] =	ssyncadd.s32 $0xFFFFC000  }
0x6c: {  	[hbm4b:s31+s2] =	stream.linear.scatter [tilespmem:s11], [sflag:$0x7], $0x4000, $0x38;
	[tilespmem:$0x10800] =	vst v63  }
0x6d: {  	_ =	swait.ge [sflag:s16], $0x4000  }
0x6e: {  	[sflag:s16] =	ssyncset.done $0x0  }
0x6f: {  	[sflag:s16] =	ssyncadd.s32 $0xFFFFC000  }
0x70: {  	[hbm4b:s22+s2] =	stream.linear.scatter [tilespmem:s12], [sflag:$0x8], $0x4000, $0x38;
	[tilespmem:$0x10800] =	vst v63  }
0x71: {  	_ =	swait.ge [sflag:s17], $0x4000  }
0x72: {  	[sflag:s17] =	ssyncset.done $0x0  }
0x73: {  	[sflag:s17] =	ssyncadd.s32 $0xFFFFC000  }
0x74: {  	_ =	swait.ge [sflag:s18], $0x4000  }
0x75: {  	[sflag:s18] =	ssyncset.done $0x0  }
0x76: {  	s21 =	sadd.s32 $0x1, s21;
	[sflag:s18] =	ssyncadd.s32 $0xFFFFC000  }
0x77: {  	p0 =	sne.s32 s21, s5;
	_ =	swait.ge [sflag:s19], $0x4000  }
.Ltmp1:
0x78: {  	[sflag:s19] =	ssyncset.done $0x0;
	(pc) =	sbr.rel @p0 .LBB2_1-.Ltmp1, $4  }
0x79: {  	[sflag:s19] =	ssyncadd.s32 $0xFFFFC000  }
0x7a: {  	_ =	swait.ge [sflag:s20], $0x4000  }
0x7b: {  	[sflag:s20] =	ssyncset.done $0x0  }
0x7c: {  	[sflag:s20] =	ssyncadd.s32 $0xFFFFC000  }
0x7d: {  	_ =	sfence.sel $0x180000  }
0x7e: {  	[bflag:$0x0] =	sbarrier.arrive $0xFFFF  }
0x7f: {  	p0 =	sne.s32 s1, $0x0;
	_ =	strace $0x90000050  }
0x80: {  	s0 =	sadd.s32 @!p0 $0x100000, s0;
	[bflag:$0x2] =	sbarrier.arrive $0xFFFF  }
0x81: {  	[sflag:s0] =	ssyncadd.tile.s32 @!p0 $0x1;
	_ =	shalt  }
.Lfunc_end2:
_tile_overlayer_lowered:
.L_overlay_start_2:
0x82: {  	(tag) =	ssettag $0x2  }
0x83: {  	s0 =	rddreg [dreg:$0x0];
	s2 =	stileid.u32  }
0x84: {  	s1 =	rddreg [dreg:$0x1];
	p0 =	sne.s32 s2, $0x0  }
0x85: {  	s3 =	rddreg [dreg:$0x2];
	[bflag:$0x3] =	sbarrier.arrive $0xFFFF;
	s2 =	simm.s32 @!p0 $0x1C09  }
0x86: {  	[timem:s3], [sflag:s2] =	dma.local @!p0 [hbm:s0], s1  }
0x87: {  	s0 =	simm.s32 @!p0 $0x9  }
0x88: {  	_ =	swait.ge @!p0 [sflag:s0], s1  }
0x89: {  	s1 =	ssub.s32 @!p0 $0x0, s1;
	[sflag:s0] =	ssyncset.done @!p0 $0x0  }
0x8a: {  	[sflag:s0] =	ssyncadd.s32 @!p0 s1  }
0x8b: {  	[bflag:$0x3] =	sbarrier.arrive $0xFFFF  }
0x8c: {  	_ =	shalt  }

// kernel: kernel.19.cloned.1.call-start
scs
__scs_entry_jumppad:
0x0: {  	(pc) =	sbr.rel $0x88, $3  }
0x1: {  	(tag) =	ssettag $0x0;
	lr =	simm.s32 $0x1  }
0x2: {  	[smem:$0x3F9E] =	sst lr;
	_ =	strace $0xD0000000  }
0x3: {  	_ = 	snop  }
0x4: {  	_ = 	snop  }
0x5: {  	_ = 	snop  }
0x6: {  	_ = 	snop  }
0x7: {  	_ = 	snop  }
__scs_overlays_trampoline_lowered:
0x8: {  	[smem:$0x3FAD] =	sst s0  }
0x9: {  	[smem:$0x3FAE] =	sst s1  }
0xa: {  	[smem:$0x3FAF] =	sst s2  }
0xb: {  	[smem:$0x3FB0] =	sst s3  }
0xc: {  	[smem:$0x3FB1] =	sst s4  }
0xd: {  	[smem:$0x3FB2] =	sst s5  }
0xe: {  	[smem:$0x3FB3] =	sst s6  }
0xf: {  	[smem:$0x3FB4] =	sst s7  }
0x10: {  	[smem:$0x3FB5] =	sst s8  }
0x11: {  	[smem:$0x3FB6] =	sst s9;
	s0 =	simm.s32 @!p0 $0x0  }
0x12: {  	s1 =	sld [smem:$0x3F9C];
	s0 =	simm.s32 @p0 $0x1  }
0x13: {  	[smem:$0x3FB7] =	sst s0;
	s0 =	simm.s32 @!p1 $0x0  }
0x14: {  	s2 =	sld [smem:$0x3F9B];
	s0 =	simm.s32 @p1 $0x1  }
0x15: {  	[smem:$0x3FB8] =	sst s0;
	s0 =	simm.s32 @!p2 $0x0  }
0x16: {  	s3 =	sld [smem:$0x3FDB];
	s0 =	simm.s32 @p2 $0x1  }
0x17: {  	s4 =	simm.s32 $0x1BF5;
	[smem:$0x3FBA] =	sst s0  }
0x18: {  	s0 =	sld [smem:$0x3F9D];
	_ =	swait.ge [sflag:s4], $0x0  }
0x19: {  	s7 =	sld [smem:$0x3F9E]  }
0x1a: {  	s8 =	sadd.s32 $0xFFFFE003, lr  }
0x1b: {  	s9 =	sadd.s32 $0xFFFFFEF7, lr;
	s5 =	simm.s32 $0xFFFFFFFF;
	p2 =	slt.u32 s8, $0xFFFFF086  }
0x1c: {  	p1 =	slt.u32 s9, $0xF7A;
	s5 =	simm.s32 @!p2 $0x0  }
0x1d: {  	s5 =	simm.s32 @p1 $0x1;
	p0 =	seq.s32 s7, s2  }
0x1e: {  	s7 =	smul.u32 @!p0 $0xF7A, s2;
	p2 =	seq.s32 @!p0 s5, $0x0  }
0x1f: {  	s9 =	smul.u32 $0xF7A, s1;
	s8 =	simm.s32 @!p0 $0x1BF5;
	p2 =	por !p2, p0  }
0x20: {  	[sflag:s8] =	ssyncset.s32 @!p0 $0xFFFFF086;
	s6 =	sadd.s32 @!p0 s3, s7;
	s7 =	simm.s32 @!p0 $0x108  }
0x21: {  	s3 =	sadd.s32 s3, s9;
	s6 =	sadd.s32 @!p0 $0x88, s6;
	s7 =	simm.s32 @p2 $0x1082  }
0x22: {  	[simem:s7], [sflag:s8] =	dma.local @!p0 [hbm:s6], $0xF7A  }
0x23: {  	s9 =	sor.u32 $0xD0000000, s2;
	s6 =	simm.s32 $0x108;
	_ =	swait.ge @!p0 [sflag:s8], $0x0  }
0x24: {  	s3 =	sadd.s32 $0x88, s3;
	s6 =	simm.s32 @!p1 $0x1082;
	[sflag:s4] =	ssyncset.s32 $0xFFFFF086  }
0x25: {  	[simem:s6], [sflag:s4] =	dma.local [hbm:s3], $0xF7A  }
0x26: {  	[smem:$0x3F9E] =	sst s1;
	(tag) =	ssettag s2;
	_ =	strace s9  }
0x27: {  	s1 =	sld [smem:$0x3FAE]  }
0x28: {  	s2 =	sld [smem:$0x3FAF]  }
0x29: {  	s4 =	sld [smem:$0x3FB1]  }
0x2a: {  	p0 =	seq.s32 s5, $0x0;
	s5 =	sld [smem:$0x3FB2]  }
0x2b: {  	s6 =	sld [smem:$0x3FB3]  }
0x2c: {  	s7 =	sld [smem:$0x3FB4]  }
0x2d: {  	s3 =	simm.s32 $0x108;
	s8 =	sld [smem:$0x3FB5]  }
0x2e: {  	s3 =	simm.s32 @!p0 $0x1082;
	s9 =	sld [smem:$0x3FB6]  }
0x2f: {  	lr =	sadd.s32 s0, s3;
	s0 =	sld [smem:$0x3FAD]  }
0x30: {  	s3 =	sld [smem:$0x3FB0]  }
0x31: {  	[smem:$0x3FB9] =	sst s10  }
0x32: {  	s10 =	sld [smem:$0x3FB7];
	_ =	sdelay $0x3  }
0x33: {  	p0 =	seq.s32 s10, $0x1;
	s10 =	sld [smem:$0x3FB9];
	_ =	sdelay $0x3  }
0x34: {  	[smem:$0x3FB9] =	sst s10  }
0x35: {  	s10 =	sld [smem:$0x3FB8];
	_ =	sdelay $0x3  }
0x36: {  	p1 =	seq.s32 s10, $0x1;
	s10 =	sld [smem:$0x3FB9];
	_ =	sdelay $0x3  }
0x37: {  	[smem:$0x3FB9] =	sst s10  }
0x38: {  	s10 =	sld [smem:$0x3FBA]  }
0x39: {  	_ = 	snop;
	(pc) =	sbr.ind lr, $3  }
0x3a: {  	_ = 	snop  }
0x3b: {  	_ = 	snop  }
0x3c: {  	p2 =	seq.s32 s10, $0x1;
	s10 =	sld [smem:$0x3FB9]  }
0x3d: {  	_ =	shalt  }
0x3e: {  	_ =	shalt  }
0x3f: {  	_ =	shalt  }
0x40: {  	_ =	shalt  }
0x41: {  	_ =	shalt  }
0x42: {  	_ =	shalt  }
0x43: {  	_ =	shalt  }
0x44: {  	_ =	shalt  }
0x45: {  	_ =	shalt  }
0x46: {  	_ =	shalt  }
0x47: {  	_ =	shalt  }
0x48: {  	_ =	shalt  }
0x49: {  	_ =	shalt  }
0x4a: {  	_ =	shalt  }
0x4b: {  	_ =	shalt  }
0x4c: {  	_ =	shalt  }
0x4d: {  	_ =	shalt  }
0x4e: {  	_ =	shalt  }
0x4f: {  	_ =	shalt  }
0x50: {  	_ =	shalt  }
0x51: {  	_ =	shalt  }
0x52: {  	_ =	shalt  }
0x53: {  	_ =	shalt  }
0x54: {  	_ =	shalt  }
0x55: {  	_ =	shalt  }
0x56: {  	_ =	shalt  }
0x57: {  	_ =	shalt  }
0x58: {  	_ =	shalt  }
0x59: {  	_ =	shalt  }
0x5a: {  	_ =	shalt  }
0x5b: {  	_ =	shalt  }
0x5c: {  	_ =	shalt  }
0x5d: {  	_ =	shalt  }
0x5e: {  	_ =	shalt  }
0x5f: {  	_ =	shalt  }
0x60: {  	_ =	shalt  }
0x61: {  	_ =	shalt  }
0x62: {  	_ =	shalt  }
0x63: {  	_ =	shalt  }
0x64: {  	_ =	shalt  }
0x65: {  	_ =	shalt  }
0x66: {  	_ =	shalt  }
0x67: {  	_ =	shalt  }
0x68: {  	_ =	shalt  }
0x69: {  	_ =	shalt  }
0x6a: {  	_ =	shalt  }
0x6b: {  	_ =	shalt  }
0x6c: {  	_ =	shalt  }
0x6d: {  	_ =	shalt  }
0x6e: {  	_ =	shalt  }
0x6f: {  	_ =	shalt  }
0x70: {  	_ =	shalt  }
0x71: {  	_ =	shalt  }
0x72: {  	_ =	shalt  }
0x73: {  	_ =	shalt  }
0x74: {  	_ =	shalt  }
0x75: {  	_ =	shalt  }
0x76: {  	_ =	shalt  }
0x77: {  	_ =	shalt  }
0x78: {  	_ =	shalt  }
0x79: {  	_ =	shalt  }
0x7a: {  	_ =	shalt  }
0x7b: {  	_ =	shalt  }
0x7c: {  	_ =	shalt  }
0x7d: {  	_ =	shalt  }
0x7e: {  	_ =	shalt  }
0x7f: {  	_ =	shalt  }
0x80: {  	_ =	shalt  }
0x81: {  	_ =	shalt  }
0x82: {  	_ =	shalt  }
0x83: {  	_ =	shalt  }
0x84: {  	_ =	shalt  }
0x85: {  	_ =	shalt  }
0x86: {  	_ =	shalt  }
0x87: {  	_ =	shalt  }
.Lfunc_end0:
.L_simem_size_0:
called_computation.2_lowered:
.L_overlay_start_0:
0x88: {  	s2 =	sld [smem:$0x3FD9]  }
0x89: {  	s3 =	sld [smem:$0x3FFE];
	_ =	sdelay $0x1  }
0x8a: {  	s1 =	srdreg.scid  }
0x8b: {  	s0 =	sand.u32 $0x1, s1  }
0x8c: {  	s16 =	sshll.u32 s0, $0xA;
	s2 =	sadd.s32 s3, s2  }
0x8d: {  	s2 =	sadd.s32 s2, s16  }
0x8e: {  	[smem:$0x3FC5] =	sst s2  }
0x8f: {  	_ = 	snop  }
0x90: {  	(tm) =	ssettm $0x1  }
0x91: {  	s17 =	sld [smem:$0x3FFB];
	_ =	sdelay $0x3  }
0x92: {  	_ =	strace s17  }
0x93: {  	s2 =	sld [smem:$0x3FFC];
	_ =	sdelay $0x3  }
0x94: {  	_ =	strace s2  }
0x95: {  	s2 =	sld [smem:$0x3FFD];
	_ =	sdelay $0x3  }
0x96: {  	_ =	strace s2  }
0x97: {  	_ =	strace $0x8FFFFFFF  }
0x98: {  	s18 =	sld [smem:$0x3FDB];
	_ =	sdelay $0x1  }
0x99: {  	s19 =	simm.s32 $_scs_section_size  }
0x9a: {  	s4 =	simm.s32 $_size__tile_overlayer_lowered;
	s5 =	simm.s32 $_tile_overlayer_lowered  }
0x9b: {  	s22 =	simm.s32 $0x1BFF;
	s21 =	sshll.u32 s5, $0x1;
	s2 =	sadd.s32 s19, s18  }
0x9c: {  	s6 =	simm.s32 $0x0;
	s20 =	sshll.u32 s4, $0x1;
	s4 =	sadd.s32 s21, s2  }
0x9d: {  	[timem:s6], [sflag:s22] =	dma.local [hbm:s4], s20  }
0x9e: {  	_ =	swait.ge [sflag:s22], s20  }
0x9f: {  	s3 =	ssub.s32 $0x0, s20;
	[sflag:s22] =	ssyncset.done $0x0  }
0xa0: {  	[sflag:s22] =	ssyncadd.s32 s3;
	_ =	sdelay $0x1  }
0xa1: {  	s23 =	simm.s32 $0x1B8B  }
0xa2: {  	_ =	swait.ge [sflag:s23], $0x1  }
0xa3: {  	[sflag:s23] =	ssyncset.done $0x0  }
0xa4: {  	s25 =	simm.s32 $0x1B8E;
	s24 =	sld [smem:$0x3FFE];
	[sflag:s23] =	ssyncadd.s32 $0xFFFFFFFF  }
0xa5: {  	s26 =	simm.s32 $execute0_lowered;
	[smem:$0x3FD2] =	sst s25  }
0xa6: {  	s4 =	sshll.u32 s26, $0x1;
	_ =	strace $0x80000046;
	[dreg:$0x1] =	wrdreg $0xFFFFFFFF  }
0xa7: {  	s28 =	simm.s32 $_size_execute0_lowered;
	s2 =	sadd.s32 s2, s4;
	[dreg:$0x0] =	wrdreg $0x0  }
0xa8: {  	s4 =	sshll.u32 s28, $0x1;
	[dreg:$0x2] =	wrdreg s2  }
0xa9: {  	[dreg:$0x3] =	wrdreg s4  }
0xaa: {  	[dreg:$0x4] =	wrdreg $0xC0  }
0xab: {  	_ =	task [dreg:s6], $0x5FFFF  }
0xac: {  	[dreg:$0x1] =	wrdreg $0xFFFFFFFF  }
0xad: {  	[dreg:$0x0] =	wrdreg $0x60  }
0xae: {  	[dreg:$0x2] =	wrdreg s24  }
0xaf: {  	[dreg:$0x3] =	wrdreg $0xA  }
0xb0: {  	_ =	task.clear_ibuf [dreg:s6], $0x4FFFF;
	_ =	strace $0x90000046  }
0xb1: {  	s29 =	simm.s32 $0xA;
	_ =	strace $0x80000048  }
0xb2: {  	_ =	swait.ge [sflag:s29], $0x1  }
0xb3: {  	[sflag:s29] =	ssyncadd.s32 $0xFFFFFFFF  }
0xb4: {  	_ =	strace $0x90000048  }
0xb5: {  	_ =	sfence  }
0xb6: {  	s30 =	sld [smem:$0x0];
	_ =	sdelay $0x2  }
0xb7: {  	s31 =	sshll.u32 s1, $0xD;
	s1 =	sshrl.u32 s1, $0x2  }
0xb8: {  	s3 =	sand.u32 $0x4000, s31;
	s1 =	sadd.s32 s1, s30  }
0xb9: {  	s0 =	sor.u32 s3, s0;
	s1 =	sshll.u32 s1, $0x11  }
0xba: {  	s0 =	sor.u32 s1, s0  }
0xbb: {  	s0 =	sadd.s32 $0x8F2B, s0  }
0xbc: {  	[sflag:s0] =	ssyncadd.remote.s32 $0x1  }
0xbd: {  	_ =	sfence.sel $0xFFFF  }
0xbe: {  	[dreg:$0x0] =	wrdreg $0xFFFFFFFF;
	(pc) =	sbr.abs _section_cstart, $3  }
0xbf: {  	[dreg:$0x1] =	wrdreg $0xFFFFFFFF  }
0xc0: {  	_ =	task.clear_ibuf [dreg:s6], $0x2FFFF;
	_ =	strace $0x9FFFFFFF  }
0xc1: {  	(tm) =	ssettm $0x7FFFFFFF  }
tec
execute0_lowered:
.L_overlay_start_1:
0x0: {  	(tag) =	ssettag $0x1  }
0x1: {  	s3 =	rddreg [dreg:$0x0]  }
0x2: {  	s0 =	rddreg [dreg:$0x1];
	s2 =	simm.s32 $0x0  }
0x3: {  	s1 =	stileid.u32;
	s4 =	srdreg.scid;
	s9 =	simm.s32 $0x4800  }
0x4: {  	s10 =	simm.s32 $0x8800;
	s11 =	simm.s32 $0xC800;
	s12 =	simm.s32 $0x1  }
0x5: {  	s13 =	simm.s32 $0x80;
	s14 =	simm.s32 $0x2;
	s15 =	simm.s32 $0x3  }
0x6: {  	s16 =	simm.s32 $0x4;
	s17 =	simm.s32 $0x5;
	s18 =	simm.s32 $0x6  }
0x7: {  	s19 =	simm.s32 $0x7;
	s20 =	simm.s32 $0x8;
	s21 =	simm.s32 $0x0  }
0x8: {  	[smem:$0x7FF] =	sst s2;
	s5 =	sshll.u32 s1, $0xF;
	s4 =	sand.u32 $0x1, s4  }
0x9: {  	s8 =	sshll.u32 s1, $0x9;
	_ =	strace $0x80000047;
	s30 =	sshll.u32 s4, $0x8  }
0xa: {  	s6 =	sadd.s32 s5, s3;
	s4 =	ssub.s32 $0x2, s4;
	s5 =	sadd.s32 s30, s3  }
0xb: {  	s7 =	sshrl.u32 s4, $0x1;
	s3 =	sadd.s32 $0x181C00, s3;
	s6 =	sadd.s32 $0x101C00, s6  }
0xc: {  	s7 =	ssub.s32 s4, s7;
	s31 =	sadd.s32 s8, s5;
	s8 =	simm.s32 $0x800  }
0xd: {  	s4 =	sadd.s32 $0x1C00, s31;
	s5 =	smax.u32 s7, $0x1;
	s7 =	simm.s32 $0x9  }
.LBB2_1:
0xe: {  	[tilespmem:s2], [sflag:$0x9] =	stream.linear.gather [hbm4b:s4+s2], $0x800, $0x38;
	[tilespmem:$0x10800] =	vst v63  }
0xf: {  	_ =	swait.ge [sflag:s7], $0x800  }
0x10: {  	[sflag:s7] =	ssyncset.done $0x0  }
0x11: {  	[sflag:s7] =	ssyncadd.s32 $0xFFFFF800  }
0x12: {  	[tilespmem:s8], [sflag:$0x1] =	stream.linear.gather [hbm4b:s6+s2], $0x4000, $0x38;
	[tilespmem:$0x10800] =	vst v63  }
0x13: {  	s22 =	sadd.s32 $0x800, s6  }
0x14: {  	[tilespmem:s9], [sflag:$0x2] =	stream.linear.gather [hbm4b:s22+s2], $0x4000, $0x38;
	[tilespmem:$0x10800] =	vst v63  }
0x15: {  	s25 =	sadd.s32 $0x1000, s6  }
0x16: {  	[tilespmem:s10], [sflag:$0x3] =	stream.linear.gather [hbm4b:s25+s2], $0x4000, $0x38;
	[tilespmem:$0x10800] =	vst v63  }
0x17: {  	s26 =	sadd.s32 $0x1800, s6  }
0x18: {  	[tilespmem:s11], [sflag:$0x4] =	stream.linear.gather [hbm4b:s26+s2], $0x4000, $0x38;
	[tilespmem:$0x10800] =	vst v63  }
0x19: {  	_ =	swait.ge [sflag:s12], $0x4000  }
0x1a: {  	[sflag:s12] =	ssyncset.done $0x0  }
0x1b: {  	s28 =	simm.s32 $0x0;
	[sflag:s12] =	ssyncadd.s32 $0xFFFFC000  }
0x1c: {  	[hbm4b:s3+s13] =	stream.indirect.scatter [tilespmem:s8], [sflag:$0x5], $0x80, s28, s13, $0xb8;
	[tilespmem:$0x10800] =	vst v63  }
0x1d: {  	_ =	swait.ge [sflag:s14], $0x4000  }
0x1e: {  	[sflag:s14] =	ssyncset.done $0x0  }
0x1f: {  	s29 =	simm.s32 $0x80;
	[sflag:s14] =	ssyncadd.s32 $0xFFFFC000  }
0x20: {  	[hbm4b:s3+s13] =	stream.indirect.scatter [tilespmem:s9], [sflag:$0x6], $0x80, s29, s13, $0xb8;
	[tilespmem:$0x10800] =	vst v63  }
0x21: {  	_ =	swait.ge [sflag:s15], $0x4000  }
0x22: {  	[sflag:s15] =	ssyncset.done $0x0  }
0x23: {  	s30 =	simm.s32 $0x100;
	[sflag:s15] =	ssyncadd.s32 $0xFFFFC000  }
0x24: {  	[hbm4b:s3+s13] =	stream.indirect.scatter [tilespmem:s10], [sflag:$0x7], $0x80, s30, s13, $0xb8;
	[tilespmem:$0x10800] =	vst v63  }
0x25: {  	_ =	swait.ge [sflag:s16], $0x4000  }
0x26: {  	[sflag:s16] =	ssyncset.done $0x0  }
0x27: {  	s31 =	simm.s32 $0x180;
	[sflag:s16] =	ssyncadd.s32 $0xFFFFC000  }
0x28: {  	[hbm4b:s3+s13] =	stream.indirect.scatter [tilespmem:s11], [sflag:$0x8], $0x80, s31, s13, $0xb8;
	[tilespmem:$0x10800] =	vst v63  }
0x29: {  	_ =	swait.ge [sflag:s17], $0x4000  }
0x2a: {  	[sflag:s17] =	ssyncset.done $0x0  }
0x2b: {  	[sflag:s17] =	ssyncadd.s32 $0xFFFFC000  }
0x2c: {  	_ =	swait.ge [sflag:s18], $0x4000  }
0x2d: {  	[sflag:s18] =	ssyncset.done $0x0  }
0x2e: {  	[sflag:s18] =	ssyncadd.s32 $0xFFFFC000  }
0x2f: {  	_ =	swait.ge [sflag:s19], $0x4000  }
0x30: {  	[sflag:s19] =	ssyncset.done $0x0  }
0x31: {  	[sflag:s19] =	ssyncadd.s32 $0xFFFFC000  }
0x32: {  	_ =	swait.ge [sflag:s20], $0x4000  }
0x33: {  	s23 =	smov.u32 s6;
	s22 =	simm.s32 $0x800;
	[sflag:s20] =	ssyncset.done $0x0  }
.LBB2_2:
0x34: {  	p0 =	sne.s32 s22, $0x1800;
	[sflag:s20] =	ssyncadd.s32 $0xFFFFC000;
	s23 =	sadd.s32 $0x2000, s23  }
0x35: {  	[tilespmem:s8], [sflag:$0x1] =	stream.linear.gather [hbm4b:s23+s2], $0x4000, $0x38;
	[tilespmem:$0x10800] =	vst v63  }
0x36: {  	s25 =	smov.u32 s22;
	s22 =	sadd.s32 $0x800, s22;
	s24 =	sadd.s32 $0x800, s23  }
0x37: {  	[tilespmem:s9], [sflag:$0x2] =	stream.linear.gather [hbm4b:s24+s2], $0x4000, $0x38;
	[tilespmem:$0x10800] =	vst v63  }
0x38: {  	s24 =	sadd.s32 $0x1000, s23  }
0x39: {  	[tilespmem:s10], [sflag:$0x3] =	stream.linear.gather [hbm4b:s24+s2], $0x4000, $0x38;
	[tilespmem:$0x10800] =	vst v63  }
0x3a: {  	s24 =	sadd.s32 $0x1800, s23  }
0x3b: {  	[tilespmem:s11], [sflag:$0x4] =	stream.linear.gather [hbm4b:s24+s2], $0x4000, $0x38;
	[tilespmem:$0x10800] =	vst v63  }
0x3c: {  	_ =	swait.ge [sflag:s12], $0x4000  }
0x3d: {  	[sflag:s12] =	ssyncset.done $0x0  }
0x3e: {  	s24 =	sshra.s32 s25, $0x2;
	[sflag:s12] =	ssyncadd.s32 $0xFFFFC000  }
0x3f: {  	[hbm4b:s3+s13] =	stream.indirect.scatter [tilespmem:s8], [sflag:$0x5], $0x80, s24, s13, $0xb8;
	[tilespmem:$0x10800] =	vst v63  }
0x40: {  	_ =	swait.ge [sflag:s14], $0x4000  }
0x41: {  	[sflag:s14] =	ssyncset.done $0x0  }
0x42: {  	s25 =	sadd.s32 $0x80, s24;
	[sflag:s14] =	ssyncadd.s32 $0xFFFFC000  }
0x43: {  	[hbm4b:s3+s13] =	stream.indirect.scatter [tilespmem:s9], [sflag:$0x6], $0x80, s25, s13, $0xb8;
	[tilespmem:$0x10800] =	vst v63  }
0x44: {  	_ =	swait.ge [sflag:s15], $0x4000  }
0x45: {  	[sflag:s15] =	ssyncset.done $0x0  }
0x46: {  	s25 =	sadd.s32 $0x100, s24;
	[sflag:s15] =	ssyncadd.s32 $0xFFFFC000  }
0x47: {  	[hbm4b:s3+s13] =	stream.indirect.scatter [tilespmem:s10], [sflag:$0x7], $0x80, s25, s13, $0xb8;
	[tilespmem:$0x10800] =	vst v63  }
0x48: {  	_ =	swait.ge [sflag:s16], $0x4000  }
0x49: {  	[sflag:s16] =	ssyncset.done $0x0  }
0x4a: {  	s24 =	sadd.s32 $0x180, s24;
	[sflag:s16] =	ssyncadd.s32 $0xFFFFC000  }
0x4b: {  	[hbm4b:s3+s13] =	stream.indirect.scatter [tilespmem:s11], [sflag:$0x8], $0x80, s24, s13, $0xb8;
	[tilespmem:$0x10800] =	vst v63  }
0x4c: {  	_ =	swait.ge [sflag:s17], $0x4000  }
0x4d: {  	[sflag:s17] =	ssyncset.done $0x0  }
0x4e: {  	[sflag:s17] =	ssyncadd.s32 $0xFFFFC000  }
0x4f: {  	_ =	swait.ge [sflag:s18], $0x4000  }
0x50: {  	[sflag:s18] =	ssyncset.done $0x0  }
0x51: {  	[sflag:s18] =	ssyncadd.s32 $0xFFFFC000  }
.Ltmp0:
0x52: {  	_ =	swait.ge [sflag:s19], $0x4000;
	(pc) =	sbr.rel @p0 .LBB2_2-.Ltmp0, $4  }
0x53: {  	[sflag:s19] =	ssyncset.done $0x0  }
0x54: {  	[sflag:s19] =	ssyncadd.s32 $0xFFFFC000  }
0x55: {  	_ =	swait.ge [sflag:s20], $0x4000  }
0x56: {  	[sflag:s20] =	ssyncset.done $0x0  }
0x57: {  	s21 =	sadd.s32 $0x1, s21  }
0x58: {  	p0 =	sne.s32 s21, s5  }
.Ltmp1:
0x59: {  	_ = 	snop;
	(pc) =	sbr.rel @p0 .LBB2_1-.Ltmp1, $2  }
0x5a: {  	_ =	sdelay $0x2  }
0x5b: {  	[sflag:s20] =	ssyncadd.s32 $0xFFFFC000  }
0x5c: {  	_ =	sfence.sel $0x180000  }
0x5d: {  	[bflag:$0x0] =	sbarrier.arrive $0xFFFF  }
0x5e: {  	p0 =	sne.s32 s1, $0x0;
	_ =	strace $0x90000047  }
0x5f: {  	s0 =	sadd.s32 @!p0 $0x100000, s0;
	[bflag:$0x2] =	sbarrier.arrive $0xFFFF  }
0x60: {  	[sflag:s0] =	ssyncadd.tile.s32 @!p0 $0x1;
	_ =	shalt  }
.Lfunc_end2:
_tile_overlayer_lowered:
.L_overlay_start_2:
0x61: {  	(tag) =	ssettag $0x2  }
0x62: {  	s0 =	rddreg [dreg:$0x0];
	s2 =	stileid.u32  }
0x63: {  	s1 =	rddreg [dreg:$0x1];
	p0 =	sne.s32 s2, $0x0  }
0x64: {  	s3 =	rddreg [dreg:$0x2];
	[bflag:$0x3] =	sbarrier.arrive $0xFFFF;
	s2 =	simm.s32 @!p0 $0x1C09  }
0x65: {  	[timem:s3], [sflag:s2] =	dma.local @!p0 [hbm:s0], s1  }
0x66: {  	s0 =	simm.s32 @!p0 $0x9  }
0x67: {  	_ =	swait.ge @!p0 [sflag:s0], s1  }
0x68: {  	s1 =	ssub.s32 @!p0 $0x0, s1;
	[sflag:s0] =	ssyncset.done @!p0 $0x0  }
0x69: {  	[sflag:s0] =	ssyncadd.s32 @!p0 s1  }
0x6a: {  	[bflag:$0x3] =	sbarrier.arrive $0xFFFF  }
0x6b: {  	_ =	shalt  }

// kernel: kernel.22.cloned.1.call-start
scs
__scs_entry_jumppad:
0x0: {  	(pc) =	sbr.rel $0x88, $3  }
0x1: {  	(tag) =	ssettag $0x0;
	lr =	simm.s32 $0x1  }
0x2: {  	[smem:$0x3F9E] =	sst lr;
	_ =	strace $0xD0000000  }
0x3: {  	_ = 	snop  }
0x4: {  	_ = 	snop  }
0x5: {  	_ = 	snop  }
0x6: {  	_ = 	snop  }
0x7: {  	_ = 	snop  }
__scs_overlays_trampoline_lowered:
0x8: {  	[smem:$0x3FAD] =	sst s0  }
0x9: {  	[smem:$0x3FAE] =	sst s1  }
0xa: {  	[smem:$0x3FAF] =	sst s2  }
0xb: {  	[smem:$0x3FB0] =	sst s3  }
0xc: {  	[smem:$0x3FB1] =	sst s4  }
0xd: {  	[smem:$0x3FB2] =	sst s5  }
0xe: {  	[smem:$0x3FB3] =	sst s6  }
0xf: {  	[smem:$0x3FB4] =	sst s7  }
0x10: {  	[smem:$0x3FB5] =	sst s8  }
0x11: {  	[smem:$0x3FB6] =	sst s9;
	s0 =	simm.s32 @!p0 $0x0  }
0x12: {  	s1 =	sld [smem:$0x3F9C];
	s0 =	simm.s32 @p0 $0x1  }
0x13: {  	[smem:$0x3FB7] =	sst s0;
	s0 =	simm.s32 @!p1 $0x0  }
0x14: {  	s2 =	sld [smem:$0x3F9B];
	s0 =	simm.s32 @p1 $0x1  }
0x15: {  	[smem:$0x3FB8] =	sst s0;
	s0 =	simm.s32 @!p2 $0x0  }
0x16: {  	s3 =	sld [smem:$0x3FDB];
	s0 =	simm.s32 @p2 $0x1  }
0x17: {  	s4 =	simm.s32 $0x1BF5;
	[smem:$0x3FBA] =	sst s0  }
0x18: {  	s0 =	sld [smem:$0x3F9D];
	_ =	swait.ge [sflag:s4], $0x0  }
0x19: {  	s7 =	sld [smem:$0x3F9E]  }
0x1a: {  	s8 =	sadd.s32 $0xFFFFE003, lr  }
0x1b: {  	s9 =	sadd.s32 $0xFFFFFEF7, lr;
	s5 =	simm.s32 $0xFFFFFFFF;
	p2 =	slt.u32 s8, $0xFFFFF086  }
0x1c: {  	p1 =	slt.u32 s9, $0xF7A;
	s5 =	simm.s32 @!p2 $0x0  }
0x1d: {  	s5 =	simm.s32 @p1 $0x1;
	p0 =	seq.s32 s7, s2  }
0x1e: {  	s7 =	smul.u32 @!p0 $0xF7A, s2;
	p2 =	seq.s32 @!p0 s5, $0x0  }
0x1f: {  	s9 =	smul.u32 $0xF7A, s1;
	s8 =	simm.s32 @!p0 $0x1BF5;
	p2 =	por !p2, p0  }
0x20: {  	[sflag:s8] =	ssyncset.s32 @!p0 $0xFFFFF086;
	s6 =	sadd.s32 @!p0 s3, s7;
	s7 =	simm.s32 @!p0 $0x108  }
0x21: {  	s3 =	sadd.s32 s3, s9;
	s6 =	sadd.s32 @!p0 $0x88, s6;
	s7 =	simm.s32 @p2 $0x1082  }
0x22: {  	[simem:s7], [sflag:s8] =	dma.local @!p0 [hbm:s6], $0xF7A  }
0x23: {  	s9 =	sor.u32 $0xD0000000, s2;
	s6 =	simm.s32 $0x108;
	_ =	swait.ge @!p0 [sflag:s8], $0x0  }
0x24: {  	s3 =	sadd.s32 $0x88, s3;
	s6 =	simm.s32 @!p1 $0x1082;
	[sflag:s4] =	ssyncset.s32 $0xFFFFF086  }
0x25: {  	[simem:s6], [sflag:s4] =	dma.local [hbm:s3], $0xF7A  }
0x26: {  	[smem:$0x3F9E] =	sst s1;
	(tag) =	ssettag s2;
	_ =	strace s9  }
0x27: {  	s1 =	sld [smem:$0x3FAE]  }
0x28: {  	s2 =	sld [smem:$0x3FAF]  }
0x29: {  	s4 =	sld [smem:$0x3FB1]  }
0x2a: {  	p0 =	seq.s32 s5, $0x0;
	s5 =	sld [smem:$0x3FB2]  }
0x2b: {  	s6 =	sld [smem:$0x3FB3]  }
0x2c: {  	s7 =	sld [smem:$0x3FB4]  }
0x2d: {  	s3 =	simm.s32 $0x108;
	s8 =	sld [smem:$0x3FB5]  }
0x2e: {  	s3 =	simm.s32 @!p0 $0x1082;
	s9 =	sld [smem:$0x3FB6]  }
0x2f: {  	lr =	sadd.s32 s0, s3;
	s0 =	sld [smem:$0x3FAD]  }
0x30: {  	s3 =	sld [smem:$0x3FB0]  }
0x31: {  	[smem:$0x3FB9] =	sst s10  }
0x32: {  	s10 =	sld [smem:$0x3FB7];
	_ =	sdelay $0x3  }
0x33: {  	p0 =	seq.s32 s10, $0x1;
	s10 =	sld [smem:$0x3FB9];
	_ =	sdelay $0x3  }
0x34: {  	[smem:$0x3FB9] =	sst s10  }
0x35: {  	s10 =	sld [smem:$0x3FB8];
	_ =	sdelay $0x3  }
0x36: {  	p1 =	seq.s32 s10, $0x1;
	s10 =	sld [smem:$0x3FB9];
	_ =	sdelay $0x3  }
0x37: {  	[smem:$0x3FB9] =	sst s10  }
0x38: {  	s10 =	sld [smem:$0x3FBA]  }
0x39: {  	_ = 	snop;
	(pc) =	sbr.ind lr, $3  }
0x3a: {  	_ = 	snop  }
0x3b: {  	_ = 	snop  }
0x3c: {  	p2 =	seq.s32 s10, $0x1;
	s10 =	sld [smem:$0x3FB9]  }
0x3d: {  	_ =	shalt  }
0x3e: {  	_ =	shalt  }
0x3f: {  	_ =	shalt  }
0x40: {  	_ =	shalt  }
0x41: {  	_ =	shalt  }
0x42: {  	_ =	shalt  }
0x43: {  	_ =	shalt  }
0x44: {  	_ =	shalt  }
0x45: {  	_ =	shalt  }
0x46: {  	_ =	shalt  }
0x47: {  	_ =	shalt  }
0x48: {  	_ =	shalt  }
0x49: {  	_ =	shalt  }
0x4a: {  	_ =	shalt  }
0x4b: {  	_ =	shalt  }
0x4c: {  	_ =	shalt  }
0x4d: {  	_ =	shalt  }
0x4e: {  	_ =	shalt  }
0x4f: {  	_ =	shalt  }
0x50: {  	_ =	shalt  }
0x51: {  	_ =	shalt  }
0x52: {  	_ =	shalt  }
0x53: {  	_ =	shalt  }
0x54: {  	_ =	shalt  }
0x55: {  	_ =	shalt  }
0x56: {  	_ =	shalt  }
0x57: {  	_ =	shalt  }
0x58: {  	_ =	shalt  }
0x59: {  	_ =	shalt  }
0x5a: {  	_ =	shalt  }
0x5b: {  	_ =	shalt  }
0x5c: {  	_ =	shalt  }
0x5d: {  	_ =	shalt  }
0x5e: {  	_ =	shalt  }
0x5f: {  	_ =	shalt  }
0x60: {  	_ =	shalt  }
0x61: {  	_ =	shalt  }
0x62: {  	_ =	shalt  }
0x63: {  	_ =	shalt  }
0x64: {  	_ =	shalt  }
0x65: {  	_ =	shalt  }
0x66: {  	_ =	shalt  }
0x67: {  	_ =	shalt  }
0x68: {  	_ =	shalt  }
0x69: {  	_ =	shalt  }
0x6a: {  	_ =	shalt  }
0x6b: {  	_ =	shalt  }
0x6c: {  	_ =	shalt  }
0x6d: {  	_ =	shalt  }
0x6e: {  	_ =	shalt  }
0x6f: {  	_ =	shalt  }
0x70: {  	_ =	shalt  }
0x71: {  	_ =	shalt  }
0x72: {  	_ =	shalt  }
0x73: {  	_ =	shalt  }
0x74: {  	_ =	shalt  }
0x75: {  	_ =	shalt  }
0x76: {  	_ =	shalt  }
0x77: {  	_ =	shalt  }
0x78: {  	_ =	shalt  }
0x79: {  	_ =	shalt  }
0x7a: {  	_ =	shalt  }
0x7b: {  	_ =	shalt  }
0x7c: {  	_ =	shalt  }
0x7d: {  	_ =	shalt  }
0x7e: {  	_ =	shalt  }
0x7f: {  	_ =	shalt  }
0x80: {  	_ =	shalt  }
0x81: {  	_ =	shalt  }
0x82: {  	_ =	shalt  }
0x83: {  	_ =	shalt  }
0x84: {  	_ =	shalt  }
0x85: {  	_ =	shalt  }
0x86: {  	_ =	shalt  }
0x87: {  	_ =	shalt  }
.Lfunc_end0:
.L_simem_size_0:
called_computation.3_lowered:
.L_overlay_start_0:
0x88: {  	s2 =	sld [smem:$0x3FD9]  }
0x89: {  	s3 =	sld [smem:$0x3FFE];
	_ =	sdelay $0x1  }
0x8a: {  	s1 =	srdreg.scid  }
0x8b: {  	s0 =	sand.u32 $0x1, s1  }
0x8c: {  	s17 =	sshll.u32 s0, $0xA;
	s2 =	sadd.s32 s3, s2  }
0x8d: {  	s2 =	sadd.s32 s2, s17  }
0x8e: {  	[smem:$0x3FC5] =	sst s2  }
0x8f: {  	_ = 	snop  }
0x90: {  	(tm) =	ssettm $0x1  }
0x91: {  	s18 =	sld [smem:$0x3FFB];
	_ =	sdelay $0x3  }
0x92: {  	_ =	strace s18  }
0x93: {  	s2 =	sld [smem:$0x3FFC];
	_ =	sdelay $0x3  }
0x94: {  	_ =	strace s2  }
0x95: {  	s2 =	sld [smem:$0x3FFD];
	_ =	sdelay $0x3  }
0x96: {  	_ =	strace s2  }
0x97: {  	_ =	strace $0x8FFFFFFF  }
0x98: {  	s19 =	sld [smem:$0x3FDB];
	_ =	sdelay $0x1  }
0x99: {  	s20 =	simm.s32 $_scs_section_size  }
0x9a: {  	s4 =	simm.s32 $_size__tile_overlayer_lowered;
	s5 =	simm.s32 $_tile_overlayer_lowered  }
0x9b: {  	s6 =	simm.s32 $0x1BFF;
	s21 =	sshll.u32 s5, $0x1;
	s3 =	sadd.s32 s20, s19  }
0x9c: {  	s22 =	simm.s32 $0x0;
	s4 =	sshll.u32 s4, $0x1;
	s5 =	sadd.s32 s21, s3  }
0x9d: {  	[timem:s22], [sflag:s6] =	dma.local [hbm:s5], s4  }
0x9e: {  	_ =	swait.ge [sflag:s6], s4  }
0x9f: {  	s4 =	ssub.s32 $0x0, s4;
	[sflag:s6] =	ssyncset.done $0x0  }
0xa0: {  	[sflag:s6] =	ssyncadd.s32 s4;
	_ =	sdelay $0x1  }
0xa1: {  	s23 =	simm.s32 $0x1B8B  }
0xa2: {  	_ =	swait.ge [sflag:s23], $0x1  }
0xa3: {  	[sflag:s23] =	ssyncset.done $0x0  }
0xa4: {  	[sflag:s23] =	ssyncadd.s32 $0xFFFFFFFF  }
0xa5: {  	s4 =	sld [smem:$0x0]  }
0xa6: {  	s5 =	sand.u32 $0xFFFFFFFE, s1  }
0xa7: {  	p0 =	sne.s32 s1, s5  }
0xa8: {  	s5 =	sshll.u32 @p0 s5, $0xE  }
0xa9: {  	s5 =	sadd.s32 @p0 $0x11B8D, s5;
	s6 =	sshll.u32 @p0 s4, $0x11  }
0xaa: {  	s5 =	sor.u32 @p0 s6, s5  }
0xab: {  	[sflag:s5] =	ssyncadd.remote.s32 @p0 $0x1;
	_ =	sdelay $0x1  }
0xac: {  	s5 =	simm.s32 @p0 $0x1B8D  }
0xad: {  	_ =	swait.eq @p0 [sflag:s5], $0x1  }
0xae: {  	[sflag:s5] =	ssyncadd.s32 @p0 $0xFFFFFFFF  }
0xaf: {  	s6 =	sshll.u32 @!p0 s1, $0xE  }
0xb0: {  	s6 =	sor.u32 @!p0 $0x4000, s6;
	s5 =	simm.s32 @!p0 $0x1B8D  }
0xb1: {  	s4 =	sshll.u32 @!p0 s4, $0x11;
	s6 =	sadd.s32 @!p0 $0x11B8D, s6;
	_ =	swait.eq @!p0 [sflag:s5], $0x1  }
0xb2: {  	s4 =	sor.u32 @!p0 s4, s6;
	[sflag:s5] =	ssyncadd.s32 @!p0 $0xFFFFFFFF  }
0xb3: {  	s25 =	simm.s32 $0x1B8E;
	s24 =	sld [smem:$0x3FFE];
	[sflag:s4] =	ssyncadd.remote.s32 @!p0 $0x1  }
0xb4: {  	s26 =	simm.s32 $execute0_lowered;
	[smem:$0x3FD2] =	sst s25  }
0xb5: {  	s5 =	sshll.u32 s26, $0x1;
	_ =	strace $0x8000004C;
	[dreg:$0x1] =	wrdreg $0xFFFFFFFF  }
0xb6: {  	s28 =	simm.s32 $_size_execute0_lowered;
	s3 =	sadd.s32 s3, s5;
	[dreg:$0x0] =	wrdreg $0x0  }
0xb7: {  	s5 =	sshll.u32 s28, $0x1;
	[dreg:$0x2] =	wrdreg s3  }
0xb8: {  	[dreg:$0x3] =	wrdreg s5  }
0xb9: {  	[dreg:$0x4] =	wrdreg $0xC0  }
0xba: {  	_ =	task [dreg:s22], $0x5FFFF  }
0xbb: {  	[dreg:$0x1] =	wrdreg $0xFFFFFFFF  }
0xbc: {  	[dreg:$0x0] =	wrdreg $0x60  }
0xbd: {  	[dreg:$0x2] =	wrdreg s24  }
0xbe: {  	[dreg:$0x3] =	wrdreg $0xA  }
0xbf: {  	_ =	task.clear_ibuf [dreg:s22], $0x4FFFF;
	_ =	strace $0x9000004C  }
0xc0: {  	s29 =	simm.s32 $0xA;
	_ =	strace $0x8000004E  }
0xc1: {  	_ =	swait.ge [sflag:s29], $0x1  }
0xc2: {  	[sflag:s29] =	ssyncadd.s32 $0xFFFFFFFF  }
0xc3: {  	_ =	strace $0x9000004E  }
0xc4: {  	_ =	sfence  }
0xc5: {  	s30 =	sld [smem:$0x0];
	_ =	sdelay $0x2  }
0xc6: {  	s31 =	sshll.u32 s1, $0xD;
	s1 =	sshrl.u32 s1, $0x2  }
0xc7: {  	s4 =	sand.u32 $0x4000, s31;
	s1 =	sadd.s32 s1, s30  }
0xc8: {  	s0 =	sor.u32 s4, s0;
	s1 =	sshll.u32 s1, $0x11  }
0xc9: {  	s0 =	sor.u32 s1, s0  }
0xca: {  	s0 =	sadd.s32 $0x8F2B, s0  }
0xcb: {  	[sflag:s0] =	ssyncadd.remote.s32 $0x1  }
0xcc: {  	_ =	sfence.sel $0xFFFF  }
0xcd: {  	[dreg:$0x0] =	wrdreg $0xFFFFFFFF;
	(pc) =	sbr.abs _section_cstart, $3  }
0xce: {  	[dreg:$0x1] =	wrdreg $0xFFFFFFFF  }
0xcf: {  	_ =	task.clear_ibuf [dreg:s22], $0x2FFFF;
	_ =	strace $0x9FFFFFFF  }
0xd0: {  	(tm) =	ssettm $0x7FFFFFFF  }
0xd1: {  	_ =	shalt  }
tec
execute0_lowered:
.L_overlay_start_1:
0x0: {  	(tag) =	ssettag $0x1  }
0x1: {  	s4 =	rddreg [dreg:$0x0]  }
0x2: {  	s0 =	rddreg [dreg:$0x1]  }
0x3: {  	s2 =	simm.s32 $0x0;
	s3 =	srdreg.scid;
	s1 =	stileid.u32  }
0x4: {  	s10 =	simm.s32 $0x4800;
	s11 =	simm.s32 $0x8800;
	s12 =	simm.s32 $0xC800  }
0x5: {  	s13 =	simm.s32 $0x1;
	s14 =	simm.s32 $0x2;
	s15 =	simm.s32 $0x3  }
0x6: {  	s16 =	simm.s32 $0x4;
	s17 =	simm.s32 $0x5;
	s18 =	simm.s32 $0x6  }
0x7: {  	s19 =	simm.s32 $0x7;
	s20 =	simm.s32 $0x8;
	s21 =	simm.s32 $0x0  }
0x8: {  	[smem:$0x7FF] =	sst s2;
	s5 =	sand.u32 $0x1, s3;
	s3 =	sadd.s32 $0x5C00, s4  }
0x9: {  	s6 =	sshll.u32 s1, $0x9;
	s30 =	sshll.u32 s1, $0x10;
	_ =	strace $0x8000004D  }
0xa: {  	s7 =	sshll.u32 s5, $0x8;
	s8 =	ssub.s32 $0x2, s5;
	s5 =	sshll.u32 s5, $0xF  }
0xb: {  	s6 =	sor.u32 s7, s6;
	s7 =	sadd.s32 s30, s4;
	s9 =	sshrl.u32 s8, $0x1  }
0xc: {  	s4 =	sadd.s32 s6, s4;
	s31 =	ssub.s32 s8, s9;
	s7 =	sadd.s32 s5, s7  }
0xd: {  	s8 =	simm.s32 $0x80;
	s9 =	simm.s32 $0x800;
	s4 =	sadd.s32 $0x1C00, s4  }
0xe: {  	s5 =	smax.u32 s31, $0x1;
	s6 =	sadd.s32 $0x107400, s7;
	s7 =	simm.s32 $0x9  }
.LBB2_1:
0xf: {  	[tilespmem:s2], [sflag:$0x9] =	stream.linear.gather [hbm4b:s4+s2], $0x800, $0x38;
	[tilespmem:$0x10800] =	vst v63  }
0x10: {  	_ =	swait.ge [sflag:s7], $0x800  }
0x11: {  	[sflag:s7] =	ssyncset.done $0x0  }
0x12: {  	s22 =	simm.s32 $0x0;
	[sflag:s7] =	ssyncadd.s32 $0xFFFFF800  }
0x13: {  	[tilespmem:s9], [sflag:$0x1] =	stream.indirect.gather [hbm4b:s3+s8], $0x80, s22, s8, $0xb8;
	[tilespmem:$0x10800] =	vst v63  }
0x14: {  	s25 =	simm.s32 $0x80  }
0x15: {  	[tilespmem:s10], [sflag:$0x2] =	stream.indirect.gather [hbm4b:s3+s8], $0x80, s25, s8, $0xb8;
	[tilespmem:$0x10800] =	vst v63  }
0x16: {  	s26 =	simm.s32 $0x100  }
0x17: {  	[tilespmem:s11], [sflag:$0x3] =	stream.indirect.gather [hbm4b:s3+s8], $0x80, s26, s8, $0xb8;
	[tilespmem:$0x10800] =	vst v63  }
0x18: {  	s28 =	simm.s32 $0x180  }
0x19: {  	[tilespmem:s12], [sflag:$0x4] =	stream.indirect.gather [hbm4b:s3+s8], $0x80, s28, s8, $0xb8;
	[tilespmem:$0x10800] =	vst v63  }
0x1a: {  	_ =	swait.ge [sflag:s13], $0x4000  }
0x1b: {  	[sflag:s13] =	ssyncset.done $0x0  }
0x1c: {  	s29 =	sadd.s32 $0xFFFFE800, s6;
	[sflag:s13] =	ssyncadd.s32 $0xFFFFC000  }
0x1d: {  	[hbm4b:s29+s2] =	stream.linear.scatter [tilespmem:s9], [sflag:$0x5], $0x4000, $0x38;
	[tilespmem:$0x10800] =	vst v63  }
0x1e: {  	_ =	swait.ge [sflag:s14], $0x4000  }
0x1f: {  	[sflag:s14] =	ssyncset.done $0x0  }
0x20: {  	s30 =	sadd.s32 $0xFFFFF000, s6;
	[sflag:s14] =	ssyncadd.s32 $0xFFFFC000  }
0x21: {  	[hbm4b:s30+s2] =	stream.linear.scatter [tilespmem:s10], [sflag:$0x6], $0x4000, $0x38;
	[tilespmem:$0x10800] =	vst v63  }
0x22: {  	_ =	swait.ge [sflag:s15], $0x4000  }
0x23: {  	[sflag:s15] =	ssyncset.done $0x0  }
0x24: {  	s31 =	sadd.s32 $0xFFFFF800, s6;
	[sflag:s15] =	ssyncadd.s32 $0xFFFFC000  }
0x25: {  	[hbm4b:s31+s2] =	stream.linear.scatter [tilespmem:s11], [sflag:$0x7], $0x4000, $0x38;
	[tilespmem:$0x10800] =	vst v63  }
0x26: {  	_ =	swait.ge [sflag:s16], $0x4000  }
0x27: {  	[sflag:s16] =	ssyncset.done $0x0  }
0x28: {  	[sflag:s16] =	ssyncadd.s32 $0xFFFFC000  }
0x29: {  	[hbm4b:s6+s2] =	stream.linear.scatter [tilespmem:s12], [sflag:$0x8], $0x4000, $0x38;
	[tilespmem:$0x10800] =	vst v63  }
0x2a: {  	_ =	swait.ge [sflag:s17], $0x4000  }
0x2b: {  	[sflag:s17] =	ssyncset.done $0x0  }
0x2c: {  	[sflag:s17] =	ssyncadd.s32 $0xFFFFC000  }
0x2d: {  	_ =	swait.ge [sflag:s18], $0x4000  }
0x2e: {  	[sflag:s18] =	ssyncset.done $0x0  }
0x2f: {  	[sflag:s18] =	ssyncadd.s32 $0xFFFFC000  }
0x30: {  	_ =	swait.ge [sflag:s19], $0x4000  }
0x31: {  	[sflag:s19] =	ssyncset.done $0x0  }
0x32: {  	[sflag:s19] =	ssyncadd.s32 $0xFFFFC000  }
0x33: {  	s23 =	simm.s32 $0x800;
	_ =	swait.ge [sflag:s20], $0x4000  }
0x34: {  	s22 =	sadd.s32 $0x2000, s6;
	s25 =	simm.s32 $0x1000;
	[sflag:s20] =	ssyncset.done $0x0  }
.LBB2_2:
0x35: {  	s26 =	sshra.s32 s23, $0x2  }
0x36: {  	[sflag:s20] =	ssyncadd.s32 $0xFFFFC000;
	s23 =	smov.u32 s25;
	s24 =	sadd.s32 $0x800, s25  }
0x37: {  	[tilespmem:s9], [sflag:$0x1] =	stream.indirect.gather [hbm4b:s3+s8], $0x80, s26, s8, $0xb8;
	[tilespmem:$0x10800] =	vst v63  }
0x38: {  	p0 =	sne.s32 s25, $0x1800;
	s25 =	sadd.s32 $0x80, s26  }
0x39: {  	[tilespmem:s10], [sflag:$0x2] =	stream.indirect.gather [hbm4b:s3+s8], $0x80, s25, s8, $0xb8;
	[tilespmem:$0x10800] =	vst v63  }
0x3a: {  	s25 =	sadd.s32 $0x100, s26  }
0x3b: {  	[tilespmem:s11], [sflag:$0x3] =	stream.indirect.gather [hbm4b:s3+s8], $0x80, s25, s8, $0xb8;
	[tilespmem:$0x10800] =	vst v63  }
0x3c: {  	s25 =	sadd.s32 $0x180, s26  }
0x3d: {  	[tilespmem:s12], [sflag:$0x4] =	stream.indirect.gather [hbm4b:s3+s8], $0x80, s25, s8, $0xb8;
	[tilespmem:$0x10800] =	vst v63  }
0x3e: {  	_ =	swait.ge [sflag:s13], $0x4000  }
0x3f: {  	[sflag:s13] =	ssyncset.done $0x0  }
0x40: {  	s25 =	sadd.s32 $0xFFFFE800, s22;
	[sflag:s13] =	ssyncadd.s32 $0xFFFFC000  }
0x41: {  	[hbm4b:s25+s2] =	stream.linear.scatter [tilespmem:s9], [sflag:$0x5], $0x4000, $0x38;
	[tilespmem:$0x10800] =	vst v63  }
0x42: {  	_ =	swait.ge [sflag:s14], $0x4000  }
0x43: {  	[sflag:s14] =	ssyncset.done $0x0  }
0x44: {  	s25 =	sadd.s32 $0xFFFFF000, s22;
	[sflag:s14] =	ssyncadd.s32 $0xFFFFC000  }
0x45: {  	[hbm4b:s25+s2] =	stream.linear.scatter [tilespmem:s10], [sflag:$0x6], $0x4000, $0x38;
	[tilespmem:$0x10800] =	vst v63  }
0x46: {  	_ =	swait.ge [sflag:s15], $0x4000  }
0x47: {  	[sflag:s15] =	ssyncset.done $0x0  }
0x48: {  	s25 =	sadd.s32 $0xFFFFF800, s22;
	[sflag:s15] =	ssyncadd.s32 $0xFFFFC000  }
0x49: {  	[hbm4b:s25+s2] =	stream.linear.scatter [tilespmem:s11], [sflag:$0x7], $0x4000, $0x38;
	[tilespmem:$0x10800] =	vst v63  }
0x4a: {  	_ =	swait.ge [sflag:s16], $0x4000  }
0x4b: {  	[sflag:s16] =	ssyncset.done $0x0  }
0x4c: {  	[sflag:s16] =	ssyncadd.s32 $0xFFFFC000  }
0x4d: {  	[hbm4b:s22+s2] =	stream.linear.scatter [tilespmem:s12], [sflag:$0x8], $0x4000, $0x38;
	[tilespmem:$0x10800] =	vst v63  }
0x4e: {  	_ =	swait.ge [sflag:s17], $0x4000  }
0x4f: {  	[sflag:s17] =	ssyncset.done $0x0  }
0x50: {  	[sflag:s17] =	ssyncadd.s32 $0xFFFFC000  }
0x51: {  	_ =	swait.ge [sflag:s18], $0x4000  }
0x52: {  	[sflag:s18] =	ssyncset.done $0x0  }
0x53: {  	[sflag:s18] =	ssyncadd.s32 $0xFFFFC000  }
.Ltmp0:
0x54: {  	_ =	swait.ge [sflag:s19], $0x4000;
	(pc) =	sbr.rel @p0 .LBB2_2-.Ltmp0, $4  }
0x55: {  	[sflag:s19] =	ssyncset.done $0x0  }
0x56: {  	[sflag:s19] =	ssyncadd.s32 $0xFFFFC000  }
0x57: {  	_ =	swait.ge [sflag:s20], $0x4000  }
0x58: {  	s25 =	smov.u32 s24;
	s22 =	sadd.s32 $0x2000, s22;
	[sflag:s20] =	ssyncset.done $0x0  }
0x59: {  	s23 =	sshra.s32 s23, $0x2;
	[sflag:s20] =	ssyncadd.s32 $0xFFFFC000  }
0x5a: {  	[tilespmem:s9], [sflag:$0x1] =	stream.indirect.gather [hbm4b:s3+s8], $0x80, s23, s8, $0xb8;
	[tilespmem:$0x10800] =	vst v63  }
0x5b: {  	s24 =	sadd.s32 $0x80, s23  }
0x5c: {  	[tilespmem:s10], [sflag:$0x2] =	stream.indirect.gather [hbm4b:s3+s8], $0x80, s24, s8, $0xb8;
	[tilespmem:$0x10800] =	vst v63  }
0x5d: {  	s28 =	sadd.s32 $0x100, s23  }
0x5e: {  	[tilespmem:s11], [sflag:$0x3] =	stream.indirect.gather [hbm4b:s3+s8], $0x80, s28, s8, $0xb8;
	[tilespmem:$0x10800] =	vst v63  }
0x5f: {  	s23 =	sadd.s32 $0x180, s23  }
0x60: {  	[tilespmem:s12], [sflag:$0x4] =	stream.indirect.gather [hbm4b:s3+s8], $0x80, s23, s8, $0xb8;
	[tilespmem:$0x10800] =	vst v63  }
0x61: {  	_ =	swait.ge [sflag:s13], $0x4000  }
0x62: {  	[sflag:s13] =	ssyncset.done $0x0  }
0x63: {  	s29 =	sadd.s32 $0xFFFFE800, s22;
	[sflag:s13] =	ssyncadd.s32 $0xFFFFC000  }
0x64: {  	[hbm4b:s29+s2] =	stream.linear.scatter [tilespmem:s9], [sflag:$0x5], $0x4000, $0x38;
	[tilespmem:$0x10800] =	vst v63  }
0x65: {  	_ =	swait.ge [sflag:s14], $0x4000  }
0x66: {  	[sflag:s14] =	ssyncset.done $0x0  }
0x67: {  	s30 =	sadd.s32 $0xFFFFF000, s22;
	[sflag:s14] =	ssyncadd.s32 $0xFFFFC000  }
0x68: {  	[hbm4b:s30+s2] =	stream.linear.scatter [tilespmem:s10], [sflag:$0x6], $0x4000, $0x38;
	[tilespmem:$0x10800] =	vst v63  }
0x69: {  	_ =	swait.ge [sflag:s15], $0x4000  }
0x6a: {  	[sflag:s15] =	ssyncset.done $0x0  }
0x6b: {  	s31 =	sadd.s32 $0xFFFFF800, s22;
	[sflag:s15] =	ssyncadd.s32 $0xFFFFC000  }
0x6c: {  	[hbm4b:s31+s2] =	stream.linear.scatter [tilespmem:s11], [sflag:$0x7], $0x4000, $0x38;
	[tilespmem:$0x10800] =	vst v63  }
0x6d: {  	_ =	swait.ge [sflag:s16], $0x4000  }
0x6e: {  	[sflag:s16] =	ssyncset.done $0x0  }
0x6f: {  	[sflag:s16] =	ssyncadd.s32 $0xFFFFC000  }
0x70: {  	[hbm4b:s22+s2] =	stream.linear.scatter [tilespmem:s12], [sflag:$0x8], $0x4000, $0x38;
	[tilespmem:$0x10800] =	vst v63  }
0x71: {  	_ =	swait.ge [sflag:s17], $0x4000  }
0x72: {  	[sflag:s17] =	ssyncset.done $0x0  }
0x73: {  	[sflag:s17] =	ssyncadd.s32 $0xFFFFC000  }
0x74: {  	_ =	swait.ge [sflag:s18], $0x4000  }
0x75: {  	[sflag:s18] =	ssyncset.done $0x0  }
0x76: {  	s21 =	sadd.s32 $0x1, s21;
	[sflag:s18] =	ssyncadd.s32 $0xFFFFC000  }
0x77: {  	p0 =	sne.s32 s21, s5;
	_ =	swait.ge [sflag:s19], $0x4000  }
.Ltmp1:
0x78: {  	[sflag:s19] =	ssyncset.done $0x0;
	(pc) =	sbr.rel @p0 .LBB2_1-.Ltmp1, $4  }
0x79: {  	[sflag:s19] =	ssyncadd.s32 $0xFFFFC000  }
0x7a: {  	_ =	swait.ge [sflag:s20], $0x4000  }
0x7b: {  	[sflag:s20] =	ssyncset.done $0x0  }
0x7c: {  	[sflag:s20] =	ssyncadd.s32 $0xFFFFC000  }
0x7d: {  	_ =	sfence.sel $0x180000  }
0x7e: {  	[bflag:$0x0] =	sbarrier.arrive $0xFFFF  }
0x7f: {  	p0 =	sne.s32 s1, $0x0;
	_ =	strace $0x9000004D  }
0x80: {  	s0 =	sadd.s32 @!p0 $0x100000, s0;
	[bflag:$0x2] =	sbarrier.arrive $0xFFFF  }
0x81: {  	[sflag:s0] =	ssyncadd.tile.s32 @!p0 $0x1;
	_ =	shalt  }
.Lfunc_end2:
_tile_overlayer_lowered:
.L_overlay_start_2:
0x82: {  	(tag) =	ssettag $0x2  }
0x83: {  	s0 =	rddreg [dreg:$0x0];
	s2 =	stileid.u32  }
0x84: {  	s1 =	rddreg [dreg:$0x1];
	p0 =	sne.s32 s2, $0x0  }
0x85: {  	s3 =	rddreg [dreg:$0x2];
	[bflag:$0x3] =	sbarrier.arrive $0xFFFF;
	s2 =	simm.s32 @!p0 $0x1C09  }
0x86: {  	[timem:s3], [sflag:s2] =	dma.local @!p0 [hbm:s0], s1  }
0x87: {  	s0 =	simm.s32 @!p0 $0x9  }
0x88: {  	_ =	swait.ge @!p0 [sflag:s0], s1  }
0x89: {  	s1 =	ssub.s32 @!p0 $0x0, s1;
	[sflag:s0] =	ssyncset.done @!p0 $0x0  }
0x8a: {  	[sflag:s0] =	ssyncadd.s32 @!p0 s1  }
0x8b: {  	[bflag:$0x3] =	sbarrier.arrive $0xFFFF  }
0x8c: {  	_ =	shalt  }

</sc_bundles>
